<compile_context>
chip_gen: v7x
topology: tpu7x:2x2x1
jax: 0.10.2.dev20260603
libtpu: 0.0.44.dev20260713+nightly
codegen_flags: <defaults>
</compile_context>

<pallas_src>
import functools

import numpy as np
import jax
import jax.numpy as jnp
from jax import lax
from jax.experimental import pallas as pl
from jax.experimental.pallas import tpu as pltpu
from jax.experimental.pallas import tpu_sc as plsc

_NC = 2
_NS = 16
_L = 16
_CH = 128


_MC = 4
_ME = _MC * _CH


def _sc_edge_pass(a_tab, b_tab, c_t, ei3, with_counts):
    n = a_tab.shape[0]
    e = c_t.shape[1]
    nw = _NC * _NS
    nmac = e // _ME
    zr = 640
    npad = zr * _NS
    per_w = (nmac + nw - 1) // nw
    per_w += per_w % 2

    out_type = [
        jax.ShapeDtypeStruct((_L, e), jnp.float32),
        jax.ShapeDtypeStruct((_NC * npad, _L), jnp.float32),
    ]

    def bufset():
        return [
            pltpu.VMEM((2, _MC, _CH), jnp.int32),
            pltpu.VMEM((_ME, _L), jnp.float32),
            pltpu.VMEM((_ME, _L), jnp.float32),
            pltpu.VMEM((_L, _ME + 1), jnp.float32),
            pltpu.VMEM((_ME, _L), jnp.float32),
            pltpu.VMEM((_L, _ME + 1), jnp.float32),
            pltpu.SemaphoreType.DMA,
            pltpu.SemaphoreType.DMA,
            pltpu.SemaphoreType.DMA,
        ]

    scratch = bufset() + bufset() + [
        pltpu.VMEM((zr, _L), jnp.float32),
        pltpu.VMEM_SHARED((npad, _L), jnp.float32),
    ]
    if with_counts:
        out_type.append(jax.ShapeDtypeStruct((_NC * npad, _L), jnp.float32))
        scratch.append(pltpu.VMEM((_CH, _L), jnp.float32))
        scratch.append(pltpu.VMEM_SHARED((npad, _L), jnp.float32))

    mesh = plsc.VectorSubcoreMesh(core_axis_name="c", subcore_axis_name="s")

    @functools.partial(
        pl.kernel, out_type=tuple(out_type), mesh=mesh,
        scratch_types=scratch,
        compiler_params=pltpu.CompilerParams(use_tc_tiling_on_sc=False, needs_layout_passes=False))
    def sc_kernel(a_hbm, b_hbm, c_hbm, ei_hbm, eo_hbm, agg_hbm, *rest):
        if with_counts:
            cnt_hbm = rest[0]
            rest = rest[1:]
        s0 = rest[0:9]
        s1 = rest[9:18]
        zv, agg_sp = rest[18], rest[19]
        if with_counts:
            onesv, cnt_sp = rest[20], rest[21]
        cid = lax.axis_index("c")
        sid = lax.axis_index("s")
        wid = sid * _NC + cid
        rows16 = lax.iota(jnp.int32, _L)

        def issue_pre(m, S):
            idxb, _, _, cvt, _, _, sem_pre, _, _ = S
            mb = pl.multiple_of(m * _MC, _MC)
            pltpu.async_copy(ei_hbm.at[:, pl.ds(mb, _MC)], idxb, sem_pre)
            me = pl.multiple_of(m * _ME, _ME)
            pltpu.async_copy(c_hbm.at[:, pl.ds(me, _ME)],
                             cvt.at[:, pl.ds(0, _ME)], sem_pre)

        def wait_pre(S):
            idxb, _, _, cvt, _, _, sem_pre, _, _ = S
            pltpu.make_async_copy(ei_hbm.at[:, pl.ds(0, _MC)], idxb,
                                  sem_pre).wait()
            pltpu.make_async_copy(c_hbm.at[:, pl.ds(0, _ME)],
                                  cvt.at[:, pl.ds(0, _ME)], sem_pre).wait()

        def issue_gath(S):
            idxb, av, bv, _, _, _, _, sem_g, _ = S
            for j in range(_MC):
                pltpu.async_copy(a_hbm.at[idxb.at[0, j]],
                                 av.at[pl.ds(j * _CH, _CH)], sem_g)
                pltpu.async_copy(b_hbm.at[idxb.at[1, j]],
                                 bv.at[pl.ds(j * _CH, _CH)], sem_g)

        def wait_gath(S):
            idxb, av, bv, _, _, _, _, sem_g, _ = S
            for j in range(_MC):
                pltpu.make_async_copy(a_hbm.at[idxb.at[0, j]],
                                      av.at[pl.ds(j * _CH, _CH)],
                                      sem_g).wait()
                pltpu.make_async_copy(b_hbm.at[idxb.at[1, j]],
                                      bv.at[pl.ds(j * _CH, _CH)],
                                      sem_g).wait()

        def drain_out(S):
            _, _, _, _, _, eovt, _, _, sem_out = S
            pltpu.make_async_copy(eovt.at[:, pl.ds(0, _ME)],
                                  eo_hbm.at[:, pl.ds(0, _ME)],
                                  sem_out).wait()

        def run_macro(m, S):
            idxb, av, bv, cvt, eov, eovt, _, _, sem_out = S

            @pl.loop(0, _ME, unroll=4)
            def _edges(k):
                col = jnp.full((_L,), k, jnp.int32)
                cvec = plsc.load_gather(cvt, [rows16, col])
                v = av[k] + bv[k] + cvec
                eov[k] = v
                plsc.store_scatter(eovt, [rows16, col], v)

            me = pl.multiple_of(m * _ME, _ME)
            pltpu.async_copy(eovt.at[:, pl.ds(0, _ME)],
                             eo_hbm.at[:, pl.ds(me, _ME)], sem_out)
            for j in range(_MC):
                pltpu.sync_copy(eov.at[pl.ds(j * _CH, _CH)],
                                agg_sp.at[idxb.at[1, j]], add=True)
                if with_counts:
                    pltpu.sync_copy(onesv, cnt_sp.at[idxb.at[1, j]],
                                    add=True)

        @pl.loop(0, zr)
        def _zfill(j):
            zv[j] = jnp.zeros((_L,), jnp.float32)

        zoff = pl.multiple_of(sid * zr, zr)
        pltpu.sync_copy(zv, agg_sp.at[pl.ds(zoff, zr)])
        if with_counts:
            @pl.loop(0, _CH)
            def _ofill(j):
                onesv[j] = jnp.ones((_L,), jnp.float32)
            pltpu.sync_copy(zv, cnt_sp.at[pl.ds(zoff, zr)])
        plsc.subcore_barrier()

        issue_pre(wid, s0)
        issue_pre(wid + nw, s1)
        wait_pre(s0)
        issue_gath(s0)

        @pl.loop(0, per_w, step=2)
        def _pipe(k):
            for off, cur, nxt in ((0, s0, s1), (1, s1, s0)):
                kk = k + off
                m_cur = wid + kk * nw
                m_nxt = wid + (kk + 1) * nw
                m_pre = wid + (kk + 2) * nw

                @pl.when(m_cur < nmac)
                def _():
                    wait_gath(cur)

                    @pl.when(m_nxt < nmac)
                    def _():
                        wait_pre(nxt)
                        issue_gath(nxt)

                    @pl.when(kk >= 2)
                    def _():
                        drain_out(cur)

                    run_macro(m_cur, cur)

                    @pl.when(m_pre < nmac)
                    def _():
                        issue_pre(m_pre, cur)

        drain_out(s0)
        drain_out(s1)

        plsc.subcore_barrier()
        osl = pl.multiple_of(sid * zr, zr)
        ohb = pl.multiple_of(cid * npad + sid * zr, zr)
        pltpu.sync_copy(agg_sp.at[pl.ds(osl, zr)], agg_hbm.at[pl.ds(ohb, zr)])
        if with_counts:
            pltpu.sync_copy(cnt_sp.at[pl.ds(osl, zr)],
                            cnt_hbm.at[pl.ds(ohb, zr)])

    outs = sc_kernel(a_tab, b_tab, c_t, ei3)
    if with_counts:
        eot, agg, cnt = outs
        return eot, (agg[:n], agg[npad:npad + n]), (cnt[:n], cnt[npad:npad + n])
    eot, agg = outs
    return eot, (agg[:n], agg[npad:npad + n]), None


def _full(shape):
    return pl.BlockSpec(shape, lambda i: (0, 0))


def _pre(h_v, he_t, ws, wd, we_t, be_t, grid=10):
    n, dv = h_v.shape
    de = ws.shape[1]
    e = he_t.shape[1]
    bn = n // grid
    be_cols = e // grid

    def body(hv_ref, he_ref, ws_ref, wd_ref, wet_ref, bet_ref,
             a_ref, b_ref, c_ref):
        hv = hv_ref[...]
        a_ref[...] = jnp.dot(hv, ws_ref[...], preferred_element_type=jnp.float32)
        b_ref[...] = jnp.dot(hv, wd_ref[...], preferred_element_type=jnp.float32)
        c_ref[...] = (jnp.dot(wet_ref[...], he_ref[...],
                              preferred_element_type=jnp.float32) + bet_ref[...])

    tbs = pl.BlockSpec((de, be_cols), lambda i: (0, i))
    return pl.pallas_call(
        body,
        grid=(grid,),
        in_specs=[pl.BlockSpec((bn, dv), lambda i: (i, 0)), tbs,
                  _full((dv, de)), _full((dv, de)),
                  _full((de, de)), _full((de, 1))],
        out_specs=[pl.BlockSpec((bn, de), lambda i: (i, 0)),
                   pl.BlockSpec((bn, de), lambda i: (i, 0)), tbs],
        out_shape=[jax.ShapeDtypeStruct((n, de), jnp.float32),
                   jax.ShapeDtypeStruct((n, de), jnp.float32),
                   jax.ShapeDtypeStruct((de, e), jnp.float32)],
    )(h_v, he_t, ws, wd, we_t, be_t)


def _post(eo_t, he_t, h_v, agg0, agg1, cnt0, cnt1, m_t, g_e, b_e,
          wvh, wvm, bv, g_v, b_v, nxt=None, grid=10):
    de, e = eo_t.shape
    n, dv = h_v.shape
    be_cols = e // grid
    bn = n // grid
    has_next = nxt is not None

    def body(eo_ref, he_ref, hv_ref, a0_ref, a1_ref, c0_ref, c1_ref,
             m_ref, ge_ref, be_ref, wvh_ref, wvm_ref, bv_ref, gv_ref,
             bv2_ref, *rest):
        if has_next:
            (wen_ref, ben_ref, wsn_ref, wdn_ref,
             hen_ref, hvn_ref, cn_ref, an_ref, bn_ref) = rest
        else:
            hen_ref, hvn_ref = rest
        r = jnp.maximum(eo_ref[...], 0.0)
        mt = m_ref[...]
        mu = jnp.dot(mt, r, preferred_element_type=jnp.float32)
        q = r - mu
        var = jnp.dot(mt, q * q, preferred_element_type=jnp.float32)
        ln = q * lax.rsqrt(var + 1e-5) * ge_ref[...] + be_ref[...]
        hen = he_ref[...] + ln
        hen_ref[...] = hen
        aggt = a0_ref[...] + a1_ref[...]
        cntt = c0_ref[...] + c1_ref[...]
        mean = aggt / jnp.maximum(cntt, 1.0)
        hv = hv_ref[...]
        v = (jnp.dot(hv, wvh_ref[...], preferred_element_type=jnp.float32)
             + jnp.dot(mean, wvm_ref[...], preferred_element_type=jnp.float32)
             + bv_ref[...])
        v = jnp.maximum(v, 0.0)
        mu2 = jnp.mean(v, axis=-1, keepdims=True)
        q2 = v - mu2
        var2 = jnp.mean(q2 * q2, axis=-1, keepdims=True)
        ln2 = q2 * lax.rsqrt(var2 + 1e-5) * gv_ref[...] + bv2_ref[...]
        hvn = hv + ln2
        hvn_ref[...] = hvn
        if has_next:
            cn_ref[...] = (jnp.dot(wen_ref[...], hen,
                                   preferred_element_type=jnp.float32)
                           + ben_ref[...])
            an_ref[...] = jnp.dot(hvn, wsn_ref[...],
                                  preferred_element_type=jnp.float32)
            bn_ref[...] = jnp.dot(hvn, wdn_ref[...],
                                  preferred_element_type=jnp.float32)

    tbs = pl.BlockSpec((de, be_cols), lambda i: (0, i))
    vbs = pl.BlockSpec((bn, dv), lambda i: (i, 0))
    sbs = pl.BlockSpec((bn, de), lambda i: (i, 0))
    in_specs = [tbs, tbs, vbs, sbs, sbs, sbs, sbs,
                _full((de, de)), _full((de, 1)), _full((de, 1)),
                _full((dv, dv)), _full((de, dv)), _full((1, dv)),
                _full((1, dv)), _full((1, dv))]
    out_specs = [tbs, vbs]
    out_shape = [jax.ShapeDtypeStruct((de, e), jnp.float32),
                 jax.ShapeDtypeStruct((n, dv), jnp.float32)]
    args = [eo_t, he_t, h_v, agg0, agg1, cnt0, cnt1, m_t, g_e, b_e,
            wvh, wvm, bv, g_v, b_v]
    if has_next:
        in_specs += [_full((de, de)), _full((de, 1)),
                     _full((dv, de)), _full((dv, de))]
        out_specs += [tbs, sbs, sbs]
        out_shape += [jax.ShapeDtypeStruct((de, e), jnp.float32),
                      jax.ShapeDtypeStruct((n, de), jnp.float32),
                      jax.ShapeDtypeStruct((n, de), jnp.float32)]
        args += [nxt['we_t'], nxt['be_t'], nxt['ws'], nxt['wd']]
    res = pl.pallas_call(
        body, grid=(grid,), in_specs=in_specs,
        out_specs=out_specs, out_shape=out_shape,
    )(*args)
    if has_next:
        return res
    return res[0], res[1], None, None, None


def kernel(h_v, edge_index, h_e, params):
    n, dv = h_v.shape
    e, de = h_e.shape
    ei3 = edge_index.reshape(2, e // _CH, _CH)
    he_t = h_e.T

    m_t = jnp.full((de, de), 1.0 / de, jnp.float32)

    prep = []
    for p in params:
        prep.append({
            'ws': p['We'][:dv],
            'wd': p['We'][dv:2 * dv],
            'we_t': p['We'][2 * dv:].T,
            'be_t': p['be'][:, None],
            'wvh': p['Wv'][:dv],
            'wvm': p['Wv'][dv:],
            'bv': p['bv'][None, :],
            'g_v': p['g_v'][None, :],
            'b_v': p['b_v'][None, :],
            'g_e_t': p['g_e'][:, None],
            'b_e_t': p['b_e'][:, None],
        })

    nb = len(prep)
    a_tab, b_tab, c_t = _pre(h_v, he_t, prep[0]['ws'], prep[0]['wd'],
                             prep[0]['we_t'], prep[0]['be_t'])
    cnt0 = cnt1 = None
    for blk in range(nb):
        p = prep[blk]
        last = blk == nb - 1
        pn = None if last else prep[blk + 1]
        eo_t, (agg0, agg1), cnts = _sc_edge_pass(
            a_tab, b_tab, c_t, ei3, with_counts=(blk == 0))
        if cnts is not None:
            cnt0, cnt1 = cnts
        he_t, h_v, c_t, a_tab, b_tab = _post(
            eo_t, he_t, h_v, agg0, agg1, cnt0, cnt1, m_t,
            p['g_e_t'], p['b_e_t'], p['wvh'], p['wvm'], p['bv'],
            p['g_v'], p['b_v'], nxt=pn)

    return h_v, he_t.T

# --- scband reference (transcript-rebuilt; emitter-appended) ---
"""Pipeline reference for scband-graph-processor-68204080661062 (READ-ONLY COPY).

The authoritative reference and input builder live on the scoring server;
editing this copy changes nothing except your own understanding.
"""

import jax, jax.numpy as jnp
import numpy as np

N = 10000
E = 320000
DV = 128
DE = 16
NB = 2


def _layer_norm(x, g, b, eps=1e-5):
    mu = jnp.mean(x, axis=-1, keepdims=True)
    var = jnp.var(x, axis=-1, keepdims=True)
    return (x - mu) / jnp.sqrt(var + eps) * g + b


def setup_inputs(seed: int = 0) -> dict:
    key = jax.random.key(seed)
    ks = jax.random.split(key, 3 + NB * 2)
    h_v = jax.random.normal(ks[0], (N, DV), dtype=jnp.float32)
    h_e = jax.random.normal(ks[1], (E, DE), dtype=jnp.float32)
    edge_index = jax.random.randint(ks[2], (2, E), 0, N, dtype=jnp.int32)
    params = []
    for blk in range(NB):
        k0 = ks[3 + blk * 2]
        k1 = ks[4 + blk * 2]
        params.append({
            'We': jax.random.normal(k0, (2 * DV + DE, DE), dtype=jnp.float32) / np.sqrt(2 * DV + DE),
            'be': jnp.zeros((DE,), jnp.float32),
            'Wv': jax.random.normal(k1, (DV + DE, DV), dtype=jnp.float32) / np.sqrt(DV + DE),
            'bv': jnp.zeros((DV,), jnp.float32),
            'g_v': jnp.ones((DV,), jnp.float32),
            'b_v': jnp.zeros((DV,), jnp.float32),
            'g_e': jnp.ones((DE,), jnp.float32),
            'b_e': jnp.zeros((DE,), jnp.float32),
        })
    return {'h_v': h_v, 'edge_index': edge_index, 'h_e': h_e, 'params': params}


def _forward(h_v, h_e, edge_index, params):
    src = edge_index[0]
    dst = edge_index[1]
    for p in params:
        # MessageBlock, seq='e': edge update first using gathered endpoint features
        e_in = jnp.concatenate([jnp.take(h_v, src, axis=0), jnp.take(h_v, dst, axis=0), h_e], axis=-1)
        e_out = e_in @ p['We'] + p['be']
        # mean aggregation of updated edge features onto destination nodes
        agg = jax.ops.segment_sum(e_out, dst, num_segments=N)
        cnt = jax.ops.segment_sum(jnp.ones((e_out.shape[0], 1), jnp.float32), dst, num_segments=N)
        mean_agg = agg / jnp.maximum(cnt, 1.0)
        # node update MLP
        v_in = jnp.concatenate([h_v, mean_agg], axis=-1)
        v_out = v_in @ p['Wv'] + p['bv']
        # block_Fn = ReLU applied to block outputs
        v_out = jax.nn.relu(v_out)
        e_act = jax.nn.relu(e_out)
        # LayerNorm on node (var_id=0) and edge (var_id=2) features
        v_out = _layer_norm(v_out, p['g_v'], p['b_v'])
        e_act = _layer_norm(e_act, p['g_e'], p['b_e'])
        # residual connection x_new = x_old + Fn(layer(x_old))
        h_v = h_v + v_out
        h_e = h_e + e_act
    return h_v, h_e


def reference(h_v, edge_index, h_e, params):
    return _forward(h_v, h_e, edge_index, params)

if __name__ == "__main__":
    import jax
    _d = setup_inputs()
    print(jax.jit(kernel)(*tuple(_d.values())))

</pallas_src>

<mosaic_0001>
#map = affine_map<(d0, d1) -> (0, 0)>
#map1 = affine_map<(d0, d1) -> (0, 0, 0)>
module attributes {stable_mosaic.version = 14 : i64} {
  func.func @sc_kernel(%arg0: i32, %arg1: i32, %arg2: memref<10000x16xf32, #tpu.memory_space<hbm>>, %arg3: memref<10000x16xf32, #tpu.memory_space<hbm>>, %arg4: memref<16x320000xf32, #tpu.memory_space<hbm>>, %arg5: memref<2x2500x128xi32, #tpu.memory_space<hbm>>, %arg6: memref<16x320000xf32, #tpu.memory_space<hbm>>, %arg7: memref<20480x16xf32, #tpu.memory_space<hbm>>, %arg8: memref<2x4x128xi32, #tpu.memory_space<vmem>>, %arg9: memref<512x16xf32, #tpu.memory_space<vmem>>, %arg10: memref<512x16xf32, #tpu.memory_space<vmem>>, %arg11: memref<16x513xf32, #tpu.memory_space<vmem>>, %arg12: memref<512x16xf32, #tpu.memory_space<vmem>>, %arg13: memref<16x513xf32, #tpu.memory_space<vmem>>, %arg14: memref<!tpu.dma_semaphore, #tpu.memory_space<semaphore_mem>>, %arg15: memref<!tpu.dma_semaphore, #tpu.memory_space<semaphore_mem>>, %arg16: memref<!tpu.dma_semaphore, #tpu.memory_space<semaphore_mem>>, %arg17: memref<2x4x128xi32, #tpu.memory_space<vmem>>, %arg18: memref<512x16xf32, #tpu.memory_space<vmem>>, %arg19: memref<512x16xf32, #tpu.memory_space<vmem>>, %arg20: memref<16x513xf32, #tpu.memory_space<vmem>>, %arg21: memref<512x16xf32, #tpu.memory_space<vmem>>, %arg22: memref<16x513xf32, #tpu.memory_space<vmem>>, %arg23: memref<!tpu.dma_semaphore, #tpu.memory_space<semaphore_mem>>, %arg24: memref<!tpu.dma_semaphore, #tpu.memory_space<semaphore_mem>>, %arg25: memref<!tpu.dma_semaphore, #tpu.memory_space<semaphore_mem>>, %arg26: memref<640x16xf32, #tpu.memory_space<vmem>>, %arg27: memref<10240x16xf32, #tpu.memory_space<vmem_shared>>) attributes {dimension_semantics = [#tpu.dimension_semantics<core_parallel>, #tpu.dimension_semantics<subcore_parallel>], iteration_bounds = array<i64: 2, 16>, scalar_prefetch = 0 : i64, scratch_operands = 20 : i64, tpu.core_type = #tpu.core_type<sc_vector_subcore>, window_params = [{transform_indices = #map}, {transform_indices = #map}, {transform_indices = #map}, {transform_indices = #map1}, {transform_indices = #map}, {transform_indices = #map}]} {
    %mul3A = arith.constant 2 : i32
    %mul3A_0 = arith.muli %arg1, %mul3A : i32
    %add3A = arith.addi %mul3A_0, %arg0 : i32
    %iota3A = tpu.iota {dimensions = array<i32: 0>} : vector<16xi32>
    %scan3A = arith.constant 0 : i32
    %scan3A_1 = arith.constant 640 : i32
    %scan3A_2 = arith.addi %scan3A, %scan3A_1 : i32
    %scan3A_3 = arith.constant 1 : i32
    scf.for %scan3A_198 = %scan3A to %scan3A_2 step %scan3A_3  : i32 {
      %mul3A_199 = arith.constant 1 : i32
      %mul3A_200 = arith.muli %scan3A_198, %mul3A_199 : i32
      %add3A_201 = arith.constant 0 : i32
      %add3A_202 = arith.addi %add3A_201, %mul3A_200 : i32
      %broadcast_in_dim3A = arith.constant 0.000000e+00 : f32
      %broadcast_in_dim3A_203 = vector.broadcast %broadcast_in_dim3A : f32 to vector<16xf32>
      %swap3A = arith.index_cast %add3A_202 : i32 to index
      %swap3A_204 = arith.constant 0 : index
      %swap3A_205 = tpu.vector_load %arg26[%swap3A, %swap3A_204] {strides = array<i32>} : memref<640x16xf32, #tpu.memory_space<vmem>>, vector<16xf32>,
      tpu.vector_store %arg26[%swap3A, %swap3A_204], %broadcast_in_dim3A_203 {strides = array<i32>} : memref<640x16xf32, #tpu.memory_space<vmem>>, vector<16xf32>,
    }
    %scan3A_4 = arith.constant 640 : i32
    %mul3A_5 = arith.constant 640 : i32
    %mul3A_6 = arith.muli %arg1, %mul3A_5 : i32
    %multiple_of3A = tpu.assume_multiple %mul3A_6, 640 : i32
    "tpu.region"() ({
      %run_scoped3A = tpu.sem_alloc : memref<!tpu.dma_semaphore, #tpu.memory_space<semaphore_mem>>
      %dma_start3A_198 = arith.constant 0 : i32
      %dma_start3A_199 = tpu.memref_slice %arg27[%multiple_of3A, %dma_start3A_198] : memref<10240x16xf32, #tpu.memory_space<vmem_shared>> -> memref<640x16xf32, #tpu.memory_space<vmem_shared>>
      %dma_start3A_200 = arith.constant 0 : i32
      %dma_start3A_201 = tpu.memref_slice %arg27[%multiple_of3A, %dma_start3A_200] : memref<10240x16xf32, #tpu.memory_space<vmem_shared>> -> memref<640x16xf32, #tpu.memory_space<vmem_shared>>
      tpu.enqueue_dma source(%arg26 : memref<640x16xf32, #tpu.memory_space<vmem>>) target(%dma_start3A_201 : memref<640x16xf32, #tpu.memory_space<vmem_shared>>) target_semaphore(%run_scoped3A : memref<!tpu.dma_semaphore, #tpu.memory_space<semaphore_mem>>)
      %dma_wait3A_202 = arith.constant 0 : i32
      %dma_wait3A_203 = tpu.memref_slice %arg27[%multiple_of3A, %dma_wait3A_202] : memref<10240x16xf32, #tpu.memory_space<vmem_shared>> -> memref<640x16xf32, #tpu.memory_space<vmem_shared>>
      %dma_wait3A_204 = arith.constant 0 : i32
      %dma_wait3A_205 = tpu.memref_slice %arg27[%multiple_of3A, %dma_wait3A_204] : memref<10240x16xf32, #tpu.memory_space<vmem_shared>> -> memref<640x16xf32, #tpu.memory_space<vmem_shared>>
      tpu.wait_dma2 semaphore(%run_scoped3A : memref<!tpu.dma_semaphore, #tpu.memory_space<semaphore_mem>>) src(%arg26 : memref<640x16xf32, #tpu.memory_space<vmem>>) dst(%dma_wait3A_205 : memref<640x16xf32, #tpu.memory_space<vmem_shared>>)
      tpu.yield
    }) : () -> ()
    %barrier3A = arith.constant 0 : index
    tpu.barrier barrier_id(%barrier3A)
    %mul3A_7 = arith.constant 4 : i32
    %mul3A_8 = arith.muli %add3A, %mul3A_7 : i32
    %multiple_of3A_9 = tpu.assume_multiple %mul3A_8, 4 : i32
    %dma_start3A = arith.constant 0 : i32
    %dma_start3A_10 = arith.constant 0 : i32
    %dma_start3A_11 = tpu.memref_slice %arg5[%dma_start3A, %multiple_of3A_9, %dma_start3A_10] : memref<2x2500x128xi32, #tpu.memory_space<hbm>> -> memref<2x4x128xi32, #tpu.memory_space<hbm>>
    %dma_start3A_12 = arith.constant 0 : i32
    %dma_start3A_13 = arith.constant 0 : i32
    %dma_start3A_14 = tpu.memref_slice %arg5[%dma_start3A_12, %multiple_of3A_9, %dma_start3A_13] : memref<2x2500x128xi32, #tpu.memory_space<hbm>> -> memref<2x4x128xi32, #tpu.memory_space<hbm>>
    tpu.enqueue_dma source(%dma_start3A_14 : memref<2x4x128xi32, #tpu.memory_space<hbm>>) target(%arg8 : memref<2x4x128xi32, #tpu.memory_space<vmem>>) target_semaphore(%arg14 : memref<!tpu.dma_semaphore, #tpu.memory_space<semaphore_mem>>)
    %mul3A_15 = arith.constant 512 : i32
    %mul3A_16 = arith.muli %add3A, %mul3A_15 : i32
    %multiple_of3A_17 = tpu.assume_multiple %mul3A_16, 512 : i32
    %dma_start3A_18 = arith.constant 0 : i32
    %dma_start3A_19 = arith.constant 0 : i32
    %dma_start3A_20 = tpu.memref_slice %arg11[%dma_start3A_18, %dma_start3A_19] : memref<16x513xf32, #tpu.memory_space<vmem>> -> memref<16x512xf32, #tpu.memory_space<vmem>>
    %dma_start3A_21 = arith.constant 0 : i32
    %dma_start3A_22 = tpu.memref_slice %arg4[%dma_start3A_21, %multiple_of3A_17] : memref<16x320000xf32, #tpu.memory_space<hbm>> -> memref<16x512xf32, #tpu.memory_space<hbm>>
    %dma_start3A_23 = arith.constant 0 : i32
    %dma_start3A_24 = arith.constant 0 : i32
    %dma_start3A_25 = tpu.memref_slice %arg11[%dma_start3A_23, %dma_start3A_24] : memref<16x513xf32, #tpu.memory_space<vmem>> -> memref<16x512xf32, #tpu.memory_space<vmem>>
    %dma_start3A_26 = arith.constant 0 : i32
    %dma_start3A_27 = tpu.memref_slice %arg4[%dma_start3A_26, %multiple_of3A_17] : memref<16x320000xf32, #tpu.memory_space<hbm>> -> memref<16x512xf32, #tpu.memory_space<hbm>>
    tpu.enqueue_dma source(%dma_start3A_27 : memref<16x512xf32, #tpu.memory_space<hbm>>) target(%dma_start3A_25 : memref<16x512xf32, #tpu.memory_space<vmem>>) target_semaphore(%arg14 : memref<!tpu.dma_semaphore, #tpu.memory_space<semaphore_mem>>)
    %add3A_28 = arith.constant 32 : i32
    %add3A_29 = arith.addi %add3A, %add3A_28 : i32
    %mul3A_30 = arith.constant 4 : i32
    %mul3A_31 = arith.muli %add3A_29, %mul3A_30 : i32
    %multiple_of3A_32 = tpu.assume_multiple %mul3A_31, 4 : i32
    %dma_start3A_33 = arith.constant 0 : i32
    %dma_start3A_34 = arith.constant 0 : i32
    %dma_start3A_35 = tpu.memref_slice %arg5[%dma_start3A_33, %multiple_of3A_32, %dma_start3A_34] : memref<2x2500x128xi32, #tpu.memory_space<hbm>> -> memref<2x4x128xi32, #tpu.memory_space<hbm>>
    %dma_start3A_36 = arith.constant 0 : i32
    %dma_start3A_37 = arith.constant 0 : i32
    %dma_start3A_38 = tpu.memref_slice %arg5[%dma_start3A_36, %multiple_of3A_32, %dma_start3A_37] : memref<2x2500x128xi32, #tpu.memory_space<hbm>> -> memref<2x4x128xi32, #tpu.memory_space<hbm>>
    tpu.enqueue_dma source(%dma_start3A_38 : memref<2x4x128xi32, #tpu.memory_space<hbm>>) target(%arg17 : memref<2x4x128xi32, #tpu.memory_space<vmem>>) target_semaphore(%arg23 : memref<!tpu.dma_semaphore, #tpu.memory_space<semaphore_mem>>)
    %mul3A_39 = arith.constant 512 : i32
    %mul3A_40 = arith.muli %add3A_29, %mul3A_39 : i32
    %multiple_of3A_41 = tpu.assume_multiple %mul3A_40, 512 : i32
    %dma_start3A_42 = arith.constant 0 : i32
    %dma_start3A_43 = arith.constant 0 : i32
    %dma_start3A_44 = tpu.memref_slice %arg20[%dma_start3A_42, %dma_start3A_43] : memref<16x513xf32, #tpu.memory_space<vmem>> -> memref<16x512xf32, #tpu.memory_space<vmem>>
    %dma_start3A_45 = arith.constant 0 : i32
    %dma_start3A_46 = tpu.memref_slice %arg4[%dma_start3A_45, %multiple_of3A_41] : memref<16x320000xf32, #tpu.memory_space<hbm>> -> memref<16x512xf32, #tpu.memory_space<hbm>>
    %dma_start3A_47 = arith.constant 0 : i32
    %dma_start3A_48 = arith.constant 0 : i32
    %dma_start3A_49 = tpu.memref_slice %arg20[%dma_start3A_47, %dma_start3A_48] : memref<16x513xf32, #tpu.memory_space<vmem>> -> memref<16x512xf32, #tpu.memory_space<vmem>>
    %dma_start3A_50 = arith.constant 0 : i32
    %dma_start3A_51 = tpu.memref_slice %arg4[%dma_start3A_50, %multiple_of3A_41] : memref<16x320000xf32, #tpu.memory_space<hbm>> -> memref<16x512xf32, #tpu.memory_space<hbm>>
    tpu.enqueue_dma source(%dma_start3A_51 : memref<16x512xf32, #tpu.memory_space<hbm>>) target(%dma_start3A_49 : memref<16x512xf32, #tpu.memory_space<vmem>>) target_semaphore(%arg23 : memref<!tpu.dma_semaphore, #tpu.memory_space<semaphore_mem>>)
    %dma_wait3A = arith.constant 0 : i32
    %dma_wait3A_52 = arith.constant 0 : i32
    %dma_wait3A_53 = arith.constant 0 : i32
    %dma_wait3A_54 = tpu.memref_slice %arg5[%dma_wait3A, %dma_wait3A_52, %dma_wait3A_53] : memref<2x2500x128xi32, #tpu.memory_space<hbm>> -> memref<2x4x128xi32, #tpu.memory_space<hbm>>
    %dma_wait3A_55 = arith.constant 0 : i32
    %dma_wait3A_56 = arith.constant 0 : i32
    %dma_wait3A_57 = arith.constant 0 : i32
    %dma_wait3A_58 = tpu.memref_slice %arg5[%dma_wait3A_55, %dma_wait3A_56, %dma_wait3A_57] : memref<2x2500x128xi32, #tpu.memory_space<hbm>> -> memref<2x4x128xi32, #tpu.memory_space<hbm>>
    tpu.wait_dma2 semaphore(%arg14 : memref<!tpu.dma_semaphore, #tpu.memory_space<semaphore_mem>>) src(%dma_wait3A_58 : memref<2x4x128xi32, #tpu.memory_space<hbm>>) dst(%arg8 : memref<2x4x128xi32, #tpu.memory_space<vmem>>)
    %dma_wait3A_59 = arith.constant 0 : i32
    %dma_wait3A_60 = arith.constant 0 : i32
    %dma_wait3A_61 = tpu.memref_slice %arg11[%dma_wait3A_59, %dma_wait3A_60] : memref<16x513xf32, #tpu.memory_space<vmem>> -> memref<16x512xf32, #tpu.memory_space<vmem>>
    %dma_wait3A_62 = arith.constant 0 : i32
    %dma_wait3A_63 = arith.constant 0 : i32
    %dma_wait3A_64 = tpu.memref_slice %arg4[%dma_wait3A_62, %dma_wait3A_63] : memref<16x320000xf32, #tpu.memory_space<hbm>> -> memref<16x512xf32, #tpu.memory_space<hbm>>
    %dma_wait3A_65 = arith.constant 0 : i32
    %dma_wait3A_66 = arith.constant 0 : i32
    %dma_wait3A_67 = tpu.memref_slice %arg11[%dma_wait3A_65, %dma_wait3A_66] : memref<16x513xf32, #tpu.memory_space<vmem>> -> memref<16x512xf32, #tpu.memory_space<vmem>>
    %dma_wait3A_68 = arith.constant 0 : i32
    %dma_wait3A_69 = arith.constant 0 : i32
    %dma_wait3A_70 = tpu.memref_slice %arg4[%dma_wait3A_68, %dma_wait3A_69] : memref<16x320000xf32, #tpu.memory_space<hbm>> -> memref<16x512xf32, #tpu.memory_space<hbm>>
    tpu.wait_dma2 semaphore(%arg14 : memref<!tpu.dma_semaphore, #tpu.memory_space<semaphore_mem>>) src(%dma_wait3A_70 : memref<16x512xf32, #tpu.memory_space<hbm>>) dst(%dma_wait3A_67 : memref<16x512xf32, #tpu.memory_space<vmem>>)
    %dma_start3A_71 = arith.constant 0 : i32
    %dma_start3A_72 = arith.constant 0 : i32
    %dma_start3A_73 = arith.constant 0 : i32
    %dma_start3A_74 = arith.constant 0 : i32
    %dma_start3A_75 = tpu.memref_slice %arg9[%dma_start3A_73, %dma_start3A_74] : memref<512x16xf32, #tpu.memory_space<vmem>> -> memref<128x16xf32, #tpu.memory_space<vmem>>
    %dma_start3A_76 = arith.constant 0 : i32
    %dma_start3A_77 = tpu.memref_slice %arg8[%dma_start3A_71, %dma_start3A_72, %dma_start3A_76] : memref<2x4x128xi32, #tpu.memory_space<vmem>> -> memref<1x1x128xi32, #tpu.memory_space<vmem>>
    %dma_start3A_78 = tpu.memref_squeeze %dma_start3A_77 : memref<1x1x128xi32, #tpu.memory_space<vmem>> -> memref<128xi32, #tpu.memory_space<vmem>>
    %dma_start3A_79 = arith.constant 0 : i32
    %dma_start3A_80 = arith.constant 0 : i32
    %dma_start3A_81 = tpu.memref_slice %arg2[%dma_start3A_79, %dma_start3A_80] : memref<10000x16xf32, #tpu.memory_space<hbm>> -> memref<10000x16xf32, #tpu.memory_space<hbm>>
    tpu.enqueue_indirect_dma source(%dma_start3A_81 : memref<10000x16xf32, #tpu.memory_space<hbm>>) target(%dma_start3A_75 : memref<128x16xf32, #tpu.memory_space<vmem>>) offsets(%dma_start3A_78 : memref<128xi32, #tpu.memory_space<vmem>>) semaphore(%arg15 : memref<!tpu.dma_semaphore, #tpu.memory_space<semaphore_mem>>)
    %dma_start3A_82 = arith.constant 1 : i32
    %dma_start3A_83 = arith.constant 0 : i32
    %dma_start3A_84 = arith.constant 0 : i32
    %dma_start3A_85 = arith.constant 0 : i32
    %dma_start3A_86 = tpu.memref_slice %arg10[%dma_start3A_84, %dma_start3A_85] : memref<512x16xf32, #tpu.memory_space<vmem>> -> memref<128x16xf32, #tpu.memory_space<vmem>>
    %dma_start3A_87 = arith.constant 0 : i32
    %dma_start3A_88 = tpu.memref_slice %arg8[%dma_start3A_82, %dma_start3A_83, %dma_start3A_87] : memref<2x4x128xi32, #tpu.memory_space<vmem>> -> memref<1x1x128xi32, #tpu.memory_space<vmem>>
    %dma_start3A_89 = tpu.memref_squeeze %dma_start3A_88 : memref<1x1x128xi32, #tpu.memory_space<vmem>> -> memref<128xi32, #tpu.memory_space<vmem>>
    %dma_start3A_90 = arith.constant 0 : i32
    %dma_start3A_91 = arith.constant 0 : i32
    %dma_start3A_92 = tpu.memref_slice %arg3[%dma_start3A_90, %dma_start3A_91] : memref<10000x16xf32, #tpu.memory_space<hbm>> -> memref<10000x16xf32, #tpu.memory_space<hbm>>
    tpu.enqueue_indirect_dma source(%dma_start3A_92 : memref<10000x16xf32, #tpu.memory_space<hbm>>) target(%dma_start3A_86 : memref<128x16xf32, #tpu.memory_space<vmem>>) offsets(%dma_start3A_89 : memref<128xi32, #tpu.memory_space<vmem>>) semaphore(%arg15 : memref<!tpu.dma_semaphore, #tpu.memory_space<semaphore_mem>>)
    %dma_start3A_93 = arith.constant 0 : i32
    %dma_start3A_94 = arith.constant 1 : i32
    %dma_start3A_95 = arith.constant 128 : i32
    %dma_start3A_96 = arith.constant 0 : i32
    %dma_start3A_97 = tpu.memref_slice %arg9[%dma_start3A_95, %dma_start3A_96] : memref<512x16xf32, #tpu.memory_space<vmem>> -> memref<128x16xf32, #tpu.memory_space<vmem>>
    %dma_start3A_98 = arith.constant 0 : i32
    %dma_start3A_99 = tpu.memref_slice %arg8[%dma_start3A_93, %dma_start3A_94, %dma_start3A_98] : memref<2x4x128xi32, #tpu.memory_space<vmem>> -> memref<1x1x128xi32, #tpu.memory_space<vmem>>
    %dma_start3A_100 = tpu.memref_squeeze %dma_start3A_99 : memref<1x1x128xi32, #tpu.memory_space<vmem>> -> memref<128xi32, #tpu.memory_space<vmem>>
    %dma_start3A_101 = arith.constant 0 : i32
    %dma_start3A_102 = arith.constant 0 : i32
    %dma_start3A_103 = tpu.memref_slice %arg2[%dma_start3A_101, %dma_start3A_102] : memref<10000x16xf32, #tpu.memory_space<hbm>> -> memref<10000x16xf32, #tpu.memory_space<hbm>>
    tpu.enqueue_indirect_dma source(%dma_start3A_103 : memref<10000x16xf32, #tpu.memory_space<hbm>>) target(%dma_start3A_97 : memref<128x16xf32, #tpu.memory_space<vmem>>) offsets(%dma_start3A_100 : memref<128xi32, #tpu.memory_space<vmem>>) semaphore(%arg15 : memref<!tpu.dma_semaphore, #tpu.memory_space<semaphore_mem>>)
    %dma_start3A_104 = arith.constant 1 : i32
    %dma_start3A_105 = arith.constant 1 : i32
    %dma_start3A_106 = arith.constant 128 : i32
    %dma_start3A_107 = arith.constant 0 : i32
    %dma_start3A_108 = tpu.memref_slice %arg10[%dma_start3A_106, %dma_start3A_107] : memref<512x16xf32, #tpu.memory_space<vmem>> -> memref<128x16xf32, #tpu.memory_space<vmem>>
    %dma_start3A_109 = arith.constant 0 : i32
    %dma_start3A_110 = tpu.memref_slice %arg8[%dma_start3A_104, %dma_start3A_105, %dma_start3A_109] : memref<2x4x128xi32, #tpu.memory_space<vmem>> -> memref<1x1x128xi32, #tpu.memory_space<vmem>>
    %dma_start3A_111 = tpu.memref_squeeze %dma_start3A_110 : memref<1x1x128xi32, #tpu.memory_space<vmem>> -> memref<128xi32, #tpu.memory_space<vmem>>
    %dma_start3A_112 = arith.constant 0 : i32
    %dma_start3A_113 = arith.constant 0 : i32
    %dma_start3A_114 = tpu.memref_slice %arg3[%dma_start3A_112, %dma_start3A_113] : memref<10000x16xf32, #tpu.memory_space<hbm>> -> memref<10000x16xf32, #tpu.memory_space<hbm>>
    tpu.enqueue_indirect_dma source(%dma_start3A_114 : memref<10000x16xf32, #tpu.memory_space<hbm>>) target(%dma_start3A_108 : memref<128x16xf32, #tpu.memory_space<vmem>>) offsets(%dma_start3A_111 : memref<128xi32, #tpu.memory_space<vmem>>) semaphore(%arg15 : memref<!tpu.dma_semaphore, #tpu.memory_space<semaphore_mem>>)
    %dma_start3A_115 = arith.constant 0 : i32
    %dma_start3A_116 = arith.constant 2 : i32
    %dma_start3A_117 = arith.constant 256 : i32
    %dma_start3A_118 = arith.constant 0 : i32
    %dma_start3A_119 = tpu.memref_slice %arg9[%dma_start3A_117, %dma_start3A_118] : memref<512x16xf32, #tpu.memory_space<vmem>> -> memref<128x16xf32, #tpu.memory_space<vmem>>
    %dma_start3A_120 = arith.constant 0 : i32
    %dma_start3A_121 = tpu.memref_slice %arg8[%dma_start3A_115, %dma_start3A_116, %dma_start3A_120] : memref<2x4x128xi32, #tpu.memory_space<vmem>> -> memref<1x1x128xi32, #tpu.memory_space<vmem>>
    %dma_start3A_122 = tpu.memref_squeeze %dma_start3A_121 : memref<1x1x128xi32, #tpu.memory_space<vmem>> -> memref<128xi32, #tpu.memory_space<vmem>>
    %dma_start3A_123 = arith.constant 0 : i32
    %dma_start3A_124 = arith.constant 0 : i32
    %dma_start3A_125 = tpu.memref_slice %arg2[%dma_start3A_123, %dma_start3A_124] : memref<10000x16xf32, #tpu.memory_space<hbm>> -> memref<10000x16xf32, #tpu.memory_space<hbm>>
    tpu.enqueue_indirect_dma source(%dma_start3A_125 : memref<10000x16xf32, #tpu.memory_space<hbm>>) target(%dma_start3A_119 : memref<128x16xf32, #tpu.memory_space<vmem>>) offsets(%dma_start3A_122 : memref<128xi32, #tpu.memory_space<vmem>>) semaphore(%arg15 : memref<!tpu.dma_semaphore, #tpu.memory_space<semaphore_mem>>)
    %dma_start3A_126 = arith.constant 1 : i32
    %dma_start3A_127 = arith.constant 2 : i32
    %dma_start3A_128 = arith.constant 256 : i32
    %dma_start3A_129 = arith.constant 0 : i32
    %dma_start3A_130 = tpu.memref_slice %arg10[%dma_start3A_128, %dma_start3A_129] : memref<512x16xf32, #tpu.memory_space<vmem>> -> memref<128x16xf32, #tpu.memory_space<vmem>>
    %dma_start3A_131 = arith.constant 0 : i32
    %dma_start3A_132 = tpu.memref_slice %arg8[%dma_start3A_126, %dma_start3A_127, %dma_start3A_131] : memref<2x4x128xi32, #tpu.memory_space<vmem>> -> memref<1x1x128xi32, #tpu.memory_space<vmem>>
    %dma_start3A_133 = tpu.memref_squeeze %dma_start3A_132 : memref<1x1x128xi32, #tpu.memory_space<vmem>> -> memref<128xi32, #tpu.memory_space<vmem>>
    %dma_start3A_134 = arith.constant 0 : i32
    %dma_start3A_135 = arith.constant 0 : i32
    %dma_start3A_136 = tpu.memref_slice %arg3[%dma_start3A_134, %dma_start3A_135] : memref<10000x16xf32, #tpu.memory_space<hbm>> -> memref<10000x16xf32, #tpu.memory_space<hbm>>
    tpu.enqueue_indirect_dma source(%dma_start3A_136 : memref<10000x16xf32, #tpu.memory_space<hbm>>) target(%dma_start3A_130 : memref<128x16xf32, #tpu.memory_space<vmem>>) offsets(%dma_start3A_133 : memref<128xi32, #tpu.memory_space<vmem>>) semaphore(%arg15 : memref<!tpu.dma_semaphore, #tpu.memory_space<semaphore_mem>>)
    %dma_start3A_137 = arith.constant 0 : i32
    %dma_start3A_138 = arith.constant 3 : i32
    %dma_start3A_139 = arith.constant 384 : i32
    %dma_start3A_140 = arith.constant 0 : i32
    %dma_start3A_141 = tpu.memref_slice %arg9[%dma_start3A_139, %dma_start3A_140] : memref<512x16xf32, #tpu.memory_space<vmem>> -> memref<128x16xf32, #tpu.memory_space<vmem>>
    %dma_start3A_142 = arith.constant 0 : i32
    %dma_start3A_143 = tpu.memref_slice %arg8[%dma_start3A_137, %dma_start3A_138, %dma_start3A_142] : memref<2x4x128xi32, #tpu.memory_space<vmem>> -> memref<1x1x128xi32, #tpu.memory_space<vmem>>
    %dma_start3A_144 = tpu.memref_squeeze %dma_start3A_143 : memref<1x1x128xi32, #tpu.memory_space<vmem>> -> memref<128xi32, #tpu.memory_space<vmem>>
    %dma_start3A_145 = arith.constant 0 : i32
    %dma_start3A_146 = arith.constant 0 : i32
    %dma_start3A_147 = tpu.memref_slice %arg2[%dma_start3A_145, %dma_start3A_146] : memref<10000x16xf32, #tpu.memory_space<hbm>> -> memref<10000x16xf32, #tpu.memory_space<hbm>>
    tpu.enqueue_indirect_dma source(%dma_start3A_147 : memref<10000x16xf32, #tpu.memory_space<hbm>>) target(%dma_start3A_141 : memref<128x16xf32, #tpu.memory_space<vmem>>) offsets(%dma_start3A_144 : memref<128xi32, #tpu.memory_space<vmem>>) semaphore(%arg15 : memref<!tpu.dma_semaphore, #tpu.memory_space<semaphore_mem>>)
    %dma_start3A_148 = arith.constant 1 : i32
    %dma_start3A_149 = arith.constant 3 : i32
    %dma_start3A_150 = arith.constant 384 : i32
    %dma_start3A_151 = arith.constant 0 : i32
    %dma_start3A_152 = tpu.memref_slice %arg10[%dma_start3A_150, %dma_start3A_151] : memref<512x16xf32, #tpu.memory_space<vmem>> -> memref<128x16xf32, #tpu.memory_space<vmem>>
    %dma_start3A_153 = arith.constant 0 : i32
    %dma_start3A_154 = tpu.memref_slice %arg8[%dma_start3A_148, %dma_start3A_149, %dma_start3A_153] : memref<2x4x128xi32, #tpu.memory_space<vmem>> -> memref<1x1x128xi32, #tpu.memory_space<vmem>>
    %dma_start3A_155 = tpu.memref_squeeze %dma_start3A_154 : memref<1x1x128xi32, #tpu.memory_space<vmem>> -> memref<128xi32, #tpu.memory_space<vmem>>
    %dma_start3A_156 = arith.constant 0 : i32
    %dma_start3A_157 = arith.constant 0 : i32
    %dma_start3A_158 = tpu.memref_slice %arg3[%dma_start3A_156, %dma_start3A_157] : memref<10000x16xf32, #tpu.memory_space<hbm>> -> memref<10000x16xf32, #tpu.memory_space<hbm>>
    tpu.enqueue_indirect_dma source(%dma_start3A_158 : memref<10000x16xf32, #tpu.memory_space<hbm>>) target(%dma_start3A_152 : memref<128x16xf32, #tpu.memory_space<vmem>>) offsets(%dma_start3A_155 : memref<128xi32, #tpu.memory_space<vmem>>) semaphore(%arg15 : memref<!tpu.dma_semaphore, #tpu.memory_space<semaphore_mem>>)
    %scan3A_159 = arith.constant 0 : i32
    %scan3A_160 = arith.constant 10 : i32
    %scan3A_161 = arith.addi %scan3A_159, %scan3A_160 : i32
    %scan3A_162 = arith.constant 1 : i32
    scf.for %scan3A_198 = %scan3A_159 to %scan3A_161 step %scan3A_162  : i32 {
      %mul3A_199 = arith.constant 2 : i32
      %mul3A_200 = arith.muli %scan3A_198, %mul3A_199 : i32
      %add3A_201 = arith.constant 0 : i32
      %add3A_202 = arith.addi %add3A_201, %mul3A_200 : i32
      %add3A_203 = arith.constant 0 : i32
      %add3A_204 = arith.addi %add3A_202, %add3A_203 : i32
      %mul3A_205 = arith.constant 32 : i32
      %mul3A_206 = arith.muli %add3A_204, %mul3A_205 : i32
      %add3A_207 = arith.addi %add3A, %mul3A_206 : i32
      %add3A_208 = arith.constant 1 : i32
      %add3A_209 = arith.addi %add3A_204, %add3A_208 : i32
      %mul3A_210 = arith.constant 32 : i32
      %mul3A_211 = arith.muli %add3A_209, %mul3A_210 : i32
      %add3A_212 = arith.addi %add3A, %mul3A_211 : i32
      %add3A_213 = arith.constant 2 : i32
      %add3A_214 = arith.addi %add3A_204, %add3A_213 : i32
      %mul3A_215 = arith.constant 32 : i32
      %mul3A_216 = arith.muli %add3A_214, %mul3A_215 : i32
      %add3A_217 = arith.addi %add3A, %mul3A_216 : i32
      %lt3A = arith.constant 625 : i32
      %lt3A_218 = arith.cmpi slt, %add3A_207, %lt3A : i32
      %convert_element_type3A = arith.extui %lt3A_218 : i1 to i32
      %cond3A = arith.constant 0 : i32
      %cond3A_219 = arith.cmpi ne, %convert_element_type3A, %cond3A : i32
      scf.if %cond3A_219 {
        %dma_wait3A_240 = arith.constant 0 : i32
        %dma_wait3A_241 = arith.constant 0 : i32
        %dma_wait3A_242 = arith.constant 0 : i32
        %dma_wait3A_243 = arith.constant 0 : i32
        %dma_wait3A_244 = tpu.memref_slice %arg9[%dma_wait3A_242, %dma_wait3A_243] : memref<512x16xf32, #tpu.memory_space<vmem>> -> memref<128x16xf32, #tpu.memory_space<vmem>>
        %dma_wait3A_245 = arith.constant 0 : i32
        %dma_wait3A_246 = tpu.memref_slice %arg8[%dma_wait3A_240, %dma_wait3A_241, %dma_wait3A_245] : memref<2x4x128xi32, #tpu.memory_space<vmem>> -> memref<1x1x128xi32, #tpu.memory_space<vmem>>
        %dma_wait3A_247 = tpu.memref_squeeze %dma_wait3A_246 : memref<1x1x128xi32, #tpu.memory_space<vmem>> -> memref<128xi32, #tpu.memory_space<vmem>>
        %dma_wait3A_248 = arith.constant 0 : i32
        %dma_wait3A_249 = arith.constant 0 : i32
        %dma_wait3A_250 = tpu.memref_slice %arg2[%dma_wait3A_248, %dma_wait3A_249] : memref<10000x16xf32, #tpu.memory_space<hbm>> -> memref<10000x16xf32, #tpu.memory_space<hbm>>
        tpu.wait_indirect_dma semaphore(%arg15 : memref<!tpu.dma_semaphore, #tpu.memory_space<semaphore_mem>>) src(%dma_wait3A_250 : memref<10000x16xf32, #tpu.memory_space<hbm>>) dst(%dma_wait3A_244 : memref<128x16xf32, #tpu.memory_space<vmem>>)
        %dma_wait3A_251 = arith.constant 1 : i32
        %dma_wait3A_252 = arith.constant 0 : i32
        %dma_wait3A_253 = arith.constant 0 : i32
        %dma_wait3A_254 = arith.constant 0 : i32
        %dma_wait3A_255 = tpu.memref_slice %arg10[%dma_wait3A_253, %dma_wait3A_254] : memref<512x16xf32, #tpu.memory_space<vmem>> -> memref<128x16xf32, #tpu.memory_space<vmem>>
        %dma_wait3A_256 = arith.constant 0 : i32
        %dma_wait3A_257 = tpu.memref_slice %arg8[%dma_wait3A_251, %dma_wait3A_252, %dma_wait3A_256] : memref<2x4x128xi32, #tpu.memory_space<vmem>> -> memref<1x1x128xi32, #tpu.memory_space<vmem>>
        %dma_wait3A_258 = tpu.memref_squeeze %dma_wait3A_257 : memref<1x1x128xi32, #tpu.memory_space<vmem>> -> memref<128xi32, #tpu.memory_space<vmem>>
        %dma_wait3A_259 = arith.constant 0 : i32
        %dma_wait3A_260 = arith.constant 0 : i32
        %dma_wait3A_261 = tpu.memref_slice %arg3[%dma_wait3A_259, %dma_wait3A_260] : memref<10000x16xf32, #tpu.memory_space<hbm>> -> memref<10000x16xf32, #tpu.memory_space<hbm>>
        tpu.wait_indirect_dma semaphore(%arg15 : memref<!tpu.dma_semaphore, #tpu.memory_space<semaphore_mem>>) src(%dma_wait3A_261 : memref<10000x16xf32, #tpu.memory_space<hbm>>) dst(%dma_wait3A_255 : memref<128x16xf32, #tpu.memory_space<vmem>>)
        %dma_wait3A_262 = arith.constant 0 : i32
        %dma_wait3A_263 = arith.constant 1 : i32
        %dma_wait3A_264 = arith.constant 128 : i32
        %dma_wait3A_265 = arith.constant 0 : i32
        %dma_wait3A_266 = tpu.memref_slice %arg9[%dma_wait3A_264, %dma_wait3A_265] : memref<512x16xf32, #tpu.memory_space<vmem>> -> memref<128x16xf32, #tpu.memory_space<vmem>>
        %dma_wait3A_267 = arith.constant 0 : i32
        %dma_wait3A_268 = tpu.memref_slice %arg8[%dma_wait3A_262, %dma_wait3A_263, %dma_wait3A_267] : memref<2x4x128xi32, #tpu.memory_space<vmem>> -> memref<1x1x128xi32, #tpu.memory_space<vmem>>
        %dma_wait3A_269 = tpu.memref_squeeze %dma_wait3A_268 : memref<1x1x128xi32, #tpu.memory_space<vmem>> -> memref<128xi32, #tpu.memory_space<vmem>>
        %dma_wait3A_270 = arith.constant 0 : i32
        %dma_wait3A_271 = arith.constant 0 : i32
        %dma_wait3A_272 = tpu.memref_slice %arg2[%dma_wait3A_270, %dma_wait3A_271] : memref<10000x16xf32, #tpu.memory_space<hbm>> -> memref<10000x16xf32, #tpu.memory_space<hbm>>
        tpu.wait_indirect_dma semaphore(%arg15 : memref<!tpu.dma_semaphore, #tpu.memory_space<semaphore_mem>>) src(%dma_wait3A_272 : memref<10000x16xf32, #tpu.memory_space<hbm>>) dst(%dma_wait3A_266 : memref<128x16xf32, #tpu.memory_space<vmem>>)
        %dma_wait3A_273 = arith.constant 1 : i32
        %dma_wait3A_274 = arith.constant 1 : i32
        %dma_wait3A_275 = arith.constant 128 : i32
        %dma_wait3A_276 = arith.constant 0 : i32
        %dma_wait3A_277 = tpu.memref_slice %arg10[%dma_wait3A_275, %dma_wait3A_276] : memref<512x16xf32, #tpu.memory_space<vmem>> -> memref<128x16xf32, #tpu.memory_space<vmem>>
        %dma_wait3A_278 = arith.constant 0 : i32
        %dma_wait3A_279 = tpu.memref_slice %arg8[%dma_wait3A_273, %dma_wait3A_274, %dma_wait3A_278] : memref<2x4x128xi32, #tpu.memory_space<vmem>> -> memref<1x1x128xi32, #tpu.memory_space<vmem>>
        %dma_wait3A_280 = tpu.memref_squeeze %dma_wait3A_279 : memref<1x1x128xi32, #tpu.memory_space<vmem>> -> memref<128xi32, #tpu.memory_space<vmem>>
        %dma_wait3A_281 = arith.constant 0 : i32
        %dma_wait3A_282 = arith.constant 0 : i32
        %dma_wait3A_283 = tpu.memref_slice %arg3[%dma_wait3A_281, %dma_wait3A_282] : memref<10000x16xf32, #tpu.memory_space<hbm>> -> memref<10000x16xf32, #tpu.memory_space<hbm>>
        tpu.wait_indirect_dma semaphore(%arg15 : memref<!tpu.dma_semaphore, #tpu.memory_space<semaphore_mem>>) src(%dma_wait3A_283 : memref<10000x16xf32, #tpu.memory_space<hbm>>) dst(%dma_wait3A_277 : memref<128x16xf32, #tpu.memory_space<vmem>>)
        %dma_wait3A_284 = arith.constant 0 : i32
        %dma_wait3A_285 = arith.constant 2 : i32
        %dma_wait3A_286 = arith.constant 256 : i32
        %dma_wait3A_287 = arith.constant 0 : i32
        %dma_wait3A_288 = tpu.memref_slice %arg9[%dma_wait3A_286, %dma_wait3A_287] : memref<512x16xf32, #tpu.memory_space<vmem>> -> memref<128x16xf32, #tpu.memory_space<vmem>>
        %dma_wait3A_289 = arith.constant 0 : i32
        %dma_wait3A_290 = tpu.memref_slice %arg8[%dma_wait3A_284, %dma_wait3A_285, %dma_wait3A_289] : memref<2x4x128xi32, #tpu.memory_space<vmem>> -> memref<1x1x128xi32, #tpu.memory_space<vmem>>
        %dma_wait3A_291 = tpu.memref_squeeze %dma_wait3A_290 : memref<1x1x128xi32, #tpu.memory_space<vmem>> -> memref<128xi32, #tpu.memory_space<vmem>>
        %dma_wait3A_292 = arith.constant 0 : i32
        %dma_wait3A_293 = arith.constant 0 : i32
        %dma_wait3A_294 = tpu.memref_slice %arg2[%dma_wait3A_292, %dma_wait3A_293] : memref<10000x16xf32, #tpu.memory_space<hbm>> -> memref<10000x16xf32, #tpu.memory_space<hbm>>
        tpu.wait_indirect_dma semaphore(%arg15 : memref<!tpu.dma_semaphore, #tpu.memory_space<semaphore_mem>>) src(%dma_wait3A_294 : memref<10000x16xf32, #tpu.memory_space<hbm>>) dst(%dma_wait3A_288 : memref<128x16xf32, #tpu.memory_space<vmem>>)
        %dma_wait3A_295 = arith.constant 1 : i32
        %dma_wait3A_296 = arith.constant 2 : i32
        %dma_wait3A_297 = arith.constant 256 : i32
        %dma_wait3A_298 = arith.constant 0 : i32
        %dma_wait3A_299 = tpu.memref_slice %arg10[%dma_wait3A_297, %dma_wait3A_298] : memref<512x16xf32, #tpu.memory_space<vmem>> -> memref<128x16xf32, #tpu.memory_space<vmem>>
        %dma_wait3A_300 = arith.constant 0 : i32
        %dma_wait3A_301 = tpu.memref_slice %arg8[%dma_wait3A_295, %dma_wait3A_296, %dma_wait3A_300] : memref<2x4x128xi32, #tpu.memory_space<vmem>> -> memref<1x1x128xi32, #tpu.memory_space<vmem>>
        %dma_wait3A_302 = tpu.memref_squeeze %dma_wait3A_301 : memref<1x1x128xi32, #tpu.memory_space<vmem>> -> memref<128xi32, #tpu.memory_space<vmem>>
        %dma_wait3A_303 = arith.constant 0 : i32
        %dma_wait3A_304 = arith.constant 0 : i32
        %dma_wait3A_305 = tpu.memref_slice %arg3[%dma_wait3A_303, %dma_wait3A_304] : memref<10000x16xf32, #tpu.memory_space<hbm>> -> memref<10000x16xf32, #tpu.memory_space<hbm>>
        tpu.wait_indirect_dma semaphore(%arg15 : memref<!tpu.dma_semaphore, #tpu.memory_space<semaphore_mem>>) src(%dma_wait3A_305 : memref<10000x16xf32, #tpu.memory_space<hbm>>) dst(%dma_wait3A_299 : memref<128x16xf32, #tpu.memory_space<vmem>>)
        %dma_wait3A_306 = arith.constant 0 : i32
        %dma_wait3A_307 = arith.constant 3 : i32
        %dma_wait3A_308 = arith.constant 384 : i32
        %dma_wait3A_309 = arith.constant 0 : i32
        %dma_wait3A_310 = tpu.memref_slice %arg9[%dma_wait3A_308, %dma_wait3A_309] : memref<512x16xf32, #tpu.memory_space<vmem>> -> memref<128x16xf32, #tpu.memory_space<vmem>>
        %dma_wait3A_311 = arith.constant 0 : i32
        %dma_wait3A_312 = tpu.memref_slice %arg8[%dma_wait3A_306, %dma_wait3A_307, %dma_wait3A_311] : memref<2x4x128xi32, #tpu.memory_space<vmem>> -> memref<1x1x128xi32, #tpu.memory_space<vmem>>
        %dma_wait3A_313 = tpu.memref_squeeze %dma_wait3A_312 : memref<1x1x128xi32, #tpu.memory_space<vmem>> -> memref<128xi32, #tpu.memory_space<vmem>>
        %dma_wait3A_314 = arith.constant 0 : i32
        %dma_wait3A_315 = arith.constant 0 : i32
        %dma_wait3A_316 = tpu.memref_slice %arg2[%dma_wait3A_314, %dma_wait3A_315] : memref<10000x16xf32, #tpu.memory_space<hbm>> -> memref<10000x16xf32, #tpu.memory_space<hbm>>
        tpu.wait_indirect_dma semaphore(%arg15 : memref<!tpu.dma_semaphore, #tpu.memory_space<semaphore_mem>>) src(%dma_wait3A_316 : memref<10000x16xf32, #tpu.memory_space<hbm>>) dst(%dma_wait3A_310 : memref<128x16xf32, #tpu.memory_space<vmem>>)
        %dma_wait3A_317 = arith.constant 1 : i32
        %dma_wait3A_318 = arith.constant 3 : i32
        %dma_wait3A_319 = arith.constant 384 : i32
        %dma_wait3A_320 = arith.constant 0 : i32
        %dma_wait3A_321 = tpu.memref_slice %arg10[%dma_wait3A_319, %dma_wait3A_320] : memref<512x16xf32, #tpu.memory_space<vmem>> -> memref<128x16xf32, #tpu.memory_space<vmem>>
        %dma_wait3A_322 = arith.constant 0 : i32
        %dma_wait3A_323 = tpu.memref_slice %arg8[%dma_wait3A_317, %dma_wait3A_318, %dma_wait3A_322] : memref<2x4x128xi32, #tpu.memory_space<vmem>> -> memref<1x1x128xi32, #tpu.memory_space<vmem>>
        %dma_wait3A_324 = tpu.memref_squeeze %dma_wait3A_323 : memref<1x1x128xi32, #tpu.memory_space<vmem>> -> memref<128xi32, #tpu.memory_space<vmem>>
        %dma_wait3A_325 = arith.constant 0 : i32
        %dma_wait3A_326 = arith.constant 0 : i32
        %dma_wait3A_327 = tpu.memref_slice %arg3[%dma_wait3A_325, %dma_wait3A_326] : memref<10000x16xf32, #tpu.memory_space<hbm>> -> memref<10000x16xf32, #tpu.memory_space<hbm>>
        tpu.wait_indirect_dma semaphore(%arg15 : memref<!tpu.dma_semaphore, #tpu.memory_space<semaphore_mem>>) src(%dma_wait3A_327 : memref<10000x16xf32, #tpu.memory_space<hbm>>) dst(%dma_wait3A_321 : memref<128x16xf32, #tpu.memory_space<vmem>>)
        %lt3A_328 = arith.constant 625 : i32
        %lt3A_329 = arith.cmpi slt, %add3A_212, %lt3A_328 : i32
        %convert_element_type3A_330 = arith.extui %lt3A_329 : i1 to i32
        %cond3A_331 = arith.constant 0 : i32
        %cond3A_332 = arith.cmpi ne, %convert_element_type3A_330, %cond3A_331 : i32
        scf.if %cond3A_332 {
          %dma_wait3A_367 = arith.constant 0 : i32
          %dma_wait3A_368 = arith.constant 0 : i32
          %dma_wait3A_369 = arith.constant 0 : i32
          %dma_wait3A_370 = tpu.memref_slice %arg5[%dma_wait3A_367, %dma_wait3A_368, %dma_wait3A_369] : memref<2x2500x128xi32, #tpu.memory_space<hbm>> -> memref<2x4x128xi32, #tpu.memory_space<hbm>>
          %dma_wait3A_371 = arith.constant 0 : i32
          %dma_wait3A_372 = arith.constant 0 : i32
          %dma_wait3A_373 = arith.constant 0 : i32
          %dma_wait3A_374 = tpu.memref_slice %arg5[%dma_wait3A_371, %dma_wait3A_372, %dma_wait3A_373] : memref<2x2500x128xi32, #tpu.memory_space<hbm>> -> memref<2x4x128xi32, #tpu.memory_space<hbm>>
          tpu.wait_dma2 semaphore(%arg23 : memref<!tpu.dma_semaphore, #tpu.memory_space<semaphore_mem>>) src(%dma_wait3A_374 : memref<2x4x128xi32, #tpu.memory_space<hbm>>) dst(%arg17 : memref<2x4x128xi32, #tpu.memory_space<vmem>>)
          %dma_wait3A_375 = arith.constant 0 : i32
          %dma_wait3A_376 = arith.constant 0 : i32
          %dma_wait3A_377 = tpu.memref_slice %arg20[%dma_wait3A_375, %dma_wait3A_376] : memref<16x513xf32, #tpu.memory_space<vmem>> -> memref<16x512xf32, #tpu.memory_space<vmem>>
          %dma_wait3A_378 = arith.constant 0 : i32
          %dma_wait3A_379 = arith.constant 0 : i32
          %dma_wait3A_380 = tpu.memref_slice %arg4[%dma_wait3A_378, %dma_wait3A_379] : memref<16x320000xf32, #tpu.memory_space<hbm>> -> memref<16x512xf32, #tpu.memory_space<hbm>>
          %dma_wait3A_381 = arith.constant 0 : i32
          %dma_wait3A_382 = arith.constant 0 : i32
          %dma_wait3A_383 = tpu.memref_slice %arg20[%dma_wait3A_381, %dma_wait3A_382] : memref<16x513xf32, #tpu.memory_space<vmem>> -> memref<16x512xf32, #tpu.memory_space<vmem>>
          %dma_wait3A_384 = arith.constant 0 : i32
          %dma_wait3A_385 = arith.constant 0 : i32
          %dma_wait3A_386 = tpu.memref_slice %arg4[%dma_wait3A_384, %dma_wait3A_385] : memref<16x320000xf32, #tpu.memory_space<hbm>> -> memref<16x512xf32, #tpu.memory_space<hbm>>
          tpu.wait_dma2 semaphore(%arg23 : memref<!tpu.dma_semaphore, #tpu.memory_space<semaphore_mem>>) src(%dma_wait3A_386 : memref<16x512xf32, #tpu.memory_space<hbm>>) dst(%dma_wait3A_383 : memref<16x512xf32, #tpu.memory_space<vmem>>)
          %dma_start3A_387 = arith.constant 0 : i32
          %dma_start3A_388 = arith.constant 0 : i32
          %dma_start3A_389 = arith.constant 0 : i32
          %dma_start3A_390 = arith.constant 0 : i32
          %dma_start3A_391 = tpu.memref_slice %arg18[%dma_start3A_389, %dma_start3A_390] : memref<512x16xf32, #tpu.memory_space<vmem>> -> memref<128x16xf32, #tpu.memory_space<vmem>>
          %dma_start3A_392 = arith.constant 0 : i32
          %dma_start3A_393 = tpu.memref_slice %arg17[%dma_start3A_387, %dma_start3A_388, %dma_start3A_392] : memref<2x4x128xi32, #tpu.memory_space<vmem>> -> memref<1x1x128xi32, #tpu.memory_space<vmem>>
          %dma_start3A_394 = tpu.memref_squeeze %dma_start3A_393 : memref<1x1x128xi32, #tpu.memory_space<vmem>> -> memref<128xi32, #tpu.memory_space<vmem>>
          %dma_start3A_395 = arith.constant 0 : i32
          %dma_start3A_396 = arith.constant 0 : i32
          %dma_start3A_397 = tpu.memref_slice %arg2[%dma_start3A_395, %dma_start3A_396] : memref<10000x16xf32, #tpu.memory_space<hbm>> -> memref<10000x16xf32, #tpu.memory_space<hbm>>
          tpu.enqueue_indirect_dma source(%dma_start3A_397 : memref<10000x16xf32, #tpu.memory_space<hbm>>) target(%dma_start3A_391 : memref<128x16xf32, #tpu.memory_space<vmem>>) offsets(%dma_start3A_394 : memref<128xi32, #tpu.memory_space<vmem>>) semaphore(%arg24 : memref<!tpu.dma_semaphore, #tpu.memory_space<semaphore_mem>>)
          %dma_start3A_398 = arith.constant 1 : i32
          %dma_start3A_399 = arith.constant 0 : i32
          %dma_start3A_400 = arith.constant 0 : i32
          %dma_start3A_401 = arith.constant 0 : i32
          %dma_start3A_402 = tpu.memref_slice %arg19[%dma_start3A_400, %dma_start3A_401] : memref<512x16xf32, #tpu.memory_space<vmem>> -> memref<128x16xf32, #tpu.memory_space<vmem>>
          %dma_start3A_403 = arith.constant 0 : i32
          %dma_start3A_404 = tpu.memref_slice %arg17[%dma_start3A_398, %dma_start3A_399, %dma_start3A_403] : memref<2x4x128xi32, #tpu.memory_space<vmem>> -> memref<1x1x128xi32, #tpu.memory_space<vmem>>
          %dma_start3A_405 = tpu.memref_squeeze %dma_start3A_404 : memref<1x1x128xi32, #tpu.memory_space<vmem>> -> memref<128xi32, #tpu.memory_space<vmem>>
          %dma_start3A_406 = arith.constant 0 : i32
          %dma_start3A_407 = arith.constant 0 : i32
          %dma_start3A_408 = tpu.memref_slice %arg3[%dma_start3A_406, %dma_start3A_407] : memref<10000x16xf32, #tpu.memory_space<hbm>> -> memref<10000x16xf32, #tpu.memory_space<hbm>>
          tpu.enqueue_indirect_dma source(%dma_start3A_408 : memref<10000x16xf32, #tpu.memory_space<hbm>>) target(%dma_start3A_402 : memref<128x16xf32, #tpu.memory_space<vmem>>) offsets(%dma_start3A_405 : memref<128xi32, #tpu.memory_space<vmem>>) semaphore(%arg24 : memref<!tpu.dma_semaphore, #tpu.memory_space<semaphore_mem>>)
          %dma_start3A_409 = arith.constant 0 : i32
          %dma_start3A_410 = arith.constant 1 : i32
          %dma_start3A_411 = arith.constant 128 : i32
          %dma_start3A_412 = arith.constant 0 : i32
          %dma_start3A_413 = tpu.memref_slice %arg18[%dma_start3A_411, %dma_start3A_412] : memref<512x16xf32, #tpu.memory_space<vmem>> -> memref<128x16xf32, #tpu.memory_space<vmem>>
          %dma_start3A_414 = arith.constant 0 : i32
          %dma_start3A_415 = tpu.memref_slice %arg17[%dma_start3A_409, %dma_start3A_410, %dma_start3A_414] : memref<2x4x128xi32, #tpu.memory_space<vmem>> -> memref<1x1x128xi32, #tpu.memory_space<vmem>>
          %dma_start3A_416 = tpu.memref_squeeze %dma_start3A_415 : memref<1x1x128xi32, #tpu.memory_space<vmem>> -> memref<128xi32, #tpu.memory_space<vmem>>
          %dma_start3A_417 = arith.constant 0 : i32
          %dma_start3A_418 = arith.constant 0 : i32
          %dma_start3A_419 = tpu.memref_slice %arg2[%dma_start3A_417, %dma_start3A_418] : memref<10000x16xf32, #tpu.memory_space<hbm>> -> memref<10000x16xf32, #tpu.memory_space<hbm>>
          tpu.enqueue_indirect_dma source(%dma_start3A_419 : memref<10000x16xf32, #tpu.memory_space<hbm>>) target(%dma_start3A_413 : memref<128x16xf32, #tpu.memory_space<vmem>>) offsets(%dma_start3A_416 : memref<128xi32, #tpu.memory_space<vmem>>) semaphore(%arg24 : memref<!tpu.dma_semaphore, #tpu.memory_space<semaphore_mem>>)
          %dma_start3A_420 = arith.constant 1 : i32
          %dma_start3A_421 = arith.constant 1 : i32
          %dma_start3A_422 = arith.constant 128 : i32
          %dma_start3A_423 = arith.constant 0 : i32
          %dma_start3A_424 = tpu.memref_slice %arg19[%dma_start3A_422, %dma_start3A_423] : memref<512x16xf32, #tpu.memory_space<vmem>> -> memref<128x16xf32, #tpu.memory_space<vmem>>
          %dma_start3A_425 = arith.constant 0 : i32
          %dma_start3A_426 = tpu.memref_slice %arg17[%dma_start3A_420, %dma_start3A_421, %dma_start3A_425] : memref<2x4x128xi32, #tpu.memory_space<vmem>> -> memref<1x1x128xi32, #tpu.memory_space<vmem>>
          %dma_start3A_427 = tpu.memref_squeeze %dma_start3A_426 : memref<1x1x128xi32, #tpu.memory_space<vmem>> -> memref<128xi32, #tpu.memory_space<vmem>>
          %dma_start3A_428 = arith.constant 0 : i32
          %dma_start3A_429 = arith.constant 0 : i32
          %dma_start3A_430 = tpu.memref_slice %arg3[%dma_start3A_428, %dma_start3A_429] : memref<10000x16xf32, #tpu.memory_space<hbm>> -> memref<10000x16xf32, #tpu.memory_space<hbm>>
          tpu.enqueue_indirect_dma source(%dma_start3A_430 : memref<10000x16xf32, #tpu.memory_space<hbm>>) target(%dma_start3A_424 : memref<128x16xf32, #tpu.memory_space<vmem>>) offsets(%dma_start3A_427 : memref<128xi32, #tpu.memory_space<vmem>>) semaphore(%arg24 : memref<!tpu.dma_semaphore, #tpu.memory_space<semaphore_mem>>)
          %dma_start3A_431 = arith.constant 0 : i32
          %dma_start3A_432 = arith.constant 2 : i32
          %dma_start3A_433 = arith.constant 256 : i32
          %dma_start3A_434 = arith.constant 0 : i32
          %dma_start3A_435 = tpu.memref_slice %arg18[%dma_start3A_433, %dma_start3A_434] : memref<512x16xf32, #tpu.memory_space<vmem>> -> memref<128x16xf32, #tpu.memory_space<vmem>>
          %dma_start3A_436 = arith.constant 0 : i32
          %dma_start3A_437 = tpu.memref_slice %arg17[%dma_start3A_431, %dma_start3A_432, %dma_start3A_436] : memref<2x4x128xi32, #tpu.memory_space<vmem>> -> memref<1x1x128xi32, #tpu.memory_space<vmem>>
          %dma_start3A_438 = tpu.memref_squeeze %dma_start3A_437 : memref<1x1x128xi32, #tpu.memory_space<vmem>> -> memref<128xi32, #tpu.memory_space<vmem>>
          %dma_start3A_439 = arith.constant 0 : i32
          %dma_start3A_440 = arith.constant 0 : i32
          %dma_start3A_441 = tpu.memref_slice %arg2[%dma_start3A_439, %dma_start3A_440] : memref<10000x16xf32, #tpu.memory_space<hbm>> -> memref<10000x16xf32, #tpu.memory_space<hbm>>
          tpu.enqueue_indirect_dma source(%dma_start3A_441 : memref<10000x16xf32, #tpu.memory_space<hbm>>) target(%dma_start3A_435 : memref<128x16xf32, #tpu.memory_space<vmem>>) offsets(%dma_start3A_438 : memref<128xi32, #tpu.memory_space<vmem>>) semaphore(%arg24 : memref<!tpu.dma_semaphore, #tpu.memory_space<semaphore_mem>>)
          %dma_start3A_442 = arith.constant 1 : i32
          %dma_start3A_443 = arith.constant 2 : i32
          %dma_start3A_444 = arith.constant 256 : i32
          %dma_start3A_445 = arith.constant 0 : i32
          %dma_start3A_446 = tpu.memref_slice %arg19[%dma_start3A_444, %dma_start3A_445] : memref<512x16xf32, #tpu.memory_space<vmem>> -> memref<128x16xf32, #tpu.memory_space<vmem>>
          %dma_start3A_447 = arith.constant 0 : i32
          %dma_start3A_448 = tpu.memref_slice %arg17[%dma_start3A_442, %dma_start3A_443, %dma_start3A_447] : memref<2x4x128xi32, #tpu.memory_space<vmem>> -> memref<1x1x128xi32, #tpu.memory_space<vmem>>
          %dma_start3A_449 = tpu.memref_squeeze %dma_start3A_448 : memref<1x1x128xi32, #tpu.memory_space<vmem>> -> memref<128xi32, #tpu.memory_space<vmem>>
          %dma_start3A_450 = arith.constant 0 : i32
          %dma_start3A_451 = arith.constant 0 : i32
          %dma_start3A_452 = tpu.memref_slice %arg3[%dma_start3A_450, %dma_start3A_451] : memref<10000x16xf32, #tpu.memory_space<hbm>> -> memref<10000x16xf32, #tpu.memory_space<hbm>>
          tpu.enqueue_indirect_dma source(%dma_start3A_452 : memref<10000x16xf32, #tpu.memory_space<hbm>>) target(%dma_start3A_446 : memref<128x16xf32, #tpu.memory_space<vmem>>) offsets(%dma_start3A_449 : memref<128xi32, #tpu.memory_space<vmem>>) semaphore(%arg24 : memref<!tpu.dma_semaphore, #tpu.memory_space<semaphore_mem>>)
          %dma_start3A_453 = arith.constant 0 : i32
          %dma_start3A_454 = arith.constant 3 : i32
          %dma_start3A_455 = arith.constant 384 : i32
          %dma_start3A_456 = arith.constant 0 : i32
          %dma_start3A_457 = tpu.memref_slice %arg18[%dma_start3A_455, %dma_start3A_456] : memref<512x16xf32, #tpu.memory_space<vmem>> -> memref<128x16xf32, #tpu.memory_space<vmem>>
          %dma_start3A_458 = arith.constant 0 : i32
          %dma_start3A_459 = tpu.memref_slice %arg17[%dma_start3A_453, %dma_start3A_454, %dma_start3A_458] : memref<2x4x128xi32, #tpu.memory_space<vmem>> -> memref<1x1x128xi32, #tpu.memory_space<vmem>>
          %dma_start3A_460 = tpu.memref_squeeze %dma_start3A_459 : memref<1x1x128xi32, #tpu.memory_space<vmem>> -> memref<128xi32, #tpu.memory_space<vmem>>
          %dma_start3A_461 = arith.constant 0 : i32
          %dma_start3A_462 = arith.constant 0 : i32
          %dma_start3A_463 = tpu.memref_slice %arg2[%dma_start3A_461, %dma_start3A_462] : memref<10000x16xf32, #tpu.memory_space<hbm>> -> memref<10000x16xf32, #tpu.memory_space<hbm>>
          tpu.enqueue_indirect_dma source(%dma_start3A_463 : memref<10000x16xf32, #tpu.memory_space<hbm>>) target(%dma_start3A_457 : memref<128x16xf32, #tpu.memory_space<vmem>>) offsets(%dma_start3A_460 : memref<128xi32, #tpu.memory_space<vmem>>) semaphore(%arg24 : memref<!tpu.dma_semaphore, #tpu.memory_space<semaphore_mem>>)
          %dma_start3A_464 = arith.constant 1 : i32
          %dma_start3A_465 = arith.constant 3 : i32
          %dma_start3A_466 = arith.constant 384 : i32
          %dma_start3A_467 = arith.constant 0 : i32
          %dma_start3A_468 = tpu.memref_slice %arg19[%dma_start3A_466, %dma_start3A_467] : memref<512x16xf32, #tpu.memory_space<vmem>> -> memref<128x16xf32, #tpu.memory_space<vmem>>
          %dma_start3A_469 = arith.constant 0 : i32
          %dma_start3A_470 = tpu.memref_slice %arg17[%dma_start3A_464, %dma_start3A_465, %dma_start3A_469] : memref<2x4x128xi32, #tpu.memory_space<vmem>> -> memref<1x1x128xi32, #tpu.memory_space<vmem>>
          %dma_start3A_471 = tpu.memref_squeeze %dma_start3A_470 : memref<1x1x128xi32, #tpu.memory_space<vmem>> -> memref<128xi32, #tpu.memory_space<vmem>>
          %dma_start3A_472 = arith.constant 0 : i32
          %dma_start3A_473 = arith.constant 0 : i32
          %dma_start3A_474 = tpu.memref_slice %arg3[%dma_start3A_472, %dma_start3A_473] : memref<10000x16xf32, #tpu.memory_space<hbm>> -> memref<10000x16xf32, #tpu.memory_space<hbm>>
          tpu.enqueue_indirect_dma source(%dma_start3A_474 : memref<10000x16xf32, #tpu.memory_space<hbm>>) target(%dma_start3A_468 : memref<128x16xf32, #tpu.memory_space<vmem>>) offsets(%dma_start3A_471 : memref<128xi32, #tpu.memory_space<vmem>>) semaphore(%arg24 : memref<!tpu.dma_semaphore, #tpu.memory_space<semaphore_mem>>)
        } else {
        }
        %ge3A = arith.constant 2 : i32
        %ge3A_333 = arith.cmpi sge, %add3A_204, %ge3A : i32
        %convert_element_type3A_334 = arith.extui %ge3A_333 : i1 to i32
        %cond3A_335 = arith.constant 0 : i32
        %cond3A_336 = arith.cmpi ne, %convert_element_type3A_334, %cond3A_335 : i32
        scf.if %cond3A_336 {
          %dma_wait3A_367 = arith.constant 0 : i32
          %dma_wait3A_368 = arith.constant 0 : i32
          %dma_wait3A_369 = tpu.memref_slice %arg13[%dma_wait3A_367, %dma_wait3A_368] : memref<16x513xf32, #tpu.memory_space<vmem>> -> memref<16x512xf32, #tpu.memory_space<vmem>>
          %dma_wait3A_370 = arith.constant 0 : i32
          %dma_wait3A_371 = arith.constant 0 : i32
          %dma_wait3A_372 = tpu.memref_slice %arg6[%dma_wait3A_370, %dma_wait3A_371] : memref<16x320000xf32, #tpu.memory_space<hbm>> -> memref<16x512xf32, #tpu.memory_space<hbm>>
          %dma_wait3A_373 = arith.constant 0 : i32
          %dma_wait3A_374 = arith.constant 0 : i32
          %dma_wait3A_375 = tpu.memref_slice %arg6[%dma_wait3A_373, %dma_wait3A_374] : memref<16x320000xf32, #tpu.memory_space<hbm>> -> memref<16x512xf32, #tpu.memory_space<hbm>>
          %dma_wait3A_376 = arith.constant 0 : i32
          %dma_wait3A_377 = arith.constant 0 : i32
          %dma_wait3A_378 = tpu.memref_slice %arg13[%dma_wait3A_376, %dma_wait3A_377] : memref<16x513xf32, #tpu.memory_space<vmem>> -> memref<16x512xf32, #tpu.memory_space<vmem>>
          tpu.wait_dma2 semaphore(%arg16 : memref<!tpu.dma_semaphore, #tpu.memory_space<semaphore_mem>>) src(%dma_wait3A_378 : memref<16x512xf32, #tpu.memory_space<vmem>>) dst(%dma_wait3A_375 : memref<16x512xf32, #tpu.memory_space<hbm>>)
        } else {
        }
        %scan3A_337 = arith.constant 0 : i32
        %scan3A_338 = arith.constant 512 : i32
        %scan3A_339 = arith.addi %scan3A_337, %scan3A_338 : i32
        %scan3A_340 = arith.constant 4 : i32
        scf.for %scan3A_367 = %scan3A_337 to %scan3A_339 step %scan3A_340  : i32 {
          %mul3A_368 = arith.constant 1 : i32
          %mul3A_369 = arith.muli %scan3A_367, %mul3A_368 : i32
          %add3A_370 = arith.constant 0 : i32
          %add3A_371 = arith.addi %add3A_370, %mul3A_369 : i32
          %broadcast_in_dim3A = vector.broadcast %add3A_371 : i32 to vector<16xi32>
          %gather3A = tpu.vector_load_idx %arg11[%iota3A, %broadcast_in_dim3A] : memref<16x513xf32, #tpu.memory_space<vmem>>[vector<16xi32>, vector<16xi32>], vector<16xf32>,
          %get3A = arith.index_cast %add3A_371 : i32 to index
          %get3A_372 = arith.constant 0 : index
          %get3A_373 = tpu.vector_load %arg9[%get3A, %get3A_372] {strides = array<i32>} : memref<512x16xf32, #tpu.memory_space<vmem>>, vector<16xf32>,
          %get3A_374 = arith.index_cast %add3A_371 : i32 to index
          %get3A_375 = arith.constant 0 : index
          %get3A_376 = tpu.vector_load %arg10[%get3A_374, %get3A_375] {strides = array<i32>} : memref<512x16xf32, #tpu.memory_space<vmem>>, vector<16xf32>,
          %add3A_377 = arith.addf %get3A_373, %get3A_376 : vector<16xf32>
          %add3A_378 = arith.addf %add3A_377, %gather3A : vector<16xf32>
          %swap3A = arith.index_cast %add3A_371 : i32 to index
          %swap3A_379 = arith.constant 0 : index
          %swap3A_380 = tpu.vector_load %arg12[%swap3A, %swap3A_379] {strides = array<i32>} : memref<512x16xf32, #tpu.memory_space<vmem>>, vector<16xf32>,
          tpu.vector_store %arg12[%swap3A, %swap3A_379], %add3A_378 {strides = array<i32>} : memref<512x16xf32, #tpu.memory_space<vmem>>, vector<16xf32>,
          tpu.vector_store_idx %arg13[%iota3A, %broadcast_in_dim3A], %add3A_378 : memref<16x513xf32, #tpu.memory_space<vmem>>[vector<16xi32>, vector<16xi32>], vector<16xf32>,
          %scan3A_381 = arith.constant 1 : i32
          %scan3A_382 = arith.addi %scan3A_367, %scan3A_381 : i32
          %mul3A_383 = arith.constant 1 : i32
          %mul3A_384 = arith.muli %scan3A_382, %mul3A_383 : i32
          %add3A_385 = arith.constant 0 : i32
          %add3A_386 = arith.addi %add3A_385, %mul3A_384 : i32
          %broadcast_in_dim3A_387 = vector.broadcast %add3A_386 : i32 to vector<16xi32>
          %gather3A_388 = tpu.vector_load_idx %arg11[%iota3A, %broadcast_in_dim3A_387] : memref<16x513xf32, #tpu.memory_space<vmem>>[vector<16xi32>, vector<16xi32>], vector<16xf32>,
          %get3A_389 = arith.index_cast %add3A_386 : i32 to index
          %get3A_390 = arith.constant 0 : index
          %get3A_391 = tpu.vector_load %arg9[%get3A_389, %get3A_390] {strides = array<i32>} : memref<512x16xf32, #tpu.memory_space<vmem>>, vector<16xf32>,
          %get3A_392 = arith.index_cast %add3A_386 : i32 to index
          %get3A_393 = arith.constant 0 : index
          %get3A_394 = tpu.vector_load %arg10[%get3A_392, %get3A_393] {strides = array<i32>} : memref<512x16xf32, #tpu.memory_space<vmem>>, vector<16xf32>,
          %add3A_395 = arith.addf %get3A_391, %get3A_394 : vector<16xf32>
          %add3A_396 = arith.addf %add3A_395, %gather3A_388 : vector<16xf32>
          %swap3A_397 = arith.index_cast %add3A_386 : i32 to index
          %swap3A_398 = arith.constant 0 : index
          %swap3A_399 = tpu.vector_load %arg12[%swap3A_397, %swap3A_398] {strides = array<i32>} : memref<512x16xf32, #tpu.memory_space<vmem>>, vector<16xf32>,
          tpu.vector_store %arg12[%swap3A_397, %swap3A_398], %add3A_396 {strides = array<i32>} : memref<512x16xf32, #tpu.memory_space<vmem>>, vector<16xf32>,
          tpu.vector_store_idx %arg13[%iota3A, %broadcast_in_dim3A_387], %add3A_396 : memref<16x513xf32, #tpu.memory_space<vmem>>[vector<16xi32>, vector<16xi32>], vector<16xf32>,
          %scan3A_400 = arith.constant 2 : i32
          %scan3A_401 = arith.addi %scan3A_367, %scan3A_400 : i32
          %mul3A_402 = arith.constant 1 : i32
          %mul3A_403 = arith.muli %scan3A_401, %mul3A_402 : i32
          %add3A_404 = arith.constant 0 : i32
          %add3A_405 = arith.addi %add3A_404, %mul3A_403 : i32
          %broadcast_in_dim3A_406 = vector.broadcast %add3A_405 : i32 to vector<16xi32>
          %gather3A_407 = tpu.vector_load_idx %arg11[%iota3A, %broadcast_in_dim3A_406] : memref<16x513xf32, #tpu.memory_space<vmem>>[vector<16xi32>, vector<16xi32>], vector<16xf32>,
          %get3A_408 = arith.index_cast %add3A_405 : i32 to index
          %get3A_409 = arith.constant 0 : index
          %get3A_410 = tpu.vector_load %arg9[%get3A_408, %get3A_409] {strides = array<i32>} : memref<512x16xf32, #tpu.memory_space<vmem>>, vector<16xf32>,
          %get3A_411 = arith.index_cast %add3A_405 : i32 to index
          %get3A_412 = arith.constant 0 : index
          %get3A_413 = tpu.vector_load %arg10[%get3A_411, %get3A_412] {strides = array<i32>} : memref<512x16xf32, #tpu.memory_space<vmem>>, vector<16xf32>,
          %add3A_414 = arith.addf %get3A_410, %get3A_413 : vector<16xf32>
          %add3A_415 = arith.addf %add3A_414, %gather3A_407 : vector<16xf32>
          %swap3A_416 = arith.index_cast %add3A_405 : i32 to index
          %swap3A_417 = arith.constant 0 : index
          %swap3A_418 = tpu.vector_load %arg12[%swap3A_416, %swap3A_417] {strides = array<i32>} : memref<512x16xf32, #tpu.memory_space<vmem>>, vector<16xf32>,
          tpu.vector_store %arg12[%swap3A_416, %swap3A_417], %add3A_415 {strides = array<i32>} : memref<512x16xf32, #tpu.memory_space<vmem>>, vector<16xf32>,
          tpu.vector_store_idx %arg13[%iota3A, %broadcast_in_dim3A_406], %add3A_415 : memref<16x513xf32, #tpu.memory_space<vmem>>[vector<16xi32>, vector<16xi32>], vector<16xf32>,
          %scan3A_419 = arith.constant 3 : i32
          %scan3A_420 = arith.addi %scan3A_367, %scan3A_419 : i32
          %mul3A_421 = arith.constant 1 : i32
          %mul3A_422 = arith.muli %scan3A_420, %mul3A_421 : i32
          %add3A_423 = arith.constant 0 : i32
          %add3A_424 = arith.addi %add3A_423, %mul3A_422 : i32
          %broadcast_in_dim3A_425 = vector.broadcast %add3A_424 : i32 to vector<16xi32>
          %gather3A_426 = tpu.vector_load_idx %arg11[%iota3A, %broadcast_in_dim3A_425] : memref<16x513xf32, #tpu.memory_space<vmem>>[vector<16xi32>, vector<16xi32>], vector<16xf32>,
          %get3A_427 = arith.index_cast %add3A_424 : i32 to index
          %get3A_428 = arith.constant 0 : index
          %get3A_429 = tpu.vector_load %arg9[%get3A_427, %get3A_428] {strides = array<i32>} : memref<512x16xf32, #tpu.memory_space<vmem>>, vector<16xf32>,
          %get3A_430 = arith.index_cast %add3A_424 : i32 to index
          %get3A_431 = arith.constant 0 : index
          %get3A_432 = tpu.vector_load %arg10[%get3A_430, %get3A_431] {strides = array<i32>} : memref<512x16xf32, #tpu.memory_space<vmem>>, vector<16xf32>,
          %add3A_433 = arith.addf %get3A_429, %get3A_432 : vector<16xf32>
          %add3A_434 = arith.addf %add3A_433, %gather3A_426 : vector<16xf32>
          %swap3A_435 = arith.index_cast %add3A_424 : i32 to index
          %swap3A_436 = arith.constant 0 : index
          %swap3A_437 = tpu.vector_load %arg12[%swap3A_435, %swap3A_436] {strides = array<i32>} : memref<512x16xf32, #tpu.memory_space<vmem>>, vector<16xf32>,
          tpu.vector_store %arg12[%swap3A_435, %swap3A_436], %add3A_434 {strides = array<i32>} : memref<512x16xf32, #tpu.memory_space<vmem>>, vector<16xf32>,
          tpu.vector_store_idx %arg13[%iota3A, %broadcast_in_dim3A_425], %add3A_434 : memref<16x513xf32, #tpu.memory_space<vmem>>[vector<16xi32>, vector<16xi32>], vector<16xf32>,
        }
        %scan3A_341 = arith.constant 512 : i32
        %mul3A_342 = arith.constant 512 : i32
        %mul3A_343 = arith.muli %add3A_207, %mul3A_342 : i32
        %multiple_of3A_344 = tpu.assume_multiple %mul3A_343, 512 : i32
        %dma_start3A_345 = arith.constant 0 : i32
        %dma_start3A_346 = arith.constant 0 : i32
        %dma_start3A_347 = tpu.memref_slice %arg13[%dma_start3A_345, %dma_start3A_346] : memref<16x513xf32, #tpu.memory_space<vmem>> -> memref<16x512xf32, #tpu.memory_space<vmem>>
        %dma_start3A_348 = arith.constant 0 : i32
        %dma_start3A_349 = tpu.memref_slice %arg6[%dma_start3A_348, %multiple_of3A_344] : memref<16x320000xf32, #tpu.memory_space<hbm>> -> memref<16x512xf32, #tpu.memory_space<hbm>>
        %dma_start3A_350 = arith.constant 0 : i32
        %dma_start3A_351 = tpu.memref_slice %arg6[%dma_start3A_350, %multiple_of3A_344] : memref<16x320000xf32, #tpu.memory_space<hbm>> -> memref<16x512xf32, #tpu.memory_space<hbm>>
        %dma_start3A_352 = arith.constant 0 : i32
        %dma_start3A_353 = arith.constant 0 : i32
        %dma_start3A_354 = tpu.memref_slice %arg13[%dma_start3A_352, %dma_start3A_353] : memref<16x513xf32, #tpu.memory_space<vmem>> -> memref<16x512xf32, #tpu.memory_space<vmem>>
        tpu.enqueue_dma source(%dma_start3A_354 : memref<16x512xf32, #tpu.memory_space<vmem>>) target(%dma_start3A_351 : memref<16x512xf32, #tpu.memory_space<hbm>>) target_semaphore(%arg16 : memref<!tpu.dma_semaphore, #tpu.memory_space<semaphore_mem>>)
        %run_scoped3A = arith.constant 1 : i32
        %run_scoped3A_355 = arith.constant 0 : i32
        "tpu.region"() ({
          %run_scoped3A_367 = tpu.sem_alloc : memref<!tpu.dma_semaphore, #tpu.memory_space<semaphore_mem>>
          %dma_start3A_368 = arith.constant 0 : i32
          %dma_start3A_369 = arith.constant 0 : i32
          %dma_start3A_370 = tpu.memref_slice %arg12[%dma_start3A_368, %dma_start3A_369] : memref<512x16xf32, #tpu.memory_space<vmem>> -> memref<128x16xf32, #tpu.memory_space<vmem>>
          %dma_start3A_371 = arith.constant 0 : i32
          %dma_start3A_372 = tpu.memref_slice %arg8[%run_scoped3A, %run_scoped3A_355, %dma_start3A_371] : memref<2x4x128xi32, #tpu.memory_space<vmem>> -> memref<1x1x128xi32, #tpu.memory_space<vmem>>
          %dma_start3A_373 = tpu.memref_squeeze %dma_start3A_372 : memref<1x1x128xi32, #tpu.memory_space<vmem>> -> memref<128xi32, #tpu.memory_space<vmem>>
          %dma_start3A_374 = arith.constant 0 : i32
          %dma_start3A_375 = arith.constant 0 : i32
          %dma_start3A_376 = tpu.memref_slice %arg27[%dma_start3A_374, %dma_start3A_375] : memref<10240x16xf32, #tpu.memory_space<vmem_shared>> -> memref<10240x16xf32, #tpu.memory_space<vmem_shared>>
          tpu.enqueue_indirect_dma source(%dma_start3A_370 : memref<128x16xf32, #tpu.memory_space<vmem>>) target(%dma_start3A_376 : memref<10240x16xf32, #tpu.memory_space<vmem_shared>>) offsets(%dma_start3A_373 : memref<128xi32, #tpu.memory_space<vmem>>) semaphore(%run_scoped3A_367 : memref<!tpu.dma_semaphore, #tpu.memory_space<semaphore_mem>>) {add = true}
          %dma_wait3A_377 = arith.constant 0 : i32
          %dma_wait3A_378 = arith.constant 0 : i32
          %dma_wait3A_379 = tpu.memref_slice %arg12[%dma_wait3A_377, %dma_wait3A_378] : memref<512x16xf32, #tpu.memory_space<vmem>> -> memref<128x16xf32, #tpu.memory_space<vmem>>
          %dma_wait3A_380 = arith.constant 0 : i32
          %dma_wait3A_381 = tpu.memref_slice %arg8[%run_scoped3A, %run_scoped3A_355, %dma_wait3A_380] : memref<2x4x128xi32, #tpu.memory_space<vmem>> -> memref<1x1x128xi32, #tpu.memory_space<vmem>>
          %dma_wait3A_382 = tpu.memref_squeeze %dma_wait3A_381 : memref<1x1x128xi32, #tpu.memory_space<vmem>> -> memref<128xi32, #tpu.memory_space<vmem>>
          %dma_wait3A_383 = arith.constant 0 : i32
          %dma_wait3A_384 = arith.constant 0 : i32
          %dma_wait3A_385 = tpu.memref_slice %arg27[%dma_wait3A_383, %dma_wait3A_384] : memref<10240x16xf32, #tpu.memory_space<vmem_shared>> -> memref<10240x16xf32, #tpu.memory_space<vmem_shared>>
          tpu.wait_indirect_dma semaphore(%run_scoped3A_367 : memref<!tpu.dma_semaphore, #tpu.memory_space<semaphore_mem>>) src(%dma_wait3A_379 : memref<128x16xf32, #tpu.memory_space<vmem>>) dst(%dma_wait3A_385 : memref<10240x16xf32, #tpu.memory_space<vmem_shared>>)
          tpu.yield
        }) : () -> ()
        %run_scoped3A_356 = arith.constant 1 : i32
        %run_scoped3A_357 = arith.constant 1 : i32
        "tpu.region"() ({
          %run_scoped3A_367 = tpu.sem_alloc : memref<!tpu.dma_semaphore, #tpu.memory_space<semaphore_mem>>
          %dma_start3A_368 = arith.constant 128 : i32
          %dma_start3A_369 = arith.constant 0 : i32
          %dma_start3A_370 = tpu.memref_slice %arg12[%dma_start3A_368, %dma_start3A_369] : memref<512x16xf32, #tpu.memory_space<vmem>> -> memref<128x16xf32, #tpu.memory_space<vmem>>
          %dma_start3A_371 = arith.constant 0 : i32
          %dma_start3A_372 = tpu.memref_slice %arg8[%run_scoped3A_356, %run_scoped3A_357, %dma_start3A_371] : memref<2x4x128xi32, #tpu.memory_space<vmem>> -> memref<1x1x128xi32, #tpu.memory_space<vmem>>
          %dma_start3A_373 = tpu.memref_squeeze %dma_start3A_372 : memref<1x1x128xi32, #tpu.memory_space<vmem>> -> memref<128xi32, #tpu.memory_space<vmem>>
          %dma_start3A_374 = arith.constant 0 : i32
          %dma_start3A_375 = arith.constant 0 : i32
          %dma_start3A_376 = tpu.memref_slice %arg27[%dma_start3A_374, %dma_start3A_375] : memref<10240x16xf32, #tpu.memory_space<vmem_shared>> -> memref<10240x16xf32, #tpu.memory_space<vmem_shared>>
          tpu.enqueue_indirect_dma source(%dma_start3A_370 : memref<128x16xf32, #tpu.memory_space<vmem>>) target(%dma_start3A_376 : memref<10240x16xf32, #tpu.memory_space<vmem_shared>>) offsets(%dma_start3A_373 : memref<128xi32, #tpu.memory_space<vmem>>) semaphore(%run_scoped3A_367 : memref<!tpu.dma_semaphore, #tpu.memory_space<semaphore_mem>>) {add = true}
          %dma_wait3A_377 = arith.constant 128 : i32
          %dma_wait3A_378 = arith.constant 0 : i32
          %dma_wait3A_379 = tpu.memref_slice %arg12[%dma_wait3A_377, %dma_wait3A_378] : memref<512x16xf32, #tpu.memory_space<vmem>> -> memref<128x16xf32, #tpu.memory_space<vmem>>
          %dma_wait3A_380 = arith.constant 0 : i32
          %dma_wait3A_381 = tpu.memref_slice %arg8[%run_scoped3A_356, %run_scoped3A_357, %dma_wait3A_380] : memref<2x4x128xi32, #tpu.memory_space<vmem>> -> memref<1x1x128xi32, #tpu.memory_space<vmem>>
          %dma_wait3A_382 = tpu.memref_squeeze %dma_wait3A_381 : memref<1x1x128xi32, #tpu.memory_space<vmem>> -> memref<128xi32, #tpu.memory_space<vmem>>
          %dma_wait3A_383 = arith.constant 0 : i32
          %dma_wait3A_384 = arith.constant 0 : i32
          %dma_wait3A_385 = tpu.memref_slice %arg27[%dma_wait3A_383, %dma_wait3A_384] : memref<10240x16xf32, #tpu.memory_space<vmem_shared>> -> memref<10240x16xf32, #tpu.memory_space<vmem_shared>>
          tpu.wait_indirect_dma semaphore(%run_scoped3A_367 : memref<!tpu.dma_semaphore, #tpu.memory_space<semaphore_mem>>) src(%dma_wait3A_379 : memref<128x16xf32, #tpu.memory_space<vmem>>) dst(%dma_wait3A_385 : memref<10240x16xf32, #tpu.memory_space<vmem_shared>>)
          tpu.yield
        }) : () -> ()
        %run_scoped3A_358 = arith.constant 1 : i32
        %run_scoped3A_359 = arith.constant 2 : i32
        "tpu.region"() ({
          %run_scoped3A_367 = tpu.sem_alloc : memref<!tpu.dma_semaphore, #tpu.memory_space<semaphore_mem>>
          %dma_start3A_368 = arith.constant 256 : i32
          %dma_start3A_369 = arith.constant 0 : i32
          %dma_start3A_370 = tpu.memref_slice %arg12[%dma_start3A_368, %dma_start3A_369] : memref<512x16xf32, #tpu.memory_space<vmem>> -> memref<128x16xf32, #tpu.memory_space<vmem>>
          %dma_start3A_371 = arith.constant 0 : i32
          %dma_start3A_372 = tpu.memref_slice %arg8[%run_scoped3A_358, %run_scoped3A_359, %dma_start3A_371] : memref<2x4x128xi32, #tpu.memory_space<vmem>> -> memref<1x1x128xi32, #tpu.memory_space<vmem>>
          %dma_start3A_373 = tpu.memref_squeeze %dma_start3A_372 : memref<1x1x128xi32, #tpu.memory_space<vmem>> -> memref<128xi32, #tpu.memory_space<vmem>>
          %dma_start3A_374 = arith.constant 0 : i32
          %dma_start3A_375 = arith.constant 0 : i32
          %dma_start3A_376 = tpu.memref_slice %arg27[%dma_start3A_374, %dma_start3A_375] : memref<10240x16xf32, #tpu.memory_space<vmem_shared>> -> memref<10240x16xf32, #tpu.memory_space<vmem_shared>>
          tpu.enqueue_indirect_dma source(%dma_start3A_370 : memref<128x16xf32, #tpu.memory_space<vmem>>) target(%dma_start3A_376 : memref<10240x16xf32, #tpu.memory_space<vmem_shared>>) offsets(%dma_start3A_373 : memref<128xi32, #tpu.memory_space<vmem>>) semaphore(%run_scoped3A_367 : memref<!tpu.dma_semaphore, #tpu.memory_space<semaphore_mem>>) {add = true}
          %dma_wait3A_377 = arith.constant 256 : i32
          %dma_wait3A_378 = arith.constant 0 : i32
          %dma_wait3A_379 = tpu.memref_slice %arg12[%dma_wait3A_377, %dma_wait3A_378] : memref<512x16xf32, #tpu.memory_space<vmem>> -> memref<128x16xf32, #tpu.memory_space<vmem>>
          %dma_wait3A_380 = arith.constant 0 : i32
          %dma_wait3A_381 = tpu.memref_slice %arg8[%run_scoped3A_358, %run_scoped3A_359, %dma_wait3A_380] : memref<2x4x128xi32, #tpu.memory_space<vmem>> -> memref<1x1x128xi32, #tpu.memory_space<vmem>>
          %dma_wait3A_382 = tpu.memref_squeeze %dma_wait3A_381 : memref<1x1x128xi32, #tpu.memory_space<vmem>> -> memref<128xi32, #tpu.memory_space<vmem>>
          %dma_wait3A_383 = arith.constant 0 : i32
          %dma_wait3A_384 = arith.constant 0 : i32
          %dma_wait3A_385 = tpu.memref_slice %arg27[%dma_wait3A_383, %dma_wait3A_384] : memref<10240x16xf32, #tpu.memory_space<vmem_shared>> -> memref<10240x16xf32, #tpu.memory_space<vmem_shared>>
          tpu.wait_indirect_dma semaphore(%run_scoped3A_367 : memref<!tpu.dma_semaphore, #tpu.memory_space<semaphore_mem>>) src(%dma_wait3A_379 : memref<128x16xf32, #tpu.memory_space<vmem>>) dst(%dma_wait3A_385 : memref<10240x16xf32, #tpu.memory_space<vmem_shared>>)
          tpu.yield
        }) : () -> ()
        %run_scoped3A_360 = arith.constant 1 : i32
        %run_scoped3A_361 = arith.constant 3 : i32
        "tpu.region"() ({
          %run_scoped3A_367 = tpu.sem_alloc : memref<!tpu.dma_semaphore, #tpu.memory_space<semaphore_mem>>
          %dma_start3A_368 = arith.constant 384 : i32
          %dma_start3A_369 = arith.constant 0 : i32
          %dma_start3A_370 = tpu.memref_slice %arg12[%dma_start3A_368, %dma_start3A_369] : memref<512x16xf32, #tpu.memory_space<vmem>> -> memref<128x16xf32, #tpu.memory_space<vmem>>
          %dma_start3A_371 = arith.constant 0 : i32
          %dma_start3A_372 = tpu.memref_slice %arg8[%run_scoped3A_360, %run_scoped3A_361, %dma_start3A_371] : memref<2x4x128xi32, #tpu.memory_space<vmem>> -> memref<1x1x128xi32, #tpu.memory_space<vmem>>
          %dma_start3A_373 = tpu.memref_squeeze %dma_start3A_372 : memref<1x1x128xi32, #tpu.memory_space<vmem>> -> memref<128xi32, #tpu.memory_space<vmem>>
          %dma_start3A_374 = arith.constant 0 : i32
          %dma_start3A_375 = arith.constant 0 : i32
          %dma_start3A_376 = tpu.memref_slice %arg27[%dma_start3A_374, %dma_start3A_375] : memref<10240x16xf32, #tpu.memory_space<vmem_shared>> -> memref<10240x16xf32, #tpu.memory_space<vmem_shared>>
          tpu.enqueue_indirect_dma source(%dma_start3A_370 : memref<128x16xf32, #tpu.memory_space<vmem>>) target(%dma_start3A_376 : memref<10240x16xf32, #tpu.memory_space<vmem_shared>>) offsets(%dma_start3A_373 : memref<128xi32, #tpu.memory_space<vmem>>) semaphore(%run_scoped3A_367 : memref<!tpu.dma_semaphore, #tpu.memory_space<semaphore_mem>>) {add = true}
          %dma_wait3A_377 = arith.constant 384 : i32
          %dma_wait3A_378 = arith.constant 0 : i32
          %dma_wait3A_379 = tpu.memref_slice %arg12[%dma_wait3A_377, %dma_wait3A_378] : memref<512x16xf32, #tpu.memory_space<vmem>> -> memref<128x16xf32, #tpu.memory_space<vmem>>
          %dma_wait3A_380 = arith.constant 0 : i32
          %dma_wait3A_381 = tpu.memref_slice %arg8[%run_scoped3A_360, %run_scoped3A_361, %dma_wait3A_380] : memref<2x4x128xi32, #tpu.memory_space<vmem>> -> memref<1x1x128xi32, #tpu.memory_space<vmem>>
          %dma_wait3A_382 = tpu.memref_squeeze %dma_wait3A_381 : memref<1x1x128xi32, #tpu.memory_space<vmem>> -> memref<128xi32, #tpu.memory_space<vmem>>
          %dma_wait3A_383 = arith.constant 0 : i32
          %dma_wait3A_384 = arith.constant 0 : i32
          %dma_wait3A_385 = tpu.memref_slice %arg27[%dma_wait3A_383, %dma_wait3A_384] : memref<10240x16xf32, #tpu.memory_space<vmem_shared>> -> memref<10240x16xf32, #tpu.memory_space<vmem_shared>>
          tpu.wait_indirect_dma semaphore(%run_scoped3A_367 : memref<!tpu.dma_semaphore, #tpu.memory_space<semaphore_mem>>) src(%dma_wait3A_379 : memref<128x16xf32, #tpu.memory_space<vmem>>) dst(%dma_wait3A_385 : memref<10240x16xf32, #tpu.memory_space<vmem_shared>>)
          tpu.yield
        }) : () -> ()
        %lt3A_362 = arith.constant 625 : i32
        %lt3A_363 = arith.cmpi slt, %add3A_217, %lt3A_362 : i32
        %convert_element_type3A_364 = arith.extui %lt3A_363 : i1 to i32
        %cond3A_365 = arith.constant 0 : i32
        %cond3A_366 = arith.cmpi ne, %convert_element_type3A_364, %cond3A_365 : i32
        scf.if %cond3A_366 {
          %mul3A_367 = arith.constant 4 : i32
          %mul3A_368 = arith.muli %add3A_217, %mul3A_367 : i32
          %multiple_of3A_369 = tpu.assume_multiple %mul3A_368, 4 : i32
          %dma_start3A_370 = arith.constant 0 : i32
          %dma_start3A_371 = arith.constant 0 : i32
          %dma_start3A_372 = tpu.memref_slice %arg5[%dma_start3A_370, %multiple_of3A_369, %dma_start3A_371] : memref<2x2500x128xi32, #tpu.memory_space<hbm>> -> memref<2x4x128xi32, #tpu.memory_space<hbm>>
          %dma_start3A_373 = arith.constant 0 : i32
          %dma_start3A_374 = arith.constant 0 : i32
          %dma_start3A_375 = tpu.memref_slice %arg5[%dma_start3A_373, %multiple_of3A_369, %dma_start3A_374] : memref<2x2500x128xi32, #tpu.memory_space<hbm>> -> memref<2x4x128xi32, #tpu.memory_space<hbm>>
          tpu.enqueue_dma source(%dma_start3A_375 : memref<2x4x128xi32, #tpu.memory_space<hbm>>) target(%arg8 : memref<2x4x128xi32, #tpu.memory_space<vmem>>) target_semaphore(%arg14 : memref<!tpu.dma_semaphore, #tpu.memory_space<semaphore_mem>>)
          %mul3A_376 = arith.constant 512 : i32
          %mul3A_377 = arith.muli %add3A_217, %mul3A_376 : i32
          %multiple_of3A_378 = tpu.assume_multiple %mul3A_377, 512 : i32
          %dma_start3A_379 = arith.constant 0 : i32
          %dma_start3A_380 = arith.constant 0 : i32
          %dma_start3A_381 = tpu.memref_slice %arg11[%dma_start3A_379, %dma_start3A_380] : memref<16x513xf32, #tpu.memory_space<vmem>> -> memref<16x512xf32, #tpu.memory_space<vmem>>
          %dma_start3A_382 = arith.constant 0 : i32
          %dma_start3A_383 = tpu.memref_slice %arg4[%dma_start3A_382, %multiple_of3A_378] : memref<16x320000xf32, #tpu.memory_space<hbm>> -> memref<16x512xf32, #tpu.memory_space<hbm>>
          %dma_start3A_384 = arith.constant 0 : i32
          %dma_start3A_385 = arith.constant 0 : i32
          %dma_start3A_386 = tpu.memref_slice %arg11[%dma_start3A_384, %dma_start3A_385] : memref<16x513xf32, #tpu.memory_space<vmem>> -> memref<16x512xf32, #tpu.memory_space<vmem>>
          %dma_start3A_387 = arith.constant 0 : i32
          %dma_start3A_388 = tpu.memref_slice %arg4[%dma_start3A_387, %multiple_of3A_378] : memref<16x320000xf32, #tpu.memory_space<hbm>> -> memref<16x512xf32, #tpu.memory_space<hbm>>
          tpu.enqueue_dma source(%dma_start3A_388 : memref<16x512xf32, #tpu.memory_space<hbm>>) target(%dma_start3A_386 : memref<16x512xf32, #tpu.memory_space<vmem>>) target_semaphore(%arg14 : memref<!tpu.dma_semaphore, #tpu.memory_space<semaphore_mem>>)
        } else {
        }
      } else {
      }
      %add3A_220 = arith.constant 1 : i32
      %add3A_221 = arith.addi %add3A_202, %add3A_220 : i32
      %mul3A_222 = arith.constant 32 : i32
      %mul3A_223 = arith.muli %add3A_221, %mul3A_222 : i32
      %add3A_224 = arith.addi %add3A, %mul3A_223 : i32
      %add3A_225 = arith.constant 1 : i32
      %add3A_226 = arith.addi %add3A_221, %add3A_225 : i32
      %mul3A_227 = arith.constant 32 : i32
      %mul3A_228 = arith.muli %add3A_226, %mul3A_227 : i32
      %add3A_229 = arith.addi %add3A, %mul3A_228 : i32
      %add3A_230 = arith.constant 2 : i32
      %add3A_231 = arith.addi %add3A_221, %add3A_230 : i32
      %mul3A_232 = arith.constant 32 : i32
      %mul3A_233 = arith.muli %add3A_231, %mul3A_232 : i32
      %add3A_234 = arith.addi %add3A, %mul3A_233 : i32
      %lt3A_235 = arith.constant 625 : i32
      %lt3A_236 = arith.cmpi slt, %add3A_224, %lt3A_235 : i32
      %convert_element_type3A_237 = arith.extui %lt3A_236 : i1 to i32
      %cond3A_238 = arith.constant 0 : i32
      %cond3A_239 = arith.cmpi ne, %convert_element_type3A_237, %cond3A_238 : i32
      scf.if %cond3A_239 {
        %dma_wait3A_240 = arith.constant 0 : i32
        %dma_wait3A_241 = arith.constant 0 : i32
        %dma_wait3A_242 = arith.constant 0 : i32
        %dma_wait3A_243 = arith.constant 0 : i32
        %dma_wait3A_244 = tpu.memref_slice %arg18[%dma_wait3A_242, %dma_wait3A_243] : memref<512x16xf32, #tpu.memory_space<vmem>> -> memref<128x16xf32, #tpu.memory_space<vmem>>
        %dma_wait3A_245 = arith.constant 0 : i32
        %dma_wait3A_246 = tpu.memref_slice %arg17[%dma_wait3A_240, %dma_wait3A_241, %dma_wait3A_245] : memref<2x4x128xi32, #tpu.memory_space<vmem>> -> memref<1x1x128xi32, #tpu.memory_space<vmem>>
        %dma_wait3A_247 = tpu.memref_squeeze %dma_wait3A_246 : memref<1x1x128xi32, #tpu.memory_space<vmem>> -> memref<128xi32, #tpu.memory_space<vmem>>
        %dma_wait3A_248 = arith.constant 0 : i32
        %dma_wait3A_249 = arith.constant 0 : i32
        %dma_wait3A_250 = tpu.memref_slice %arg2[%dma_wait3A_248, %dma_wait3A_249] : memref<10000x16xf32, #tpu.memory_space<hbm>> -> memref<10000x16xf32, #tpu.memory_space<hbm>>
        tpu.wait_indirect_dma semaphore(%arg24 : memref<!tpu.dma_semaphore, #tpu.memory_space<semaphore_mem>>) src(%dma_wait3A_250 : memref<10000x16xf32, #tpu.memory_space<hbm>>) dst(%dma_wait3A_244 : memref<128x16xf32, #tpu.memory_space<vmem>>)
        %dma_wait3A_251 = arith.constant 1 : i32
        %dma_wait3A_252 = arith.constant 0 : i32
        %dma_wait3A_253 = arith.constant 0 : i32
        %dma_wait3A_254 = arith.constant 0 : i32
        %dma_wait3A_255 = tpu.memref_slice %arg19[%dma_wait3A_253, %dma_wait3A_254] : memref<512x16xf32, #tpu.memory_space<vmem>> -> memref<128x16xf32, #tpu.memory_space<vmem>>
        %dma_wait3A_256 = arith.constant 0 : i32
        %dma_wait3A_257 = tpu.memref_slice %arg17[%dma_wait3A_251, %dma_wait3A_252, %dma_wait3A_256] : memref<2x4x128xi32, #tpu.memory_space<vmem>> -> memref<1x1x128xi32, #tpu.memory_space<vmem>>
        %dma_wait3A_258 = tpu.memref_squeeze %dma_wait3A_257 : memref<1x1x128xi32, #tpu.memory_space<vmem>> -> memref<128xi32, #tpu.memory_space<vmem>>
        %dma_wait3A_259 = arith.constant 0 : i32
        %dma_wait3A_260 = arith.constant 0 : i32
        %dma_wait3A_261 = tpu.memref_slice %arg3[%dma_wait3A_259, %dma_wait3A_260] : memref<10000x16xf32, #tpu.memory_space<hbm>> -> memref<10000x16xf32, #tpu.memory_space<hbm>>
        tpu.wait_indirect_dma semaphore(%arg24 : memref<!tpu.dma_semaphore, #tpu.memory_space<semaphore_mem>>) src(%dma_wait3A_261 : memref<10000x16xf32, #tpu.memory_space<hbm>>) dst(%dma_wait3A_255 : memref<128x16xf32, #tpu.memory_space<vmem>>)
        %dma_wait3A_262 = arith.constant 0 : i32
        %dma_wait3A_263 = arith.constant 1 : i32
        %dma_wait3A_264 = arith.constant 128 : i32
        %dma_wait3A_265 = arith.constant 0 : i32
        %dma_wait3A_266 = tpu.memref_slice %arg18[%dma_wait3A_264, %dma_wait3A_265] : memref<512x16xf32, #tpu.memory_space<vmem>> -> memref<128x16xf32, #tpu.memory_space<vmem>>
        %dma_wait3A_267 = arith.constant 0 : i32
        %dma_wait3A_268 = tpu.memref_slice %arg17[%dma_wait3A_262, %dma_wait3A_263, %dma_wait3A_267] : memref<2x4x128xi32, #tpu.memory_space<vmem>> -> memref<1x1x128xi32, #tpu.memory_space<vmem>>
        %dma_wait3A_269 = tpu.memref_squeeze %dma_wait3A_268 : memref<1x1x128xi32, #tpu.memory_space<vmem>> -> memref<128xi32, #tpu.memory_space<vmem>>
        %dma_wait3A_270 = arith.constant 0 : i32
        %dma_wait3A_271 = arith.constant 0 : i32
        %dma_wait3A_272 = tpu.memref_slice %arg2[%dma_wait3A_270, %dma_wait3A_271] : memref<10000x16xf32, #tpu.memory_space<hbm>> -> memref<10000x16xf32, #tpu.memory_space<hbm>>
        tpu.wait_indirect_dma semaphore(%arg24 : memref<!tpu.dma_semaphore, #tpu.memory_space<semaphore_mem>>) src(%dma_wait3A_272 : memref<10000x16xf32, #tpu.memory_space<hbm>>) dst(%dma_wait3A_266 : memref<128x16xf32, #tpu.memory_space<vmem>>)
        %dma_wait3A_273 = arith.constant 1 : i32
        %dma_wait3A_274 = arith.constant 1 : i32
        %dma_wait3A_275 = arith.constant 128 : i32
        %dma_wait3A_276 = arith.constant 0 : i32
        %dma_wait3A_277 = tpu.memref_slice %arg19[%dma_wait3A_275, %dma_wait3A_276] : memref<512x16xf32, #tpu.memory_space<vmem>> -> memref<128x16xf32, #tpu.memory_space<vmem>>
        %dma_wait3A_278 = arith.constant 0 : i32
        %dma_wait3A_279 = tpu.memref_slice %arg17[%dma_wait3A_273, %dma_wait3A_274, %dma_wait3A_278] : memref<2x4x128xi32, #tpu.memory_space<vmem>> -> memref<1x1x128xi32, #tpu.memory_space<vmem>>
        %dma_wait3A_280 = tpu.memref_squeeze %dma_wait3A_279 : memref<1x1x128xi32, #tpu.memory_space<vmem>> -> memref<128xi32, #tpu.memory_space<vmem>>
        %dma_wait3A_281 = arith.constant 0 : i32
        %dma_wait3A_282 = arith.constant 0 : i32
        %dma_wait3A_283 = tpu.memref_slice %arg3[%dma_wait3A_281, %dma_wait3A_282] : memref<10000x16xf32, #tpu.memory_space<hbm>> -> memref<10000x16xf32, #tpu.memory_space<hbm>>
        tpu.wait_indirect_dma semaphore(%arg24 : memref<!tpu.dma_semaphore, #tpu.memory_space<semaphore_mem>>) src(%dma_wait3A_283 : memref<10000x16xf32, #tpu.memory_space<hbm>>) dst(%dma_wait3A_277 : memref<128x16xf32, #tpu.memory_space<vmem>>)
        %dma_wait3A_284 = arith.constant 0 : i32
        %dma_wait3A_285 = arith.constant 2 : i32
        %dma_wait3A_286 = arith.constant 256 : i32
        %dma_wait3A_287 = arith.constant 0 : i32
        %dma_wait3A_288 = tpu.memref_slice %arg18[%dma_wait3A_286, %dma_wait3A_287] : memref<512x16xf32, #tpu.memory_space<vmem>> -> memref<128x16xf32, #tpu.memory_space<vmem>>
        %dma_wait3A_289 = arith.constant 0 : i32
        %dma_wait3A_290 = tpu.memref_slice %arg17[%dma_wait3A_284, %dma_wait3A_285, %dma_wait3A_289] : memref<2x4x128xi32, #tpu.memory_space<vmem>> -> memref<1x1x128xi32, #tpu.memory_space<vmem>>
        %dma_wait3A_291 = tpu.memref_squeeze %dma_wait3A_290 : memref<1x1x128xi32, #tpu.memory_space<vmem>> -> memref<128xi32, #tpu.memory_space<vmem>>
        %dma_wait3A_292 = arith.constant 0 : i32
        %dma_wait3A_293 = arith.constant 0 : i32
        %dma_wait3A_294 = tpu.memref_slice %arg2[%dma_wait3A_292, %dma_wait3A_293] : memref<10000x16xf32, #tpu.memory_space<hbm>> -> memref<10000x16xf32, #tpu.memory_space<hbm>>
        tpu.wait_indirect_dma semaphore(%arg24 : memref<!tpu.dma_semaphore, #tpu.memory_space<semaphore_mem>>) src(%dma_wait3A_294 : memref<10000x16xf32, #tpu.memory_space<hbm>>) dst(%dma_wait3A_288 : memref<128x16xf32, #tpu.memory_space<vmem>>)
        %dma_wait3A_295 = arith.constant 1 : i32
        %dma_wait3A_296 = arith.constant 2 : i32
        %dma_wait3A_297 = arith.constant 256 : i32
        %dma_wait3A_298 = arith.constant 0 : i32
        %dma_wait3A_299 = tpu.memref_slice %arg19[%dma_wait3A_297, %dma_wait3A_298] : memref<512x16xf32, #tpu.memory_space<vmem>> -> memref<128x16xf32, #tpu.memory_space<vmem>>
        %dma_wait3A_300 = arith.constant 0 : i32
        %dma_wait3A_301 = tpu.memref_slice %arg17[%dma_wait3A_295, %dma_wait3A_296, %dma_wait3A_300] : memref<2x4x128xi32, #tpu.memory_space<vmem>> -> memref<1x1x128xi32, #tpu.memory_space<vmem>>
        %dma_wait3A_302 = tpu.memref_squeeze %dma_wait3A_301 : memref<1x1x128xi32, #tpu.memory_space<vmem>> -> memref<128xi32, #tpu.memory_space<vmem>>
        %dma_wait3A_303 = arith.constant 0 : i32
        %dma_wait3A_304 = arith.constant 0 : i32
        %dma_wait3A_305 = tpu.memref_slice %arg3[%dma_wait3A_303, %dma_wait3A_304] : memref<10000x16xf32, #tpu.memory_space<hbm>> -> memref<10000x16xf32, #tpu.memory_space<hbm>>
        tpu.wait_indirect_dma semaphore(%arg24 : memref<!tpu.dma_semaphore, #tpu.memory_space<semaphore_mem>>) src(%dma_wait3A_305 : memref<10000x16xf32, #tpu.memory_space<hbm>>) dst(%dma_wait3A_299 : memref<128x16xf32, #tpu.memory_space<vmem>>)
        %dma_wait3A_306 = arith.constant 0 : i32
        %dma_wait3A_307 = arith.constant 3 : i32
        %dma_wait3A_308 = arith.constant 384 : i32
        %dma_wait3A_309 = arith.constant 0 : i32
        %dma_wait3A_310 = tpu.memref_slice %arg18[%dma_wait3A_308, %dma_wait3A_309] : memref<512x16xf32, #tpu.memory_space<vmem>> -> memref<128x16xf32, #tpu.memory_space<vmem>>
        %dma_wait3A_311 = arith.constant 0 : i32
        %dma_wait3A_312 = tpu.memref_slice %arg17[%dma_wait3A_306, %dma_wait3A_307, %dma_wait3A_311] : memref<2x4x128xi32, #tpu.memory_space<vmem>> -> memref<1x1x128xi32, #tpu.memory_space<vmem>>
        %dma_wait3A_313 = tpu.memref_squeeze %dma_wait3A_312 : memref<1x1x128xi32, #tpu.memory_space<vmem>> -> memref<128xi32, #tpu.memory_space<vmem>>
        %dma_wait3A_314 = arith.constant 0 : i32
        %dma_wait3A_315 = arith.constant 0 : i32
        %dma_wait3A_316 = tpu.memref_slice %arg2[%dma_wait3A_314, %dma_wait3A_315] : memref<10000x16xf32, #tpu.memory_space<hbm>> -> memref<10000x16xf32, #tpu.memory_space<hbm>>
        tpu.wait_indirect_dma semaphore(%arg24 : memref<!tpu.dma_semaphore, #tpu.memory_space<semaphore_mem>>) src(%dma_wait3A_316 : memref<10000x16xf32, #tpu.memory_space<hbm>>) dst(%dma_wait3A_310 : memref<128x16xf32, #tpu.memory_space<vmem>>)
        %dma_wait3A_317 = arith.constant 1 : i32
        %dma_wait3A_318 = arith.constant 3 : i32
        %dma_wait3A_319 = arith.constant 384 : i32
        %dma_wait3A_320 = arith.constant 0 : i32
        %dma_wait3A_321 = tpu.memref_slice %arg19[%dma_wait3A_319, %dma_wait3A_320] : memref<512x16xf32, #tpu.memory_space<vmem>> -> memref<128x16xf32, #tpu.memory_space<vmem>>
        %dma_wait3A_322 = arith.constant 0 : i32
        %dma_wait3A_323 = tpu.memref_slice %arg17[%dma_wait3A_317, %dma_wait3A_318, %dma_wait3A_322] : memref<2x4x128xi32, #tpu.memory_space<vmem>> -> memref<1x1x128xi32, #tpu.memory_space<vmem>>
        %dma_wait3A_324 = tpu.memref_squeeze %dma_wait3A_323 : memref<1x1x128xi32, #tpu.memory_space<vmem>> -> memref<128xi32, #tpu.memory_space<vmem>>
        %dma_wait3A_325 = arith.constant 0 : i32
        %dma_wait3A_326 = arith.constant 0 : i32
        %dma_wait3A_327 = tpu.memref_slice %arg3[%dma_wait3A_325, %dma_wait3A_326] : memref<10000x16xf32, #tpu.memory_space<hbm>> -> memref<10000x16xf32, #tpu.memory_space<hbm>>
        tpu.wait_indirect_dma semaphore(%arg24 : memref<!tpu.dma_semaphore, #tpu.memory_space<semaphore_mem>>) src(%dma_wait3A_327 : memref<10000x16xf32, #tpu.memory_space<hbm>>) dst(%dma_wait3A_321 : memref<128x16xf32, #tpu.memory_space<vmem>>)
        %lt3A_328 = arith.constant 625 : i32
        %lt3A_329 = arith.cmpi slt, %add3A_229, %lt3A_328 : i32
        %convert_element_type3A_330 = arith.extui %lt3A_329 : i1 to i32
        %cond3A_331 = arith.constant 0 : i32
        %cond3A_332 = arith.cmpi ne, %convert_element_type3A_330, %cond3A_331 : i32
        scf.if %cond3A_332 {
          %dma_wait3A_367 = arith.constant 0 : i32
          %dma_wait3A_368 = arith.constant 0 : i32
          %dma_wait3A_369 = arith.constant 0 : i32
          %dma_wait3A_370 = tpu.memref_slice %arg5[%dma_wait3A_367, %dma_wait3A_368, %dma_wait3A_369] : memref<2x2500x128xi32, #tpu.memory_space<hbm>> -> memref<2x4x128xi32, #tpu.memory_space<hbm>>
          %dma_wait3A_371 = arith.constant 0 : i32
          %dma_wait3A_372 = arith.constant 0 : i32
          %dma_wait3A_373 = arith.constant 0 : i32
          %dma_wait3A_374 = tpu.memref_slice %arg5[%dma_wait3A_371, %dma_wait3A_372, %dma_wait3A_373] : memref<2x2500x128xi32, #tpu.memory_space<hbm>> -> memref<2x4x128xi32, #tpu.memory_space<hbm>>
          tpu.wait_dma2 semaphore(%arg14 : memref<!tpu.dma_semaphore, #tpu.memory_space<semaphore_mem>>) src(%dma_wait3A_374 : memref<2x4x128xi32, #tpu.memory_space<hbm>>) dst(%arg8 : memref<2x4x128xi32, #tpu.memory_space<vmem>>)
          %dma_wait3A_375 = arith.constant 0 : i32
          %dma_wait3A_376 = arith.constant 0 : i32
          %dma_wait3A_377 = tpu.memref_slice %arg11[%dma_wait3A_375, %dma_wait3A_376] : memref<16x513xf32, #tpu.memory_space<vmem>> -> memref<16x512xf32, #tpu.memory_space<vmem>>
          %dma_wait3A_378 = arith.constant 0 : i32
          %dma_wait3A_379 = arith.constant 0 : i32
          %dma_wait3A_380 = tpu.memref_slice %arg4[%dma_wait3A_378, %dma_wait3A_379] : memref<16x320000xf32, #tpu.memory_space<hbm>> -> memref<16x512xf32, #tpu.memory_space<hbm>>
          %dma_wait3A_381 = arith.constant 0 : i32
          %dma_wait3A_382 = arith.constant 0 : i32
          %dma_wait3A_383 = tpu.memref_slice %arg11[%dma_wait3A_381, %dma_wait3A_382] : memref<16x513xf32, #tpu.memory_space<vmem>> -> memref<16x512xf32, #tpu.memory_space<vmem>>
          %dma_wait3A_384 = arith.constant 0 : i32
          %dma_wait3A_385 = arith.constant 0 : i32
          %dma_wait3A_386 = tpu.memref_slice %arg4[%dma_wait3A_384, %dma_wait3A_385] : memref<16x320000xf32, #tpu.memory_space<hbm>> -> memref<16x512xf32, #tpu.memory_space<hbm>>
          tpu.wait_dma2 semaphore(%arg14 : memref<!tpu.dma_semaphore, #tpu.memory_space<semaphore_mem>>) src(%dma_wait3A_386 : memref<16x512xf32, #tpu.memory_space<hbm>>) dst(%dma_wait3A_383 : memref<16x512xf32, #tpu.memory_space<vmem>>)
          %dma_start3A_387 = arith.constant 0 : i32
          %dma_start3A_388 = arith.constant 0 : i32
          %dma_start3A_389 = arith.constant 0 : i32
          %dma_start3A_390 = arith.constant 0 : i32
          %dma_start3A_391 = tpu.memref_slice %arg9[%dma_start3A_389, %dma_start3A_390] : memref<512x16xf32, #tpu.memory_space<vmem>> -> memref<128x16xf32, #tpu.memory_space<vmem>>
          %dma_start3A_392 = arith.constant 0 : i32
          %dma_start3A_393 = tpu.memref_slice %arg8[%dma_start3A_387, %dma_start3A_388, %dma_start3A_392] : memref<2x4x128xi32, #tpu.memory_space<vmem>> -> memref<1x1x128xi32, #tpu.memory_space<vmem>>
          %dma_start3A_394 = tpu.memref_squeeze %dma_start3A_393 : memref<1x1x128xi32, #tpu.memory_space<vmem>> -> memref<128xi32, #tpu.memory_space<vmem>>
          %dma_start3A_395 = arith.constant 0 : i32
          %dma_start3A_396 = arith.constant 0 : i32
          %dma_start3A_397 = tpu.memref_slice %arg2[%dma_start3A_395, %dma_start3A_396] : memref<10000x16xf32, #tpu.memory_space<hbm>> -> memref<10000x16xf32, #tpu.memory_space<hbm>>
          tpu.enqueue_indirect_dma source(%dma_start3A_397 : memref<10000x16xf32, #tpu.memory_space<hbm>>) target(%dma_start3A_391 : memref<128x16xf32, #tpu.memory_space<vmem>>) offsets(%dma_start3A_394 : memref<128xi32, #tpu.memory_space<vmem>>) semaphore(%arg15 : memref<!tpu.dma_semaphore, #tpu.memory_space<semaphore_mem>>)
          %dma_start3A_398 = arith.constant 1 : i32
          %dma_start3A_399 = arith.constant 0 : i32
          %dma_start3A_400 = arith.constant 0 : i32
          %dma_start3A_401 = arith.constant 0 : i32
          %dma_start3A_402 = tpu.memref_slice %arg10[%dma_start3A_400, %dma_start3A_401] : memref<512x16xf32, #tpu.memory_space<vmem>> -> memref<128x16xf32, #tpu.memory_space<vmem>>
          %dma_start3A_403 = arith.constant 0 : i32
          %dma_start3A_404 = tpu.memref_slice %arg8[%dma_start3A_398, %dma_start3A_399, %dma_start3A_403] : memref<2x4x128xi32, #tpu.memory_space<vmem>> -> memref<1x1x128xi32, #tpu.memory_space<vmem>>
          %dma_start3A_405 = tpu.memref_squeeze %dma_start3A_404 : memref<1x1x128xi32, #tpu.memory_space<vmem>> -> memref<128xi32, #tpu.memory_space<vmem>>
          %dma_start3A_406 = arith.constant 0 : i32
          %dma_start3A_407 = arith.constant 0 : i32
          %dma_start3A_408 = tpu.memref_slice %arg3[%dma_start3A_406, %dma_start3A_407] : memref<10000x16xf32, #tpu.memory_space<hbm>> -> memref<10000x16xf32, #tpu.memory_space<hbm>>
          tpu.enqueue_indirect_dma source(%dma_start3A_408 : memref<10000x16xf32, #tpu.memory_space<hbm>>) target(%dma_start3A_402 : memref<128x16xf32, #tpu.memory_space<vmem>>) offsets(%dma_start3A_405 : memref<128xi32, #tpu.memory_space<vmem>>) semaphore(%arg15 : memref<!tpu.dma_semaphore, #tpu.memory_space<semaphore_mem>>)
          %dma_start3A_409 = arith.constant 0 : i32
          %dma_start3A_410 = arith.constant 1 : i32
          %dma_start3A_411 = arith.constant 128 : i32
          %dma_start3A_412 = arith.constant 0 : i32
          %dma_start3A_413 = tpu.memref_slice %arg9[%dma_start3A_411, %dma_start3A_412] : memref<512x16xf32, #tpu.memory_space<vmem>> -> memref<128x16xf32, #tpu.memory_space<vmem>>
          %dma_start3A_414 = arith.constant 0 : i32
          %dma_start3A_415 = tpu.memref_slice %arg8[%dma_start3A_409, %dma_start3A_410, %dma_start3A_414] : memref<2x4x128xi32, #tpu.memory_space<vmem>> -> memref<1x1x128xi32, #tpu.memory_space<vmem>>
          %dma_start3A_416 = tpu.memref_squeeze %dma_start3A_415 : memref<1x1x128xi32, #tpu.memory_space<vmem>> -> memref<128xi32, #tpu.memory_space<vmem>>
          %dma_start3A_417 = arith.constant 0 : i32
          %dma_start3A_418 = arith.constant 0 : i32
          %dma_start3A_419 = tpu.memref_slice %arg2[%dma_start3A_417, %dma_start3A_418] : memref<10000x16xf32, #tpu.memory_space<hbm>> -> memref<10000x16xf32, #tpu.memory_space<hbm>>
          tpu.enqueue_indirect_dma source(%dma_start3A_419 : memref<10000x16xf32, #tpu.memory_space<hbm>>) target(%dma_start3A_413 : memref<128x16xf32, #tpu.memory_space<vmem>>) offsets(%dma_start3A_416 : memref<128xi32, #tpu.memory_space<vmem>>) semaphore(%arg15 : memref<!tpu.dma_semaphore, #tpu.memory_space<semaphore_mem>>)
          %dma_start3A_420 = arith.constant 1 : i32
          %dma_start3A_421 = arith.constant 1 : i32
          %dma_start3A_422 = arith.constant 128 : i32
          %dma_start3A_423 = arith.constant 0 : i32
          %dma_start3A_424 = tpu.memref_slice %arg10[%dma_start3A_422, %dma_start3A_423] : memref<512x16xf32, #tpu.memory_space<vmem>> -> memref<128x16xf32, #tpu.memory_space<vmem>>
          %dma_start3A_425 = arith.constant 0 : i32
          %dma_start3A_426 = tpu.memref_slice %arg8[%dma_start3A_420, %dma_start3A_421, %dma_start3A_425] : memref<2x4x128xi32, #tpu.memory_space<vmem>> -> memref<1x1x128xi32, #tpu.memory_space<vmem>>
          %dma_start3A_427 = tpu.memref_squeeze %dma_start3A_426 : memref<1x1x128xi32, #tpu.memory_space<vmem>> -> memref<128xi32, #tpu.memory_space<vmem>>
          %dma_start3A_428 = arith.constant 0 : i32
          %dma_start3A_429 = arith.constant 0 : i32
          %dma_start3A_430 = tpu.memref_slice %arg3[%dma_start3A_428, %dma_start3A_429] : memref<10000x16xf32, #tpu.memory_space<hbm>> -> memref<10000x16xf32, #tpu.memory_space<hbm>>
          tpu.enqueue_indirect_dma source(%dma_start3A_430 : memref<10000x16xf32, #tpu.memory_space<hbm>>) target(%dma_start3A_424 : memref<128x16xf32, #tpu.memory_space<vmem>>) offsets(%dma_start3A_427 : memref<128xi32, #tpu.memory_space<vmem>>) semaphore(%arg15 : memref<!tpu.dma_semaphore, #tpu.memory_space<semaphore_mem>>)
          %dma_start3A_431 = arith.constant 0 : i32
          %dma_start3A_432 = arith.constant 2 : i32
          %dma_start3A_433 = arith.constant 256 : i32
          %dma_start3A_434 = arith.constant 0 : i32
          %dma_start3A_435 = tpu.memref_slice %arg9[%dma_start3A_433, %dma_start3A_434] : memref<512x16xf32, #tpu.memory_space<vmem>> -> memref<128x16xf32, #tpu.memory_space<vmem>>
          %dma_start3A_436 = arith.constant 0 : i32
          %dma_start3A_437 = tpu.memref_slice %arg8[%dma_start3A_431, %dma_start3A_432, %dma_start3A_436] : memref<2x4x128xi32, #tpu.memory_space<vmem>> -> memref<1x1x128xi32, #tpu.memory_space<vmem>>
          %dma_start3A_438 = tpu.memref_squeeze %dma_start3A_437 : memref<1x1x128xi32, #tpu.memory_space<vmem>> -> memref<128xi32, #tpu.memory_space<vmem>>
          %dma_start3A_439 = arith.constant 0 : i32
          %dma_start3A_440 = arith.constant 0 : i32
          %dma_start3A_441 = tpu.memref_slice %arg2[%dma_start3A_439, %dma_start3A_440] : memref<10000x16xf32, #tpu.memory_space<hbm>> -> memref<10000x16xf32, #tpu.memory_space<hbm>>
          tpu.enqueue_indirect_dma source(%dma_start3A_441 : memref<10000x16xf32, #tpu.memory_space<hbm>>) target(%dma_start3A_435 : memref<128x16xf32, #tpu.memory_space<vmem>>) offsets(%dma_start3A_438 : memref<128xi32, #tpu.memory_space<vmem>>) semaphore(%arg15 : memref<!tpu.dma_semaphore, #tpu.memory_space<semaphore_mem>>)
          %dma_start3A_442 = arith.constant 1 : i32
          %dma_start3A_443 = arith.constant 2 : i32
          %dma_start3A_444 = arith.constant 256 : i32
          %dma_start3A_445 = arith.constant 0 : i32
          %dma_start3A_446 = tpu.memref_slice %arg10[%dma_start3A_444, %dma_start3A_445] : memref<512x16xf32, #tpu.memory_space<vmem>> -> memref<128x16xf32, #tpu.memory_space<vmem>>
          %dma_start3A_447 = arith.constant 0 : i32
          %dma_start3A_448 = tpu.memref_slice %arg8[%dma_start3A_442, %dma_start3A_443, %dma_start3A_447] : memref<2x4x128xi32, #tpu.memory_space<vmem>> -> memref<1x1x128xi32, #tpu.memory_space<vmem>>
          %dma_start3A_449 = tpu.memref_squeeze %dma_start3A_448 : memref<1x1x128xi32, #tpu.memory_space<vmem>> -> memref<128xi32, #tpu.memory_space<vmem>>
          %dma_start3A_450 = arith.constant 0 : i32
          %dma_start3A_451 = arith.constant 0 : i32
          %dma_start3A_452 = tpu.memref_slice %arg3[%dma_start3A_450, %dma_start3A_451] : memref<10000x16xf32, #tpu.memory_space<hbm>> -> memref<10000x16xf32, #tpu.memory_space<hbm>>
          tpu.enqueue_indirect_dma source(%dma_start3A_452 : memref<10000x16xf32, #tpu.memory_space<hbm>>) target(%dma_start3A_446 : memref<128x16xf32, #tpu.memory_space<vmem>>) offsets(%dma_start3A_449 : memref<128xi32, #tpu.memory_space<vmem>>) semaphore(%arg15 : memref<!tpu.dma_semaphore, #tpu.memory_space<semaphore_mem>>)
          %dma_start3A_453 = arith.constant 0 : i32
          %dma_start3A_454 = arith.constant 3 : i32
          %dma_start3A_455 = arith.constant 384 : i32
          %dma_start3A_456 = arith.constant 0 : i32
          %dma_start3A_457 = tpu.memref_slice %arg9[%dma_start3A_455, %dma_start3A_456] : memref<512x16xf32, #tpu.memory_space<vmem>> -> memref<128x16xf32, #tpu.memory_space<vmem>>
          %dma_start3A_458 = arith.constant 0 : i32
          %dma_start3A_459 = tpu.memref_slice %arg8[%dma_start3A_453, %dma_start3A_454, %dma_start3A_458] : memref<2x4x128xi32, #tpu.memory_space<vmem>> -> memref<1x1x128xi32, #tpu.memory_space<vmem>>
          %dma_start3A_460 = tpu.memref_squeeze %dma_start3A_459 : memref<1x1x128xi32, #tpu.memory_space<vmem>> -> memref<128xi32, #tpu.memory_space<vmem>>
          %dma_start3A_461 = arith.constant 0 : i32
          %dma_start3A_462 = arith.constant 0 : i32
          %dma_start3A_463 = tpu.memref_slice %arg2[%dma_start3A_461, %dma_start3A_462] : memref<10000x16xf32, #tpu.memory_space<hbm>> -> memref<10000x16xf32, #tpu.memory_space<hbm>>
          tpu.enqueue_indirect_dma source(%dma_start3A_463 : memref<10000x16xf32, #tpu.memory_space<hbm>>) target(%dma_start3A_457 : memref<128x16xf32, #tpu.memory_space<vmem>>) offsets(%dma_start3A_460 : memref<128xi32, #tpu.memory_space<vmem>>) semaphore(%arg15 : memref<!tpu.dma_semaphore, #tpu.memory_space<semaphore_mem>>)
          %dma_start3A_464 = arith.constant 1 : i32
          %dma_start3A_465 = arith.constant 3 : i32
          %dma_start3A_466 = arith.constant 384 : i32
          %dma_start3A_467 = arith.constant 0 : i32
          %dma_start3A_468 = tpu.memref_slice %arg10[%dma_start3A_466, %dma_start3A_467] : memref<512x16xf32, #tpu.memory_space<vmem>> -> memref<128x16xf32, #tpu.memory_space<vmem>>
          %dma_start3A_469 = arith.constant 0 : i32
          %dma_start3A_470 = tpu.memref_slice %arg8[%dma_start3A_464, %dma_start3A_465, %dma_start3A_469] : memref<2x4x128xi32, #tpu.memory_space<vmem>> -> memref<1x1x128xi32, #tpu.memory_space<vmem>>
          %dma_start3A_471 = tpu.memref_squeeze %dma_start3A_470 : memref<1x1x128xi32, #tpu.memory_space<vmem>> -> memref<128xi32, #tpu.memory_space<vmem>>
          %dma_start3A_472 = arith.constant 0 : i32
          %dma_start3A_473 = arith.constant 0 : i32
          %dma_start3A_474 = tpu.memref_slice %arg3[%dma_start3A_472, %dma_start3A_473] : memref<10000x16xf32, #tpu.memory_space<hbm>> -> memref<10000x16xf32, #tpu.memory_space<hbm>>
          tpu.enqueue_indirect_dma source(%dma_start3A_474 : memref<10000x16xf32, #tpu.memory_space<hbm>>) target(%dma_start3A_468 : memref<128x16xf32, #tpu.memory_space<vmem>>) offsets(%dma_start3A_471 : memref<128xi32, #tpu.memory_space<vmem>>) semaphore(%arg15 : memref<!tpu.dma_semaphore, #tpu.memory_space<semaphore_mem>>)
        } else {
        }
        %ge3A = arith.constant 2 : i32
        %ge3A_333 = arith.cmpi sge, %add3A_221, %ge3A : i32
        %convert_element_type3A_334 = arith.extui %ge3A_333 : i1 to i32
        %cond3A_335 = arith.constant 0 : i32
        %cond3A_336 = arith.cmpi ne, %convert_element_type3A_334, %cond3A_335 : i32
        scf.if %cond3A_336 {
          %dma_wait3A_367 = arith.constant 0 : i32
          %dma_wait3A_368 = arith.constant 0 : i32
          %dma_wait3A_369 = tpu.memref_slice %arg22[%dma_wait3A_367, %dma_wait3A_368] : memref<16x513xf32, #tpu.memory_space<vmem>> -> memref<16x512xf32, #tpu.memory_space<vmem>>
          %dma_wait3A_370 = arith.constant 0 : i32
          %dma_wait3A_371 = arith.constant 0 : i32
          %dma_wait3A_372 = tpu.memref_slice %arg6[%dma_wait3A_370, %dma_wait3A_371] : memref<16x320000xf32, #tpu.memory_space<hbm>> -> memref<16x512xf32, #tpu.memory_space<hbm>>
          %dma_wait3A_373 = arith.constant 0 : i32
          %dma_wait3A_374 = arith.constant 0 : i32
          %dma_wait3A_375 = tpu.memref_slice %arg6[%dma_wait3A_373, %dma_wait3A_374] : memref<16x320000xf32, #tpu.memory_space<hbm>> -> memref<16x512xf32, #tpu.memory_space<hbm>>
          %dma_wait3A_376 = arith.constant 0 : i32
          %dma_wait3A_377 = arith.constant 0 : i32
          %dma_wait3A_378 = tpu.memref_slice %arg22[%dma_wait3A_376, %dma_wait3A_377] : memref<16x513xf32, #tpu.memory_space<vmem>> -> memref<16x512xf32, #tpu.memory_space<vmem>>
          tpu.wait_dma2 semaphore(%arg25 : memref<!tpu.dma_semaphore, #tpu.memory_space<semaphore_mem>>) src(%dma_wait3A_378 : memref<16x512xf32, #tpu.memory_space<vmem>>) dst(%dma_wait3A_375 : memref<16x512xf32, #tpu.memory_space<hbm>>)
        } else {
        }
        %scan3A_337 = arith.constant 0 : i32
        %scan3A_338 = arith.constant 512 : i32
        %scan3A_339 = arith.addi %scan3A_337, %scan3A_338 : i32
        %scan3A_340 = arith.constant 4 : i32
        scf.for %scan3A_367 = %scan3A_337 to %scan3A_339 step %scan3A_340  : i32 {
          %mul3A_368 = arith.constant 1 : i32
          %mul3A_369 = arith.muli %scan3A_367, %mul3A_368 : i32
          %add3A_370 = arith.constant 0 : i32
          %add3A_371 = arith.addi %add3A_370, %mul3A_369 : i32
          %broadcast_in_dim3A = vector.broadcast %add3A_371 : i32 to vector<16xi32>
          %gather3A = tpu.vector_load_idx %arg20[%iota3A, %broadcast_in_dim3A] : memref<16x513xf32, #tpu.memory_space<vmem>>[vector<16xi32>, vector<16xi32>], vector<16xf32>,
          %get3A = arith.index_cast %add3A_371 : i32 to index
          %get3A_372 = arith.constant 0 : index
          %get3A_373 = tpu.vector_load %arg18[%get3A, %get3A_372] {strides = array<i32>} : memref<512x16xf32, #tpu.memory_space<vmem>>, vector<16xf32>,
          %get3A_374 = arith.index_cast %add3A_371 : i32 to index
          %get3A_375 = arith.constant 0 : index
          %get3A_376 = tpu.vector_load %arg19[%get3A_374, %get3A_375] {strides = array<i32>} : memref<512x16xf32, #tpu.memory_space<vmem>>, vector<16xf32>,
          %add3A_377 = arith.addf %get3A_373, %get3A_376 : vector<16xf32>
          %add3A_378 = arith.addf %add3A_377, %gather3A : vector<16xf32>
          %swap3A = arith.index_cast %add3A_371 : i32 to index
          %swap3A_379 = arith.constant 0 : index
          %swap3A_380 = tpu.vector_load %arg21[%swap3A, %swap3A_379] {strides = array<i32>} : memref<512x16xf32, #tpu.memory_space<vmem>>, vector<16xf32>,
          tpu.vector_store %arg21[%swap3A, %swap3A_379], %add3A_378 {strides = array<i32>} : memref<512x16xf32, #tpu.memory_space<vmem>>, vector<16xf32>,
          tpu.vector_store_idx %arg22[%iota3A, %broadcast_in_dim3A], %add3A_378 : memref<16x513xf32, #tpu.memory_space<vmem>>[vector<16xi32>, vector<16xi32>], vector<16xf32>,
          %scan3A_381 = arith.constant 1 : i32
          %scan3A_382 = arith.addi %scan3A_367, %scan3A_381 : i32
          %mul3A_383 = arith.constant 1 : i32
          %mul3A_384 = arith.muli %scan3A_382, %mul3A_383 : i32
          %add3A_385 = arith.constant 0 : i32
          %add3A_386 = arith.addi %add3A_385, %mul3A_384 : i32
          %broadcast_in_dim3A_387 = vector.broadcast %add3A_386 : i32 to vector<16xi32>
          %gather3A_388 = tpu.vector_load_idx %arg20[%iota3A, %broadcast_in_dim3A_387] : memref<16x513xf32, #tpu.memory_space<vmem>>[vector<16xi32>, vector<16xi32>], vector<16xf32>,
          %get3A_389 = arith.index_cast %add3A_386 : i32 to index
          %get3A_390 = arith.constant 0 : index
          %get3A_391 = tpu.vector_load %arg18[%get3A_389, %get3A_390] {strides = array<i32>} : memref<512x16xf32, #tpu.memory_space<vmem>>, vector<16xf32>,
          %get3A_392 = arith.index_cast %add3A_386 : i32 to index
          %get3A_393 = arith.constant 0 : index
          %get3A_394 = tpu.vector_load %arg19[%get3A_392, %get3A_393] {strides = array<i32>} : memref<512x16xf32, #tpu.memory_space<vmem>>, vector<16xf32>,
          %add3A_395 = arith.addf %get3A_391, %get3A_394 : vector<16xf32>
          %add3A_396 = arith.addf %add3A_395, %gather3A_388 : vector<16xf32>
          %swap3A_397 = arith.index_cast %add3A_386 : i32 to index
          %swap3A_398 = arith.constant 0 : index
          %swap3A_399 = tpu.vector_load %arg21[%swap3A_397, %swap3A_398] {strides = array<i32>} : memref<512x16xf32, #tpu.memory_space<vmem>>, vector<16xf32>,
          tpu.vector_store %arg21[%swap3A_397, %swap3A_398], %add3A_396 {strides = array<i32>} : memref<512x16xf32, #tpu.memory_space<vmem>>, vector<16xf32>,
          tpu.vector_store_idx %arg22[%iota3A, %broadcast_in_dim3A_387], %add3A_396 : memref<16x513xf32, #tpu.memory_space<vmem>>[vector<16xi32>, vector<16xi32>], vector<16xf32>,
          %scan3A_400 = arith.constant 2 : i32
          %scan3A_401 = arith.addi %scan3A_367, %scan3A_400 : i32
          %mul3A_402 = arith.constant 1 : i32
          %mul3A_403 = arith.muli %scan3A_401, %mul3A_402 : i32
          %add3A_404 = arith.constant 0 : i32
          %add3A_405 = arith.addi %add3A_404, %mul3A_403 : i32
          %broadcast_in_dim3A_406 = vector.broadcast %add3A_405 : i32 to vector<16xi32>
          %gather3A_407 = tpu.vector_load_idx %arg20[%iota3A, %broadcast_in_dim3A_406] : memref<16x513xf32, #tpu.memory_space<vmem>>[vector<16xi32>, vector<16xi32>], vector<16xf32>,
          %get3A_408 = arith.index_cast %add3A_405 : i32 to index
          %get3A_409 = arith.constant 0 : index
          %get3A_410 = tpu.vector_load %arg18[%get3A_408, %get3A_409] {strides = array<i32>} : memref<512x16xf32, #tpu.memory_space<vmem>>, vector<16xf32>,
          %get3A_411 = arith.index_cast %add3A_405 : i32 to index
          %get3A_412 = arith.constant 0 : index
          %get3A_413 = tpu.vector_load %arg19[%get3A_411, %get3A_412] {strides = array<i32>} : memref<512x16xf32, #tpu.memory_space<vmem>>, vector<16xf32>,
          %add3A_414 = arith.addf %get3A_410, %get3A_413 : vector<16xf32>
          %add3A_415 = arith.addf %add3A_414, %gather3A_407 : vector<16xf32>
          %swap3A_416 = arith.index_cast %add3A_405 : i32 to index
          %swap3A_417 = arith.constant 0 : index
          %swap3A_418 = tpu.vector_load %arg21[%swap3A_416, %swap3A_417] {strides = array<i32>} : memref<512x16xf32, #tpu.memory_space<vmem>>, vector<16xf32>,
          tpu.vector_store %arg21[%swap3A_416, %swap3A_417], %add3A_415 {strides = array<i32>} : memref<512x16xf32, #tpu.memory_space<vmem>>, vector<16xf32>,
          tpu.vector_store_idx %arg22[%iota3A, %broadcast_in_dim3A_406], %add3A_415 : memref<16x513xf32, #tpu.memory_space<vmem>>[vector<16xi32>, vector<16xi32>], vector<16xf32>,
          %scan3A_419 = arith.constant 3 : i32
          %scan3A_420 = arith.addi %scan3A_367, %scan3A_419 : i32
          %mul3A_421 = arith.constant 1 : i32
          %mul3A_422 = arith.muli %scan3A_420, %mul3A_421 : i32
          %add3A_423 = arith.constant 0 : i32
          %add3A_424 = arith.addi %add3A_423, %mul3A_422 : i32
          %broadcast_in_dim3A_425 = vector.broadcast %add3A_424 : i32 to vector<16xi32>
          %gather3A_426 = tpu.vector_load_idx %arg20[%iota3A, %broadcast_in_dim3A_425] : memref<16x513xf32, #tpu.memory_space<vmem>>[vector<16xi32>, vector<16xi32>], vector<16xf32>,
          %get3A_427 = arith.index_cast %add3A_424 : i32 to index
          %get3A_428 = arith.constant 0 : index
          %get3A_429 = tpu.vector_load %arg18[%get3A_427, %get3A_428] {strides = array<i32>} : memref<512x16xf32, #tpu.memory_space<vmem>>, vector<16xf32>,
          %get3A_430 = arith.index_cast %add3A_424 : i32 to index
          %get3A_431 = arith.constant 0 : index
          %get3A_432 = tpu.vector_load %arg19[%get3A_430, %get3A_431] {strides = array<i32>} : memref<512x16xf32, #tpu.memory_space<vmem>>, vector<16xf32>,
          %add3A_433 = arith.addf %get3A_429, %get3A_432 : vector<16xf32>
          %add3A_434 = arith.addf %add3A_433, %gather3A_426 : vector<16xf32>
          %swap3A_435 = arith.index_cast %add3A_424 : i32 to index
          %swap3A_436 = arith.constant 0 : index
          %swap3A_437 = tpu.vector_load %arg21[%swap3A_435, %swap3A_436] {strides = array<i32>} : memref<512x16xf32, #tpu.memory_space<vmem>>, vector<16xf32>,
          tpu.vector_store %arg21[%swap3A_435, %swap3A_436], %add3A_434 {strides = array<i32>} : memref<512x16xf32, #tpu.memory_space<vmem>>, vector<16xf32>,
          tpu.vector_store_idx %arg22[%iota3A, %broadcast_in_dim3A_425], %add3A_434 : memref<16x513xf32, #tpu.memory_space<vmem>>[vector<16xi32>, vector<16xi32>], vector<16xf32>,
        }
        %scan3A_341 = arith.constant 512 : i32
        %mul3A_342 = arith.constant 512 : i32
        %mul3A_343 = arith.muli %add3A_224, %mul3A_342 : i32
        %multiple_of3A_344 = tpu.assume_multiple %mul3A_343, 512 : i32
        %dma_start3A_345 = arith.constant 0 : i32
        %dma_start3A_346 = arith.constant 0 : i32
        %dma_start3A_347 = tpu.memref_slice %arg22[%dma_start3A_345, %dma_start3A_346] : memref<16x513xf32, #tpu.memory_space<vmem>> -> memref<16x512xf32, #tpu.memory_space<vmem>>
        %dma_start3A_348 = arith.constant 0 : i32
        %dma_start3A_349 = tpu.memref_slice %arg6[%dma_start3A_348, %multiple_of3A_344] : memref<16x320000xf32, #tpu.memory_space<hbm>> -> memref<16x512xf32, #tpu.memory_space<hbm>>
        %dma_start3A_350 = arith.constant 0 : i32
        %dma_start3A_351 = tpu.memref_slice %arg6[%dma_start3A_350, %multiple_of3A_344] : memref<16x320000xf32, #tpu.memory_space<hbm>> -> memref<16x512xf32, #tpu.memory_space<hbm>>
        %dma_start3A_352 = arith.constant 0 : i32
        %dma_start3A_353 = arith.constant 0 : i32
        %dma_start3A_354 = tpu.memref_slice %arg22[%dma_start3A_352, %dma_start3A_353] : memref<16x513xf32, #tpu.memory_space<vmem>> -> memref<16x512xf32, #tpu.memory_space<vmem>>
        tpu.enqueue_dma source(%dma_start3A_354 : memref<16x512xf32, #tpu.memory_space<vmem>>) target(%dma_start3A_351 : memref<16x512xf32, #tpu.memory_space<hbm>>) target_semaphore(%arg25 : memref<!tpu.dma_semaphore, #tpu.memory_space<semaphore_mem>>)
        %run_scoped3A = arith.constant 1 : i32
        %run_scoped3A_355 = arith.constant 0 : i32
        "tpu.region"() ({
          %run_scoped3A_367 = tpu.sem_alloc : memref<!tpu.dma_semaphore, #tpu.memory_space<semaphore_mem>>
          %dma_start3A_368 = arith.constant 0 : i32
          %dma_start3A_369 = arith.constant 0 : i32
          %dma_start3A_370 = tpu.memref_slice %arg21[%dma_start3A_368, %dma_start3A_369] : memref<512x16xf32, #tpu.memory_space<vmem>> -> memref<128x16xf32, #tpu.memory_space<vmem>>
          %dma_start3A_371 = arith.constant 0 : i32
          %dma_start3A_372 = tpu.memref_slice %arg17[%run_scoped3A, %run_scoped3A_355, %dma_start3A_371] : memref<2x4x128xi32, #tpu.memory_space<vmem>> -> memref<1x1x128xi32, #tpu.memory_space<vmem>>
          %dma_start3A_373 = tpu.memref_squeeze %dma_start3A_372 : memref<1x1x128xi32, #tpu.memory_space<vmem>> -> memref<128xi32, #tpu.memory_space<vmem>>
          %dma_start3A_374 = arith.constant 0 : i32
          %dma_start3A_375 = arith.constant 0 : i32
          %dma_start3A_376 = tpu.memref_slice %arg27[%dma_start3A_374, %dma_start3A_375] : memref<10240x16xf32, #tpu.memory_space<vmem_shared>> -> memref<10240x16xf32, #tpu.memory_space<vmem_shared>>
          tpu.enqueue_indirect_dma source(%dma_start3A_370 : memref<128x16xf32, #tpu.memory_space<vmem>>) target(%dma_start3A_376 : memref<10240x16xf32, #tpu.memory_space<vmem_shared>>) offsets(%dma_start3A_373 : memref<128xi32, #tpu.memory_space<vmem>>) semaphore(%run_scoped3A_367 : memref<!tpu.dma_semaphore, #tpu.memory_space<semaphore_mem>>) {add = true}
          %dma_wait3A_377 = arith.constant 0 : i32
          %dma_wait3A_378 = arith.constant 0 : i32
          %dma_wait3A_379 = tpu.memref_slice %arg21[%dma_wait3A_377, %dma_wait3A_378] : memref<512x16xf32, #tpu.memory_space<vmem>> -> memref<128x16xf32, #tpu.memory_space<vmem>>
          %dma_wait3A_380 = arith.constant 0 : i32
          %dma_wait3A_381 = tpu.memref_slice %arg17[%run_scoped3A, %run_scoped3A_355, %dma_wait3A_380] : memref<2x4x128xi32, #tpu.memory_space<vmem>> -> memref<1x1x128xi32, #tpu.memory_space<vmem>>
          %dma_wait3A_382 = tpu.memref_squeeze %dma_wait3A_381 : memref<1x1x128xi32, #tpu.memory_space<vmem>> -> memref<128xi32, #tpu.memory_space<vmem>>
          %dma_wait3A_383 = arith.constant 0 : i32
          %dma_wait3A_384 = arith.constant 0 : i32
          %dma_wait3A_385 = tpu.memref_slice %arg27[%dma_wait3A_383, %dma_wait3A_384] : memref<10240x16xf32, #tpu.memory_space<vmem_shared>> -> memref<10240x16xf32, #tpu.memory_space<vmem_shared>>
          tpu.wait_indirect_dma semaphore(%run_scoped3A_367 : memref<!tpu.dma_semaphore, #tpu.memory_space<semaphore_mem>>) src(%dma_wait3A_379 : memref<128x16xf32, #tpu.memory_space<vmem>>) dst(%dma_wait3A_385 : memref<10240x16xf32, #tpu.memory_space<vmem_shared>>)
          tpu.yield
        }) : () -> ()
        %run_scoped3A_356 = arith.constant 1 : i32
        %run_scoped3A_357 = arith.constant 1 : i32
        "tpu.region"() ({
          %run_scoped3A_367 = tpu.sem_alloc : memref<!tpu.dma_semaphore, #tpu.memory_space<semaphore_mem>>
          %dma_start3A_368 = arith.constant 128 : i32
          %dma_start3A_369 = arith.constant 0 : i32
          %dma_start3A_370 = tpu.memref_slice %arg21[%dma_start3A_368, %dma_start3A_369] : memref<512x16xf32, #tpu.memory_space<vmem>> -> memref<128x16xf32, #tpu.memory_space<vmem>>
          %dma_start3A_371 = arith.constant 0 : i32
          %dma_start3A_372 = tpu.memref_slice %arg17[%run_scoped3A_356, %run_scoped3A_357, %dma_start3A_371] : memref<2x4x128xi32, #tpu.memory_space<vmem>> -> memref<1x1x128xi32, #tpu.memory_space<vmem>>
          %dma_start3A_373 = tpu.memref_squeeze %dma_start3A_372 : memref<1x1x128xi32, #tpu.memory_space<vmem>> -> memref<128xi32, #tpu.memory_space<vmem>>
          %dma_start3A_374 = arith.constant 0 : i32
          %dma_start3A_375 = arith.constant 0 : i32
          %dma_start3A_376 = tpu.memref_slice %arg27[%dma_start3A_374, %dma_start3A_375] : memref<10240x16xf32, #tpu.memory_space<vmem_shared>> -> memref<10240x16xf32, #tpu.memory_space<vmem_shared>>
          tpu.enqueue_indirect_dma source(%dma_start3A_370 : memref<128x16xf32, #tpu.memory_space<vmem>>) target(%dma_start3A_376 : memref<10240x16xf32, #tpu.memory_space<vmem_shared>>) offsets(%dma_start3A_373 : memref<128xi32, #tpu.memory_space<vmem>>) semaphore(%run_scoped3A_367 : memref<!tpu.dma_semaphore, #tpu.memory_space<semaphore_mem>>) {add = true}
          %dma_wait3A_377 = arith.constant 128 : i32
          %dma_wait3A_378 = arith.constant 0 : i32
          %dma_wait3A_379 = tpu.memref_slice %arg21[%dma_wait3A_377, %dma_wait3A_378] : memref<512x16xf32, #tpu.memory_space<vmem>> -> memref<128x16xf32, #tpu.memory_space<vmem>>
          %dma_wait3A_380 = arith.constant 0 : i32
          %dma_wait3A_381 = tpu.memref_slice %arg17[%run_scoped3A_356, %run_scoped3A_357, %dma_wait3A_380] : memref<2x4x128xi32, #tpu.memory_space<vmem>> -> memref<1x1x128xi32, #tpu.memory_space<vmem>>
          %dma_wait3A_382 = tpu.memref_squeeze %dma_wait3A_381 : memref<1x1x128xi32, #tpu.memory_space<vmem>> -> memref<128xi32, #tpu.memory_space<vmem>>
          %dma_wait3A_383 = arith.constant 0 : i32
          %dma_wait3A_384 = arith.constant 0 : i32
          %dma_wait3A_385 = tpu.memref_slice %arg27[%dma_wait3A_383, %dma_wait3A_384] : memref<10240x16xf32, #tpu.memory_space<vmem_shared>> -> memref<10240x16xf32, #tpu.memory_space<vmem_shared>>
          tpu.wait_indirect_dma semaphore(%run_scoped3A_367 : memref<!tpu.dma_semaphore, #tpu.memory_space<semaphore_mem>>) src(%dma_wait3A_379 : memref<128x16xf32, #tpu.memory_space<vmem>>) dst(%dma_wait3A_385 : memref<10240x16xf32, #tpu.memory_space<vmem_shared>>)
          tpu.yield
        }) : () -> ()
        %run_scoped3A_358 = arith.constant 1 : i32
        %run_scoped3A_359 = arith.constant 2 : i32
        "tpu.region"() ({
          %run_scoped3A_367 = tpu.sem_alloc : memref<!tpu.dma_semaphore, #tpu.memory_space<semaphore_mem>>
          %dma_start3A_368 = arith.constant 256 : i32
          %dma_start3A_369 = arith.constant 0 : i32
          %dma_start3A_370 = tpu.memref_slice %arg21[%dma_start3A_368, %dma_start3A_369] : memref<512x16xf32, #tpu.memory_space<vmem>> -> memref<128x16xf32, #tpu.memory_space<vmem>>
          %dma_start3A_371 = arith.constant 0 : i32
          %dma_start3A_372 = tpu.memref_slice %arg17[%run_scoped3A_358, %run_scoped3A_359, %dma_start3A_371] : memref<2x4x128xi32, #tpu.memory_space<vmem>> -> memref<1x1x128xi32, #tpu.memory_space<vmem>>
          %dma_start3A_373 = tpu.memref_squeeze %dma_start3A_372 : memref<1x1x128xi32, #tpu.memory_space<vmem>> -> memref<128xi32, #tpu.memory_space<vmem>>
          %dma_start3A_374 = arith.constant 0 : i32
          %dma_start3A_375 = arith.constant 0 : i32
          %dma_start3A_376 = tpu.memref_slice %arg27[%dma_start3A_374, %dma_start3A_375] : memref<10240x16xf32, #tpu.memory_space<vmem_shared>> -> memref<10240x16xf32, #tpu.memory_space<vmem_shared>>
          tpu.enqueue_indirect_dma source(%dma_start3A_370 : memref<128x16xf32, #tpu.memory_space<vmem>>) target(%dma_start3A_376 : memref<10240x16xf32, #tpu.memory_space<vmem_shared>>) offsets(%dma_start3A_373 : memref<128xi32, #tpu.memory_space<vmem>>) semaphore(%run_scoped3A_367 : memref<!tpu.dma_semaphore, #tpu.memory_space<semaphore_mem>>) {add = true}
          %dma_wait3A_377 = arith.constant 256 : i32
          %dma_wait3A_378 = arith.constant 0 : i32
          %dma_wait3A_379 = tpu.memref_slice %arg21[%dma_wait3A_377, %dma_wait3A_378] : memref<512x16xf32, #tpu.memory_space<vmem>> -> memref<128x16xf32, #tpu.memory_space<vmem>>
          %dma_wait3A_380 = arith.constant 0 : i32
          %dma_wait3A_381 = tpu.memref_slice %arg17[%run_scoped3A_358, %run_scoped3A_359, %dma_wait3A_380] : memref<2x4x128xi32, #tpu.memory_space<vmem>> -> memref<1x1x128xi32, #tpu.memory_space<vmem>>
          %dma_wait3A_382 = tpu.memref_squeeze %dma_wait3A_381 : memref<1x1x128xi32, #tpu.memory_space<vmem>> -> memref<128xi32, #tpu.memory_space<vmem>>
          %dma_wait3A_383 = arith.constant 0 : i32
          %dma_wait3A_384 = arith.constant 0 : i32
          %dma_wait3A_385 = tpu.memref_slice %arg27[%dma_wait3A_383, %dma_wait3A_384] : memref<10240x16xf32, #tpu.memory_space<vmem_shared>> -> memref<10240x16xf32, #tpu.memory_space<vmem_shared>>
          tpu.wait_indirect_dma semaphore(%run_scoped3A_367 : memref<!tpu.dma_semaphore, #tpu.memory_space<semaphore_mem>>) src(%dma_wait3A_379 : memref<128x16xf32, #tpu.memory_space<vmem>>) dst(%dma_wait3A_385 : memref<10240x16xf32, #tpu.memory_space<vmem_shared>>)
          tpu.yield
        }) : () -> ()
        %run_scoped3A_360 = arith.constant 1 : i32
        %run_scoped3A_361 = arith.constant 3 : i32
        "tpu.region"() ({
          %run_scoped3A_367 = tpu.sem_alloc : memref<!tpu.dma_semaphore, #tpu.memory_space<semaphore_mem>>
          %dma_start3A_368 = arith.constant 384 : i32
          %dma_start3A_369 = arith.constant 0 : i32
          %dma_start3A_370 = tpu.memref_slice %arg21[%dma_start3A_368, %dma_start3A_369] : memref<512x16xf32, #tpu.memory_space<vmem>> -> memref<128x16xf32, #tpu.memory_space<vmem>>
          %dma_start3A_371 = arith.constant 0 : i32
          %dma_start3A_372 = tpu.memref_slice %arg17[%run_scoped3A_360, %run_scoped3A_361, %dma_start3A_371] : memref<2x4x128xi32, #tpu.memory_space<vmem>> -> memref<1x1x128xi32, #tpu.memory_space<vmem>>
          %dma_start3A_373 = tpu.memref_squeeze %dma_start3A_372 : memref<1x1x128xi32, #tpu.memory_space<vmem>> -> memref<128xi32, #tpu.memory_space<vmem>>
          %dma_start3A_374 = arith.constant 0 : i32
          %dma_start3A_375 = arith.constant 0 : i32
          %dma_start3A_376 = tpu.memref_slice %arg27[%dma_start3A_374, %dma_start3A_375] : memref<10240x16xf32, #tpu.memory_space<vmem_shared>> -> memref<10240x16xf32, #tpu.memory_space<vmem_shared>>
          tpu.enqueue_indirect_dma source(%dma_start3A_370 : memref<128x16xf32, #tpu.memory_space<vmem>>) target(%dma_start3A_376 : memref<10240x16xf32, #tpu.memory_space<vmem_shared>>) offsets(%dma_start3A_373 : memref<128xi32, #tpu.memory_space<vmem>>) semaphore(%run_scoped3A_367 : memref<!tpu.dma_semaphore, #tpu.memory_space<semaphore_mem>>) {add = true}
          %dma_wait3A_377 = arith.constant 384 : i32
          %dma_wait3A_378 = arith.constant 0 : i32
          %dma_wait3A_379 = tpu.memref_slice %arg21[%dma_wait3A_377, %dma_wait3A_378] : memref<512x16xf32, #tpu.memory_space<vmem>> -> memref<128x16xf32, #tpu.memory_space<vmem>>
          %dma_wait3A_380 = arith.constant 0 : i32
          %dma_wait3A_381 = tpu.memref_slice %arg17[%run_scoped3A_360, %run_scoped3A_361, %dma_wait3A_380] : memref<2x4x128xi32, #tpu.memory_space<vmem>> -> memref<1x1x128xi32, #tpu.memory_space<vmem>>
          %dma_wait3A_382 = tpu.memref_squeeze %dma_wait3A_381 : memref<1x1x128xi32, #tpu.memory_space<vmem>> -> memref<128xi32, #tpu.memory_space<vmem>>
          %dma_wait3A_383 = arith.constant 0 : i32
          %dma_wait3A_384 = arith.constant 0 : i32
          %dma_wait3A_385 = tpu.memref_slice %arg27[%dma_wait3A_383, %dma_wait3A_384] : memref<10240x16xf32, #tpu.memory_space<vmem_shared>> -> memref<10240x16xf32, #tpu.memory_space<vmem_shared>>
          tpu.wait_indirect_dma semaphore(%run_scoped3A_367 : memref<!tpu.dma_semaphore, #tpu.memory_space<semaphore_mem>>) src(%dma_wait3A_379 : memref<128x16xf32, #tpu.memory_space<vmem>>) dst(%dma_wait3A_385 : memref<10240x16xf32, #tpu.memory_space<vmem_shared>>)
          tpu.yield
        }) : () -> ()
        %lt3A_362 = arith.constant 625 : i32
        %lt3A_363 = arith.cmpi slt, %add3A_234, %lt3A_362 : i32
        %convert_element_type3A_364 = arith.extui %lt3A_363 : i1 to i32
        %cond3A_365 = arith.constant 0 : i32
        %cond3A_366 = arith.cmpi ne, %convert_element_type3A_364, %cond3A_365 : i32
        scf.if %cond3A_366 {
          %mul3A_367 = arith.constant 4 : i32
          %mul3A_368 = arith.muli %add3A_234, %mul3A_367 : i32
          %multiple_of3A_369 = tpu.assume_multiple %mul3A_368, 4 : i32
          %dma_start3A_370 = arith.constant 0 : i32
          %dma_start3A_371 = arith.constant 0 : i32
          %dma_start3A_372 = tpu.memref_slice %arg5[%dma_start3A_370, %multiple_of3A_369, %dma_start3A_371] : memref<2x2500x128xi32, #tpu.memory_space<hbm>> -> memref<2x4x128xi32, #tpu.memory_space<hbm>>
          %dma_start3A_373 = arith.constant 0 : i32
          %dma_start3A_374 = arith.constant 0 : i32
          %dma_start3A_375 = tpu.memref_slice %arg5[%dma_start3A_373, %multiple_of3A_369, %dma_start3A_374] : memref<2x2500x128xi32, #tpu.memory_space<hbm>> -> memref<2x4x128xi32, #tpu.memory_space<hbm>>
          tpu.enqueue_dma source(%dma_start3A_375 : memref<2x4x128xi32, #tpu.memory_space<hbm>>) target(%arg17 : memref<2x4x128xi32, #tpu.memory_space<vmem>>) target_semaphore(%arg23 : memref<!tpu.dma_semaphore, #tpu.memory_space<semaphore_mem>>)
          %mul3A_376 = arith.constant 512 : i32
          %mul3A_377 = arith.muli %add3A_234, %mul3A_376 : i32
          %multiple_of3A_378 = tpu.assume_multiple %mul3A_377, 512 : i32
          %dma_start3A_379 = arith.constant 0 : i32
          %dma_start3A_380 = arith.constant 0 : i32
          %dma_start3A_381 = tpu.memref_slice %arg20[%dma_start3A_379, %dma_start3A_380] : memref<16x513xf32, #tpu.memory_space<vmem>> -> memref<16x512xf32, #tpu.memory_space<vmem>>
          %dma_start3A_382 = arith.constant 0 : i32
          %dma_start3A_383 = tpu.memref_slice %arg4[%dma_start3A_382, %multiple_of3A_378] : memref<16x320000xf32, #tpu.memory_space<hbm>> -> memref<16x512xf32, #tpu.memory_space<hbm>>
          %dma_start3A_384 = arith.constant 0 : i32
          %dma_start3A_385 = arith.constant 0 : i32
          %dma_start3A_386 = tpu.memref_slice %arg20[%dma_start3A_384, %dma_start3A_385] : memref<16x513xf32, #tpu.memory_space<vmem>> -> memref<16x512xf32, #tpu.memory_space<vmem>>
          %dma_start3A_387 = arith.constant 0 : i32
          %dma_start3A_388 = tpu.memref_slice %arg4[%dma_start3A_387, %multiple_of3A_378] : memref<16x320000xf32, #tpu.memory_space<hbm>> -> memref<16x512xf32, #tpu.memory_space<hbm>>
          tpu.enqueue_dma source(%dma_start3A_388 : memref<16x512xf32, #tpu.memory_space<hbm>>) target(%dma_start3A_386 : memref<16x512xf32, #tpu.memory_space<vmem>>) target_semaphore(%arg23 : memref<!tpu.dma_semaphore, #tpu.memory_space<semaphore_mem>>)
        } else {
        }
      } else {
      }
    }
    %scan3A_163 = arith.constant 10 : i32
    %dma_wait3A_164 = arith.constant 0 : i32
    %dma_wait3A_165 = arith.constant 0 : i32
    %dma_wait3A_166 = tpu.memref_slice %arg13[%dma_wait3A_164, %dma_wait3A_165] : memref<16x513xf32, #tpu.memory_space<vmem>> -> memref<16x512xf32, #tpu.memory_space<vmem>>
    %dma_wait3A_167 = arith.constant 0 : i32
    %dma_wait3A_168 = arith.constant 0 : i32
    %dma_wait3A_169 = tpu.memref_slice %arg6[%dma_wait3A_167, %dma_wait3A_168] : memref<16x320000xf32, #tpu.memory_space<hbm>> -> memref<16x512xf32, #tpu.memory_space<hbm>>
    %dma_wait3A_170 = arith.constant 0 : i32
    %dma_wait3A_171 = arith.constant 0 : i32
    %dma_wait3A_172 = tpu.memref_slice %arg6[%dma_wait3A_170, %dma_wait3A_171] : memref<16x320000xf32, #tpu.memory_space<hbm>> -> memref<16x512xf32, #tpu.memory_space<hbm>>
    %dma_wait3A_173 = arith.constant 0 : i32
    %dma_wait3A_174 = arith.constant 0 : i32
    %dma_wait3A_175 = tpu.memref_slice %arg13[%dma_wait3A_173, %dma_wait3A_174] : memref<16x513xf32, #tpu.memory_space<vmem>> -> memref<16x512xf32, #tpu.memory_space<vmem>>
    tpu.wait_dma2 semaphore(%arg16 : memref<!tpu.dma_semaphore, #tpu.memory_space<semaphore_mem>>) src(%dma_wait3A_175 : memref<16x512xf32, #tpu.memory_space<vmem>>) dst(%dma_wait3A_172 : memref<16x512xf32, #tpu.memory_space<hbm>>)
    %dma_wait3A_176 = arith.constant 0 : i32
    %dma_wait3A_177 = arith.constant 0 : i32
    %dma_wait3A_178 = tpu.memref_slice %arg22[%dma_wait3A_176, %dma_wait3A_177] : memref<16x513xf32, #tpu.memory_space<vmem>> -> memref<16x512xf32, #tpu.memory_space<vmem>>
    %dma_wait3A_179 = arith.constant 0 : i32
    %dma_wait3A_180 = arith.constant 0 : i32
    %dma_wait3A_181 = tpu.memref_slice %arg6[%dma_wait3A_179, %dma_wait3A_180] : memref<16x320000xf32, #tpu.memory_space<hbm>> -> memref<16x512xf32, #tpu.memory_space<hbm>>
    %dma_wait3A_182 = arith.constant 0 : i32
    %dma_wait3A_183 = arith.constant 0 : i32
    %dma_wait3A_184 = tpu.memref_slice %arg6[%dma_wait3A_182, %dma_wait3A_183] : memref<16x320000xf32, #tpu.memory_space<hbm>> -> memref<16x512xf32, #tpu.memory_space<hbm>>
    %dma_wait3A_185 = arith.constant 0 : i32
    %dma_wait3A_186 = arith.constant 0 : i32
    %dma_wait3A_187 = tpu.memref_slice %arg22[%dma_wait3A_185, %dma_wait3A_186] : memref<16x513xf32, #tpu.memory_space<vmem>> -> memref<16x512xf32, #tpu.memory_space<vmem>>
    tpu.wait_dma2 semaphore(%arg25 : memref<!tpu.dma_semaphore, #tpu.memory_space<semaphore_mem>>) src(%dma_wait3A_187 : memref<16x512xf32, #tpu.memory_space<vmem>>) dst(%dma_wait3A_184 : memref<16x512xf32, #tpu.memory_space<hbm>>)
    %barrier3A_188 = arith.constant 0 : index
    tpu.barrier barrier_id(%barrier3A_188)
    %mul3A_189 = arith.constant 640 : i32
    %mul3A_190 = arith.muli %arg1, %mul3A_189 : i32
    %multiple_of3A_191 = tpu.assume_multiple %mul3A_190, 640 : i32
    %mul3A_192 = arith.constant 10240 : i32
    %mul3A_193 = arith.muli %arg0, %mul3A_192 : i32
    %mul3A_194 = arith.constant 640 : i32
    %mul3A_195 = arith.muli %arg1, %mul3A_194 : i32
    %add3A_196 = arith.addi %mul3A_193, %mul3A_195 : i32
    %multiple_of3A_197 = tpu.assume_multiple %add3A_196, 640 : i32
    "tpu.region"() ({
      %run_scoped3A = tpu.sem_alloc : memref<!tpu.dma_semaphore, #tpu.memory_space<semaphore_mem>>
      %dma_start3A_198 = arith.constant 0 : i32
      %dma_start3A_199 = tpu.memref_slice %arg7[%multiple_of3A_197, %dma_start3A_198] : memref<20480x16xf32, #tpu.memory_space<hbm>> -> memref<640x16xf32, #tpu.memory_space<hbm>>
      %dma_start3A_200 = arith.constant 0 : i32
      %dma_start3A_201 = tpu.memref_slice %arg27[%multiple_of3A_191, %dma_start3A_200] : memref<10240x16xf32, #tpu.memory_space<vmem_shared>> -> memref<640x16xf32, #tpu.memory_space<vmem_shared>>
      tpu.enqueue_dma source(%dma_start3A_201 : memref<640x16xf32, #tpu.memory_space<vmem_shared>>) target(%dma_start3A_199 : memref<640x16xf32, #tpu.memory_space<hbm>>) target_semaphore(%run_scoped3A : memref<!tpu.dma_semaphore, #tpu.memory_space<semaphore_mem>>)
      %dma_wait3A_202 = arith.constant 0 : i32
      %dma_wait3A_203 = tpu.memref_slice %arg7[%multiple_of3A_197, %dma_wait3A_202] : memref<20480x16xf32, #tpu.memory_space<hbm>> -> memref<640x16xf32, #tpu.memory_space<hbm>>
      %dma_wait3A_204 = arith.constant 0 : i32
      %dma_wait3A_205 = tpu.memref_slice %arg27[%multiple_of3A_191, %dma_wait3A_204] : memref<10240x16xf32, #tpu.memory_space<vmem_shared>> -> memref<640x16xf32, #tpu.memory_space<vmem_shared>>
      tpu.wait_dma2 semaphore(%run_scoped3A : memref<!tpu.dma_semaphore, #tpu.memory_space<semaphore_mem>>) src(%dma_wait3A_205 : memref<640x16xf32, #tpu.memory_space<vmem_shared>>) dst(%dma_wait3A_203 : memref<640x16xf32, #tpu.memory_space<hbm>>)
      tpu.yield
    }) : () -> ()
    return
  }
}

#map = affine_map<(d0, d1) -> (0, 0)>
#map1 = affine_map<(d0, d1) -> (0, 0, 0)>
module attributes {stable_mosaic.version = 14 : i64} {
  func.func @sc_kernel(%arg0: i32, %arg1: i32, %arg2: memref<10000x16xf32, #tpu.memory_space<hbm>>, %arg3: memref<10000x16xf32, #tpu.memory_space<hbm>>, %arg4: memref<16x320000xf32, #tpu.memory_space<hbm>>, %arg5: memref<2x2500x128xi32, #tpu.memory_space<hbm>>, %arg6: memref<16x320000xf32, #tpu.memory_space<hbm>>, %arg7: memref<20480x16xf32, #tpu.memory_space<hbm>>, %arg8: memref<20480x16xf32, #tpu.memory_space<hbm>>, %arg9: memref<2x4x128xi32, #tpu.memory_space<vmem>>, %arg10: memref<512x16xf32, #tpu.memory_space<vmem>>, %arg11: memref<512x16xf32, #tpu.memory_space<vmem>>, %arg12: memref<16x513xf32, #tpu.memory_space<vmem>>, %arg13: memref<512x16xf32, #tpu.memory_space<vmem>>, %arg14: memref<16x513xf32, #tpu.memory_space<vmem>>, %arg15: memref<!tpu.dma_semaphore, #tpu.memory_space<semaphore_mem>>, %arg16: memref<!tpu.dma_semaphore, #tpu.memory_space<semaphore_mem>>, %arg17: memref<!tpu.dma_semaphore, #tpu.memory_space<semaphore_mem>>, %arg18: memref<2x4x128xi32, #tpu.memory_space<vmem>>, %arg19: memref<512x16xf32, #tpu.memory_space<vmem>>, %arg20: memref<512x16xf32, #tpu.memory_space<vmem>>, %arg21: memref<16x513xf32, #tpu.memory_space<vmem>>, %arg22: memref<512x16xf32, #tpu.memory_space<vmem>>, %arg23: memref<16x513xf32, #tpu.memory_space<vmem>>, %arg24: memref<!tpu.dma_semaphore, #tpu.memory_space<semaphore_mem>>, %arg25: memref<!tpu.dma_semaphore, #tpu.memory_space<semaphore_mem>>, %arg26: memref<!tpu.dma_semaphore, #tpu.memory_space<semaphore_mem>>, %arg27: memref<640x16xf32, #tpu.memory_space<vmem>>, %arg28: memref<10240x16xf32, #tpu.memory_space<vmem_shared>>, %arg29: memref<128x16xf32, #tpu.memory_space<vmem>>, %arg30: memref<10240x16xf32, #tpu.memory_space<vmem_shared>>) attributes {dimension_semantics = [#tpu.dimension_semantics<core_parallel>, #tpu.dimension_semantics<subcore_parallel>], iteration_bounds = array<i64: 2, 16>, scalar_prefetch = 0 : i64, scratch_operands = 22 : i64, tpu.core_type = #tpu.core_type<sc_vector_subcore>, window_params = [{transform_indices = #map}, {transform_indices = #map}, {transform_indices = #map}, {transform_indices = #map1}, {transform_indices = #map}, {transform_indices = #map}, {transform_indices = #map}]} {
    %mul3A = arith.constant 2 : i32
    %mul3A_0 = arith.muli %arg1, %mul3A : i32
    %add3A = arith.addi %mul3A_0, %arg0 : i32
    %iota3A = tpu.iota {dimensions = array<i32: 0>} : vector<16xi32>
    %scan3A = arith.constant 0 : i32
    %scan3A_1 = arith.constant 640 : i32
    %scan3A_2 = arith.addi %scan3A, %scan3A_1 : i32
    %scan3A_3 = arith.constant 1 : i32
    scf.for %scan3A_203 = %scan3A to %scan3A_2 step %scan3A_3  : i32 {
      %mul3A_204 = arith.constant 1 : i32
      %mul3A_205 = arith.muli %scan3A_203, %mul3A_204 : i32
      %add3A_206 = arith.constant 0 : i32
      %add3A_207 = arith.addi %add3A_206, %mul3A_205 : i32
      %broadcast_in_dim3A = arith.constant 0.000000e+00 : f32
      %broadcast_in_dim3A_208 = vector.broadcast %broadcast_in_dim3A : f32 to vector<16xf32>
      %swap3A = arith.index_cast %add3A_207 : i32 to index
      %swap3A_209 = arith.constant 0 : index
      %swap3A_210 = tpu.vector_load %arg27[%swap3A, %swap3A_209] {strides = array<i32>} : memref<640x16xf32, #tpu.memory_space<vmem>>, vector<16xf32>,
      tpu.vector_store %arg27[%swap3A, %swap3A_209], %broadcast_in_dim3A_208 {strides = array<i32>} : memref<640x16xf32, #tpu.memory_space<vmem>>, vector<16xf32>,
    }
    %scan3A_4 = arith.constant 640 : i32
    %mul3A_5 = arith.constant 640 : i32
    %mul3A_6 = arith.muli %arg1, %mul3A_5 : i32
    %multiple_of3A = tpu.assume_multiple %mul3A_6, 640 : i32
    "tpu.region"() ({
      %run_scoped3A = tpu.sem_alloc : memref<!tpu.dma_semaphore, #tpu.memory_space<semaphore_mem>>
      %dma_start3A_203 = arith.constant 0 : i32
      %dma_start3A_204 = tpu.memref_slice %arg28[%multiple_of3A, %dma_start3A_203] : memref<10240x16xf32, #tpu.memory_space<vmem_shared>> -> memref<640x16xf32, #tpu.memory_space<vmem_shared>>
      %dma_start3A_205 = arith.constant 0 : i32
      %dma_start3A_206 = tpu.memref_slice %arg28[%multiple_of3A, %dma_start3A_205] : memref<10240x16xf32, #tpu.memory_space<vmem_shared>> -> memref<640x16xf32, #tpu.memory_space<vmem_shared>>
      tpu.enqueue_dma source(%arg27 : memref<640x16xf32, #tpu.memory_space<vmem>>) target(%dma_start3A_206 : memref<640x16xf32, #tpu.memory_space<vmem_shared>>) target_semaphore(%run_scoped3A : memref<!tpu.dma_semaphore, #tpu.memory_space<semaphore_mem>>)
      %dma_wait3A_207 = arith.constant 0 : i32
      %dma_wait3A_208 = tpu.memref_slice %arg28[%multiple_of3A, %dma_wait3A_207] : memref<10240x16xf32, #tpu.memory_space<vmem_shared>> -> memref<640x16xf32, #tpu.memory_space<vmem_shared>>
      %dma_wait3A_209 = arith.constant 0 : i32
      %dma_wait3A_210 = tpu.memref_slice %arg28[%multiple_of3A, %dma_wait3A_209] : memref<10240x16xf32, #tpu.memory_space<vmem_shared>> -> memref<640x16xf32, #tpu.memory_space<vmem_shared>>
      tpu.wait_dma2 semaphore(%run_scoped3A : memref<!tpu.dma_semaphore, #tpu.memory_space<semaphore_mem>>) src(%arg27 : memref<640x16xf32, #tpu.memory_space<vmem>>) dst(%dma_wait3A_210 : memref<640x16xf32, #tpu.memory_space<vmem_shared>>)
      tpu.yield
    }) : () -> ()
    %scan3A_7 = arith.constant 0 : i32
    %scan3A_8 = arith.constant 128 : i32
    %scan3A_9 = arith.addi %scan3A_7, %scan3A_8 : i32
    %scan3A_10 = arith.constant 1 : i32
    scf.for %scan3A_203 = %scan3A_7 to %scan3A_9 step %scan3A_10  : i32 {
      %mul3A_204 = arith.constant 1 : i32
      %mul3A_205 = arith.muli %scan3A_203, %mul3A_204 : i32
      %add3A_206 = arith.constant 0 : i32
      %add3A_207 = arith.addi %add3A_206, %mul3A_205 : i32
      %broadcast_in_dim3A = arith.constant 1.000000e+00 : f32
      %broadcast_in_dim3A_208 = vector.broadcast %broadcast_in_dim3A : f32 to vector<16xf32>
      %swap3A = arith.index_cast %add3A_207 : i32 to index
      %swap3A_209 = arith.constant 0 : index
      %swap3A_210 = tpu.vector_load %arg29[%swap3A, %swap3A_209] {strides = array<i32>} : memref<128x16xf32, #tpu.memory_space<vmem>>, vector<16xf32>,
      tpu.vector_store %arg29[%swap3A, %swap3A_209], %broadcast_in_dim3A_208 {strides = array<i32>} : memref<128x16xf32, #tpu.memory_space<vmem>>, vector<16xf32>,
    }
    %scan3A_11 = arith.constant 128 : i32
    "tpu.region"() ({
      %run_scoped3A = tpu.sem_alloc : memref<!tpu.dma_semaphore, #tpu.memory_space<semaphore_mem>>
      %dma_start3A_203 = arith.constant 0 : i32
      %dma_start3A_204 = tpu.memref_slice %arg30[%multiple_of3A, %dma_start3A_203] : memref<10240x16xf32, #tpu.memory_space<vmem_shared>> -> memref<640x16xf32, #tpu.memory_space<vmem_shared>>
      %dma_start3A_205 = arith.constant 0 : i32
      %dma_start3A_206 = tpu.memref_slice %arg30[%multiple_of3A, %dma_start3A_205] : memref<10240x16xf32, #tpu.memory_space<vmem_shared>> -> memref<640x16xf32, #tpu.memory_space<vmem_shared>>
      tpu.enqueue_dma source(%arg27 : memref<640x16xf32, #tpu.memory_space<vmem>>) target(%dma_start3A_206 : memref<640x16xf32, #tpu.memory_space<vmem_shared>>) target_semaphore(%run_scoped3A : memref<!tpu.dma_semaphore, #tpu.memory_space<semaphore_mem>>)
      %dma_wait3A_207 = arith.constant 0 : i32
      %dma_wait3A_208 = tpu.memref_slice %arg30[%multiple_of3A, %dma_wait3A_207] : memref<10240x16xf32, #tpu.memory_space<vmem_shared>> -> memref<640x16xf32, #tpu.memory_space<vmem_shared>>
      %dma_wait3A_209 = arith.constant 0 : i32
      %dma_wait3A_210 = tpu.memref_slice %arg30[%multiple_of3A, %dma_wait3A_209] : memref<10240x16xf32, #tpu.memory_space<vmem_shared>> -> memref<640x16xf32, #tpu.memory_space<vmem_shared>>
      tpu.wait_dma2 semaphore(%run_scoped3A : memref<!tpu.dma_semaphore, #tpu.memory_space<semaphore_mem>>) src(%arg27 : memref<640x16xf32, #tpu.memory_space<vmem>>) dst(%dma_wait3A_210 : memref<640x16xf32, #tpu.memory_space<vmem_shared>>)
      tpu.yield
    }) : () -> ()
    %barrier3A = arith.constant 0 : index
    tpu.barrier barrier_id(%barrier3A)
    %mul3A_12 = arith.constant 4 : i32
    %mul3A_13 = arith.muli %add3A, %mul3A_12 : i32
    %multiple_of3A_14 = tpu.assume_multiple %mul3A_13, 4 : i32
    %dma_start3A = arith.constant 0 : i32
    %dma_start3A_15 = arith.constant 0 : i32
    %dma_start3A_16 = tpu.memref_slice %arg5[%dma_start3A, %multiple_of3A_14, %dma_start3A_15] : memref<2x2500x128xi32, #tpu.memory_space<hbm>> -> memref<2x4x128xi32, #tpu.memory_space<hbm>>
    %dma_start3A_17 = arith.constant 0 : i32
    %dma_start3A_18 = arith.constant 0 : i32
    %dma_start3A_19 = tpu.memref_slice %arg5[%dma_start3A_17, %multiple_of3A_14, %dma_start3A_18] : memref<2x2500x128xi32, #tpu.memory_space<hbm>> -> memref<2x4x128xi32, #tpu.memory_space<hbm>>
    tpu.enqueue_dma source(%dma_start3A_19 : memref<2x4x128xi32, #tpu.memory_space<hbm>>) target(%arg9 : memref<2x4x128xi32, #tpu.memory_space<vmem>>) target_semaphore(%arg15 : memref<!tpu.dma_semaphore, #tpu.memory_space<semaphore_mem>>)
    %mul3A_20 = arith.constant 512 : i32
    %mul3A_21 = arith.muli %add3A, %mul3A_20 : i32
    %multiple_of3A_22 = tpu.assume_multiple %mul3A_21, 512 : i32
    %dma_start3A_23 = arith.constant 0 : i32
    %dma_start3A_24 = arith.constant 0 : i32
    %dma_start3A_25 = tpu.memref_slice %arg12[%dma_start3A_23, %dma_start3A_24] : memref<16x513xf32, #tpu.memory_space<vmem>> -> memref<16x512xf32, #tpu.memory_space<vmem>>
    %dma_start3A_26 = arith.constant 0 : i32
    %dma_start3A_27 = tpu.memref_slice %arg4[%dma_start3A_26, %multiple_of3A_22] : memref<16x320000xf32, #tpu.memory_space<hbm>> -> memref<16x512xf32, #tpu.memory_space<hbm>>
    %dma_start3A_28 = arith.constant 0 : i32
    %dma_start3A_29 = arith.constant 0 : i32
    %dma_start3A_30 = tpu.memref_slice %arg12[%dma_start3A_28, %dma_start3A_29] : memref<16x513xf32, #tpu.memory_space<vmem>> -> memref<16x512xf32, #tpu.memory_space<vmem>>
    %dma_start3A_31 = arith.constant 0 : i32
    %dma_start3A_32 = tpu.memref_slice %arg4[%dma_start3A_31, %multiple_of3A_22] : memref<16x320000xf32, #tpu.memory_space<hbm>> -> memref<16x512xf32, #tpu.memory_space<hbm>>
    tpu.enqueue_dma source(%dma_start3A_32 : memref<16x512xf32, #tpu.memory_space<hbm>>) target(%dma_start3A_30 : memref<16x512xf32, #tpu.memory_space<vmem>>) target_semaphore(%arg15 : memref<!tpu.dma_semaphore, #tpu.memory_space<semaphore_mem>>)
    %add3A_33 = arith.constant 32 : i32
    %add3A_34 = arith.addi %add3A, %add3A_33 : i32
    %mul3A_35 = arith.constant 4 : i32
    %mul3A_36 = arith.muli %add3A_34, %mul3A_35 : i32
    %multiple_of3A_37 = tpu.assume_multiple %mul3A_36, 4 : i32
    %dma_start3A_38 = arith.constant 0 : i32
    %dma_start3A_39 = arith.constant 0 : i32
    %dma_start3A_40 = tpu.memref_slice %arg5[%dma_start3A_38, %multiple_of3A_37, %dma_start3A_39] : memref<2x2500x128xi32, #tpu.memory_space<hbm>> -> memref<2x4x128xi32, #tpu.memory_space<hbm>>
    %dma_start3A_41 = arith.constant 0 : i32
    %dma_start3A_42 = arith.constant 0 : i32
    %dma_start3A_43 = tpu.memref_slice %arg5[%dma_start3A_41, %multiple_of3A_37, %dma_start3A_42] : memref<2x2500x128xi32, #tpu.memory_space<hbm>> -> memref<2x4x128xi32, #tpu.memory_space<hbm>>
    tpu.enqueue_dma source(%dma_start3A_43 : memref<2x4x128xi32, #tpu.memory_space<hbm>>) target(%arg18 : memref<2x4x128xi32, #tpu.memory_space<vmem>>) target_semaphore(%arg24 : memref<!tpu.dma_semaphore, #tpu.memory_space<semaphore_mem>>)
    %mul3A_44 = arith.constant 512 : i32
    %mul3A_45 = arith.muli %add3A_34, %mul3A_44 : i32
    %multiple_of3A_46 = tpu.assume_multiple %mul3A_45, 512 : i32
    %dma_start3A_47 = arith.constant 0 : i32
    %dma_start3A_48 = arith.constant 0 : i32
    %dma_start3A_49 = tpu.memref_slice %arg21[%dma_start3A_47, %dma_start3A_48] : memref<16x513xf32, #tpu.memory_space<vmem>> -> memref<16x512xf32, #tpu.memory_space<vmem>>
    %dma_start3A_50 = arith.constant 0 : i32
    %dma_start3A_51 = tpu.memref_slice %arg4[%dma_start3A_50, %multiple_of3A_46] : memref<16x320000xf32, #tpu.memory_space<hbm>> -> memref<16x512xf32, #tpu.memory_space<hbm>>
    %dma_start3A_52 = arith.constant 0 : i32
    %dma_start3A_53 = arith.constant 0 : i32
    %dma_start3A_54 = tpu.memref_slice %arg21[%dma_start3A_52, %dma_start3A_53] : memref<16x513xf32, #tpu.memory_space<vmem>> -> memref<16x512xf32, #tpu.memory_space<vmem>>
    %dma_start3A_55 = arith.constant 0 : i32
    %dma_start3A_56 = tpu.memref_slice %arg4[%dma_start3A_55, %multiple_of3A_46] : memref<16x320000xf32, #tpu.memory_space<hbm>> -> memref<16x512xf32, #tpu.memory_space<hbm>>
    tpu.enqueue_dma source(%dma_start3A_56 : memref<16x512xf32, #tpu.memory_space<hbm>>) target(%dma_start3A_54 : memref<16x512xf32, #tpu.memory_space<vmem>>) target_semaphore(%arg24 : memref<!tpu.dma_semaphore, #tpu.memory_space<semaphore_mem>>)
    %dma_wait3A = arith.constant 0 : i32
    %dma_wait3A_57 = arith.constant 0 : i32
    %dma_wait3A_58 = arith.constant 0 : i32
    %dma_wait3A_59 = tpu.memref_slice %arg5[%dma_wait3A, %dma_wait3A_57, %dma_wait3A_58] : memref<2x2500x128xi32, #tpu.memory_space<hbm>> -> memref<2x4x128xi32, #tpu.memory_space<hbm>>
    %dma_wait3A_60 = arith.constant 0 : i32
    %dma_wait3A_61 = arith.constant 0 : i32
    %dma_wait3A_62 = arith.constant 0 : i32
    %dma_wait3A_63 = tpu.memref_slice %arg5[%dma_wait3A_60, %dma_wait3A_61, %dma_wait3A_62] : memref<2x2500x128xi32, #tpu.memory_space<hbm>> -> memref<2x4x128xi32, #tpu.memory_space<hbm>>
    tpu.wait_dma2 semaphore(%arg15 : memref<!tpu.dma_semaphore, #tpu.memory_space<semaphore_mem>>) src(%dma_wait3A_63 : memref<2x4x128xi32, #tpu.memory_space<hbm>>) dst(%arg9 : memref<2x4x128xi32, #tpu.memory_space<vmem>>)
    %dma_wait3A_64 = arith.constant 0 : i32
    %dma_wait3A_65 = arith.constant 0 : i32
    %dma_wait3A_66 = tpu.memref_slice %arg12[%dma_wait3A_64, %dma_wait3A_65] : memref<16x513xf32, #tpu.memory_space<vmem>> -> memref<16x512xf32, #tpu.memory_space<vmem>>
    %dma_wait3A_67 = arith.constant 0 : i32
    %dma_wait3A_68 = arith.constant 0 : i32
    %dma_wait3A_69 = tpu.memref_slice %arg4[%dma_wait3A_67, %dma_wait3A_68] : memref<16x320000xf32, #tpu.memory_space<hbm>> -> memref<16x512xf32, #tpu.memory_space<hbm>>
    %dma_wait3A_70 = arith.constant 0 : i32
    %dma_wait3A_71 = arith.constant 0 : i32
    %dma_wait3A_72 = tpu.memref_slice %arg12[%dma_wait3A_70, %dma_wait3A_71] : memref<16x513xf32, #tpu.memory_space<vmem>> -> memref<16x512xf32, #tpu.memory_space<vmem>>
    %dma_wait3A_73 = arith.constant 0 : i32
    %dma_wait3A_74 = arith.constant 0 : i32
    %dma_wait3A_75 = tpu.memref_slice %arg4[%dma_wait3A_73, %dma_wait3A_74] : memref<16x320000xf32, #tpu.memory_space<hbm>> -> memref<16x512xf32, #tpu.memory_space<hbm>>
    tpu.wait_dma2 semaphore(%arg15 : memref<!tpu.dma_semaphore, #tpu.memory_space<semaphore_mem>>) src(%dma_wait3A_75 : memref<16x512xf32, #tpu.memory_space<hbm>>) dst(%dma_wait3A_72 : memref<16x512xf32, #tpu.memory_space<vmem>>)
    %dma_start3A_76 = arith.constant 0 : i32
    %dma_start3A_77 = arith.constant 0 : i32
    %dma_start3A_78 = arith.constant 0 : i32
    %dma_start3A_79 = arith.constant 0 : i32
    %dma_start3A_80 = tpu.memref_slice %arg10[%dma_start3A_78, %dma_start3A_79] : memref<512x16xf32, #tpu.memory_space<vmem>> -> memref<128x16xf32, #tpu.memory_space<vmem>>
    %dma_start3A_81 = arith.constant 0 : i32
    %dma_start3A_82 = tpu.memref_slice %arg9[%dma_start3A_76, %dma_start3A_77, %dma_start3A_81] : memref<2x4x128xi32, #tpu.memory_space<vmem>> -> memref<1x1x128xi32, #tpu.memory_space<vmem>>
    %dma_start3A_83 = tpu.memref_squeeze %dma_start3A_82 : memref<1x1x128xi32, #tpu.memory_space<vmem>> -> memref<128xi32, #tpu.memory_space<vmem>>
    %dma_start3A_84 = arith.constant 0 : i32
    %dma_start3A_85 = arith.constant 0 : i32
    %dma_start3A_86 = tpu.memref_slice %arg2[%dma_start3A_84, %dma_start3A_85] : memref<10000x16xf32, #tpu.memory_space<hbm>> -> memref<10000x16xf32, #tpu.memory_space<hbm>>
    tpu.enqueue_indirect_dma source(%dma_start3A_86 : memref<10000x16xf32, #tpu.memory_space<hbm>>) target(%dma_start3A_80 : memref<128x16xf32, #tpu.memory_space<vmem>>) offsets(%dma_start3A_83 : memref<128xi32, #tpu.memory_space<vmem>>) semaphore(%arg16 : memref<!tpu.dma_semaphore, #tpu.memory_space<semaphore_mem>>)
    %dma_start3A_87 = arith.constant 1 : i32
    %dma_start3A_88 = arith.constant 0 : i32
    %dma_start3A_89 = arith.constant 0 : i32
    %dma_start3A_90 = arith.constant 0 : i32
    %dma_start3A_91 = tpu.memref_slice %arg11[%dma_start3A_89, %dma_start3A_90] : memref<512x16xf32, #tpu.memory_space<vmem>> -> memref<128x16xf32, #tpu.memory_space<vmem>>
    %dma_start3A_92 = arith.constant 0 : i32
    %dma_start3A_93 = tpu.memref_slice %arg9[%dma_start3A_87, %dma_start3A_88, %dma_start3A_92] : memref<2x4x128xi32, #tpu.memory_space<vmem>> -> memref<1x1x128xi32, #tpu.memory_space<vmem>>
    %dma_start3A_94 = tpu.memref_squeeze %dma_start3A_93 : memref<1x1x128xi32, #tpu.memory_space<vmem>> -> memref<128xi32, #tpu.memory_space<vmem>>
    %dma_start3A_95 = arith.constant 0 : i32
    %dma_start3A_96 = arith.constant 0 : i32
    %dma_start3A_97 = tpu.memref_slice %arg3[%dma_start3A_95, %dma_start3A_96] : memref<10000x16xf32, #tpu.memory_space<hbm>> -> memref<10000x16xf32, #tpu.memory_space<hbm>>
    tpu.enqueue_indirect_dma source(%dma_start3A_97 : memref<10000x16xf32, #tpu.memory_space<hbm>>) target(%dma_start3A_91 : memref<128x16xf32, #tpu.memory_space<vmem>>) offsets(%dma_start3A_94 : memref<128xi32, #tpu.memory_space<vmem>>) semaphore(%arg16 : memref<!tpu.dma_semaphore, #tpu.memory_space<semaphore_mem>>)
    %dma_start3A_98 = arith.constant 0 : i32
    %dma_start3A_99 = arith.constant 1 : i32
    %dma_start3A_100 = arith.constant 128 : i32
    %dma_start3A_101 = arith.constant 0 : i32
    %dma_start3A_102 = tpu.memref_slice %arg10[%dma_start3A_100, %dma_start3A_101] : memref<512x16xf32, #tpu.memory_space<vmem>> -> memref<128x16xf32, #tpu.memory_space<vmem>>
    %dma_start3A_103 = arith.constant 0 : i32
    %dma_start3A_104 = tpu.memref_slice %arg9[%dma_start3A_98, %dma_start3A_99, %dma_start3A_103] : memref<2x4x128xi32, #tpu.memory_space<vmem>> -> memref<1x1x128xi32, #tpu.memory_space<vmem>>
    %dma_start3A_105 = tpu.memref_squeeze %dma_start3A_104 : memref<1x1x128xi32, #tpu.memory_space<vmem>> -> memref<128xi32, #tpu.memory_space<vmem>>
    %dma_start3A_106 = arith.constant 0 : i32
    %dma_start3A_107 = arith.constant 0 : i32
    %dma_start3A_108 = tpu.memref_slice %arg2[%dma_start3A_106, %dma_start3A_107] : memref<10000x16xf32, #tpu.memory_space<hbm>> -> memref<10000x16xf32, #tpu.memory_space<hbm>>
    tpu.enqueue_indirect_dma source(%dma_start3A_108 : memref<10000x16xf32, #tpu.memory_space<hbm>>) target(%dma_start3A_102 : memref<128x16xf32, #tpu.memory_space<vmem>>) offsets(%dma_start3A_105 : memref<128xi32, #tpu.memory_space<vmem>>) semaphore(%arg16 : memref<!tpu.dma_semaphore, #tpu.memory_space<semaphore_mem>>)
    %dma_start3A_109 = arith.constant 1 : i32
    %dma_start3A_110 = arith.constant 1 : i32
    %dma_start3A_111 = arith.constant 128 : i32
    %dma_start3A_112 = arith.constant 0 : i32
    %dma_start3A_113 = tpu.memref_slice %arg11[%dma_start3A_111, %dma_start3A_112] : memref<512x16xf32, #tpu.memory_space<vmem>> -> memref<128x16xf32, #tpu.memory_space<vmem>>
    %dma_start3A_114 = arith.constant 0 : i32
    %dma_start3A_115 = tpu.memref_slice %arg9[%dma_start3A_109, %dma_start3A_110, %dma_start3A_114] : memref<2x4x128xi32, #tpu.memory_space<vmem>> -> memref<1x1x128xi32, #tpu.memory_space<vmem>>
    %dma_start3A_116 = tpu.memref_squeeze %dma_start3A_115 : memref<1x1x128xi32, #tpu.memory_space<vmem>> -> memref<128xi32, #tpu.memory_space<vmem>>
    %dma_start3A_117 = arith.constant 0 : i32
    %dma_start3A_118 = arith.constant 0 : i32
    %dma_start3A_119 = tpu.memref_slice %arg3[%dma_start3A_117, %dma_start3A_118] : memref<10000x16xf32, #tpu.memory_space<hbm>> -> memref<10000x16xf32, #tpu.memory_space<hbm>>
    tpu.enqueue_indirect_dma source(%dma_start3A_119 : memref<10000x16xf32, #tpu.memory_space<hbm>>) target(%dma_start3A_113 : memref<128x16xf32, #tpu.memory_space<vmem>>) offsets(%dma_start3A_116 : memref<128xi32, #tpu.memory_space<vmem>>) semaphore(%arg16 : memref<!tpu.dma_semaphore, #tpu.memory_space<semaphore_mem>>)
    %dma_start3A_120 = arith.constant 0 : i32
    %dma_start3A_121 = arith.constant 2 : i32
    %dma_start3A_122 = arith.constant 256 : i32
    %dma_start3A_123 = arith.constant 0 : i32
    %dma_start3A_124 = tpu.memref_slice %arg10[%dma_start3A_122, %dma_start3A_123] : memref<512x16xf32, #tpu.memory_space<vmem>> -> memref<128x16xf32, #tpu.memory_space<vmem>>
    %dma_start3A_125 = arith.constant 0 : i32
    %dma_start3A_126 = tpu.memref_slice %arg9[%dma_start3A_120, %dma_start3A_121, %dma_start3A_125] : memref<2x4x128xi32, #tpu.memory_space<vmem>> -> memref<1x1x128xi32, #tpu.memory_space<vmem>>
    %dma_start3A_127 = tpu.memref_squeeze %dma_start3A_126 : memref<1x1x128xi32, #tpu.memory_space<vmem>> -> memref<128xi32, #tpu.memory_space<vmem>>
    %dma_start3A_128 = arith.constant 0 : i32
    %dma_start3A_129 = arith.constant 0 : i32
    %dma_start3A_130 = tpu.memref_slice %arg2[%dma_start3A_128, %dma_start3A_129] : memref<10000x16xf32, #tpu.memory_space<hbm>> -> memref<10000x16xf32, #tpu.memory_space<hbm>>
    tpu.enqueue_indirect_dma source(%dma_start3A_130 : memref<10000x16xf32, #tpu.memory_space<hbm>>) target(%dma_start3A_124 : memref<128x16xf32, #tpu.memory_space<vmem>>) offsets(%dma_start3A_127 : memref<128xi32, #tpu.memory_space<vmem>>) semaphore(%arg16 : memref<!tpu.dma_semaphore, #tpu.memory_space<semaphore_mem>>)
    %dma_start3A_131 = arith.constant 1 : i32
    %dma_start3A_132 = arith.constant 2 : i32
    %dma_start3A_133 = arith.constant 256 : i32
    %dma_start3A_134 = arith.constant 0 : i32
    %dma_start3A_135 = tpu.memref_slice %arg11[%dma_start3A_133, %dma_start3A_134] : memref<512x16xf32, #tpu.memory_space<vmem>> -> memref<128x16xf32, #tpu.memory_space<vmem>>
    %dma_start3A_136 = arith.constant 0 : i32
    %dma_start3A_137 = tpu.memref_slice %arg9[%dma_start3A_131, %dma_start3A_132, %dma_start3A_136] : memref<2x4x128xi32, #tpu.memory_space<vmem>> -> memref<1x1x128xi32, #tpu.memory_space<vmem>>
    %dma_start3A_138 = tpu.memref_squeeze %dma_start3A_137 : memref<1x1x128xi32, #tpu.memory_space<vmem>> -> memref<128xi32, #tpu.memory_space<vmem>>
    %dma_start3A_139 = arith.constant 0 : i32
    %dma_start3A_140 = arith.constant 0 : i32
    %dma_start3A_141 = tpu.memref_slice %arg3[%dma_start3A_139, %dma_start3A_140] : memref<10000x16xf32, #tpu.memory_space<hbm>> -> memref<10000x16xf32, #tpu.memory_space<hbm>>
    tpu.enqueue_indirect_dma source(%dma_start3A_141 : memref<10000x16xf32, #tpu.memory_space<hbm>>) target(%dma_start3A_135 : memref<128x16xf32, #tpu.memory_space<vmem>>) offsets(%dma_start3A_138 : memref<128xi32, #tpu.memory_space<vmem>>) semaphore(%arg16 : memref<!tpu.dma_semaphore, #tpu.memory_space<semaphore_mem>>)
    %dma_start3A_142 = arith.constant 0 : i32
    %dma_start3A_143 = arith.constant 3 : i32
    %dma_start3A_144 = arith.constant 384 : i32
    %dma_start3A_145 = arith.constant 0 : i32
    %dma_start3A_146 = tpu.memref_slice %arg10[%dma_start3A_144, %dma_start3A_145] : memref<512x16xf32, #tpu.memory_space<vmem>> -> memref<128x16xf32, #tpu.memory_space<vmem>>
    %dma_start3A_147 = arith.constant 0 : i32
    %dma_start3A_148 = tpu.memref_slice %arg9[%dma_start3A_142, %dma_start3A_143, %dma_start3A_147] : memref<2x4x128xi32, #tpu.memory_space<vmem>> -> memref<1x1x128xi32, #tpu.memory_space<vmem>>
    %dma_start3A_149 = tpu.memref_squeeze %dma_start3A_148 : memref<1x1x128xi32, #tpu.memory_space<vmem>> -> memref<128xi32, #tpu.memory_space<vmem>>
    %dma_start3A_150 = arith.constant 0 : i32
    %dma_start3A_151 = arith.constant 0 : i32
    %dma_start3A_152 = tpu.memref_slice %arg2[%dma_start3A_150, %dma_start3A_151] : memref<10000x16xf32, #tpu.memory_space<hbm>> -> memref<10000x16xf32, #tpu.memory_space<hbm>>
    tpu.enqueue_indirect_dma source(%dma_start3A_152 : memref<10000x16xf32, #tpu.memory_space<hbm>>) target(%dma_start3A_146 : memref<128x16xf32, #tpu.memory_space<vmem>>) offsets(%dma_start3A_149 : memref<128xi32, #tpu.memory_space<vmem>>) semaphore(%arg16 : memref<!tpu.dma_semaphore, #tpu.memory_space<semaphore_mem>>)
    %dma_start3A_153 = arith.constant 1 : i32
    %dma_start3A_154 = arith.constant 3 : i32
    %dma_start3A_155 = arith.constant 384 : i32
    %dma_start3A_156 = arith.constant 0 : i32
    %dma_start3A_157 = tpu.memref_slice %arg11[%dma_start3A_155, %dma_start3A_156] : memref<512x16xf32, #tpu.memory_space<vmem>> -> memref<128x16xf32, #tpu.memory_space<vmem>>
    %dma_start3A_158 = arith.constant 0 : i32
    %dma_start3A_159 = tpu.memref_slice %arg9[%dma_start3A_153, %dma_start3A_154, %dma_start3A_158] : memref<2x4x128xi32, #tpu.memory_space<vmem>> -> memref<1x1x128xi32, #tpu.memory_space<vmem>>
    %dma_start3A_160 = tpu.memref_squeeze %dma_start3A_159 : memref<1x1x128xi32, #tpu.memory_space<vmem>> -> memref<128xi32, #tpu.memory_space<vmem>>
    %dma_start3A_161 = arith.constant 0 : i32
    %dma_start3A_162 = arith.constant 0 : i32
    %dma_start3A_163 = tpu.memref_slice %arg3[%dma_start3A_161, %dma_start3A_162] : memref<10000x16xf32, #tpu.memory_space<hbm>> -> memref<10000x16xf32, #tpu.memory_space<hbm>>
    tpu.enqueue_indirect_dma source(%dma_start3A_163 : memref<10000x16xf32, #tpu.memory_space<hbm>>) target(%dma_start3A_157 : memref<128x16xf32, #tpu.memory_space<vmem>>) offsets(%dma_start3A_160 : memref<128xi32, #tpu.memory_space<vmem>>) semaphore(%arg16 : memref<!tpu.dma_semaphore, #tpu.memory_space<semaphore_mem>>)
    %scan3A_164 = arith.constant 0 : i32
    %scan3A_165 = arith.constant 10 : i32
    %scan3A_166 = arith.addi %scan3A_164, %scan3A_165 : i32
    %scan3A_167 = arith.constant 1 : i32
    scf.for %scan3A_203 = %scan3A_164 to %scan3A_166 step %scan3A_167  : i32 {
      %mul3A_204 = arith.constant 2 : i32
      %mul3A_205 = arith.muli %scan3A_203, %mul3A_204 : i32
      %add3A_206 = arith.constant 0 : i32
      %add3A_207 = arith.addi %add3A_206, %mul3A_205 : i32
      %add3A_208 = arith.constant 0 : i32
      %add3A_209 = arith.addi %add3A_207, %add3A_208 : i32
      %mul3A_210 = arith.constant 32 : i32
      %mul3A_211 = arith.muli %add3A_209, %mul3A_210 : i32
      %add3A_212 = arith.addi %add3A, %mul3A_211 : i32
      %add3A_213 = arith.constant 1 : i32
      %add3A_214 = arith.addi %add3A_209, %add3A_213 : i32
      %mul3A_215 = arith.constant 32 : i32
      %mul3A_216 = arith.muli %add3A_214, %mul3A_215 : i32
      %add3A_217 = arith.addi %add3A, %mul3A_216 : i32
      %add3A_218 = arith.constant 2 : i32
      %add3A_219 = arith.addi %add3A_209, %add3A_218 : i32
      %mul3A_220 = arith.constant 32 : i32
      %mul3A_221 = arith.muli %add3A_219, %mul3A_220 : i32
      %add3A_222 = arith.addi %add3A, %mul3A_221 : i32
      %lt3A = arith.constant 625 : i32
      %lt3A_223 = arith.cmpi slt, %add3A_212, %lt3A : i32
      %convert_element_type3A = arith.extui %lt3A_223 : i1 to i32
      %cond3A = arith.constant 0 : i32
      %cond3A_224 = arith.cmpi ne, %convert_element_type3A, %cond3A : i32
      scf.if %cond3A_224 {
        %dma_wait3A_245 = arith.constant 0 : i32
        %dma_wait3A_246 = arith.constant 0 : i32
        %dma_wait3A_247 = arith.constant 0 : i32
        %dma_wait3A_248 = arith.constant 0 : i32
        %dma_wait3A_249 = tpu.memref_slice %arg10[%dma_wait3A_247, %dma_wait3A_248] : memref<512x16xf32, #tpu.memory_space<vmem>> -> memref<128x16xf32, #tpu.memory_space<vmem>>
        %dma_wait3A_250 = arith.constant 0 : i32
        %dma_wait3A_251 = tpu.memref_slice %arg9[%dma_wait3A_245, %dma_wait3A_246, %dma_wait3A_250] : memref<2x4x128xi32, #tpu.memory_space<vmem>> -> memref<1x1x128xi32, #tpu.memory_space<vmem>>
        %dma_wait3A_252 = tpu.memref_squeeze %dma_wait3A_251 : memref<1x1x128xi32, #tpu.memory_space<vmem>> -> memref<128xi32, #tpu.memory_space<vmem>>
        %dma_wait3A_253 = arith.constant 0 : i32
        %dma_wait3A_254 = arith.constant 0 : i32
        %dma_wait3A_255 = tpu.memref_slice %arg2[%dma_wait3A_253, %dma_wait3A_254] : memref<10000x16xf32, #tpu.memory_space<hbm>> -> memref<10000x16xf32, #tpu.memory_space<hbm>>
        tpu.wait_indirect_dma semaphore(%arg16 : memref<!tpu.dma_semaphore, #tpu.memory_space<semaphore_mem>>) src(%dma_wait3A_255 : memref<10000x16xf32, #tpu.memory_space<hbm>>) dst(%dma_wait3A_249 : memref<128x16xf32, #tpu.memory_space<vmem>>)
        %dma_wait3A_256 = arith.constant 1 : i32
        %dma_wait3A_257 = arith.constant 0 : i32
        %dma_wait3A_258 = arith.constant 0 : i32
        %dma_wait3A_259 = arith.constant 0 : i32
        %dma_wait3A_260 = tpu.memref_slice %arg11[%dma_wait3A_258, %dma_wait3A_259] : memref<512x16xf32, #tpu.memory_space<vmem>> -> memref<128x16xf32, #tpu.memory_space<vmem>>
        %dma_wait3A_261 = arith.constant 0 : i32
        %dma_wait3A_262 = tpu.memref_slice %arg9[%dma_wait3A_256, %dma_wait3A_257, %dma_wait3A_261] : memref<2x4x128xi32, #tpu.memory_space<vmem>> -> memref<1x1x128xi32, #tpu.memory_space<vmem>>
        %dma_wait3A_263 = tpu.memref_squeeze %dma_wait3A_262 : memref<1x1x128xi32, #tpu.memory_space<vmem>> -> memref<128xi32, #tpu.memory_space<vmem>>
        %dma_wait3A_264 = arith.constant 0 : i32
        %dma_wait3A_265 = arith.constant 0 : i32
        %dma_wait3A_266 = tpu.memref_slice %arg3[%dma_wait3A_264, %dma_wait3A_265] : memref<10000x16xf32, #tpu.memory_space<hbm>> -> memref<10000x16xf32, #tpu.memory_space<hbm>>
        tpu.wait_indirect_dma semaphore(%arg16 : memref<!tpu.dma_semaphore, #tpu.memory_space<semaphore_mem>>) src(%dma_wait3A_266 : memref<10000x16xf32, #tpu.memory_space<hbm>>) dst(%dma_wait3A_260 : memref<128x16xf32, #tpu.memory_space<vmem>>)
        %dma_wait3A_267 = arith.constant 0 : i32
        %dma_wait3A_268 = arith.constant 1 : i32
        %dma_wait3A_269 = arith.constant 128 : i32
        %dma_wait3A_270 = arith.constant 0 : i32
        %dma_wait3A_271 = tpu.memref_slice %arg10[%dma_wait3A_269, %dma_wait3A_270] : memref<512x16xf32, #tpu.memory_space<vmem>> -> memref<128x16xf32, #tpu.memory_space<vmem>>
        %dma_wait3A_272 = arith.constant 0 : i32
        %dma_wait3A_273 = tpu.memref_slice %arg9[%dma_wait3A_267, %dma_wait3A_268, %dma_wait3A_272] : memref<2x4x128xi32, #tpu.memory_space<vmem>> -> memref<1x1x128xi32, #tpu.memory_space<vmem>>
        %dma_wait3A_274 = tpu.memref_squeeze %dma_wait3A_273 : memref<1x1x128xi32, #tpu.memory_space<vmem>> -> memref<128xi32, #tpu.memory_space<vmem>>
        %dma_wait3A_275 = arith.constant 0 : i32
        %dma_wait3A_276 = arith.constant 0 : i32
        %dma_wait3A_277 = tpu.memref_slice %arg2[%dma_wait3A_275, %dma_wait3A_276] : memref<10000x16xf32, #tpu.memory_space<hbm>> -> memref<10000x16xf32, #tpu.memory_space<hbm>>
        tpu.wait_indirect_dma semaphore(%arg16 : memref<!tpu.dma_semaphore, #tpu.memory_space<semaphore_mem>>) src(%dma_wait3A_277 : memref<10000x16xf32, #tpu.memory_space<hbm>>) dst(%dma_wait3A_271 : memref<128x16xf32, #tpu.memory_space<vmem>>)
        %dma_wait3A_278 = arith.constant 1 : i32
        %dma_wait3A_279 = arith.constant 1 : i32
        %dma_wait3A_280 = arith.constant 128 : i32
        %dma_wait3A_281 = arith.constant 0 : i32
        %dma_wait3A_282 = tpu.memref_slice %arg11[%dma_wait3A_280, %dma_wait3A_281] : memref<512x16xf32, #tpu.memory_space<vmem>> -> memref<128x16xf32, #tpu.memory_space<vmem>>
        %dma_wait3A_283 = arith.constant 0 : i32
        %dma_wait3A_284 = tpu.memref_slice %arg9[%dma_wait3A_278, %dma_wait3A_279, %dma_wait3A_283] : memref<2x4x128xi32, #tpu.memory_space<vmem>> -> memref<1x1x128xi32, #tpu.memory_space<vmem>>
        %dma_wait3A_285 = tpu.memref_squeeze %dma_wait3A_284 : memref<1x1x128xi32, #tpu.memory_space<vmem>> -> memref<128xi32, #tpu.memory_space<vmem>>
        %dma_wait3A_286 = arith.constant 0 : i32
        %dma_wait3A_287 = arith.constant 0 : i32
        %dma_wait3A_288 = tpu.memref_slice %arg3[%dma_wait3A_286, %dma_wait3A_287] : memref<10000x16xf32, #tpu.memory_space<hbm>> -> memref<10000x16xf32, #tpu.memory_space<hbm>>
        tpu.wait_indirect_dma semaphore(%arg16 : memref<!tpu.dma_semaphore, #tpu.memory_space<semaphore_mem>>) src(%dma_wait3A_288 : memref<10000x16xf32, #tpu.memory_space<hbm>>) dst(%dma_wait3A_282 : memref<128x16xf32, #tpu.memory_space<vmem>>)
        %dma_wait3A_289 = arith.constant 0 : i32
        %dma_wait3A_290 = arith.constant 2 : i32
        %dma_wait3A_291 = arith.constant 256 : i32
        %dma_wait3A_292 = arith.constant 0 : i32
        %dma_wait3A_293 = tpu.memref_slice %arg10[%dma_wait3A_291, %dma_wait3A_292] : memref<512x16xf32, #tpu.memory_space<vmem>> -> memref<128x16xf32, #tpu.memory_space<vmem>>
        %dma_wait3A_294 = arith.constant 0 : i32
        %dma_wait3A_295 = tpu.memref_slice %arg9[%dma_wait3A_289, %dma_wait3A_290, %dma_wait3A_294] : memref<2x4x128xi32, #tpu.memory_space<vmem>> -> memref<1x1x128xi32, #tpu.memory_space<vmem>>
        %dma_wait3A_296 = tpu.memref_squeeze %dma_wait3A_295 : memref<1x1x128xi32, #tpu.memory_space<vmem>> -> memref<128xi32, #tpu.memory_space<vmem>>
        %dma_wait3A_297 = arith.constant 0 : i32
        %dma_wait3A_298 = arith.constant 0 : i32
        %dma_wait3A_299 = tpu.memref_slice %arg2[%dma_wait3A_297, %dma_wait3A_298] : memref<10000x16xf32, #tpu.memory_space<hbm>> -> memref<10000x16xf32, #tpu.memory_space<hbm>>
        tpu.wait_indirect_dma semaphore(%arg16 : memref<!tpu.dma_semaphore, #tpu.memory_space<semaphore_mem>>) src(%dma_wait3A_299 : memref<10000x16xf32, #tpu.memory_space<hbm>>) dst(%dma_wait3A_293 : memref<128x16xf32, #tpu.memory_space<vmem>>)
        %dma_wait3A_300 = arith.constant 1 : i32
        %dma_wait3A_301 = arith.constant 2 : i32
        %dma_wait3A_302 = arith.constant 256 : i32
        %dma_wait3A_303 = arith.constant 0 : i32
        %dma_wait3A_304 = tpu.memref_slice %arg11[%dma_wait3A_302, %dma_wait3A_303] : memref<512x16xf32, #tpu.memory_space<vmem>> -> memref<128x16xf32, #tpu.memory_space<vmem>>
        %dma_wait3A_305 = arith.constant 0 : i32
        %dma_wait3A_306 = tpu.memref_slice %arg9[%dma_wait3A_300, %dma_wait3A_301, %dma_wait3A_305] : memref<2x4x128xi32, #tpu.memory_space<vmem>> -> memref<1x1x128xi32, #tpu.memory_space<vmem>>
        %dma_wait3A_307 = tpu.memref_squeeze %dma_wait3A_306 : memref<1x1x128xi32, #tpu.memory_space<vmem>> -> memref<128xi32, #tpu.memory_space<vmem>>
        %dma_wait3A_308 = arith.constant 0 : i32
        %dma_wait3A_309 = arith.constant 0 : i32
        %dma_wait3A_310 = tpu.memref_slice %arg3[%dma_wait3A_308, %dma_wait3A_309] : memref<10000x16xf32, #tpu.memory_space<hbm>> -> memref<10000x16xf32, #tpu.memory_space<hbm>>
        tpu.wait_indirect_dma semaphore(%arg16 : memref<!tpu.dma_semaphore, #tpu.memory_space<semaphore_mem>>) src(%dma_wait3A_310 : memref<10000x16xf32, #tpu.memory_space<hbm>>) dst(%dma_wait3A_304 : memref<128x16xf32, #tpu.memory_space<vmem>>)
        %dma_wait3A_311 = arith.constant 0 : i32
        %dma_wait3A_312 = arith.constant 3 : i32
        %dma_wait3A_313 = arith.constant 384 : i32
        %dma_wait3A_314 = arith.constant 0 : i32
        %dma_wait3A_315 = tpu.memref_slice %arg10[%dma_wait3A_313, %dma_wait3A_314] : memref<512x16xf32, #tpu.memory_space<vmem>> -> memref<128x16xf32, #tpu.memory_space<vmem>>
        %dma_wait3A_316 = arith.constant 0 : i32
        %dma_wait3A_317 = tpu.memref_slice %arg9[%dma_wait3A_311, %dma_wait3A_312, %dma_wait3A_316] : memref<2x4x128xi32, #tpu.memory_space<vmem>> -> memref<1x1x128xi32, #tpu.memory_space<vmem>>
        %dma_wait3A_318 = tpu.memref_squeeze %dma_wait3A_317 : memref<1x1x128xi32, #tpu.memory_space<vmem>> -> memref<128xi32, #tpu.memory_space<vmem>>
        %dma_wait3A_319 = arith.constant 0 : i32
        %dma_wait3A_320 = arith.constant 0 : i32
        %dma_wait3A_321 = tpu.memref_slice %arg2[%dma_wait3A_319, %dma_wait3A_320] : memref<10000x16xf32, #tpu.memory_space<hbm>> -> memref<10000x16xf32, #tpu.memory_space<hbm>>
        tpu.wait_indirect_dma semaphore(%arg16 : memref<!tpu.dma_semaphore, #tpu.memory_space<semaphore_mem>>) src(%dma_wait3A_321 : memref<10000x16xf32, #tpu.memory_space<hbm>>) dst(%dma_wait3A_315 : memref<128x16xf32, #tpu.memory_space<vmem>>)
        %dma_wait3A_322 = arith.constant 1 : i32
        %dma_wait3A_323 = arith.constant 3 : i32
        %dma_wait3A_324 = arith.constant 384 : i32
        %dma_wait3A_325 = arith.constant 0 : i32
        %dma_wait3A_326 = tpu.memref_slice %arg11[%dma_wait3A_324, %dma_wait3A_325] : memref<512x16xf32, #tpu.memory_space<vmem>> -> memref<128x16xf32, #tpu.memory_space<vmem>>
        %dma_wait3A_327 = arith.constant 0 : i32
        %dma_wait3A_328 = tpu.memref_slice %arg9[%dma_wait3A_322, %dma_wait3A_323, %dma_wait3A_327] : memref<2x4x128xi32, #tpu.memory_space<vmem>> -> memref<1x1x128xi32, #tpu.memory_space<vmem>>
        %dma_wait3A_329 = tpu.memref_squeeze %dma_wait3A_328 : memref<1x1x128xi32, #tpu.memory_space<vmem>> -> memref<128xi32, #tpu.memory_space<vmem>>
        %dma_wait3A_330 = arith.constant 0 : i32
        %dma_wait3A_331 = arith.constant 0 : i32
        %dma_wait3A_332 = tpu.memref_slice %arg3[%dma_wait3A_330, %dma_wait3A_331] : memref<10000x16xf32, #tpu.memory_space<hbm>> -> memref<10000x16xf32, #tpu.memory_space<hbm>>
        tpu.wait_indirect_dma semaphore(%arg16 : memref<!tpu.dma_semaphore, #tpu.memory_space<semaphore_mem>>) src(%dma_wait3A_332 : memref<10000x16xf32, #tpu.memory_space<hbm>>) dst(%dma_wait3A_326 : memref<128x16xf32, #tpu.memory_space<vmem>>)
        %lt3A_333 = arith.constant 625 : i32
        %lt3A_334 = arith.cmpi slt, %add3A_217, %lt3A_333 : i32
        %convert_element_type3A_335 = arith.extui %lt3A_334 : i1 to i32
        %cond3A_336 = arith.constant 0 : i32
        %cond3A_337 = arith.cmpi ne, %convert_element_type3A_335, %cond3A_336 : i32
        scf.if %cond3A_337 {
          %dma_wait3A_380 = arith.constant 0 : i32
          %dma_wait3A_381 = arith.constant 0 : i32
          %dma_wait3A_382 = arith.constant 0 : i32
          %dma_wait3A_383 = tpu.memref_slice %arg5[%dma_wait3A_380, %dma_wait3A_381, %dma_wait3A_382] : memref<2x2500x128xi32, #tpu.memory_space<hbm>> -> memref<2x4x128xi32, #tpu.memory_space<hbm>>
          %dma_wait3A_384 = arith.constant 0 : i32
          %dma_wait3A_385 = arith.constant 0 : i32
          %dma_wait3A_386 = arith.constant 0 : i32
          %dma_wait3A_387 = tpu.memref_slice %arg5[%dma_wait3A_384, %dma_wait3A_385, %dma_wait3A_386] : memref<2x2500x128xi32, #tpu.memory_space<hbm>> -> memref<2x4x128xi32, #tpu.memory_space<hbm>>
          tpu.wait_dma2 semaphore(%arg24 : memref<!tpu.dma_semaphore, #tpu.memory_space<semaphore_mem>>) src(%dma_wait3A_387 : memref<2x4x128xi32, #tpu.memory_space<hbm>>) dst(%arg18 : memref<2x4x128xi32, #tpu.memory_space<vmem>>)
          %dma_wait3A_388 = arith.constant 0 : i32
          %dma_wait3A_389 = arith.constant 0 : i32
          %dma_wait3A_390 = tpu.memref_slice %arg21[%dma_wait3A_388, %dma_wait3A_389] : memref<16x513xf32, #tpu.memory_space<vmem>> -> memref<16x512xf32, #tpu.memory_space<vmem>>
          %dma_wait3A_391 = arith.constant 0 : i32
          %dma_wait3A_392 = arith.constant 0 : i32
          %dma_wait3A_393 = tpu.memref_slice %arg4[%dma_wait3A_391, %dma_wait3A_392] : memref<16x320000xf32, #tpu.memory_space<hbm>> -> memref<16x512xf32, #tpu.memory_space<hbm>>
          %dma_wait3A_394 = arith.constant 0 : i32
          %dma_wait3A_395 = arith.constant 0 : i32
          %dma_wait3A_396 = tpu.memref_slice %arg21[%dma_wait3A_394, %dma_wait3A_395] : memref<16x513xf32, #tpu.memory_space<vmem>> -> memref<16x512xf32, #tpu.memory_space<vmem>>
          %dma_wait3A_397 = arith.constant 0 : i32
          %dma_wait3A_398 = arith.constant 0 : i32
          %dma_wait3A_399 = tpu.memref_slice %arg4[%dma_wait3A_397, %dma_wait3A_398] : memref<16x320000xf32, #tpu.memory_space<hbm>> -> memref<16x512xf32, #tpu.memory_space<hbm>>
          tpu.wait_dma2 semaphore(%arg24 : memref<!tpu.dma_semaphore, #tpu.memory_space<semaphore_mem>>) src(%dma_wait3A_399 : memref<16x512xf32, #tpu.memory_space<hbm>>) dst(%dma_wait3A_396 : memref<16x512xf32, #tpu.memory_space<vmem>>)
          %dma_start3A_400 = arith.constant 0 : i32
          %dma_start3A_401 = arith.constant 0 : i32
          %dma_start3A_402 = arith.constant 0 : i32
          %dma_start3A_403 = arith.constant 0 : i32
          %dma_start3A_404 = tpu.memref_slice %arg19[%dma_start3A_402, %dma_start3A_403] : memref<512x16xf32, #tpu.memory_space<vmem>> -> memref<128x16xf32, #tpu.memory_space<vmem>>
          %dma_start3A_405 = arith.constant 0 : i32
          %dma_start3A_406 = tpu.memref_slice %arg18[%dma_start3A_400, %dma_start3A_401, %dma_start3A_405] : memref<2x4x128xi32, #tpu.memory_space<vmem>> -> memref<1x1x128xi32, #tpu.memory_space<vmem>>
          %dma_start3A_407 = tpu.memref_squeeze %dma_start3A_406 : memref<1x1x128xi32, #tpu.memory_space<vmem>> -> memref<128xi32, #tpu.memory_space<vmem>>
          %dma_start3A_408 = arith.constant 0 : i32
          %dma_start3A_409 = arith.constant 0 : i32
          %dma_start3A_410 = tpu.memref_slice %arg2[%dma_start3A_408, %dma_start3A_409] : memref<10000x16xf32, #tpu.memory_space<hbm>> -> memref<10000x16xf32, #tpu.memory_space<hbm>>
          tpu.enqueue_indirect_dma source(%dma_start3A_410 : memref<10000x16xf32, #tpu.memory_space<hbm>>) target(%dma_start3A_404 : memref<128x16xf32, #tpu.memory_space<vmem>>) offsets(%dma_start3A_407 : memref<128xi32, #tpu.memory_space<vmem>>) semaphore(%arg25 : memref<!tpu.dma_semaphore, #tpu.memory_space<semaphore_mem>>)
          %dma_start3A_411 = arith.constant 1 : i32
          %dma_start3A_412 = arith.constant 0 : i32
          %dma_start3A_413 = arith.constant 0 : i32
          %dma_start3A_414 = arith.constant 0 : i32
          %dma_start3A_415 = tpu.memref_slice %arg20[%dma_start3A_413, %dma_start3A_414] : memref<512x16xf32, #tpu.memory_space<vmem>> -> memref<128x16xf32, #tpu.memory_space<vmem>>
          %dma_start3A_416 = arith.constant 0 : i32
          %dma_start3A_417 = tpu.memref_slice %arg18[%dma_start3A_411, %dma_start3A_412, %dma_start3A_416] : memref<2x4x128xi32, #tpu.memory_space<vmem>> -> memref<1x1x128xi32, #tpu.memory_space<vmem>>
          %dma_start3A_418 = tpu.memref_squeeze %dma_start3A_417 : memref<1x1x128xi32, #tpu.memory_space<vmem>> -> memref<128xi32, #tpu.memory_space<vmem>>
          %dma_start3A_419 = arith.constant 0 : i32
          %dma_start3A_420 = arith.constant 0 : i32
          %dma_start3A_421 = tpu.memref_slice %arg3[%dma_start3A_419, %dma_start3A_420] : memref<10000x16xf32, #tpu.memory_space<hbm>> -> memref<10000x16xf32, #tpu.memory_space<hbm>>
          tpu.enqueue_indirect_dma source(%dma_start3A_421 : memref<10000x16xf32, #tpu.memory_space<hbm>>) target(%dma_start3A_415 : memref<128x16xf32, #tpu.memory_space<vmem>>) offsets(%dma_start3A_418 : memref<128xi32, #tpu.memory_space<vmem>>) semaphore(%arg25 : memref<!tpu.dma_semaphore, #tpu.memory_space<semaphore_mem>>)
          %dma_start3A_422 = arith.constant 0 : i32
          %dma_start3A_423 = arith.constant 1 : i32
          %dma_start3A_424 = arith.constant 128 : i32
          %dma_start3A_425 = arith.constant 0 : i32
          %dma_start3A_426 = tpu.memref_slice %arg19[%dma_start3A_424, %dma_start3A_425] : memref<512x16xf32, #tpu.memory_space<vmem>> -> memref<128x16xf32, #tpu.memory_space<vmem>>
          %dma_start3A_427 = arith.constant 0 : i32
          %dma_start3A_428 = tpu.memref_slice %arg18[%dma_start3A_422, %dma_start3A_423, %dma_start3A_427] : memref<2x4x128xi32, #tpu.memory_space<vmem>> -> memref<1x1x128xi32, #tpu.memory_space<vmem>>
          %dma_start3A_429 = tpu.memref_squeeze %dma_start3A_428 : memref<1x1x128xi32, #tpu.memory_space<vmem>> -> memref<128xi32, #tpu.memory_space<vmem>>
          %dma_start3A_430 = arith.constant 0 : i32
          %dma_start3A_431 = arith.constant 0 : i32
          %dma_start3A_432 = tpu.memref_slice %arg2[%dma_start3A_430, %dma_start3A_431] : memref<10000x16xf32, #tpu.memory_space<hbm>> -> memref<10000x16xf32, #tpu.memory_space<hbm>>
          tpu.enqueue_indirect_dma source(%dma_start3A_432 : memref<10000x16xf32, #tpu.memory_space<hbm>>) target(%dma_start3A_426 : memref<128x16xf32, #tpu.memory_space<vmem>>) offsets(%dma_start3A_429 : memref<128xi32, #tpu.memory_space<vmem>>) semaphore(%arg25 : memref<!tpu.dma_semaphore, #tpu.memory_space<semaphore_mem>>)
          %dma_start3A_433 = arith.constant 1 : i32
          %dma_start3A_434 = arith.constant 1 : i32
          %dma_start3A_435 = arith.constant 128 : i32
          %dma_start3A_436 = arith.constant 0 : i32
          %dma_start3A_437 = tpu.memref_slice %arg20[%dma_start3A_435, %dma_start3A_436] : memref<512x16xf32, #tpu.memory_space<vmem>> -> memref<128x16xf32, #tpu.memory_space<vmem>>
          %dma_start3A_438 = arith.constant 0 : i32
          %dma_start3A_439 = tpu.memref_slice %arg18[%dma_start3A_433, %dma_start3A_434, %dma_start3A_438] : memref<2x4x128xi32, #tpu.memory_space<vmem>> -> memref<1x1x128xi32, #tpu.memory_space<vmem>>
          %dma_start3A_440 = tpu.memref_squeeze %dma_start3A_439 : memref<1x1x128xi32, #tpu.memory_space<vmem>> -> memref<128xi32, #tpu.memory_space<vmem>>
          %dma_start3A_441 = arith.constant 0 : i32
          %dma_start3A_442 = arith.constant 0 : i32
          %dma_start3A_443 = tpu.memref_slice %arg3[%dma_start3A_441, %dma_start3A_442] : memref<10000x16xf32, #tpu.memory_space<hbm>> -> memref<10000x16xf32, #tpu.memory_space<hbm>>
          tpu.enqueue_indirect_dma source(%dma_start3A_443 : memref<10000x16xf32, #tpu.memory_space<hbm>>) target(%dma_start3A_437 : memref<128x16xf32, #tpu.memory_space<vmem>>) offsets(%dma_start3A_440 : memref<128xi32, #tpu.memory_space<vmem>>) semaphore(%arg25 : memref<!tpu.dma_semaphore, #tpu.memory_space<semaphore_mem>>)
          %dma_start3A_444 = arith.constant 0 : i32
          %dma_start3A_445 = arith.constant 2 : i32
          %dma_start3A_446 = arith.constant 256 : i32
          %dma_start3A_447 = arith.constant 0 : i32
          %dma_start3A_448 = tpu.memref_slice %arg19[%dma_start3A_446, %dma_start3A_447] : memref<512x16xf32, #tpu.memory_space<vmem>> -> memref<128x16xf32, #tpu.memory_space<vmem>>
          %dma_start3A_449 = arith.constant 0 : i32
          %dma_start3A_450 = tpu.memref_slice %arg18[%dma_start3A_444, %dma_start3A_445, %dma_start3A_449] : memref<2x4x128xi32, #tpu.memory_space<vmem>> -> memref<1x1x128xi32, #tpu.memory_space<vmem>>
          %dma_start3A_451 = tpu.memref_squeeze %dma_start3A_450 : memref<1x1x128xi32, #tpu.memory_space<vmem>> -> memref<128xi32, #tpu.memory_space<vmem>>
          %dma_start3A_452 = arith.constant 0 : i32
          %dma_start3A_453 = arith.constant 0 : i32
          %dma_start3A_454 = tpu.memref_slice %arg2[%dma_start3A_452, %dma_start3A_453] : memref<10000x16xf32, #tpu.memory_space<hbm>> -> memref<10000x16xf32, #tpu.memory_space<hbm>>
          tpu.enqueue_indirect_dma source(%dma_start3A_454 : memref<10000x16xf32, #tpu.memory_space<hbm>>) target(%dma_start3A_448 : memref<128x16xf32, #tpu.memory_space<vmem>>) offsets(%dma_start3A_451 : memref<128xi32, #tpu.memory_space<vmem>>) semaphore(%arg25 : memref<!tpu.dma_semaphore, #tpu.memory_space<semaphore_mem>>)
          %dma_start3A_455 = arith.constant 1 : i32
          %dma_start3A_456 = arith.constant 2 : i32
          %dma_start3A_457 = arith.constant 256 : i32
          %dma_start3A_458 = arith.constant 0 : i32
          %dma_start3A_459 = tpu.memref_slice %arg20[%dma_start3A_457, %dma_start3A_458] : memref<512x16xf32, #tpu.memory_space<vmem>> -> memref<128x16xf32, #tpu.memory_space<vmem>>
          %dma_start3A_460 = arith.constant 0 : i32
          %dma_start3A_461 = tpu.memref_slice %arg18[%dma_start3A_455, %dma_start3A_456, %dma_start3A_460] : memref<2x4x128xi32, #tpu.memory_space<vmem>> -> memref<1x1x128xi32, #tpu.memory_space<vmem>>
          %dma_start3A_462 = tpu.memref_squeeze %dma_start3A_461 : memref<1x1x128xi32, #tpu.memory_space<vmem>> -> memref<128xi32, #tpu.memory_space<vmem>>
          %dma_start3A_463 = arith.constant 0 : i32
          %dma_start3A_464 = arith.constant 0 : i32
          %dma_start3A_465 = tpu.memref_slice %arg3[%dma_start3A_463, %dma_start3A_464] : memref<10000x16xf32, #tpu.memory_space<hbm>> -> memref<10000x16xf32, #tpu.memory_space<hbm>>
          tpu.enqueue_indirect_dma source(%dma_start3A_465 : memref<10000x16xf32, #tpu.memory_space<hbm>>) target(%dma_start3A_459 : memref<128x16xf32, #tpu.memory_space<vmem>>) offsets(%dma_start3A_462 : memref<128xi32, #tpu.memory_space<vmem>>) semaphore(%arg25 : memref<!tpu.dma_semaphore, #tpu.memory_space<semaphore_mem>>)
          %dma_start3A_466 = arith.constant 0 : i32
          %dma_start3A_467 = arith.constant 3 : i32
          %dma_start3A_468 = arith.constant 384 : i32
          %dma_start3A_469 = arith.constant 0 : i32
          %dma_start3A_470 = tpu.memref_slice %arg19[%dma_start3A_468, %dma_start3A_469] : memref<512x16xf32, #tpu.memory_space<vmem>> -> memref<128x16xf32, #tpu.memory_space<vmem>>
          %dma_start3A_471 = arith.constant 0 : i32
          %dma_start3A_472 = tpu.memref_slice %arg18[%dma_start3A_466, %dma_start3A_467, %dma_start3A_471] : memref<2x4x128xi32, #tpu.memory_space<vmem>> -> memref<1x1x128xi32, #tpu.memory_space<vmem>>
          %dma_start3A_473 = tpu.memref_squeeze %dma_start3A_472 : memref<1x1x128xi32, #tpu.memory_space<vmem>> -> memref<128xi32, #tpu.memory_space<vmem>>
          %dma_start3A_474 = arith.constant 0 : i32
          %dma_start3A_475 = arith.constant 0 : i32
          %dma_start3A_476 = tpu.memref_slice %arg2[%dma_start3A_474, %dma_start3A_475] : memref<10000x16xf32, #tpu.memory_space<hbm>> -> memref<10000x16xf32, #tpu.memory_space<hbm>>
          tpu.enqueue_indirect_dma source(%dma_start3A_476 : memref<10000x16xf32, #tpu.memory_space<hbm>>) target(%dma_start3A_470 : memref<128x16xf32, #tpu.memory_space<vmem>>) offsets(%dma_start3A_473 : memref<128xi32, #tpu.memory_space<vmem>>) semaphore(%arg25 : memref<!tpu.dma_semaphore, #tpu.memory_space<semaphore_mem>>)
          %dma_start3A_477 = arith.constant 1 : i32
          %dma_start3A_478 = arith.constant 3 : i32
          %dma_start3A_479 = arith.constant 384 : i32
          %dma_start3A_480 = arith.constant 0 : i32
          %dma_start3A_481 = tpu.memref_slice %arg20[%dma_start3A_479, %dma_start3A_480] : memref<512x16xf32, #tpu.memory_space<vmem>> -> memref<128x16xf32, #tpu.memory_space<vmem>>
          %dma_start3A_482 = arith.constant 0 : i32
          %dma_start3A_483 = tpu.memref_slice %arg18[%dma_start3A_477, %dma_start3A_478, %dma_start3A_482] : memref<2x4x128xi32, #tpu.memory_space<vmem>> -> memref<1x1x128xi32, #tpu.memory_space<vmem>>
          %dma_start3A_484 = tpu.memref_squeeze %dma_start3A_483 : memref<1x1x128xi32, #tpu.memory_space<vmem>> -> memref<128xi32, #tpu.memory_space<vmem>>
          %dma_start3A_485 = arith.constant 0 : i32
          %dma_start3A_486 = arith.constant 0 : i32
          %dma_start3A_487 = tpu.memref_slice %arg3[%dma_start3A_485, %dma_start3A_486] : memref<10000x16xf32, #tpu.memory_space<hbm>> -> memref<10000x16xf32, #tpu.memory_space<hbm>>
          tpu.enqueue_indirect_dma source(%dma_start3A_487 : memref<10000x16xf32, #tpu.memory_space<hbm>>) target(%dma_start3A_481 : memref<128x16xf32, #tpu.memory_space<vmem>>) offsets(%dma_start3A_484 : memref<128xi32, #tpu.memory_space<vmem>>) semaphore(%arg25 : memref<!tpu.dma_semaphore, #tpu.memory_space<semaphore_mem>>)
        } else {
        }
        %ge3A = arith.constant 2 : i32
        %ge3A_338 = arith.cmpi sge, %add3A_209, %ge3A : i32
        %convert_element_type3A_339 = arith.extui %ge3A_338 : i1 to i32
        %cond3A_340 = arith.constant 0 : i32
        %cond3A_341 = arith.cmpi ne, %convert_element_type3A_339, %cond3A_340 : i32
        scf.if %cond3A_341 {
          %dma_wait3A_380 = arith.constant 0 : i32
          %dma_wait3A_381 = arith.constant 0 : i32
          %dma_wait3A_382 = tpu.memref_slice %arg14[%dma_wait3A_380, %dma_wait3A_381] : memref<16x513xf32, #tpu.memory_space<vmem>> -> memref<16x512xf32, #tpu.memory_space<vmem>>
          %dma_wait3A_383 = arith.constant 0 : i32
          %dma_wait3A_384 = arith.constant 0 : i32
          %dma_wait3A_385 = tpu.memref_slice %arg6[%dma_wait3A_383, %dma_wait3A_384] : memref<16x320000xf32, #tpu.memory_space<hbm>> -> memref<16x512xf32, #tpu.memory_space<hbm>>
          %dma_wait3A_386 = arith.constant 0 : i32
          %dma_wait3A_387 = arith.constant 0 : i32
          %dma_wait3A_388 = tpu.memref_slice %arg6[%dma_wait3A_386, %dma_wait3A_387] : memref<16x320000xf32, #tpu.memory_space<hbm>> -> memref<16x512xf32, #tpu.memory_space<hbm>>
          %dma_wait3A_389 = arith.constant 0 : i32
          %dma_wait3A_390 = arith.constant 0 : i32
          %dma_wait3A_391 = tpu.memref_slice %arg14[%dma_wait3A_389, %dma_wait3A_390] : memref<16x513xf32, #tpu.memory_space<vmem>> -> memref<16x512xf32, #tpu.memory_space<vmem>>
          tpu.wait_dma2 semaphore(%arg17 : memref<!tpu.dma_semaphore, #tpu.memory_space<semaphore_mem>>) src(%dma_wait3A_391 : memref<16x512xf32, #tpu.memory_space<vmem>>) dst(%dma_wait3A_388 : memref<16x512xf32, #tpu.memory_space<hbm>>)
        } else {
        }
        %scan3A_342 = arith.constant 0 : i32
        %scan3A_343 = arith.constant 512 : i32
        %scan3A_344 = arith.addi %scan3A_342, %scan3A_343 : i32
        %scan3A_345 = arith.constant 4 : i32
        scf.for %scan3A_380 = %scan3A_342 to %scan3A_344 step %scan3A_345  : i32 {
          %mul3A_381 = arith.constant 1 : i32
          %mul3A_382 = arith.muli %scan3A_380, %mul3A_381 : i32
          %add3A_383 = arith.constant 0 : i32
          %add3A_384 = arith.addi %add3A_383, %mul3A_382 : i32
          %broadcast_in_dim3A = vector.broadcast %add3A_384 : i32 to vector<16xi32>
          %gather3A = tpu.vector_load_idx %arg12[%iota3A, %broadcast_in_dim3A] : memref<16x513xf32, #tpu.memory_space<vmem>>[vector<16xi32>, vector<16xi32>], vector<16xf32>,
          %get3A = arith.index_cast %add3A_384 : i32 to index
          %get3A_385 = arith.constant 0 : index
          %get3A_386 = tpu.vector_load %arg10[%get3A, %get3A_385] {strides = array<i32>} : memref<512x16xf32, #tpu.memory_space<vmem>>, vector<16xf32>,
          %get3A_387 = arith.index_cast %add3A_384 : i32 to index
          %get3A_388 = arith.constant 0 : index
          %get3A_389 = tpu.vector_load %arg11[%get3A_387, %get3A_388] {strides = array<i32>} : memref<512x16xf32, #tpu.memory_space<vmem>>, vector<16xf32>,
          %add3A_390 = arith.addf %get3A_386, %get3A_389 : vector<16xf32>
          %add3A_391 = arith.addf %add3A_390, %gather3A : vector<16xf32>
          %swap3A = arith.index_cast %add3A_384 : i32 to index
          %swap3A_392 = arith.constant 0 : index
          %swap3A_393 = tpu.vector_load %arg13[%swap3A, %swap3A_392] {strides = array<i32>} : memref<512x16xf32, #tpu.memory_space<vmem>>, vector<16xf32>,
          tpu.vector_store %arg13[%swap3A, %swap3A_392], %add3A_391 {strides = array<i32>} : memref<512x16xf32, #tpu.memory_space<vmem>>, vector<16xf32>,
          tpu.vector_store_idx %arg14[%iota3A, %broadcast_in_dim3A], %add3A_391 : memref<16x513xf32, #tpu.memory_space<vmem>>[vector<16xi32>, vector<16xi32>], vector<16xf32>,
          %scan3A_394 = arith.constant 1 : i32
          %scan3A_395 = arith.addi %scan3A_380, %scan3A_394 : i32
          %mul3A_396 = arith.constant 1 : i32
          %mul3A_397 = arith.muli %scan3A_395, %mul3A_396 : i32
          %add3A_398 = arith.constant 0 : i32
          %add3A_399 = arith.addi %add3A_398, %mul3A_397 : i32
          %broadcast_in_dim3A_400 = vector.broadcast %add3A_399 : i32 to vector<16xi32>
          %gather3A_401 = tpu.vector_load_idx %arg12[%iota3A, %broadcast_in_dim3A_400] : memref<16x513xf32, #tpu.memory_space<vmem>>[vector<16xi32>, vector<16xi32>], vector<16xf32>,
          %get3A_402 = arith.index_cast %add3A_399 : i32 to index
          %get3A_403 = arith.constant 0 : index
          %get3A_404 = tpu.vector_load %arg10[%get3A_402, %get3A_403] {strides = array<i32>} : memref<512x16xf32, #tpu.memory_space<vmem>>, vector<16xf32>,
          %get3A_405 = arith.index_cast %add3A_399 : i32 to index
          %get3A_406 = arith.constant 0 : index
          %get3A_407 = tpu.vector_load %arg11[%get3A_405, %get3A_406] {strides = array<i32>} : memref<512x16xf32, #tpu.memory_space<vmem>>, vector<16xf32>,
          %add3A_408 = arith.addf %get3A_404, %get3A_407 : vector<16xf32>
          %add3A_409 = arith.addf %add3A_408, %gather3A_401 : vector<16xf32>
          %swap3A_410 = arith.index_cast %add3A_399 : i32 to index
          %swap3A_411 = arith.constant 0 : index
          %swap3A_412 = tpu.vector_load %arg13[%swap3A_410, %swap3A_411] {strides = array<i32>} : memref<512x16xf32, #tpu.memory_space<vmem>>, vector<16xf32>,
          tpu.vector_store %arg13[%swap3A_410, %swap3A_411], %add3A_409 {strides = array<i32>} : memref<512x16xf32, #tpu.memory_space<vmem>>, vector<16xf32>,
          tpu.vector_store_idx %arg14[%iota3A, %broadcast_in_dim3A_400], %add3A_409 : memref<16x513xf32, #tpu.memory_space<vmem>>[vector<16xi32>, vector<16xi32>], vector<16xf32>,
          %scan3A_413 = arith.constant 2 : i32
          %scan3A_414 = arith.addi %scan3A_380, %scan3A_413 : i32
          %mul3A_415 = arith.constant 1 : i32
          %mul3A_416 = arith.muli %scan3A_414, %mul3A_415 : i32
          %add3A_417 = arith.constant 0 : i32
          %add3A_418 = arith.addi %add3A_417, %mul3A_416 : i32
          %broadcast_in_dim3A_419 = vector.broadcast %add3A_418 : i32 to vector<16xi32>
          %gather3A_420 = tpu.vector_load_idx %arg12[%iota3A, %broadcast_in_dim3A_419] : memref<16x513xf32, #tpu.memory_space<vmem>>[vector<16xi32>, vector<16xi32>], vector<16xf32>,
          %get3A_421 = arith.index_cast %add3A_418 : i32 to index
          %get3A_422 = arith.constant 0 : index
          %get3A_423 = tpu.vector_load %arg10[%get3A_421, %get3A_422] {strides = array<i32>} : memref<512x16xf32, #tpu.memory_space<vmem>>, vector<16xf32>,
          %get3A_424 = arith.index_cast %add3A_418 : i32 to index
          %get3A_425 = arith.constant 0 : index
          %get3A_426 = tpu.vector_load %arg11[%get3A_424, %get3A_425] {strides = array<i32>} : memref<512x16xf32, #tpu.memory_space<vmem>>, vector<16xf32>,
          %add3A_427 = arith.addf %get3A_423, %get3A_426 : vector<16xf32>
          %add3A_428 = arith.addf %add3A_427, %gather3A_420 : vector<16xf32>
          %swap3A_429 = arith.index_cast %add3A_418 : i32 to index
          %swap3A_430 = arith.constant 0 : index
          %swap3A_431 = tpu.vector_load %arg13[%swap3A_429, %swap3A_430] {strides = array<i32>} : memref<512x16xf32, #tpu.memory_space<vmem>>, vector<16xf32>,
          tpu.vector_store %arg13[%swap3A_429, %swap3A_430], %add3A_428 {strides = array<i32>} : memref<512x16xf32, #tpu.memory_space<vmem>>, vector<16xf32>,
          tpu.vector_store_idx %arg14[%iota3A, %broadcast_in_dim3A_419], %add3A_428 : memref<16x513xf32, #tpu.memory_space<vmem>>[vector<16xi32>, vector<16xi32>], vector<16xf32>,
          %scan3A_432 = arith.constant 3 : i32
          %scan3A_433 = arith.addi %scan3A_380, %scan3A_432 : i32
          %mul3A_434 = arith.constant 1 : i32
          %mul3A_435 = arith.muli %scan3A_433, %mul3A_434 : i32
          %add3A_436 = arith.constant 0 : i32
          %add3A_437 = arith.addi %add3A_436, %mul3A_435 : i32
          %broadcast_in_dim3A_438 = vector.broadcast %add3A_437 : i32 to vector<16xi32>
          %gather3A_439 = tpu.vector_load_idx %arg12[%iota3A, %broadcast_in_dim3A_438] : memref<16x513xf32, #tpu.memory_space<vmem>>[vector<16xi32>, vector<16xi32>], vector<16xf32>,
          %get3A_440 = arith.index_cast %add3A_437 : i32 to index
          %get3A_441 = arith.constant 0 : index
          %get3A_442 = tpu.vector_load %arg10[%get3A_440, %get3A_441] {strides = array<i32>} : memref<512x16xf32, #tpu.memory_space<vmem>>, vector<16xf32>,
          %get3A_443 = arith.index_cast %add3A_437 : i32 to index
          %get3A_444 = arith.constant 0 : index
          %get3A_445 = tpu.vector_load %arg11[%get3A_443, %get3A_444] {strides = array<i32>} : memref<512x16xf32, #tpu.memory_space<vmem>>, vector<16xf32>,
          %add3A_446 = arith.addf %get3A_442, %get3A_445 : vector<16xf32>
          %add3A_447 = arith.addf %add3A_446, %gather3A_439 : vector<16xf32>
          %swap3A_448 = arith.index_cast %add3A_437 : i32 to index
          %swap3A_449 = arith.constant 0 : index
          %swap3A_450 = tpu.vector_load %arg13[%swap3A_448, %swap3A_449] {strides = array<i32>} : memref<512x16xf32, #tpu.memory_space<vmem>>, vector<16xf32>,
          tpu.vector_store %arg13[%swap3A_448, %swap3A_449], %add3A_447 {strides = array<i32>} : memref<512x16xf32, #tpu.memory_space<vmem>>, vector<16xf32>,
          tpu.vector_store_idx %arg14[%iota3A, %broadcast_in_dim3A_438], %add3A_447 : memref<16x513xf32, #tpu.memory_space<vmem>>[vector<16xi32>, vector<16xi32>], vector<16xf32>,
        }
        %scan3A_346 = arith.constant 512 : i32
        %mul3A_347 = arith.constant 512 : i32
        %mul3A_348 = arith.muli %add3A_212, %mul3A_347 : i32
        %multiple_of3A_349 = tpu.assume_multiple %mul3A_348, 512 : i32
        %dma_start3A_350 = arith.constant 0 : i32
        %dma_start3A_351 = arith.constant 0 : i32
        %dma_start3A_352 = tpu.memref_slice %arg14[%dma_start3A_350, %dma_start3A_351] : memref<16x513xf32, #tpu.memory_space<vmem>> -> memref<16x512xf32, #tpu.memory_space<vmem>>
        %dma_start3A_353 = arith.constant 0 : i32
        %dma_start3A_354 = tpu.memref_slice %arg6[%dma_start3A_353, %multiple_of3A_349] : memref<16x320000xf32, #tpu.memory_space<hbm>> -> memref<16x512xf32, #tpu.memory_space<hbm>>
        %dma_start3A_355 = arith.constant 0 : i32
        %dma_start3A_356 = tpu.memref_slice %arg6[%dma_start3A_355, %multiple_of3A_349] : memref<16x320000xf32, #tpu.memory_space<hbm>> -> memref<16x512xf32, #tpu.memory_space<hbm>>
        %dma_start3A_357 = arith.constant 0 : i32
        %dma_start3A_358 = arith.constant 0 : i32
        %dma_start3A_359 = tpu.memref_slice %arg14[%dma_start3A_357, %dma_start3A_358] : memref<16x513xf32, #tpu.memory_space<vmem>> -> memref<16x512xf32, #tpu.memory_space<vmem>>
        tpu.enqueue_dma source(%dma_start3A_359 : memref<16x512xf32, #tpu.memory_space<vmem>>) target(%dma_start3A_356 : memref<16x512xf32, #tpu.memory_space<hbm>>) target_semaphore(%arg17 : memref<!tpu.dma_semaphore, #tpu.memory_space<semaphore_mem>>)
        %run_scoped3A = arith.constant 1 : i32
        %run_scoped3A_360 = arith.constant 0 : i32
        "tpu.region"() ({
          %run_scoped3A_380 = tpu.sem_alloc : memref<!tpu.dma_semaphore, #tpu.memory_space<semaphore_mem>>
          %dma_start3A_381 = arith.constant 0 : i32
          %dma_start3A_382 = arith.constant 0 : i32
          %dma_start3A_383 = tpu.memref_slice %arg13[%dma_start3A_381, %dma_start3A_382] : memref<512x16xf32, #tpu.memory_space<vmem>> -> memref<128x16xf32, #tpu.memory_space<vmem>>
          %dma_start3A_384 = arith.constant 0 : i32
          %dma_start3A_385 = tpu.memref_slice %arg9[%run_scoped3A, %run_scoped3A_360, %dma_start3A_384] : memref<2x4x128xi32, #tpu.memory_space<vmem>> -> memref<1x1x128xi32, #tpu.memory_space<vmem>>
          %dma_start3A_386 = tpu.memref_squeeze %dma_start3A_385 : memref<1x1x128xi32, #tpu.memory_space<vmem>> -> memref<128xi32, #tpu.memory_space<vmem>>
          %dma_start3A_387 = arith.constant 0 : i32
          %dma_start3A_388 = arith.constant 0 : i32
          %dma_start3A_389 = tpu.memref_slice %arg28[%dma_start3A_387, %dma_start3A_388] : memref<10240x16xf32, #tpu.memory_space<vmem_shared>> -> memref<10240x16xf32, #tpu.memory_space<vmem_shared>>
          tpu.enqueue_indirect_dma source(%dma_start3A_383 : memref<128x16xf32, #tpu.memory_space<vmem>>) target(%dma_start3A_389 : memref<10240x16xf32, #tpu.memory_space<vmem_shared>>) offsets(%dma_start3A_386 : memref<128xi32, #tpu.memory_space<vmem>>) semaphore(%run_scoped3A_380 : memref<!tpu.dma_semaphore, #tpu.memory_space<semaphore_mem>>) {add = true}
          %dma_wait3A_390 = arith.constant 0 : i32
          %dma_wait3A_391 = arith.constant 0 : i32
          %dma_wait3A_392 = tpu.memref_slice %arg13[%dma_wait3A_390, %dma_wait3A_391] : memref<512x16xf32, #tpu.memory_space<vmem>> -> memref<128x16xf32, #tpu.memory_space<vmem>>
          %dma_wait3A_393 = arith.constant 0 : i32
          %dma_wait3A_394 = tpu.memref_slice %arg9[%run_scoped3A, %run_scoped3A_360, %dma_wait3A_393] : memref<2x4x128xi32, #tpu.memory_space<vmem>> -> memref<1x1x128xi32, #tpu.memory_space<vmem>>
          %dma_wait3A_395 = tpu.memref_squeeze %dma_wait3A_394 : memref<1x1x128xi32, #tpu.memory_space<vmem>> -> memref<128xi32, #tpu.memory_space<vmem>>
          %dma_wait3A_396 = arith.constant 0 : i32
          %dma_wait3A_397 = arith.constant 0 : i32
          %dma_wait3A_398 = tpu.memref_slice %arg28[%dma_wait3A_396, %dma_wait3A_397] : memref<10240x16xf32, #tpu.memory_space<vmem_shared>> -> memref<10240x16xf32, #tpu.memory_space<vmem_shared>>
          tpu.wait_indirect_dma semaphore(%run_scoped3A_380 : memref<!tpu.dma_semaphore, #tpu.memory_space<semaphore_mem>>) src(%dma_wait3A_392 : memref<128x16xf32, #tpu.memory_space<vmem>>) dst(%dma_wait3A_398 : memref<10240x16xf32, #tpu.memory_space<vmem_shared>>)
          tpu.yield
        }) : () -> ()
        %run_scoped3A_361 = arith.constant 1 : i32
        %run_scoped3A_362 = arith.constant 0 : i32
        "tpu.region"() ({
          %run_scoped3A_380 = tpu.sem_alloc : memref<!tpu.dma_semaphore, #tpu.memory_space<semaphore_mem>>
          %dma_start3A_381 = arith.constant 0 : i32
          %dma_start3A_382 = tpu.memref_slice %arg9[%run_scoped3A_361, %run_scoped3A_362, %dma_start3A_381] : memref<2x4x128xi32, #tpu.memory_space<vmem>> -> memref<1x1x128xi32, #tpu.memory_space<vmem>>
          %dma_start3A_383 = tpu.memref_squeeze %dma_start3A_382 : memref<1x1x128xi32, #tpu.memory_space<vmem>> -> memref<128xi32, #tpu.memory_space<vmem>>
          %dma_start3A_384 = arith.constant 0 : i32
          %dma_start3A_385 = arith.constant 0 : i32
          %dma_start3A_386 = tpu.memref_slice %arg30[%dma_start3A_384, %dma_start3A_385] : memref<10240x16xf32, #tpu.memory_space<vmem_shared>> -> memref<10240x16xf32, #tpu.memory_space<vmem_shared>>
          tpu.enqueue_indirect_dma source(%arg29 : memref<128x16xf32, #tpu.memory_space<vmem>>) target(%dma_start3A_386 : memref<10240x16xf32, #tpu.memory_space<vmem_shared>>) offsets(%dma_start3A_383 : memref<128xi32, #tpu.memory_space<vmem>>) semaphore(%run_scoped3A_380 : memref<!tpu.dma_semaphore, #tpu.memory_space<semaphore_mem>>) {add = true}
          %dma_wait3A_387 = arith.constant 0 : i32
          %dma_wait3A_388 = tpu.memref_slice %arg9[%run_scoped3A_361, %run_scoped3A_362, %dma_wait3A_387] : memref<2x4x128xi32, #tpu.memory_space<vmem>> -> memref<1x1x128xi32, #tpu.memory_space<vmem>>
          %dma_wait3A_389 = tpu.memref_squeeze %dma_wait3A_388 : memref<1x1x128xi32, #tpu.memory_space<vmem>> -> memref<128xi32, #tpu.memory_space<vmem>>
          %dma_wait3A_390 = arith.constant 0 : i32
          %dma_wait3A_391 = arith.constant 0 : i32
          %dma_wait3A_392 = tpu.memref_slice %arg30[%dma_wait3A_390, %dma_wait3A_391] : memref<10240x16xf32, #tpu.memory_space<vmem_shared>> -> memref<10240x16xf32, #tpu.memory_space<vmem_shared>>
          tpu.wait_indirect_dma semaphore(%run_scoped3A_380 : memref<!tpu.dma_semaphore, #tpu.memory_space<semaphore_mem>>) src(%arg29 : memref<128x16xf32, #tpu.memory_space<vmem>>) dst(%dma_wait3A_392 : memref<10240x16xf32, #tpu.memory_space<vmem_shared>>)
          tpu.yield
        }) : () -> ()
        %run_scoped3A_363 = arith.constant 1 : i32
        %run_scoped3A_364 = arith.constant 1 : i32
        "tpu.region"() ({
          %run_scoped3A_380 = tpu.sem_alloc : memref<!tpu.dma_semaphore, #tpu.memory_space<semaphore_mem>>
          %dma_start3A_381 = arith.constant 128 : i32
          %dma_start3A_382 = arith.constant 0 : i32
          %dma_start3A_383 = tpu.memref_slice %arg13[%dma_start3A_381, %dma_start3A_382] : memref<512x16xf32, #tpu.memory_space<vmem>> -> memref<128x16xf32, #tpu.memory_space<vmem>>
          %dma_start3A_384 = arith.constant 0 : i32
          %dma_start3A_385 = tpu.memref_slice %arg9[%run_scoped3A_363, %run_scoped3A_364, %dma_start3A_384] : memref<2x4x128xi32, #tpu.memory_space<vmem>> -> memref<1x1x128xi32, #tpu.memory_space<vmem>>
          %dma_start3A_386 = tpu.memref_squeeze %dma_start3A_385 : memref<1x1x128xi32, #tpu.memory_space<vmem>> -> memref<128xi32, #tpu.memory_space<vmem>>
          %dma_start3A_387 = arith.constant 0 : i32
          %dma_start3A_388 = arith.constant 0 : i32
          %dma_start3A_389 = tpu.memref_slice %arg28[%dma_start3A_387, %dma_start3A_388] : memref<10240x16xf32, #tpu.memory_space<vmem_shared>> -> memref<10240x16xf32, #tpu.memory_space<vmem_shared>>
          tpu.enqueue_indirect_dma source(%dma_start3A_383 : memref<128x16xf32, #tpu.memory_space<vmem>>) target(%dma_start3A_389 : memref<10240x16xf32, #tpu.memory_space<vmem_shared>>) offsets(%dma_start3A_386 : memref<128xi32, #tpu.memory_space<vmem>>) semaphore(%run_scoped3A_380 : memref<!tpu.dma_semaphore, #tpu.memory_space<semaphore_mem>>) {add = true}
          %dma_wait3A_390 = arith.constant 128 : i32
          %dma_wait3A_391 = arith.constant 0 : i32
          %dma_wait3A_392 = tpu.memref_slice %arg13[%dma_wait3A_390, %dma_wait3A_391] : memref<512x16xf32, #tpu.memory_space<vmem>> -> memref<128x16xf32, #tpu.memory_space<vmem>>
          %dma_wait3A_393 = arith.constant 0 : i32
          %dma_wait3A_394 = tpu.memref_slice %arg9[%run_scoped3A_363, %run_scoped3A_364, %dma_wait3A_393] : memref<2x4x128xi32, #tpu.memory_space<vmem>> -> memref<1x1x128xi32, #tpu.memory_space<vmem>>
          %dma_wait3A_395 = tpu.memref_squeeze %dma_wait3A_394 : memref<1x1x128xi32, #tpu.memory_space<vmem>> -> memref<128xi32, #tpu.memory_space<vmem>>
          %dma_wait3A_396 = arith.constant 0 : i32
          %dma_wait3A_397 = arith.constant 0 : i32
          %dma_wait3A_398 = tpu.memref_slice %arg28[%dma_wait3A_396, %dma_wait3A_397] : memref<10240x16xf32, #tpu.memory_space<vmem_shared>> -> memref<10240x16xf32, #tpu.memory_space<vmem_shared>>
          tpu.wait_indirect_dma semaphore(%run_scoped3A_380 : memref<!tpu.dma_semaphore, #tpu.memory_space<semaphore_mem>>) src(%dma_wait3A_392 : memref<128x16xf32, #tpu.memory_space<vmem>>) dst(%dma_wait3A_398 : memref<10240x16xf32, #tpu.memory_space<vmem_shared>>)
          tpu.yield
        }) : () -> ()
        %run_scoped3A_365 = arith.constant 1 : i32
        %run_scoped3A_366 = arith.constant 1 : i32
        "tpu.region"() ({
          %run_scoped3A_380 = tpu.sem_alloc : memref<!tpu.dma_semaphore, #tpu.memory_space<semaphore_mem>>
          %dma_start3A_381 = arith.constant 0 : i32
          %dma_start3A_382 = tpu.memref_slice %arg9[%run_scoped3A_365, %run_scoped3A_366, %dma_start3A_381] : memref<2x4x128xi32, #tpu.memory_space<vmem>> -> memref<1x1x128xi32, #tpu.memory_space<vmem>>
          %dma_start3A_383 = tpu.memref_squeeze %dma_start3A_382 : memref<1x1x128xi32, #tpu.memory_space<vmem>> -> memref<128xi32, #tpu.memory_space<vmem>>
          %dma_start3A_384 = arith.constant 0 : i32
          %dma_start3A_385 = arith.constant 0 : i32
          %dma_start3A_386 = tpu.memref_slice %arg30[%dma_start3A_384, %dma_start3A_385] : memref<10240x16xf32, #tpu.memory_space<vmem_shared>> -> memref<10240x16xf32, #tpu.memory_space<vmem_shared>>
          tpu.enqueue_indirect_dma source(%arg29 : memref<128x16xf32, #tpu.memory_space<vmem>>) target(%dma_start3A_386 : memref<10240x16xf32, #tpu.memory_space<vmem_shared>>) offsets(%dma_start3A_383 : memref<128xi32, #tpu.memory_space<vmem>>) semaphore(%run_scoped3A_380 : memref<!tpu.dma_semaphore, #tpu.memory_space<semaphore_mem>>) {add = true}
          %dma_wait3A_387 = arith.constant 0 : i32
          %dma_wait3A_388 = tpu.memref_slice %arg9[%run_scoped3A_365, %run_scoped3A_366, %dma_wait3A_387] : memref<2x4x128xi32, #tpu.memory_space<vmem>> -> memref<1x1x128xi32, #tpu.memory_space<vmem>>
          %dma_wait3A_389 = tpu.memref_squeeze %dma_wait3A_388 : memref<1x1x128xi32, #tpu.memory_space<vmem>> -> memref<128xi32, #tpu.memory_space<vmem>>
          %dma_wait3A_390 = arith.constant 0 : i32
          %dma_wait3A_391 = arith.constant 0 : i32
          %dma_wait3A_392 = tpu.memref_slice %arg30[%dma_wait3A_390, %dma_wait3A_391] : memref<10240x16xf32, #tpu.memory_space<vmem_shared>> -> memref<10240x16xf32, #tpu.memory_space<vmem_shared>>
          tpu.wait_indirect_dma semaphore(%run_scoped3A_380 : memref<!tpu.dma_semaphore, #tpu.memory_space<semaphore_mem>>) src(%arg29 : memref<128x16xf32, #tpu.memory_space<vmem>>) dst(%dma_wait3A_392 : memref<10240x16xf32, #tpu.memory_space<vmem_shared>>)
          tpu.yield
        }) : () -> ()
        %run_scoped3A_367 = arith.constant 1 : i32
        %run_scoped3A_368 = arith.constant 2 : i32
        "tpu.region"() ({
          %run_scoped3A_380 = tpu.sem_alloc : memref<!tpu.dma_semaphore, #tpu.memory_space<semaphore_mem>>
          %dma_start3A_381 = arith.constant 256 : i32
          %dma_start3A_382 = arith.constant 0 : i32
          %dma_start3A_383 = tpu.memref_slice %arg13[%dma_start3A_381, %dma_start3A_382] : memref<512x16xf32, #tpu.memory_space<vmem>> -> memref<128x16xf32, #tpu.memory_space<vmem>>
          %dma_start3A_384 = arith.constant 0 : i32
          %dma_start3A_385 = tpu.memref_slice %arg9[%run_scoped3A_367, %run_scoped3A_368, %dma_start3A_384] : memref<2x4x128xi32, #tpu.memory_space<vmem>> -> memref<1x1x128xi32, #tpu.memory_space<vmem>>
          %dma_start3A_386 = tpu.memref_squeeze %dma_start3A_385 : memref<1x1x128xi32, #tpu.memory_space<vmem>> -> memref<128xi32, #tpu.memory_space<vmem>>
          %dma_start3A_387 = arith.constant 0 : i32
          %dma_start3A_388 = arith.constant 0 : i32
          %dma_start3A_389 = tpu.memref_slice %arg28[%dma_start3A_387, %dma_start3A_388] : memref<10240x16xf32, #tpu.memory_space<vmem_shared>> -> memref<10240x16xf32, #tpu.memory_space<vmem_shared>>
          tpu.enqueue_indirect_dma source(%dma_start3A_383 : memref<128x16xf32, #tpu.memory_space<vmem>>) target(%dma_start3A_389 : memref<10240x16xf32, #tpu.memory_space<vmem_shared>>) offsets(%dma_start3A_386 : memref<128xi32, #tpu.memory_space<vmem>>) semaphore(%run_scoped3A_380 : memref<!tpu.dma_semaphore, #tpu.memory_space<semaphore_mem>>) {add = true}
          %dma_wait3A_390 = arith.constant 256 : i32
          %dma_wait3A_391 = arith.constant 0 : i32
          %dma_wait3A_392 = tpu.memref_slice %arg13[%dma_wait3A_390, %dma_wait3A_391] : memref<512x16xf32, #tpu.memory_space<vmem>> -> memref<128x16xf32, #tpu.memory_space<vmem>>
          %dma_wait3A_393 = arith.constant 0 : i32
          %dma_wait3A_394 = tpu.memref_slice %arg9[%run_scoped3A_367, %run_scoped3A_368, %dma_wait3A_393] : memref<2x4x128xi32, #tpu.memory_space<vmem>> -> memref<1x1x128xi32, #tpu.memory_space<vmem>>
          %dma_wait3A_395 = tpu.memref_squeeze %dma_wait3A_394 : memref<1x1x128xi32, #tpu.memory_space<vmem>> -> memref<128xi32, #tpu.memory_space<vmem>>
          %dma_wait3A_396 = arith.constant 0 : i32
          %dma_wait3A_397 = arith.constant 0 : i32
          %dma_wait3A_398 = tpu.memref_slice %arg28[%dma_wait3A_396, %dma_wait3A_397] : memref<10240x16xf32, #tpu.memory_space<vmem_shared>> -> memref<10240x16xf32, #tpu.memory_space<vmem_shared>>
          tpu.wait_indirect_dma semaphore(%run_scoped3A_380 : memref<!tpu.dma_semaphore, #tpu.memory_space<semaphore_mem>>) src(%dma_wait3A_392 : memref<128x16xf32, #tpu.memory_space<vmem>>) dst(%dma_wait3A_398 : memref<10240x16xf32, #tpu.memory_space<vmem_shared>>)
          tpu.yield
        }) : () -> ()
        %run_scoped3A_369 = arith.constant 1 : i32
        %run_scoped3A_370 = arith.constant 2 : i32
        "tpu.region"() ({
          %run_scoped3A_380 = tpu.sem_alloc : memref<!tpu.dma_semaphore, #tpu.memory_space<semaphore_mem>>
          %dma_start3A_381 = arith.constant 0 : i32
          %dma_start3A_382 = tpu.memref_slice %arg9[%run_scoped3A_369, %run_scoped3A_370, %dma_start3A_381] : memref<2x4x128xi32, #tpu.memory_space<vmem>> -> memref<1x1x128xi32, #tpu.memory_space<vmem>>
          %dma_start3A_383 = tpu.memref_squeeze %dma_start3A_382 : memref<1x1x128xi32, #tpu.memory_space<vmem>> -> memref<128xi32, #tpu.memory_space<vmem>>
          %dma_start3A_384 = arith.constant 0 : i32
          %dma_start3A_385 = arith.constant 0 : i32
          %dma_start3A_386 = tpu.memref_slice %arg30[%dma_start3A_384, %dma_start3A_385] : memref<10240x16xf32, #tpu.memory_space<vmem_shared>> -> memref<10240x16xf32, #tpu.memory_space<vmem_shared>>
          tpu.enqueue_indirect_dma source(%arg29 : memref<128x16xf32, #tpu.memory_space<vmem>>) target(%dma_start3A_386 : memref<10240x16xf32, #tpu.memory_space<vmem_shared>>) offsets(%dma_start3A_383 : memref<128xi32, #tpu.memory_space<vmem>>) semaphore(%run_scoped3A_380 : memref<!tpu.dma_semaphore, #tpu.memory_space<semaphore_mem>>) {add = true}
          %dma_wait3A_387 = arith.constant 0 : i32
          %dma_wait3A_388 = tpu.memref_slice %arg9[%run_scoped3A_369, %run_scoped3A_370, %dma_wait3A_387] : memref<2x4x128xi32, #tpu.memory_space<vmem>> -> memref<1x1x128xi32, #tpu.memory_space<vmem>>
          %dma_wait3A_389 = tpu.memref_squeeze %dma_wait3A_388 : memref<1x1x128xi32, #tpu.memory_space<vmem>> -> memref<128xi32, #tpu.memory_space<vmem>>
          %dma_wait3A_390 = arith.constant 0 : i32
          %dma_wait3A_391 = arith.constant 0 : i32
          %dma_wait3A_392 = tpu.memref_slice %arg30[%dma_wait3A_390, %dma_wait3A_391] : memref<10240x16xf32, #tpu.memory_space<vmem_shared>> -> memref<10240x16xf32, #tpu.memory_space<vmem_shared>>
          tpu.wait_indirect_dma semaphore(%run_scoped3A_380 : memref<!tpu.dma_semaphore, #tpu.memory_space<semaphore_mem>>) src(%arg29 : memref<128x16xf32, #tpu.memory_space<vmem>>) dst(%dma_wait3A_392 : memref<10240x16xf32, #tpu.memory_space<vmem_shared>>)
          tpu.yield
        }) : () -> ()
        %run_scoped3A_371 = arith.constant 1 : i32
        %run_scoped3A_372 = arith.constant 3 : i32
        "tpu.region"() ({
          %run_scoped3A_380 = tpu.sem_alloc : memref<!tpu.dma_semaphore, #tpu.memory_space<semaphore_mem>>
          %dma_start3A_381 = arith.constant 384 : i32
          %dma_start3A_382 = arith.constant 0 : i32
          %dma_start3A_383 = tpu.memref_slice %arg13[%dma_start3A_381, %dma_start3A_382] : memref<512x16xf32, #tpu.memory_space<vmem>> -> memref<128x16xf32, #tpu.memory_space<vmem>>
          %dma_start3A_384 = arith.constant 0 : i32
          %dma_start3A_385 = tpu.memref_slice %arg9[%run_scoped3A_371, %run_scoped3A_372, %dma_start3A_384] : memref<2x4x128xi32, #tpu.memory_space<vmem>> -> memref<1x1x128xi32, #tpu.memory_space<vmem>>
          %dma_start3A_386 = tpu.memref_squeeze %dma_start3A_385 : memref<1x1x128xi32, #tpu.memory_space<vmem>> -> memref<128xi32, #tpu.memory_space<vmem>>
          %dma_start3A_387 = arith.constant 0 : i32
          %dma_start3A_388 = arith.constant 0 : i32
          %dma_start3A_389 = tpu.memref_slice %arg28[%dma_start3A_387, %dma_start3A_388] : memref<10240x16xf32, #tpu.memory_space<vmem_shared>> -> memref<10240x16xf32, #tpu.memory_space<vmem_shared>>
          tpu.enqueue_indirect_dma source(%dma_start3A_383 : memref<128x16xf32, #tpu.memory_space<vmem>>) target(%dma_start3A_389 : memref<10240x16xf32, #tpu.memory_space<vmem_shared>>) offsets(%dma_start3A_386 : memref<128xi32, #tpu.memory_space<vmem>>) semaphore(%run_scoped3A_380 : memref<!tpu.dma_semaphore, #tpu.memory_space<semaphore_mem>>) {add = true}
          %dma_wait3A_390 = arith.constant 384 : i32
          %dma_wait3A_391 = arith.constant 0 : i32
          %dma_wait3A_392 = tpu.memref_slice %arg13[%dma_wait3A_390, %dma_wait3A_391] : memref<512x16xf32, #tpu.memory_space<vmem>> -> memref<128x16xf32, #tpu.memory_space<vmem>>
          %dma_wait3A_393 = arith.constant 0 : i32
          %dma_wait3A_394 = tpu.memref_slice %arg9[%run_scoped3A_371, %run_scoped3A_372, %dma_wait3A_393] : memref<2x4x128xi32, #tpu.memory_space<vmem>> -> memref<1x1x128xi32, #tpu.memory_space<vmem>>
          %dma_wait3A_395 = tpu.memref_squeeze %dma_wait3A_394 : memref<1x1x128xi32, #tpu.memory_space<vmem>> -> memref<128xi32, #tpu.memory_space<vmem>>
          %dma_wait3A_396 = arith.constant 0 : i32
          %dma_wait3A_397 = arith.constant 0 : i32
          %dma_wait3A_398 = tpu.memref_slice %arg28[%dma_wait3A_396, %dma_wait3A_397] : memref<10240x16xf32, #tpu.memory_space<vmem_shared>> -> memref<10240x16xf32, #tpu.memory_space<vmem_shared>>
          tpu.wait_indirect_dma semaphore(%run_scoped3A_380 : memref<!tpu.dma_semaphore, #tpu.memory_space<semaphore_mem>>) src(%dma_wait3A_392 : memref<128x16xf32, #tpu.memory_space<vmem>>) dst(%dma_wait3A_398 : memref<10240x16xf32, #tpu.memory_space<vmem_shared>>)
          tpu.yield
        }) : () -> ()
        %run_scoped3A_373 = arith.constant 1 : i32
        %run_scoped3A_374 = arith.constant 3 : i32
        "tpu.region"() ({
          %run_scoped3A_380 = tpu.sem_alloc : memref<!tpu.dma_semaphore, #tpu.memory_space<semaphore_mem>>
          %dma_start3A_381 = arith.constant 0 : i32
          %dma_start3A_382 = tpu.memref_slice %arg9[%run_scoped3A_373, %run_scoped3A_374, %dma_start3A_381] : memref<2x4x128xi32, #tpu.memory_space<vmem>> -> memref<1x1x128xi32, #tpu.memory_space<vmem>>
          %dma_start3A_383 = tpu.memref_squeeze %dma_start3A_382 : memref<1x1x128xi32, #tpu.memory_space<vmem>> -> memref<128xi32, #tpu.memory_space<vmem>>
          %dma_start3A_384 = arith.constant 0 : i32
          %dma_start3A_385 = arith.constant 0 : i32
          %dma_start3A_386 = tpu.memref_slice %arg30[%dma_start3A_384, %dma_start3A_385] : memref<10240x16xf32, #tpu.memory_space<vmem_shared>> -> memref<10240x16xf32, #tpu.memory_space<vmem_shared>>
          tpu.enqueue_indirect_dma source(%arg29 : memref<128x16xf32, #tpu.memory_space<vmem>>) target(%dma_start3A_386 : memref<10240x16xf32, #tpu.memory_space<vmem_shared>>) offsets(%dma_start3A_383 : memref<128xi32, #tpu.memory_space<vmem>>) semaphore(%run_scoped3A_380 : memref<!tpu.dma_semaphore, #tpu.memory_space<semaphore_mem>>) {add = true}
          %dma_wait3A_387 = arith.constant 0 : i32
          %dma_wait3A_388 = tpu.memref_slice %arg9[%run_scoped3A_373, %run_scoped3A_374, %dma_wait3A_387] : memref<2x4x128xi32, #tpu.memory_space<vmem>> -> memref<1x1x128xi32, #tpu.memory_space<vmem>>
          %dma_wait3A_389 = tpu.memref_squeeze %dma_wait3A_388 : memref<1x1x128xi32, #tpu.memory_space<vmem>> -> memref<128xi32, #tpu.memory_space<vmem>>
          %dma_wait3A_390 = arith.constant 0 : i32
          %dma_wait3A_391 = arith.constant 0 : i32
          %dma_wait3A_392 = tpu.memref_slice %arg30[%dma_wait3A_390, %dma_wait3A_391] : memref<10240x16xf32, #tpu.memory_space<vmem_shared>> -> memref<10240x16xf32, #tpu.memory_space<vmem_shared>>
          tpu.wait_indirect_dma semaphore(%run_scoped3A_380 : memref<!tpu.dma_semaphore, #tpu.memory_space<semaphore_mem>>) src(%arg29 : memref<128x16xf32, #tpu.memory_space<vmem>>) dst(%dma_wait3A_392 : memref<10240x16xf32, #tpu.memory_space<vmem_shared>>)
          tpu.yield
        }) : () -> ()
        %lt3A_375 = arith.constant 625 : i32
        %lt3A_376 = arith.cmpi slt, %add3A_222, %lt3A_375 : i32
        %convert_element_type3A_377 = arith.extui %lt3A_376 : i1 to i32
        %cond3A_378 = arith.constant 0 : i32
        %cond3A_379 = arith.cmpi ne, %convert_element_type3A_377, %cond3A_378 : i32
        scf.if %cond3A_379 {
          %mul3A_380 = arith.constant 4 : i32
          %mul3A_381 = arith.muli %add3A_222, %mul3A_380 : i32
          %multiple_of3A_382 = tpu.assume_multiple %mul3A_381, 4 : i32
          %dma_start3A_383 = arith.constant 0 : i32
          %dma_start3A_384 = arith.constant 0 : i32
          %dma_start3A_385 = tpu.memref_slice %arg5[%dma_start3A_383, %multiple_of3A_382, %dma_start3A_384] : memref<2x2500x128xi32, #tpu.memory_space<hbm>> -> memref<2x4x128xi32, #tpu.memory_space<hbm>>
          %dma_start3A_386 = arith.constant 0 : i32
          %dma_start3A_387 = arith.constant 0 : i32
          %dma_start3A_388 = tpu.memref_slice %arg5[%dma_start3A_386, %multiple_of3A_382, %dma_start3A_387] : memref<2x2500x128xi32, #tpu.memory_space<hbm>> -> memref<2x4x128xi32, #tpu.memory_space<hbm>>
          tpu.enqueue_dma source(%dma_start3A_388 : memref<2x4x128xi32, #tpu.memory_space<hbm>>) target(%arg9 : memref<2x4x128xi32, #tpu.memory_space<vmem>>) target_semaphore(%arg15 : memref<!tpu.dma_semaphore, #tpu.memory_space<semaphore_mem>>)
          %mul3A_389 = arith.constant 512 : i32
          %mul3A_390 = arith.muli %add3A_222, %mul3A_389 : i32
          %multiple_of3A_391 = tpu.assume_multiple %mul3A_390, 512 : i32
          %dma_start3A_392 = arith.constant 0 : i32
          %dma_start3A_393 = arith.constant 0 : i32
          %dma_start3A_394 = tpu.memref_slice %arg12[%dma_start3A_392, %dma_start3A_393] : memref<16x513xf32, #tpu.memory_space<vmem>> -> memref<16x512xf32, #tpu.memory_space<vmem>>
          %dma_start3A_395 = arith.constant 0 : i32
          %dma_start3A_396 = tpu.memref_slice %arg4[%dma_start3A_395, %multiple_of3A_391] : memref<16x320000xf32, #tpu.memory_space<hbm>> -> memref<16x512xf32, #tpu.memory_space<hbm>>
          %dma_start3A_397 = arith.constant 0 : i32
          %dma_start3A_398 = arith.constant 0 : i32
          %dma_start3A_399 = tpu.memref_slice %arg12[%dma_start3A_397, %dma_start3A_398] : memref<16x513xf32, #tpu.memory_space<vmem>> -> memref<16x512xf32, #tpu.memory_space<vmem>>
          %dma_start3A_400 = arith.constant 0 : i32
          %dma_start3A_401 = tpu.memref_slice %arg4[%dma_start3A_400, %multiple_of3A_391] : memref<16x320000xf32, #tpu.memory_space<hbm>> -> memref<16x512xf32, #tpu.memory_space<hbm>>
          tpu.enqueue_dma source(%dma_start3A_401 : memref<16x512xf32, #tpu.memory_space<hbm>>) target(%dma_start3A_399 : memref<16x512xf32, #tpu.memory_space<vmem>>) target_semaphore(%arg15 : memref<!tpu.dma_semaphore, #tpu.memory_space<semaphore_mem>>)
        } else {
        }
      } else {
      }
      %add3A_225 = arith.constant 1 : i32
      %add3A_226 = arith.addi %add3A_207, %add3A_225 : i32
      %mul3A_227 = arith.constant 32 : i32
      %mul3A_228 = arith.muli %add3A_226, %mul3A_227 : i32
      %add3A_229 = arith.addi %add3A, %mul3A_228 : i32
      %add3A_230 = arith.constant 1 : i32
      %add3A_231 = arith.addi %add3A_226, %add3A_230 : i32
      %mul3A_232 = arith.constant 32 : i32
      %mul3A_233 = arith.muli %add3A_231, %mul3A_232 : i32
      %add3A_234 = arith.addi %add3A, %mul3A_233 : i32
      %add3A_235 = arith.constant 2 : i32
      %add3A_236 = arith.addi %add3A_226, %add3A_235 : i32
      %mul3A_237 = arith.constant 32 : i32
      %mul3A_238 = arith.muli %add3A_236, %mul3A_237 : i32
      %add3A_239 = arith.addi %add3A, %mul3A_238 : i32
      %lt3A_240 = arith.constant 625 : i32
      %lt3A_241 = arith.cmpi slt, %add3A_229, %lt3A_240 : i32
      %convert_element_type3A_242 = arith.extui %lt3A_241 : i1 to i32
      %cond3A_243 = arith.constant 0 : i32
      %cond3A_244 = arith.cmpi ne, %convert_element_type3A_242, %cond3A_243 : i32
      scf.if %cond3A_244 {
        %dma_wait3A_245 = arith.constant 0 : i32
        %dma_wait3A_246 = arith.constant 0 : i32
        %dma_wait3A_247 = arith.constant 0 : i32
        %dma_wait3A_248 = arith.constant 0 : i32
        %dma_wait3A_249 = tpu.memref_slice %arg19[%dma_wait3A_247, %dma_wait3A_248] : memref<512x16xf32, #tpu.memory_space<vmem>> -> memref<128x16xf32, #tpu.memory_space<vmem>>
        %dma_wait3A_250 = arith.constant 0 : i32
        %dma_wait3A_251 = tpu.memref_slice %arg18[%dma_wait3A_245, %dma_wait3A_246, %dma_wait3A_250] : memref<2x4x128xi32, #tpu.memory_space<vmem>> -> memref<1x1x128xi32, #tpu.memory_space<vmem>>
        %dma_wait3A_252 = tpu.memref_squeeze %dma_wait3A_251 : memref<1x1x128xi32, #tpu.memory_space<vmem>> -> memref<128xi32, #tpu.memory_space<vmem>>
        %dma_wait3A_253 = arith.constant 0 : i32
        %dma_wait3A_254 = arith.constant 0 : i32
        %dma_wait3A_255 = tpu.memref_slice %arg2[%dma_wait3A_253, %dma_wait3A_254] : memref<10000x16xf32, #tpu.memory_space<hbm>> -> memref<10000x16xf32, #tpu.memory_space<hbm>>
        tpu.wait_indirect_dma semaphore(%arg25 : memref<!tpu.dma_semaphore, #tpu.memory_space<semaphore_mem>>) src(%dma_wait3A_255 : memref<10000x16xf32, #tpu.memory_space<hbm>>) dst(%dma_wait3A_249 : memref<128x16xf32, #tpu.memory_space<vmem>>)
        %dma_wait3A_256 = arith.constant 1 : i32
        %dma_wait3A_257 = arith.constant 0 : i32
        %dma_wait3A_258 = arith.constant 0 : i32
        %dma_wait3A_259 = arith.constant 0 : i32
        %dma_wait3A_260 = tpu.memref_slice %arg20[%dma_wait3A_258, %dma_wait3A_259] : memref<512x16xf32, #tpu.memory_space<vmem>> -> memref<128x16xf32, #tpu.memory_space<vmem>>
        %dma_wait3A_261 = arith.constant 0 : i32
        %dma_wait3A_262 = tpu.memref_slice %arg18[%dma_wait3A_256, %dma_wait3A_257, %dma_wait3A_261] : memref<2x4x128xi32, #tpu.memory_space<vmem>> -> memref<1x1x128xi32, #tpu.memory_space<vmem>>
        %dma_wait3A_263 = tpu.memref_squeeze %dma_wait3A_262 : memref<1x1x128xi32, #tpu.memory_space<vmem>> -> memref<128xi32, #tpu.memory_space<vmem>>
        %dma_wait3A_264 = arith.constant 0 : i32
        %dma_wait3A_265 = arith.constant 0 : i32
        %dma_wait3A_266 = tpu.memref_slice %arg3[%dma_wait3A_264, %dma_wait3A_265] : memref<10000x16xf32, #tpu.memory_space<hbm>> -> memref<10000x16xf32, #tpu.memory_space<hbm>>
        tpu.wait_indirect_dma semaphore(%arg25 : memref<!tpu.dma_semaphore, #tpu.memory_space<semaphore_mem>>) src(%dma_wait3A_266 : memref<10000x16xf32, #tpu.memory_space<hbm>>) dst(%dma_wait3A_260 : memref<128x16xf32, #tpu.memory_space<vmem>>)
        %dma_wait3A_267 = arith.constant 0 : i32
        %dma_wait3A_268 = arith.constant 1 : i32
        %dma_wait3A_269 = arith.constant 128 : i32
        %dma_wait3A_270 = arith.constant 0 : i32
        %dma_wait3A_271 = tpu.memref_slice %arg19[%dma_wait3A_269, %dma_wait3A_270] : memref<512x16xf32, #tpu.memory_space<vmem>> -> memref<128x16xf32, #tpu.memory_space<vmem>>
        %dma_wait3A_272 = arith.constant 0 : i32
        %dma_wait3A_273 = tpu.memref_slice %arg18[%dma_wait3A_267, %dma_wait3A_268, %dma_wait3A_272] : memref<2x4x128xi32, #tpu.memory_space<vmem>> -> memref<1x1x128xi32, #tpu.memory_space<vmem>>
        %dma_wait3A_274 = tpu.memref_squeeze %dma_wait3A_273 : memref<1x1x128xi32, #tpu.memory_space<vmem>> -> memref<128xi32, #tpu.memory_space<vmem>>
        %dma_wait3A_275 = arith.constant 0 : i32
        %dma_wait3A_276 = arith.constant 0 : i32
        %dma_wait3A_277 = tpu.memref_slice %arg2[%dma_wait3A_275, %dma_wait3A_276] : memref<10000x16xf32, #tpu.memory_space<hbm>> -> memref<10000x16xf32, #tpu.memory_space<hbm>>
        tpu.wait_indirect_dma semaphore(%arg25 : memref<!tpu.dma_semaphore, #tpu.memory_space<semaphore_mem>>) src(%dma_wait3A_277 : memref<10000x16xf32, #tpu.memory_space<hbm>>) dst(%dma_wait3A_271 : memref<128x16xf32, #tpu.memory_space<vmem>>)
        %dma_wait3A_278 = arith.constant 1 : i32
        %dma_wait3A_279 = arith.constant 1 : i32
        %dma_wait3A_280 = arith.constant 128 : i32
        %dma_wait3A_281 = arith.constant 0 : i32
        %dma_wait3A_282 = tpu.memref_slice %arg20[%dma_wait3A_280, %dma_wait3A_281] : memref<512x16xf32, #tpu.memory_space<vmem>> -> memref<128x16xf32, #tpu.memory_space<vmem>>
        %dma_wait3A_283 = arith.constant 0 : i32
        %dma_wait3A_284 = tpu.memref_slice %arg18[%dma_wait3A_278, %dma_wait3A_279, %dma_wait3A_283] : memref<2x4x128xi32, #tpu.memory_space<vmem>> -> memref<1x1x128xi32, #tpu.memory_space<vmem>>
        %dma_wait3A_285 = tpu.memref_squeeze %dma_wait3A_284 : memref<1x1x128xi32, #tpu.memory_space<vmem>> -> memref<128xi32, #tpu.memory_space<vmem>>
        %dma_wait3A_286 = arith.constant 0 : i32
        %dma_wait3A_287 = arith.constant 0 : i32
        %dma_wait3A_288 = tpu.memref_slice %arg3[%dma_wait3A_286, %dma_wait3A_287] : memref<10000x16xf32, #tpu.memory_space<hbm>> -> memref<10000x16xf32, #tpu.memory_space<hbm>>
        tpu.wait_indirect_dma semaphore(%arg25 : memref<!tpu.dma_semaphore, #tpu.memory_space<semaphore_mem>>) src(%dma_wait3A_288 : memref<10000x16xf32, #tpu.memory_space<hbm>>) dst(%dma_wait3A_282 : memref<128x16xf32, #tpu.memory_space<vmem>>)
        %dma_wait3A_289 = arith.constant 0 : i32
        %dma_wait3A_290 = arith.constant 2 : i32
        %dma_wait3A_291 = arith.constant 256 : i32
        %dma_wait3A_292 = arith.constant 0 : i32
        %dma_wait3A_293 = tpu.memref_slice %arg19[%dma_wait3A_291, %dma_wait3A_292] : memref<512x16xf32, #tpu.memory_space<vmem>> -> memref<128x16xf32, #tpu.memory_space<vmem>>
        %dma_wait3A_294 = arith.constant 0 : i32
        %dma_wait3A_295 = tpu.memref_slice %arg18[%dma_wait3A_289, %dma_wait3A_290, %dma_wait3A_294] : memref<2x4x128xi32, #tpu.memory_space<vmem>> -> memref<1x1x128xi32, #tpu.memory_space<vmem>>
        %dma_wait3A_296 = tpu.memref_squeeze %dma_wait3A_295 : memref<1x1x128xi32, #tpu.memory_space<vmem>> -> memref<128xi32, #tpu.memory_space<vmem>>
        %dma_wait3A_297 = arith.constant 0 : i32
        %dma_wait3A_298 = arith.constant 0 : i32
        %dma_wait3A_299 = tpu.memref_slice %arg2[%dma_wait3A_297, %dma_wait3A_298] : memref<10000x16xf32, #tpu.memory_space<hbm>> -> memref<10000x16xf32, #tpu.memory_space<hbm>>
        tpu.wait_indirect_dma semaphore(%arg25 : memref<!tpu.dma_semaphore, #tpu.memory_space<semaphore_mem>>) src(%dma_wait3A_299 : memref<10000x16xf32, #tpu.memory_space<hbm>>) dst(%dma_wait3A_293 : memref<128x16xf32, #tpu.memory_space<vmem>>)
        %dma_wait3A_300 = arith.constant 1 : i32
        %dma_wait3A_301 = arith.constant 2 : i32
        %dma_wait3A_302 = arith.constant 256 : i32
        %dma_wait3A_303 = arith.constant 0 : i32
        %dma_wait3A_304 = tpu.memref_slice %arg20[%dma_wait3A_302, %dma_wait3A_303] : memref<512x16xf32, #tpu.memory_space<vmem>> -> memref<128x16xf32, #tpu.memory_space<vmem>>
        %dma_wait3A_305 = arith.constant 0 : i32
        %dma_wait3A_306 = tpu.memref_slice %arg18[%dma_wait3A_300, %dma_wait3A_301, %dma_wait3A_305] : memref<2x4x128xi32, #tpu.memory_space<vmem>> -> memref<1x1x128xi32, #tpu.memory_space<vmem>>
        %dma_wait3A_307 = tpu.memref_squeeze %dma_wait3A_306 : memref<1x1x128xi32, #tpu.memory_space<vmem>> -> memref<128xi32, #tpu.memory_space<vmem>>
        %dma_wait3A_308 = arith.constant 0 : i32
        %dma_wait3A_309 = arith.constant 0 : i32
        %dma_wait3A_310 = tpu.memref_slice %arg3[%dma_wait3A_308, %dma_wait3A_309] : memref<10000x16xf32, #tpu.memory_space<hbm>> -> memref<10000x16xf32, #tpu.memory_space<hbm>>
        tpu.wait_indirect_dma semaphore(%arg25 : memref<!tpu.dma_semaphore, #tpu.memory_space<semaphore_mem>>) src(%dma_wait3A_310 : memref<10000x16xf32, #tpu.memory_space<hbm>>) dst(%dma_wait3A_304 : memref<128x16xf32, #tpu.memory_space<vmem>>)
        %dma_wait3A_311 = arith.constant 0 : i32
        %dma_wait3A_312 = arith.constant 3 : i32
        %dma_wait3A_313 = arith.constant 384 : i32
        %dma_wait3A_314 = arith.constant 0 : i32
        %dma_wait3A_315 = tpu.memref_slice %arg19[%dma_wait3A_313, %dma_wait3A_314] : memref<512x16xf32, #tpu.memory_space<vmem>> -> memref<128x16xf32, #tpu.memory_space<vmem>>
        %dma_wait3A_316 = arith.constant 0 : i32
        %dma_wait3A_317 = tpu.memref_slice %arg18[%dma_wait3A_311, %dma_wait3A_312, %dma_wait3A_316] : memref<2x4x128xi32, #tpu.memory_space<vmem>> -> memref<1x1x128xi32, #tpu.memory_space<vmem>>
        %dma_wait3A_318 = tpu.memref_squeeze %dma_wait3A_317 : memref<1x1x128xi32, #tpu.memory_space<vmem>> -> memref<128xi32, #tpu.memory_space<vmem>>
        %dma_wait3A_319 = arith.constant 0 : i32
        %dma_wait3A_320 = arith.constant 0 : i32
        %dma_wait3A_321 = tpu.memref_slice %arg2[%dma_wait3A_319, %dma_wait3A_320] : memref<10000x16xf32, #tpu.memory_space<hbm>> -> memref<10000x16xf32, #tpu.memory_space<hbm>>
        tpu.wait_indirect_dma semaphore(%arg25 : memref<!tpu.dma_semaphore, #tpu.memory_space<semaphore_mem>>) src(%dma_wait3A_321 : memref<10000x16xf32, #tpu.memory_space<hbm>>) dst(%dma_wait3A_315 : memref<128x16xf32, #tpu.memory_space<vmem>>)
        %dma_wait3A_322 = arith.constant 1 : i32
        %dma_wait3A_323 = arith.constant 3 : i32
        %dma_wait3A_324 = arith.constant 384 : i32
        %dma_wait3A_325 = arith.constant 0 : i32
        %dma_wait3A_326 = tpu.memref_slice %arg20[%dma_wait3A_324, %dma_wait3A_325] : memref<512x16xf32, #tpu.memory_space<vmem>> -> memref<128x16xf32, #tpu.memory_space<vmem>>
        %dma_wait3A_327 = arith.constant 0 : i32
        %dma_wait3A_328 = tpu.memref_slice %arg18[%dma_wait3A_322, %dma_wait3A_323, %dma_wait3A_327] : memref<2x4x128xi32, #tpu.memory_space<vmem>> -> memref<1x1x128xi32, #tpu.memory_space<vmem>>
        %dma_wait3A_329 = tpu.memref_squeeze %dma_wait3A_328 : memref<1x1x128xi32, #tpu.memory_space<vmem>> -> memref<128xi32, #tpu.memory_space<vmem>>
        %dma_wait3A_330 = arith.constant 0 : i32
        %dma_wait3A_331 = arith.constant 0 : i32
        %dma_wait3A_332 = tpu.memref_slice %arg3[%dma_wait3A_330, %dma_wait3A_331] : memref<10000x16xf32, #tpu.memory_space<hbm>> -> memref<10000x16xf32, #tpu.memory_space<hbm>>
        tpu.wait_indirect_dma semaphore(%arg25 : memref<!tpu.dma_semaphore, #tpu.memory_space<semaphore_mem>>) src(%dma_wait3A_332 : memref<10000x16xf32, #tpu.memory_space<hbm>>) dst(%dma_wait3A_326 : memref<128x16xf32, #tpu.memory_space<vmem>>)
        %lt3A_333 = arith.constant 625 : i32
        %lt3A_334 = arith.cmpi slt, %add3A_234, %lt3A_333 : i32
        %convert_element_type3A_335 = arith.extui %lt3A_334 : i1 to i32
        %cond3A_336 = arith.constant 0 : i32
        %cond3A_337 = arith.cmpi ne, %convert_element_type3A_335, %cond3A_336 : i32
        scf.if %cond3A_337 {
          %dma_wait3A_380 = arith.constant 0 : i32
          %dma_wait3A_381 = arith.constant 0 : i32
          %dma_wait3A_382 = arith.constant 0 : i32
          %dma_wait3A_383 = tpu.memref_slice %arg5[%dma_wait3A_380, %dma_wait3A_381, %dma_wait3A_382] : memref<2x2500x128xi32, #tpu.memory_space<hbm>> -> memref<2x4x128xi32, #tpu.memory_space<hbm>>
          %dma_wait3A_384 = arith.constant 0 : i32
          %dma_wait3A_385 = arith.constant 0 : i32
          %dma_wait3A_386 = arith.constant 0 : i32
          %dma_wait3A_387 = tpu.memref_slice %arg5[%dma_wait3A_384, %dma_wait3A_385, %dma_wait3A_386] : memref<2x2500x128xi32, #tpu.memory_space<hbm>> -> memref<2x4x128xi32, #tpu.memory_space<hbm>>
          tpu.wait_dma2 semaphore(%arg15 : memref<!tpu.dma_semaphore, #tpu.memory_space<semaphore_mem>>) src(%dma_wait3A_387 : memref<2x4x128xi32, #tpu.memory_space<hbm>>) dst(%arg9 : memref<2x4x128xi32, #tpu.memory_space<vmem>>)
          %dma_wait3A_388 = arith.constant 0 : i32
          %dma_wait3A_389 = arith.constant 0 : i32
          %dma_wait3A_390 = tpu.memref_slice %arg12[%dma_wait3A_388, %dma_wait3A_389] : memref<16x513xf32, #tpu.memory_space<vmem>> -> memref<16x512xf32, #tpu.memory_space<vmem>>
          %dma_wait3A_391 = arith.constant 0 : i32
          %dma_wait3A_392 = arith.constant 0 : i32
          %dma_wait3A_393 = tpu.memref_slice %arg4[%dma_wait3A_391, %dma_wait3A_392] : memref<16x320000xf32, #tpu.memory_space<hbm>> -> memref<16x512xf32, #tpu.memory_space<hbm>>
          %dma_wait3A_394 = arith.constant 0 : i32
          %dma_wait3A_395 = arith.constant 0 : i32
          %dma_wait3A_396 = tpu.memref_slice %arg12[%dma_wait3A_394, %dma_wait3A_395] : memref<16x513xf32, #tpu.memory_space<vmem>> -> memref<16x512xf32, #tpu.memory_space<vmem>>
          %dma_wait3A_397 = arith.constant 0 : i32
          %dma_wait3A_398 = arith.constant 0 : i32
          %dma_wait3A_399 = tpu.memref_slice %arg4[%dma_wait3A_397, %dma_wait3A_398] : memref<16x320000xf32, #tpu.memory_space<hbm>> -> memref<16x512xf32, #tpu.memory_space<hbm>>
          tpu.wait_dma2 semaphore(%arg15 : memref<!tpu.dma_semaphore, #tpu.memory_space<semaphore_mem>>) src(%dma_wait3A_399 : memref<16x512xf32, #tpu.memory_space<hbm>>) dst(%dma_wait3A_396 : memref<16x512xf32, #tpu.memory_space<vmem>>)
          %dma_start3A_400 = arith.constant 0 : i32
          %dma_start3A_401 = arith.constant 0 : i32
          %dma_start3A_402 = arith.constant 0 : i32
          %dma_start3A_403 = arith.constant 0 : i32
          %dma_start3A_404 = tpu.memref_slice %arg10[%dma_start3A_402, %dma_start3A_403] : memref<512x16xf32, #tpu.memory_space<vmem>> -> memref<128x16xf32, #tpu.memory_space<vmem>>
          %dma_start3A_405 = arith.constant 0 : i32
          %dma_start3A_406 = tpu.memref_slice %arg9[%dma_start3A_400, %dma_start3A_401, %dma_start3A_405] : memref<2x4x128xi32, #tpu.memory_space<vmem>> -> memref<1x1x128xi32, #tpu.memory_space<vmem>>
          %dma_start3A_407 = tpu.memref_squeeze %dma_start3A_406 : memref<1x1x128xi32, #tpu.memory_space<vmem>> -> memref<128xi32, #tpu.memory_space<vmem>>
          %dma_start3A_408 = arith.constant 0 : i32
          %dma_start3A_409 = arith.constant 0 : i32
          %dma_start3A_410 = tpu.memref_slice %arg2[%dma_start3A_408, %dma_start3A_409] : memref<10000x16xf32, #tpu.memory_space<hbm>> -> memref<10000x16xf32, #tpu.memory_space<hbm>>
          tpu.enqueue_indirect_dma source(%dma_start3A_410 : memref<10000x16xf32, #tpu.memory_space<hbm>>) target(%dma_start3A_404 : memref<128x16xf32, #tpu.memory_space<vmem>>) offsets(%dma_start3A_407 : memref<128xi32, #tpu.memory_space<vmem>>) semaphore(%arg16 : memref<!tpu.dma_semaphore, #tpu.memory_space<semaphore_mem>>)
          %dma_start3A_411 = arith.constant 1 : i32
          %dma_start3A_412 = arith.constant 0 : i32
          %dma_start3A_413 = arith.constant 0 : i32
          %dma_start3A_414 = arith.constant 0 : i32
          %dma_start3A_415 = tpu.memref_slice %arg11[%dma_start3A_413, %dma_start3A_414] : memref<512x16xf32, #tpu.memory_space<vmem>> -> memref<128x16xf32, #tpu.memory_space<vmem>>
          %dma_start3A_416 = arith.constant 0 : i32
          %dma_start3A_417 = tpu.memref_slice %arg9[%dma_start3A_411, %dma_start3A_412, %dma_start3A_416] : memref<2x4x128xi32, #tpu.memory_space<vmem>> -> memref<1x1x128xi32, #tpu.memory_space<vmem>>
          %dma_start3A_418 = tpu.memref_squeeze %dma_start3A_417 : memref<1x1x128xi32, #tpu.memory_space<vmem>> -> memref<128xi32, #tpu.memory_space<vmem>>
          %dma_start3A_419 = arith.constant 0 : i32
          %dma_start3A_420 = arith.constant 0 : i32
          %dma_start3A_421 = tpu.memref_slice %arg3[%dma_start3A_419, %dma_start3A_420] : memref<10000x16xf32, #tpu.memory_space<hbm>> -> memref<10000x16xf32, #tpu.memory_space<hbm>>
          tpu.enqueue_indirect_dma source(%dma_start3A_421 : memref<10000x16xf32, #tpu.memory_space<hbm>>) target(%dma_start3A_415 : memref<128x16xf32, #tpu.memory_space<vmem>>) offsets(%dma_start3A_418 : memref<128xi32, #tpu.memory_space<vmem>>) semaphore(%arg16 : memref<!tpu.dma_semaphore, #tpu.memory_space<semaphore_mem>>)
          %dma_start3A_422 = arith.constant 0 : i32
          %dma_start3A_423 = arith.constant 1 : i32
          %dma_start3A_424 = arith.constant 128 : i32
          %dma_start3A_425 = arith.constant 0 : i32
          %dma_start3A_426 = tpu.memref_slice %arg10[%dma_start3A_424, %dma_start3A_425] : memref<512x16xf32, #tpu.memory_space<vmem>> -> memref<128x16xf32, #tpu.memory_space<vmem>>
          %dma_start3A_427 = arith.constant 0 : i32
          %dma_start3A_428 = tpu.memref_slice %arg9[%dma_start3A_422, %dma_start3A_423, %dma_start3A_427] : memref<2x4x128xi32, #tpu.memory_space<vmem>> -> memref<1x1x128xi32, #tpu.memory_space<vmem>>
          %dma_start3A_429 = tpu.memref_squeeze %dma_start3A_428 : memref<1x1x128xi32, #tpu.memory_space<vmem>> -> memref<128xi32, #tpu.memory_space<vmem>>
          %dma_start3A_430 = arith.constant 0 : i32
          %dma_start3A_431 = arith.constant 0 : i32
          %dma_start3A_432 = tpu.memref_slice %arg2[%dma_start3A_430, %dma_start3A_431] : memref<10000x16xf32, #tpu.memory_space<hbm>> -> memref<10000x16xf32, #tpu.memory_space<hbm>>
          tpu.enqueue_indirect_dma source(%dma_start3A_432 : memref<10000x16xf32, #tpu.memory_space<hbm>>) target(%dma_start3A_426 : memref<128x16xf32, #tpu.memory_space<vmem>>) offsets(%dma_start3A_429 : memref<128xi32, #tpu.memory_space<vmem>>) semaphore(%arg16 : memref<!tpu.dma_semaphore, #tpu.memory_space<semaphore_mem>>)
          %dma_start3A_433 = arith.constant 1 : i32
          %dma_start3A_434 = arith.constant 1 : i32
          %dma_start3A_435 = arith.constant 128 : i32
          %dma_start3A_436 = arith.constant 0 : i32
          %dma_start3A_437 = tpu.memref_slice %arg11[%dma_start3A_435, %dma_start3A_436] : memref<512x16xf32, #tpu.memory_space<vmem>> -> memref<128x16xf32, #tpu.memory_space<vmem>>
          %dma_start3A_438 = arith.constant 0 : i32
          %dma_start3A_439 = tpu.memref_slice %arg9[%dma_start3A_433, %dma_start3A_434, %dma_start3A_438] : memref<2x4x128xi32, #tpu.memory_space<vmem>> -> memref<1x1x128xi32, #tpu.memory_space<vmem>>
          %dma_start3A_440 = tpu.memref_squeeze %dma_start3A_439 : memref<1x1x128xi32, #tpu.memory_space<vmem>> -> memref<128xi32, #tpu.memory_space<vmem>>
          %dma_start3A_441 = arith.constant 0 : i32
          %dma_start3A_442 = arith.constant 0 : i32
          %dma_start3A_443 = tpu.memref_slice %arg3[%dma_start3A_441, %dma_start3A_442] : memref<10000x16xf32, #tpu.memory_space<hbm>> -> memref<10000x16xf32, #tpu.memory_space<hbm>>
          tpu.enqueue_indirect_dma source(%dma_start3A_443 : memref<10000x16xf32, #tpu.memory_space<hbm>>) target(%dma_start3A_437 : memref<128x16xf32, #tpu.memory_space<vmem>>) offsets(%dma_start3A_440 : memref<128xi32, #tpu.memory_space<vmem>>) semaphore(%arg16 : memref<!tpu.dma_semaphore, #tpu.memory_space<semaphore_mem>>)
          %dma_start3A_444 = arith.constant 0 : i32
          %dma_start3A_445 = arith.constant 2 : i32
          %dma_start3A_446 = arith.constant 256 : i32
          %dma_start3A_447 = arith.constant 0 : i32
          %dma_start3A_448 = tpu.memref_slice %arg10[%dma_start3A_446, %dma_start3A_447] : memref<512x16xf32, #tpu.memory_space<vmem>> -> memref<128x16xf32, #tpu.memory_space<vmem>>
          %dma_start3A_449 = arith.constant 0 : i32
          %dma_start3A_450 = tpu.memref_slice %arg9[%dma_start3A_444, %dma_start3A_445, %dma_start3A_449] : memref<2x4x128xi32, #tpu.memory_space<vmem>> -> memref<1x1x128xi32, #tpu.memory_space<vmem>>
          %dma_start3A_451 = tpu.memref_squeeze %dma_start3A_450 : memref<1x1x128xi32, #tpu.memory_space<vmem>> -> memref<128xi32, #tpu.memory_space<vmem>>
          %dma_start3A_452 = arith.constant 0 : i32
          %dma_start3A_453 = arith.constant 0 : i32
          %dma_start3A_454 = tpu.memref_slice %arg2[%dma_start3A_452, %dma_start3A_453] : memref<10000x16xf32, #tpu.memory_space<hbm>> -> memref<10000x16xf32, #tpu.memory_space<hbm>>
          tpu.enqueue_indirect_dma source(%dma_start3A_454 : memref<10000x16xf32, #tpu.memory_space<hbm>>) target(%dma_start3A_448 : memref<128x16xf32, #tpu.memory_space<vmem>>) offsets(%dma_start3A_451 : memref<128xi32, #tpu.memory_space<vmem>>) semaphore(%arg16 : memref<!tpu.dma_semaphore, #tpu.memory_space<semaphore_mem>>)
          %dma_start3A_455 = arith.constant 1 : i32
          %dma_start3A_456 = arith.constant 2 : i32
          %dma_start3A_457 = arith.constant 256 : i32
          %dma_start3A_458 = arith.constant 0 : i32
          %dma_start3A_459 = tpu.memref_slice %arg11[%dma_start3A_457, %dma_start3A_458] : memref<512x16xf32, #tpu.memory_space<vmem>> -> memref<128x16xf32, #tpu.memory_space<vmem>>
          %dma_start3A_460 = arith.constant 0 : i32
          %dma_start3A_461 = tpu.memref_slice %arg9[%dma_start3A_455, %dma_start3A_456, %dma_start3A_460] : memref<2x4x128xi32, #tpu.memory_space<vmem>> -> memref<1x1x128xi32, #tpu.memory_space<vmem>>
          %dma_start3A_462 = tpu.memref_squeeze %dma_start3A_461 : memref<1x1x128xi32, #tpu.memory_space<vmem>> -> memref<128xi32, #tpu.memory_space<vmem>>
          %dma_start3A_463 = arith.constant 0 : i32
          %dma_start3A_464 = arith.constant 0 : i32
          %dma_start3A_465 = tpu.memref_slice %arg3[%dma_start3A_463, %dma_start3A_464] : memref<10000x16xf32, #tpu.memory_space<hbm>> -> memref<10000x16xf32, #tpu.memory_space<hbm>>
          tpu.enqueue_indirect_dma source(%dma_start3A_465 : memref<10000x16xf32, #tpu.memory_space<hbm>>) target(%dma_start3A_459 : memref<128x16xf32, #tpu.memory_space<vmem>>) offsets(%dma_start3A_462 : memref<128xi32, #tpu.memory_space<vmem>>) semaphore(%arg16 : memref<!tpu.dma_semaphore, #tpu.memory_space<semaphore_mem>>)
          %dma_start3A_466 = arith.constant 0 : i32
          %dma_start3A_467 = arith.constant 3 : i32
          %dma_start3A_468 = arith.constant 384 : i32
          %dma_start3A_469 = arith.constant 0 : i32
          %dma_start3A_470 = tpu.memref_slice %arg10[%dma_start3A_468, %dma_start3A_469] : memref<512x16xf32, #tpu.memory_space<vmem>> -> memref<128x16xf32, #tpu.memory_space<vmem>>
          %dma_start3A_471 = arith.constant 0 : i32
          %dma_start3A_472 = tpu.memref_slice %arg9[%dma_start3A_466, %dma_start3A_467, %dma_start3A_471] : memref<2x4x128xi32, #tpu.memory_space<vmem>> -> memref<1x1x128xi32, #tpu.memory_space<vmem>>
          %dma_start3A_473 = tpu.memref_squeeze %dma_start3A_472 : memref<1x1x128xi32, #tpu.memory_space<vmem>> -> memref<128xi32, #tpu.memory_space<vmem>>
          %dma_start3A_474 = arith.constant 0 : i32
          %dma_start3A_475 = arith.constant 0 : i32
          %dma_start3A_476 = tpu.memref_slice %arg2[%dma_start3A_474, %dma_start3A_475] : memref<10000x16xf32, #tpu.memory_space<hbm>> -> memref<10000x16xf32, #tpu.memory_space<hbm>>
          tpu.enqueue_indirect_dma source(%dma_start3A_476 : memref<10000x16xf32, #tpu.memory_space<hbm>>) target(%dma_start3A_470 : memref<128x16xf32, #tpu.memory_space<vmem>>) offsets(%dma_start3A_473 : memref<128xi32, #tpu.memory_space<vmem>>) semaphore(%arg16 : memref<!tpu.dma_semaphore, #tpu.memory_space<semaphore_mem>>)
          %dma_start3A_477 = arith.constant 1 : i32
          %dma_start3A_478 = arith.constant 3 : i32
          %dma_start3A_479 = arith.constant 384 : i32
          %dma_start3A_480 = arith.constant 0 : i32
          %dma_start3A_481 = tpu.memref_slice %arg11[%dma_start3A_479, %dma_start3A_480] : memref<512x16xf32, #tpu.memory_space<vmem>> -> memref<128x16xf32, #tpu.memory_space<vmem>>
          %dma_start3A_482 = arith.constant 0 : i32
          %dma_start3A_483 = tpu.memref_slice %arg9[%dma_start3A_477, %dma_start3A_478, %dma_start3A_482] : memref<2x4x128xi32, #tpu.memory_space<vmem>> -> memref<1x1x128xi32, #tpu.memory_space<vmem>>
          %dma_start3A_484 = tpu.memref_squeeze %dma_start3A_483 : memref<1x1x128xi32, #tpu.memory_space<vmem>> -> memref<128xi32, #tpu.memory_space<vmem>>
          %dma_start3A_485 = arith.constant 0 : i32
          %dma_start3A_486 = arith.constant 0 : i32
          %dma_start3A_487 = tpu.memref_slice %arg3[%dma_start3A_485, %dma_start3A_486] : memref<10000x16xf32, #tpu.memory_space<hbm>> -> memref<10000x16xf32, #tpu.memory_space<hbm>>
          tpu.enqueue_indirect_dma source(%dma_start3A_487 : memref<10000x16xf32, #tpu.memory_space<hbm>>) target(%dma_start3A_481 : memref<128x16xf32, #tpu.memory_space<vmem>>) offsets(%dma_start3A_484 : memref<128xi32, #tpu.memory_space<vmem>>) semaphore(%arg16 : memref<!tpu.dma_semaphore, #tpu.memory_space<semaphore_mem>>)
        } else {
        }
        %ge3A = arith.constant 2 : i32
        %ge3A_338 = arith.cmpi sge, %add3A_226, %ge3A : i32
        %convert_element_type3A_339 = arith.extui %ge3A_338 : i1 to i32
        %cond3A_340 = arith.constant 0 : i32
        %cond3A_341 = arith.cmpi ne, %convert_element_type3A_339, %cond3A_340 : i32
        scf.if %cond3A_341 {
          %dma_wait3A_380 = arith.constant 0 : i32
          %dma_wait3A_381 = arith.constant 0 : i32
          %dma_wait3A_382 = tpu.memref_slice %arg23[%dma_wait3A_380, %dma_wait3A_381] : memref<16x513xf32, #tpu.memory_space<vmem>> -> memref<16x512xf32, #tpu.memory_space<vmem>>
          %dma_wait3A_383 = arith.constant 0 : i32
          %dma_wait3A_384 = arith.constant 0 : i32
          %dma_wait3A_385 = tpu.memref_slice %arg6[%dma_wait3A_383, %dma_wait3A_384] : memref<16x320000xf32, #tpu.memory_space<hbm>> -> memref<16x512xf32, #tpu.memory_space<hbm>>
          %dma_wait3A_386 = arith.constant 0 : i32
          %dma_wait3A_387 = arith.constant 0 : i32
          %dma_wait3A_388 = tpu.memref_slice %arg6[%dma_wait3A_386, %dma_wait3A_387] : memref<16x320000xf32, #tpu.memory_space<hbm>> -> memref<16x512xf32, #tpu.memory_space<hbm>>
          %dma_wait3A_389 = arith.constant 0 : i32
          %dma_wait3A_390 = arith.constant 0 : i32
          %dma_wait3A_391 = tpu.memref_slice %arg23[%dma_wait3A_389, %dma_wait3A_390] : memref<16x513xf32, #tpu.memory_space<vmem>> -> memref<16x512xf32, #tpu.memory_space<vmem>>
          tpu.wait_dma2 semaphore(%arg26 : memref<!tpu.dma_semaphore, #tpu.memory_space<semaphore_mem>>) src(%dma_wait3A_391 : memref<16x512xf32, #tpu.memory_space<vmem>>) dst(%dma_wait3A_388 : memref<16x512xf32, #tpu.memory_space<hbm>>)
        } else {
        }
        %scan3A_342 = arith.constant 0 : i32
        %scan3A_343 = arith.constant 512 : i32
        %scan3A_344 = arith.addi %scan3A_342, %scan3A_343 : i32
        %scan3A_345 = arith.constant 4 : i32
        scf.for %scan3A_380 = %scan3A_342 to %scan3A_344 step %scan3A_345  : i32 {
          %mul3A_381 = arith.constant 1 : i32
          %mul3A_382 = arith.muli %scan3A_380, %mul3A_381 : i32
          %add3A_383 = arith.constant 0 : i32
          %add3A_384 = arith.addi %add3A_383, %mul3A_382 : i32
          %broadcast_in_dim3A = vector.broadcast %add3A_384 : i32 to vector<16xi32>
          %gather3A = tpu.vector_load_idx %arg21[%iota3A, %broadcast_in_dim3A] : memref<16x513xf32, #tpu.memory_space<vmem>>[vector<16xi32>, vector<16xi32>], vector<16xf32>,
          %get3A = arith.index_cast %add3A_384 : i32 to index
          %get3A_385 = arith.constant 0 : index
          %get3A_386 = tpu.vector_load %arg19[%get3A, %get3A_385] {strides = array<i32>} : memref<512x16xf32, #tpu.memory_space<vmem>>, vector<16xf32>,
          %get3A_387 = arith.index_cast %add3A_384 : i32 to index
          %get3A_388 = arith.constant 0 : index
          %get3A_389 = tpu.vector_load %arg20[%get3A_387, %get3A_388] {strides = array<i32>} : memref<512x16xf32, #tpu.memory_space<vmem>>, vector<16xf32>,
          %add3A_390 = arith.addf %get3A_386, %get3A_389 : vector<16xf32>
          %add3A_391 = arith.addf %add3A_390, %gather3A : vector<16xf32>
          %swap3A = arith.index_cast %add3A_384 : i32 to index
          %swap3A_392 = arith.constant 0 : index
          %swap3A_393 = tpu.vector_load %arg22[%swap3A, %swap3A_392] {strides = array<i32>} : memref<512x16xf32, #tpu.memory_space<vmem>>, vector<16xf32>,
          tpu.vector_store %arg22[%swap3A, %swap3A_392], %add3A_391 {strides = array<i32>} : memref<512x16xf32, #tpu.memory_space<vmem>>, vector<16xf32>,
          tpu.vector_store_idx %arg23[%iota3A, %broadcast_in_dim3A], %add3A_391 : memref<16x513xf32, #tpu.memory_space<vmem>>[vector<16xi32>, vector<16xi32>], vector<16xf32>,
          %scan3A_394 = arith.constant 1 : i32
          %scan3A_395 = arith.addi %scan3A_380, %scan3A_394 : i32
          %mul3A_396 = arith.constant 1 : i32
          %mul3A_397 = arith.muli %scan3A_395, %mul3A_396 : i32
          %add3A_398 = arith.constant 0 : i32
          %add3A_399 = arith.addi %add3A_398, %mul3A_397 : i32
          %broadcast_in_dim3A_400 = vector.broadcast %add3A_399 : i32 to vector<16xi32>
          %gather3A_401 = tpu.vector_load_idx %arg21[%iota3A, %broadcast_in_dim3A_400] : memref<16x513xf32, #tpu.memory_space<vmem>>[vector<16xi32>, vector<16xi32>], vector<16xf32>,
          %get3A_402 = arith.index_cast %add3A_399 : i32 to index
          %get3A_403 = arith.constant 0 : index
          %get3A_404 = tpu.vector_load %arg19[%get3A_402, %get3A_403] {strides = array<i32>} : memref<512x16xf32, #tpu.memory_space<vmem>>, vector<16xf32>,
          %get3A_405 = arith.index_cast %add3A_399 : i32 to index
          %get3A_406 = arith.constant 0 : index
          %get3A_407 = tpu.vector_load %arg20[%get3A_405, %get3A_406] {strides = array<i32>} : memref<512x16xf32, #tpu.memory_space<vmem>>, vector<16xf32>,
          %add3A_408 = arith.addf %get3A_404, %get3A_407 : vector<16xf32>
          %add3A_409 = arith.addf %add3A_408, %gather3A_401 : vector<16xf32>
          %swap3A_410 = arith.index_cast %add3A_399 : i32 to index
          %swap3A_411 = arith.constant 0 : index
          %swap3A_412 = tpu.vector_load %arg22[%swap3A_410, %swap3A_411] {strides = array<i32>} : memref<512x16xf32, #tpu.memory_space<vmem>>, vector<16xf32>,
          tpu.vector_store %arg22[%swap3A_410, %swap3A_411], %add3A_409 {strides = array<i32>} : memref<512x16xf32, #tpu.memory_space<vmem>>, vector<16xf32>,
          tpu.vector_store_idx %arg23[%iota3A, %broadcast_in_dim3A_400], %add3A_409 : memref<16x513xf32, #tpu.memory_space<vmem>>[vector<16xi32>, vector<16xi32>], vector<16xf32>,
          %scan3A_413 = arith.constant 2 : i32
          %scan3A_414 = arith.addi %scan3A_380, %scan3A_413 : i32
          %mul3A_415 = arith.constant 1 : i32
          %mul3A_416 = arith.muli %scan3A_414, %mul3A_415 : i32
          %add3A_417 = arith.constant 0 : i32
          %add3A_418 = arith.addi %add3A_417, %mul3A_416 : i32
          %broadcast_in_dim3A_419 = vector.broadcast %add3A_418 : i32 to vector<16xi32>
          %gather3A_420 = tpu.vector_load_idx %arg21[%iota3A, %broadcast_in_dim3A_419] : memref<16x513xf32, #tpu.memory_space<vmem>>[vector<16xi32>, vector<16xi32>], vector<16xf32>,
          %get3A_421 = arith.index_cast %add3A_418 : i32 to index
          %get3A_422 = arith.constant 0 : index
          %get3A_423 = tpu.vector_load %arg19[%get3A_421, %get3A_422] {strides = array<i32>} : memref<512x16xf32, #tpu.memory_space<vmem>>, vector<16xf32>,
          %get3A_424 = arith.index_cast %add3A_418 : i32 to index
          %get3A_425 = arith.constant 0 : index
          %get3A_426 = tpu.vector_load %arg20[%get3A_424, %get3A_425] {strides = array<i32>} : memref<512x16xf32, #tpu.memory_space<vmem>>, vector<16xf32>,
          %add3A_427 = arith.addf %get3A_423, %get3A_426 : vector<16xf32>
          %add3A_428 = arith.addf %add3A_427, %gather3A_420 : vector<16xf32>
          %swap3A_429 = arith.index_cast %add3A_418 : i32 to index
          %swap3A_430 = arith.constant 0 : index
          %swap3A_431 = tpu.vector_load %arg22[%swap3A_429, %swap3A_430] {strides = array<i32>} : memref<512x16xf32, #tpu.memory_space<vmem>>, vector<16xf32>,
          tpu.vector_store %arg22[%swap3A_429, %swap3A_430], %add3A_428 {strides = array<i32>} : memref<512x16xf32, #tpu.memory_space<vmem>>, vector<16xf32>,
          tpu.vector_store_idx %arg23[%iota3A, %broadcast_in_dim3A_419], %add3A_428 : memref<16x513xf32, #tpu.memory_space<vmem>>[vector<16xi32>, vector<16xi32>], vector<16xf32>,
          %scan3A_432 = arith.constant 3 : i32
          %scan3A_433 = arith.addi %scan3A_380, %scan3A_432 : i32
          %mul3A_434 = arith.constant 1 : i32
          %mul3A_435 = arith.muli %scan3A_433, %mul3A_434 : i32
          %add3A_436 = arith.constant 0 : i32
          %add3A_437 = arith.addi %add3A_436, %mul3A_435 : i32
          %broadcast_in_dim3A_438 = vector.broadcast %add3A_437 : i32 to vector<16xi32>
          %gather3A_439 = tpu.vector_load_idx %arg21[%iota3A, %broadcast_in_dim3A_438] : memref<16x513xf32, #tpu.memory_space<vmem>>[vector<16xi32>, vector<16xi32>], vector<16xf32>,
          %get3A_440 = arith.index_cast %add3A_437 : i32 to index
          %get3A_441 = arith.constant 0 : index
          %get3A_442 = tpu.vector_load %arg19[%get3A_440, %get3A_441] {strides = array<i32>} : memref<512x16xf32, #tpu.memory_space<vmem>>, vector<16xf32>,
          %get3A_443 = arith.index_cast %add3A_437 : i32 to index
          %get3A_444 = arith.constant 0 : index
          %get3A_445 = tpu.vector_load %arg20[%get3A_443, %get3A_444] {strides = array<i32>} : memref<512x16xf32, #tpu.memory_space<vmem>>, vector<16xf32>,
          %add3A_446 = arith.addf %get3A_442, %get3A_445 : vector<16xf32>
          %add3A_447 = arith.addf %add3A_446, %gather3A_439 : vector<16xf32>
          %swap3A_448 = arith.index_cast %add3A_437 : i32 to index
          %swap3A_449 = arith.constant 0 : index
          %swap3A_450 = tpu.vector_load %arg22[%swap3A_448, %swap3A_449] {strides = array<i32>} : memref<512x16xf32, #tpu.memory_space<vmem>>, vector<16xf32>,
          tpu.vector_store %arg22[%swap3A_448, %swap3A_449], %add3A_447 {strides = array<i32>} : memref<512x16xf32, #tpu.memory_space<vmem>>, vector<16xf32>,
          tpu.vector_store_idx %arg23[%iota3A, %broadcast_in_dim3A_438], %add3A_447 : memref<16x513xf32, #tpu.memory_space<vmem>>[vector<16xi32>, vector<16xi32>], vector<16xf32>,
        }
        %scan3A_346 = arith.constant 512 : i32
        %mul3A_347 = arith.constant 512 : i32
        %mul3A_348 = arith.muli %add3A_229, %mul3A_347 : i32
        %multiple_of3A_349 = tpu.assume_multiple %mul3A_348, 512 : i32
        %dma_start3A_350 = arith.constant 0 : i32
        %dma_start3A_351 = arith.constant 0 : i32
        %dma_start3A_352 = tpu.memref_slice %arg23[%dma_start3A_350, %dma_start3A_351] : memref<16x513xf32, #tpu.memory_space<vmem>> -> memref<16x512xf32, #tpu.memory_space<vmem>>
        %dma_start3A_353 = arith.constant 0 : i32
        %dma_start3A_354 = tpu.memref_slice %arg6[%dma_start3A_353, %multiple_of3A_349] : memref<16x320000xf32, #tpu.memory_space<hbm>> -> memref<16x512xf32, #tpu.memory_space<hbm>>
        %dma_start3A_355 = arith.constant 0 : i32
        %dma_start3A_356 = tpu.memref_slice %arg6[%dma_start3A_355, %multiple_of3A_349] : memref<16x320000xf32, #tpu.memory_space<hbm>> -> memref<16x512xf32, #tpu.memory_space<hbm>>
        %dma_start3A_357 = arith.constant 0 : i32
        %dma_start3A_358 = arith.constant 0 : i32
        %dma_start3A_359 = tpu.memref_slice %arg23[%dma_start3A_357, %dma_start3A_358] : memref<16x513xf32, #tpu.memory_space<vmem>> -> memref<16x512xf32, #tpu.memory_space<vmem>>
        tpu.enqueue_dma source(%dma_start3A_359 : memref<16x512xf32, #tpu.memory_space<vmem>>) target(%dma_start3A_356 : memref<16x512xf32, #tpu.memory_space<hbm>>) target_semaphore(%arg26 : memref<!tpu.dma_semaphore, #tpu.memory_space<semaphore_mem>>)
        %run_scoped3A = arith.constant 1 : i32
        %run_scoped3A_360 = arith.constant 0 : i32
        "tpu.region"() ({
          %run_scoped3A_380 = tpu.sem_alloc : memref<!tpu.dma_semaphore, #tpu.memory_space<semaphore_mem>>
          %dma_start3A_381 = arith.constant 0 : i32
          %dma_start3A_382 = arith.constant 0 : i32
          %dma_start3A_383 = tpu.memref_slice %arg22[%dma_start3A_381, %dma_start3A_382] : memref<512x16xf32, #tpu.memory_space<vmem>> -> memref<128x16xf32, #tpu.memory_space<vmem>>
          %dma_start3A_384 = arith.constant 0 : i32
          %dma_start3A_385 = tpu.memref_slice %arg18[%run_scoped3A, %run_scoped3A_360, %dma_start3A_384] : memref<2x4x128xi32, #tpu.memory_space<vmem>> -> memref<1x1x128xi32, #tpu.memory_space<vmem>>
          %dma_start3A_386 = tpu.memref_squeeze %dma_start3A_385 : memref<1x1x128xi32, #tpu.memory_space<vmem>> -> memref<128xi32, #tpu.memory_space<vmem>>
          %dma_start3A_387 = arith.constant 0 : i32
          %dma_start3A_388 = arith.constant 0 : i32
          %dma_start3A_389 = tpu.memref_slice %arg28[%dma_start3A_387, %dma_start3A_388] : memref<10240x16xf32, #tpu.memory_space<vmem_shared>> -> memref<10240x16xf32, #tpu.memory_space<vmem_shared>>
          tpu.enqueue_indirect_dma source(%dma_start3A_383 : memref<128x16xf32, #tpu.memory_space<vmem>>) target(%dma_start3A_389 : memref<10240x16xf32, #tpu.memory_space<vmem_shared>>) offsets(%dma_start3A_386 : memref<128xi32, #tpu.memory_space<vmem>>) semaphore(%run_scoped3A_380 : memref<!tpu.dma_semaphore, #tpu.memory_space<semaphore_mem>>) {add = true}
          %dma_wait3A_390 = arith.constant 0 : i32
          %dma_wait3A_391 = arith.constant 0 : i32
          %dma_wait3A_392 = tpu.memref_slice %arg22[%dma_wait3A_390, %dma_wait3A_391] : memref<512x16xf32, #tpu.memory_space<vmem>> -> memref<128x16xf32, #tpu.memory_space<vmem>>
          %dma_wait3A_393 = arith.constant 0 : i32
          %dma_wait3A_394 = tpu.memref_slice %arg18[%run_scoped3A, %run_scoped3A_360, %dma_wait3A_393] : memref<2x4x128xi32, #tpu.memory_space<vmem>> -> memref<1x1x128xi32, #tpu.memory_space<vmem>>
          %dma_wait3A_395 = tpu.memref_squeeze %dma_wait3A_394 : memref<1x1x128xi32, #tpu.memory_space<vmem>> -> memref<128xi32, #tpu.memory_space<vmem>>
          %dma_wait3A_396 = arith.constant 0 : i32
          %dma_wait3A_397 = arith.constant 0 : i32
          %dma_wait3A_398 = tpu.memref_slice %arg28[%dma_wait3A_396, %dma_wait3A_397] : memref<10240x16xf32, #tpu.memory_space<vmem_shared>> -> memref<10240x16xf32, #tpu.memory_space<vmem_shared>>
          tpu.wait_indirect_dma semaphore(%run_scoped3A_380 : memref<!tpu.dma_semaphore, #tpu.memory_space<semaphore_mem>>) src(%dma_wait3A_392 : memref<128x16xf32, #tpu.memory_space<vmem>>) dst(%dma_wait3A_398 : memref<10240x16xf32, #tpu.memory_space<vmem_shared>>)
          tpu.yield
        }) : () -> ()
        %run_scoped3A_361 = arith.constant 1 : i32
        %run_scoped3A_362 = arith.constant 0 : i32
        "tpu.region"() ({
          %run_scoped3A_380 = tpu.sem_alloc : memref<!tpu.dma_semaphore, #tpu.memory_space<semaphore_mem>>
          %dma_start3A_381 = arith.constant 0 : i32
          %dma_start3A_382 = tpu.memref_slice %arg18[%run_scoped3A_361, %run_scoped3A_362, %dma_start3A_381] : memref<2x4x128xi32, #tpu.memory_space<vmem>> -> memref<1x1x128xi32, #tpu.memory_space<vmem>>
          %dma_start3A_383 = tpu.memref_squeeze %dma_start3A_382 : memref<1x1x128xi32, #tpu.memory_space<vmem>> -> memref<128xi32, #tpu.memory_space<vmem>>
          %dma_start3A_384 = arith.constant 0 : i32
          %dma_start3A_385 = arith.constant 0 : i32
          %dma_start3A_386 = tpu.memref_slice %arg30[%dma_start3A_384, %dma_start3A_385] : memref<10240x16xf32, #tpu.memory_space<vmem_shared>> -> memref<10240x16xf32, #tpu.memory_space<vmem_shared>>
          tpu.enqueue_indirect_dma source(%arg29 : memref<128x16xf32, #tpu.memory_space<vmem>>) target(%dma_start3A_386 : memref<10240x16xf32, #tpu.memory_space<vmem_shared>>) offsets(%dma_start3A_383 : memref<128xi32, #tpu.memory_space<vmem>>) semaphore(%run_scoped3A_380 : memref<!tpu.dma_semaphore, #tpu.memory_space<semaphore_mem>>) {add = true}
          %dma_wait3A_387 = arith.constant 0 : i32
          %dma_wait3A_388 = tpu.memref_slice %arg18[%run_scoped3A_361, %run_scoped3A_362, %dma_wait3A_387] : memref<2x4x128xi32, #tpu.memory_space<vmem>> -> memref<1x1x128xi32, #tpu.memory_space<vmem>>
          %dma_wait3A_389 = tpu.memref_squeeze %dma_wait3A_388 : memref<1x1x128xi32, #tpu.memory_space<vmem>> -> memref<128xi32, #tpu.memory_space<vmem>>
          %dma_wait3A_390 = arith.constant 0 : i32
          %dma_wait3A_391 = arith.constant 0 : i32
          %dma_wait3A_392 = tpu.memref_slice %arg30[%dma_wait3A_390, %dma_wait3A_391] : memref<10240x16xf32, #tpu.memory_space<vmem_shared>> -> memref<10240x16xf32, #tpu.memory_space<vmem_shared>>
          tpu.wait_indirect_dma semaphore(%run_scoped3A_380 : memref<!tpu.dma_semaphore, #tpu.memory_space<semaphore_mem>>) src(%arg29 : memref<128x16xf32, #tpu.memory_space<vmem>>) dst(%dma_wait3A_392 : memref<10240x16xf32, #tpu.memory_space<vmem_shared>>)
          tpu.yield
        }) : () -> ()
        %run_scoped3A_363 = arith.constant 1 : i32
        %run_scoped3A_364 = arith.constant 1 : i32
        "tpu.region"() ({
          %run_scoped3A_380 = tpu.sem_alloc : memref<!tpu.dma_semaphore, #tpu.memory_space<semaphore_mem>>
          %dma_start3A_381 = arith.constant 128 : i32
          %dma_start3A_382 = arith.constant 0 : i32
          %dma_start3A_383 = tpu.memref_slice %arg22[%dma_start3A_381, %dma_start3A_382] : memref<512x16xf32, #tpu.memory_space<vmem>> -> memref<128x16xf32, #tpu.memory_space<vmem>>
          %dma_start3A_384 = arith.constant 0 : i32
          %dma_start3A_385 = tpu.memref_slice %arg18[%run_scoped3A_363, %run_scoped3A_364, %dma_start3A_384] : memref<2x4x128xi32, #tpu.memory_space<vmem>> -> memref<1x1x128xi32, #tpu.memory_space<vmem>>
          %dma_start3A_386 = tpu.memref_squeeze %dma_start3A_385 : memref<1x1x128xi32, #tpu.memory_space<vmem>> -> memref<128xi32, #tpu.memory_space<vmem>>
          %dma_start3A_387 = arith.constant 0 : i32
          %dma_start3A_388 = arith.constant 0 : i32
          %dma_start3A_389 = tpu.memref_slice %arg28[%dma_start3A_387, %dma_start3A_388] : memref<10240x16xf32, #tpu.memory_space<vmem_shared>> -> memref<10240x16xf32, #tpu.memory_space<vmem_shared>>
          tpu.enqueue_indirect_dma source(%dma_start3A_383 : memref<128x16xf32, #tpu.memory_space<vmem>>) target(%dma_start3A_389 : memref<10240x16xf32, #tpu.memory_space<vmem_shared>>) offsets(%dma_start3A_386 : memref<128xi32, #tpu.memory_space<vmem>>) semaphore(%run_scoped3A_380 : memref<!tpu.dma_semaphore, #tpu.memory_space<semaphore_mem>>) {add = true}
          %dma_wait3A_390 = arith.constant 128 : i32
          %dma_wait3A_391 = arith.constant 0 : i32
          %dma_wait3A_392 = tpu.memref_slice %arg22[%dma_wait3A_390, %dma_wait3A_391] : memref<512x16xf32, #tpu.memory_space<vmem>> -> memref<128x16xf32, #tpu.memory_space<vmem>>
          %dma_wait3A_393 = arith.constant 0 : i32
          %dma_wait3A_394 = tpu.memref_slice %arg18[%run_scoped3A_363, %run_scoped3A_364, %dma_wait3A_393] : memref<2x4x128xi32, #tpu.memory_space<vmem>> -> memref<1x1x128xi32, #tpu.memory_space<vmem>>
          %dma_wait3A_395 = tpu.memref_squeeze %dma_wait3A_394 : memref<1x1x128xi32, #tpu.memory_space<vmem>> -> memref<128xi32, #tpu.memory_space<vmem>>
          %dma_wait3A_396 = arith.constant 0 : i32
          %dma_wait3A_397 = arith.constant 0 : i32
          %dma_wait3A_398 = tpu.memref_slice %arg28[%dma_wait3A_396, %dma_wait3A_397] : memref<10240x16xf32, #tpu.memory_space<vmem_shared>> -> memref<10240x16xf32, #tpu.memory_space<vmem_shared>>
          tpu.wait_indirect_dma semaphore(%run_scoped3A_380 : memref<!tpu.dma_semaphore, #tpu.memory_space<semaphore_mem>>) src(%dma_wait3A_392 : memref<128x16xf32, #tpu.memory_space<vmem>>) dst(%dma_wait3A_398 : memref<10240x16xf32, #tpu.memory_space<vmem_shared>>)
          tpu.yield
        }) : () -> ()
        %run_scoped3A_365 = arith.constant 1 : i32
        %run_scoped3A_366 = arith.constant 1 : i32
        "tpu.region"() ({
          %run_scoped3A_380 = tpu.sem_alloc : memref<!tpu.dma_semaphore, #tpu.memory_space<semaphore_mem>>
          %dma_start3A_381 = arith.constant 0 : i32
          %dma_start3A_382 = tpu.memref_slice %arg18[%run_scoped3A_365, %run_scoped3A_366, %dma_start3A_381] : memref<2x4x128xi32, #tpu.memory_space<vmem>> -> memref<1x1x128xi32, #tpu.memory_space<vmem>>
          %dma_start3A_383 = tpu.memref_squeeze %dma_start3A_382 : memref<1x1x128xi32, #tpu.memory_space<vmem>> -> memref<128xi32, #tpu.memory_space<vmem>>
          %dma_start3A_384 = arith.constant 0 : i32
          %dma_start3A_385 = arith.constant 0 : i32
          %dma_start3A_386 = tpu.memref_slice %arg30[%dma_start3A_384, %dma_start3A_385] : memref<10240x16xf32, #tpu.memory_space<vmem_shared>> -> memref<10240x16xf32, #tpu.memory_space<vmem_shared>>
          tpu.enqueue_indirect_dma source(%arg29 : memref<128x16xf32, #tpu.memory_space<vmem>>) target(%dma_start3A_386 : memref<10240x16xf32, #tpu.memory_space<vmem_shared>>) offsets(%dma_start3A_383 : memref<128xi32, #tpu.memory_space<vmem>>) semaphore(%run_scoped3A_380 : memref<!tpu.dma_semaphore, #tpu.memory_space<semaphore_mem>>) {add = true}
          %dma_wait3A_387 = arith.constant 0 : i32
          %dma_wait3A_388 = tpu.memref_slice %arg18[%run_scoped3A_365, %run_scoped3A_366, %dma_wait3A_387] : memref<2x4x128xi32, #tpu.memory_space<vmem>> -> memref<1x1x128xi32, #tpu.memory_space<vmem>>
          %dma_wait3A_389 = tpu.memref_squeeze %dma_wait3A_388 : memref<1x1x128xi32, #tpu.memory_space<vmem>> -> memref<128xi32, #tpu.memory_space<vmem>>
          %dma_wait3A_390 = arith.constant 0 : i32
          %dma_wait3A_391 = arith.constant 0 : i32
          %dma_wait3A_392 = tpu.memref_slice %arg30[%dma_wait3A_390, %dma_wait3A_391] : memref<10240x16xf32, #tpu.memory_space<vmem_shared>> -> memref<10240x16xf32, #tpu.memory_space<vmem_shared>>
          tpu.wait_indirect_dma semaphore(%run_scoped3A_380 : memref<!tpu.dma_semaphore, #tpu.memory_space<semaphore_mem>>) src(%arg29 : memref<128x16xf32, #tpu.memory_space<vmem>>) dst(%dma_wait3A_392 : memref<10240x16xf32, #tpu.memory_space<vmem_shared>>)
          tpu.yield
        }) : () -> ()
        %run_scoped3A_367 = arith.constant 1 : i32
        %run_scoped3A_368 = arith.constant 2 : i32
        "tpu.region"() ({
          %run_scoped3A_380 = tpu.sem_alloc : memref<!tpu.dma_semaphore, #tpu.memory_space<semaphore_mem>>
          %dma_start3A_381 = arith.constant 256 : i32
          %dma_start3A_382 = arith.constant 0 : i32
          %dma_start3A_383 = tpu.memref_slice %arg22[%dma_start3A_381, %dma_start3A_382] : memref<512x16xf32, #tpu.memory_space<vmem>> -> memref<128x16xf32, #tpu.memory_space<vmem>>
          %dma_start3A_384 = arith.constant 0 : i32
          %dma_start3A_385 = tpu.memref_slice %arg18[%run_scoped3A_367, %run_scoped3A_368, %dma_start3A_384] : memref<2x4x128xi32, #tpu.memory_space<vmem>> -> memref<1x1x128xi32, #tpu.memory_space<vmem>>
          %dma_start3A_386 = tpu.memref_squeeze %dma_start3A_385 : memref<1x1x128xi32, #tpu.memory_space<vmem>> -> memref<128xi32, #tpu.memory_space<vmem>>
          %dma_start3A_387 = arith.constant 0 : i32
          %dma_start3A_388 = arith.constant 0 : i32
          %dma_start3A_389 = tpu.memref_slice %arg28[%dma_start3A_387, %dma_start3A_388] : memref<10240x16xf32, #tpu.memory_space<vmem_shared>> -> memref<10240x16xf32, #tpu.memory_space<vmem_shared>>
          tpu.enqueue_indirect_dma source(%dma_start3A_383 : memref<128x16xf32, #tpu.memory_space<vmem>>) target(%dma_start3A_389 : memref<10240x16xf32, #tpu.memory_space<vmem_shared>>) offsets(%dma_start3A_386 : memref<128xi32, #tpu.memory_space<vmem>>) semaphore(%run_scoped3A_380 : memref<!tpu.dma_semaphore, #tpu.memory_space<semaphore_mem>>) {add = true}
          %dma_wait3A_390 = arith.constant 256 : i32
          %dma_wait3A_391 = arith.constant 0 : i32
          %dma_wait3A_392 = tpu.memref_slice %arg22[%dma_wait3A_390, %dma_wait3A_391] : memref<512x16xf32, #tpu.memory_space<vmem>> -> memref<128x16xf32, #tpu.memory_space<vmem>>
          %dma_wait3A_393 = arith.constant 0 : i32
          %dma_wait3A_394 = tpu.memref_slice %arg18[%run_scoped3A_367, %run_scoped3A_368, %dma_wait3A_393] : memref<2x4x128xi32, #tpu.memory_space<vmem>> -> memref<1x1x128xi32, #tpu.memory_space<vmem>>
          %dma_wait3A_395 = tpu.memref_squeeze %dma_wait3A_394 : memref<1x1x128xi32, #tpu.memory_space<vmem>> -> memref<128xi32, #tpu.memory_space<vmem>>
          %dma_wait3A_396 = arith.constant 0 : i32
          %dma_wait3A_397 = arith.constant 0 : i32
          %dma_wait3A_398 = tpu.memref_slice %arg28[%dma_wait3A_396, %dma_wait3A_397] : memref<10240x16xf32, #tpu.memory_space<vmem_shared>> -> memref<10240x16xf32, #tpu.memory_space<vmem_shared>>
          tpu.wait_indirect_dma semaphore(%run_scoped3A_380 : memref<!tpu.dma_semaphore, #tpu.memory_space<semaphore_mem>>) src(%dma_wait3A_392 : memref<128x16xf32, #tpu.memory_space<vmem>>) dst(%dma_wait3A_398 : memref<10240x16xf32, #tpu.memory_space<vmem_shared>>)
          tpu.yield
        }) : () -> ()
        %run_scoped3A_369 = arith.constant 1 : i32
        %run_scoped3A_370 = arith.constant 2 : i32
        "tpu.region"() ({
          %run_scoped3A_380 = tpu.sem_alloc : memref<!tpu.dma_semaphore, #tpu.memory_space<semaphore_mem>>
          %dma_start3A_381 = arith.constant 0 : i32
          %dma_start3A_382 = tpu.memref_slice %arg18[%run_scoped3A_369, %run_scoped3A_370, %dma_start3A_381] : memref<2x4x128xi32, #tpu.memory_space<vmem>> -> memref<1x1x128xi32, #tpu.memory_space<vmem>>
          %dma_start3A_383 = tpu.memref_squeeze %dma_start3A_382 : memref<1x1x128xi32, #tpu.memory_space<vmem>> -> memref<128xi32, #tpu.memory_space<vmem>>
          %dma_start3A_384 = arith.constant 0 : i32
          %dma_start3A_385 = arith.constant 0 : i32
          %dma_start3A_386 = tpu.memref_slice %arg30[%dma_start3A_384, %dma_start3A_385] : memref<10240x16xf32, #tpu.memory_space<vmem_shared>> -> memref<10240x16xf32, #tpu.memory_space<vmem_shared>>
          tpu.enqueue_indirect_dma source(%arg29 : memref<128x16xf32, #tpu.memory_space<vmem>>) target(%dma_start3A_386 : memref<10240x16xf32, #tpu.memory_space<vmem_shared>>) offsets(%dma_start3A_383 : memref<128xi32, #tpu.memory_space<vmem>>) semaphore(%run_scoped3A_380 : memref<!tpu.dma_semaphore, #tpu.memory_space<semaphore_mem>>) {add = true}
          %dma_wait3A_387 = arith.constant 0 : i32
          %dma_wait3A_388 = tpu.memref_slice %arg18[%run_scoped3A_369, %run_scoped3A_370, %dma_wait3A_387] : memref<2x4x128xi32, #tpu.memory_space<vmem>> -> memref<1x1x128xi32, #tpu.memory_space<vmem>>
          %dma_wait3A_389 = tpu.memref_squeeze %dma_wait3A_388 : memref<1x1x128xi32, #tpu.memory_space<vmem>> -> memref<128xi32, #tpu.memory_space<vmem>>
          %dma_wait3A_390 = arith.constant 0 : i32
          %dma_wait3A_391 = arith.constant 0 : i32
          %dma_wait3A_392 = tpu.memref_slice %arg30[%dma_wait3A_390, %dma_wait3A_391] : memref<10240x16xf32, #tpu.memory_space<vmem_shared>> -> memref<10240x16xf32, #tpu.memory_space<vmem_shared>>
          tpu.wait_indirect_dma semaphore(%run_scoped3A_380 : memref<!tpu.dma_semaphore, #tpu.memory_space<semaphore_mem>>) src(%arg29 : memref<128x16xf32, #tpu.memory_space<vmem>>) dst(%dma_wait3A_392 : memref<10240x16xf32, #tpu.memory_space<vmem_shared>>)
          tpu.yield
        }) : () -> ()
        %run_scoped3A_371 = arith.constant 1 : i32
        %run_scoped3A_372 = arith.constant 3 : i32
        "tpu.region"() ({
          %run_scoped3A_380 = tpu.sem_alloc : memref<!tpu.dma_semaphore, #tpu.memory_space<semaphore_mem>>
          %dma_start3A_381 = arith.constant 384 : i32
          %dma_start3A_382 = arith.constant 0 : i32
          %dma_start3A_383 = tpu.memref_slice %arg22[%dma_start3A_381, %dma_start3A_382] : memref<512x16xf32, #tpu.memory_space<vmem>> -> memref<128x16xf32, #tpu.memory_space<vmem>>
          %dma_start3A_384 = arith.constant 0 : i32
          %dma_start3A_385 = tpu.memref_slice %arg18[%run_scoped3A_371, %run_scoped3A_372, %dma_start3A_384] : memref<2x4x128xi32, #tpu.memory_space<vmem>> -> memref<1x1x128xi32, #tpu.memory_space<vmem>>
          %dma_start3A_386 = tpu.memref_squeeze %dma_start3A_385 : memref<1x1x128xi32, #tpu.memory_space<vmem>> -> memref<128xi32, #tpu.memory_space<vmem>>
          %dma_start3A_387 = arith.constant 0 : i32
          %dma_start3A_388 = arith.constant 0 : i32
          %dma_start3A_389 = tpu.memref_slice %arg28[%dma_start3A_387, %dma_start3A_388] : memref<10240x16xf32, #tpu.memory_space<vmem_shared>> -> memref<10240x16xf32, #tpu.memory_space<vmem_shared>>
          tpu.enqueue_indirect_dma source(%dma_start3A_383 : memref<128x16xf32, #tpu.memory_space<vmem>>) target(%dma_start3A_389 : memref<10240x16xf32, #tpu.memory_space<vmem_shared>>) offsets(%dma_start3A_386 : memref<128xi32, #tpu.memory_space<vmem>>) semaphore(%run_scoped3A_380 : memref<!tpu.dma_semaphore, #tpu.memory_space<semaphore_mem>>) {add = true}
          %dma_wait3A_390 = arith.constant 384 : i32
          %dma_wait3A_391 = arith.constant 0 : i32
          %dma_wait3A_392 = tpu.memref_slice %arg22[%dma_wait3A_390, %dma_wait3A_391] : memref<512x16xf32, #tpu.memory_space<vmem>> -> memref<128x16xf32, #tpu.memory_space<vmem>>
          %dma_wait3A_393 = arith.constant 0 : i32
          %dma_wait3A_394 = tpu.memref_slice %arg18[%run_scoped3A_371, %run_scoped3A_372, %dma_wait3A_393] : memref<2x4x128xi32, #tpu.memory_space<vmem>> -> memref<1x1x128xi32, #tpu.memory_space<vmem>>
          %dma_wait3A_395 = tpu.memref_squeeze %dma_wait3A_394 : memref<1x1x128xi32, #tpu.memory_space<vmem>> -> memref<128xi32, #tpu.memory_space<vmem>>
          %dma_wait3A_396 = arith.constant 0 : i32
          %dma_wait3A_397 = arith.constant 0 : i32
          %dma_wait3A_398 = tpu.memref_slice %arg28[%dma_wait3A_396, %dma_wait3A_397] : memref<10240x16xf32, #tpu.memory_space<vmem_shared>> -> memref<10240x16xf32, #tpu.memory_space<vmem_shared>>
          tpu.wait_indirect_dma semaphore(%run_scoped3A_380 : memref<!tpu.dma_semaphore, #tpu.memory_space<semaphore_mem>>) src(%dma_wait3A_392 : memref<128x16xf32, #tpu.memory_space<vmem>>) dst(%dma_wait3A_398 : memref<10240x16xf32, #tpu.memory_space<vmem_shared>>)
          tpu.yield
        }) : () -> ()
        %run_scoped3A_373 = arith.constant 1 : i32
        %run_scoped3A_374 = arith.constant 3 : i32
        "tpu.region"() ({
          %run_scoped3A_380 = tpu.sem_alloc : memref<!tpu.dma_semaphore, #tpu.memory_space<semaphore_mem>>
          %dma_start3A_381 = arith.constant 0 : i32
          %dma_start3A_382 = tpu.memref_slice %arg18[%run_scoped3A_373, %run_scoped3A_374, %dma_start3A_381] : memref<2x4x128xi32, #tpu.memory_space<vmem>> -> memref<1x1x128xi32, #tpu.memory_space<vmem>>
          %dma_start3A_383 = tpu.memref_squeeze %dma_start3A_382 : memref<1x1x128xi32, #tpu.memory_space<vmem>> -> memref<128xi32, #tpu.memory_space<vmem>>
          %dma_start3A_384 = arith.constant 0 : i32
          %dma_start3A_385 = arith.constant 0 : i32
          %dma_start3A_386 = tpu.memref_slice %arg30[%dma_start3A_384, %dma_start3A_385] : memref<10240x16xf32, #tpu.memory_space<vmem_shared>> -> memref<10240x16xf32, #tpu.memory_space<vmem_shared>>
          tpu.enqueue_indirect_dma source(%arg29 : memref<128x16xf32, #tpu.memory_space<vmem>>) target(%dma_start3A_386 : memref<10240x16xf32, #tpu.memory_space<vmem_shared>>) offsets(%dma_start3A_383 : memref<128xi32, #tpu.memory_space<vmem>>) semaphore(%run_scoped3A_380 : memref<!tpu.dma_semaphore, #tpu.memory_space<semaphore_mem>>) {add = true}
          %dma_wait3A_387 = arith.constant 0 : i32
          %dma_wait3A_388 = tpu.memref_slice %arg18[%run_scoped3A_373, %run_scoped3A_374, %dma_wait3A_387] : memref<2x4x128xi32, #tpu.memory_space<vmem>> -> memref<1x1x128xi32, #tpu.memory_space<vmem>>
          %dma_wait3A_389 = tpu.memref_squeeze %dma_wait3A_388 : memref<1x1x128xi32, #tpu.memory_space<vmem>> -> memref<128xi32, #tpu.memory_space<vmem>>
          %dma_wait3A_390 = arith.constant 0 : i32
          %dma_wait3A_391 = arith.constant 0 : i32
          %dma_wait3A_392 = tpu.memref_slice %arg30[%dma_wait3A_390, %dma_wait3A_391] : memref<10240x16xf32, #tpu.memory_space<vmem_shared>> -> memref<10240x16xf32, #tpu.memory_space<vmem_shared>>
          tpu.wait_indirect_dma semaphore(%run_scoped3A_380 : memref<!tpu.dma_semaphore, #tpu.memory_space<semaphore_mem>>) src(%arg29 : memref<128x16xf32, #tpu.memory_space<vmem>>) dst(%dma_wait3A_392 : memref<10240x16xf32, #tpu.memory_space<vmem_shared>>)
          tpu.yield
        }) : () -> ()
        %lt3A_375 = arith.constant 625 : i32
        %lt3A_376 = arith.cmpi slt, %add3A_239, %lt3A_375 : i32
        %convert_element_type3A_377 = arith.extui %lt3A_376 : i1 to i32
        %cond3A_378 = arith.constant 0 : i32
        %cond3A_379 = arith.cmpi ne, %convert_element_type3A_377, %cond3A_378 : i32
        scf.if %cond3A_379 {
          %mul3A_380 = arith.constant 4 : i32
          %mul3A_381 = arith.muli %add3A_239, %mul3A_380 : i32
          %multiple_of3A_382 = tpu.assume_multiple %mul3A_381, 4 : i32
          %dma_start3A_383 = arith.constant 0 : i32
          %dma_start3A_384 = arith.constant 0 : i32
          %dma_start3A_385 = tpu.memref_slice %arg5[%dma_start3A_383, %multiple_of3A_382, %dma_start3A_384] : memref<2x2500x128xi32, #tpu.memory_space<hbm>> -> memref<2x4x128xi32, #tpu.memory_space<hbm>>
          %dma_start3A_386 = arith.constant 0 : i32
          %dma_start3A_387 = arith.constant 0 : i32
          %dma_start3A_388 = tpu.memref_slice %arg5[%dma_start3A_386, %multiple_of3A_382, %dma_start3A_387] : memref<2x2500x128xi32, #tpu.memory_space<hbm>> -> memref<2x4x128xi32, #tpu.memory_space<hbm>>
          tpu.enqueue_dma source(%dma_start3A_388 : memref<2x4x128xi32, #tpu.memory_space<hbm>>) target(%arg18 : memref<2x4x128xi32, #tpu.memory_space<vmem>>) target_semaphore(%arg24 : memref<!tpu.dma_semaphore, #tpu.memory_space<semaphore_mem>>)
          %mul3A_389 = arith.constant 512 : i32
          %mul3A_390 = arith.muli %add3A_239, %mul3A_389 : i32
          %multiple_of3A_391 = tpu.assume_multiple %mul3A_390, 512 : i32
          %dma_start3A_392 = arith.constant 0 : i32
          %dma_start3A_393 = arith.constant 0 : i32
          %dma_start3A_394 = tpu.memref_slice %arg21[%dma_start3A_392, %dma_start3A_393] : memref<16x513xf32, #tpu.memory_space<vmem>> -> memref<16x512xf32, #tpu.memory_space<vmem>>
          %dma_start3A_395 = arith.constant 0 : i32
          %dma_start3A_396 = tpu.memref_slice %arg4[%dma_start3A_395, %multiple_of3A_391] : memref<16x320000xf32, #tpu.memory_space<hbm>> -> memref<16x512xf32, #tpu.memory_space<hbm>>
          %dma_start3A_397 = arith.constant 0 : i32
          %dma_start3A_398 = arith.constant 0 : i32
          %dma_start3A_399 = tpu.memref_slice %arg21[%dma_start3A_397, %dma_start3A_398] : memref<16x513xf32, #tpu.memory_space<vmem>> -> memref<16x512xf32, #tpu.memory_space<vmem>>
          %dma_start3A_400 = arith.constant 0 : i32
          %dma_start3A_401 = tpu.memref_slice %arg4[%dma_start3A_400, %multiple_of3A_391] : memref<16x320000xf32, #tpu.memory_space<hbm>> -> memref<16x512xf32, #tpu.memory_space<hbm>>
          tpu.enqueue_dma source(%dma_start3A_401 : memref<16x512xf32, #tpu.memory_space<hbm>>) target(%dma_start3A_399 : memref<16x512xf32, #tpu.memory_space<vmem>>) target_semaphore(%arg24 : memref<!tpu.dma_semaphore, #tpu.memory_space<semaphore_mem>>)
        } else {
        }
      } else {
      }
    }
    %scan3A_168 = arith.constant 10 : i32
    %dma_wait3A_169 = arith.constant 0 : i32
    %dma_wait3A_170 = arith.constant 0 : i32
    %dma_wait3A_171 = tpu.memref_slice %arg14[%dma_wait3A_169, %dma_wait3A_170] : memref<16x513xf32, #tpu.memory_space<vmem>> -> memref<16x512xf32, #tpu.memory_space<vmem>>
    %dma_wait3A_172 = arith.constant 0 : i32
    %dma_wait3A_173 = arith.constant 0 : i32
    %dma_wait3A_174 = tpu.memref_slice %arg6[%dma_wait3A_172, %dma_wait3A_173] : memref<16x320000xf32, #tpu.memory_space<hbm>> -> memref<16x512xf32, #tpu.memory_space<hbm>>
    %dma_wait3A_175 = arith.constant 0 : i32
    %dma_wait3A_176 = arith.constant 0 : i32
    %dma_wait3A_177 = tpu.memref_slice %arg6[%dma_wait3A_175, %dma_wait3A_176] : memref<16x320000xf32, #tpu.memory_space<hbm>> -> memref<16x512xf32, #tpu.memory_space<hbm>>
    %dma_wait3A_178 = arith.constant 0 : i32
    %dma_wait3A_179 = arith.constant 0 : i32
    %dma_wait3A_180 = tpu.memref_slice %arg14[%dma_wait3A_178, %dma_wait3A_179] : memref<16x513xf32, #tpu.memory_space<vmem>> -> memref<16x512xf32, #tpu.memory_space<vmem>>
    tpu.wait_dma2 semaphore(%arg17 : memref<!tpu.dma_semaphore, #tpu.memory_space<semaphore_mem>>) src(%dma_wait3A_180 : memref<16x512xf32, #tpu.memory_space<vmem>>) dst(%dma_wait3A_177 : memref<16x512xf32, #tpu.memory_space<hbm>>)
    %dma_wait3A_181 = arith.constant 0 : i32
    %dma_wait3A_182 = arith.constant 0 : i32
    %dma_wait3A_183 = tpu.memref_slice %arg23[%dma_wait3A_181, %dma_wait3A_182] : memref<16x513xf32, #tpu.memory_space<vmem>> -> memref<16x512xf32, #tpu.memory_space<vmem>>
    %dma_wait3A_184 = arith.constant 0 : i32
    %dma_wait3A_185 = arith.constant 0 : i32
    %dma_wait3A_186 = tpu.memref_slice %arg6[%dma_wait3A_184, %dma_wait3A_185] : memref<16x320000xf32, #tpu.memory_space<hbm>> -> memref<16x512xf32, #tpu.memory_space<hbm>>
    %dma_wait3A_187 = arith.constant 0 : i32
    %dma_wait3A_188 = arith.constant 0 : i32
    %dma_wait3A_189 = tpu.memref_slice %arg6[%dma_wait3A_187, %dma_wait3A_188] : memref<16x320000xf32, #tpu.memory_space<hbm>> -> memref<16x512xf32, #tpu.memory_space<hbm>>
    %dma_wait3A_190 = arith.constant 0 : i32
    %dma_wait3A_191 = arith.constant 0 : i32
    %dma_wait3A_192 = tpu.memref_slice %arg23[%dma_wait3A_190, %dma_wait3A_191] : memref<16x513xf32, #tpu.memory_space<vmem>> -> memref<16x512xf32, #tpu.memory_space<vmem>>
    tpu.wait_dma2 semaphore(%arg26 : memref<!tpu.dma_semaphore, #tpu.memory_space<semaphore_mem>>) src(%dma_wait3A_192 : memref<16x512xf32, #tpu.memory_space<vmem>>) dst(%dma_wait3A_189 : memref<16x512xf32, #tpu.memory_space<hbm>>)
    %barrier3A_193 = arith.constant 0 : index
    tpu.barrier barrier_id(%barrier3A_193)
    %mul3A_194 = arith.constant 640 : i32
    %mul3A_195 = arith.muli %arg1, %mul3A_194 : i32
    %multiple_of3A_196 = tpu.assume_multiple %mul3A_195, 640 : i32
    %mul3A_197 = arith.constant 10240 : i32
    %mul3A_198 = arith.muli %arg0, %mul3A_197 : i32
    %mul3A_199 = arith.constant 640 : i32
    %mul3A_200 = arith.muli %arg1, %mul3A_199 : i32
    %add3A_201 = arith.addi %mul3A_198, %mul3A_200 : i32
    %multiple_of3A_202 = tpu.assume_multiple %add3A_201, 640 : i32
    "tpu.region"() ({
      %run_scoped3A = tpu.sem_alloc : memref<!tpu.dma_semaphore, #tpu.memory_space<semaphore_mem>>
      %dma_start3A_203 = arith.constant 0 : i32
      %dma_start3A_204 = tpu.memref_slice %arg7[%multiple_of3A_202, %dma_start3A_203] : memref<20480x16xf32, #tpu.memory_space<hbm>> -> memref<640x16xf32, #tpu.memory_space<hbm>>
      %dma_start3A_205 = arith.constant 0 : i32
      %dma_start3A_206 = tpu.memref_slice %arg28[%multiple_of3A_196, %dma_start3A_205] : memref<10240x16xf32, #tpu.memory_space<vmem_shared>> -> memref<640x16xf32, #tpu.memory_space<vmem_shared>>
      tpu.enqueue_dma source(%dma_start3A_206 : memref<640x16xf32, #tpu.memory_space<vmem_shared>>) target(%dma_start3A_204 : memref<640x16xf32, #tpu.memory_space<hbm>>) target_semaphore(%run_scoped3A : memref<!tpu.dma_semaphore, #tpu.memory_space<semaphore_mem>>)
      %dma_wait3A_207 = arith.constant 0 : i32
      %dma_wait3A_208 = tpu.memref_slice %arg7[%multiple_of3A_202, %dma_wait3A_207] : memref<20480x16xf32, #tpu.memory_space<hbm>> -> memref<640x16xf32, #tpu.memory_space<hbm>>
      %dma_wait3A_209 = arith.constant 0 : i32
      %dma_wait3A_210 = tpu.memref_slice %arg28[%multiple_of3A_196, %dma_wait3A_209] : memref<10240x16xf32, #tpu.memory_space<vmem_shared>> -> memref<640x16xf32, #tpu.memory_space<vmem_shared>>
      tpu.wait_dma2 semaphore(%run_scoped3A : memref<!tpu.dma_semaphore, #tpu.memory_space<semaphore_mem>>) src(%dma_wait3A_210 : memref<640x16xf32, #tpu.memory_space<vmem_shared>>) dst(%dma_wait3A_208 : memref<640x16xf32, #tpu.memory_space<hbm>>)
      tpu.yield
    }) : () -> ()
    "tpu.region"() ({
      %run_scoped3A = tpu.sem_alloc : memref<!tpu.dma_semaphore, #tpu.memory_space<semaphore_mem>>
      %dma_start3A_203 = arith.constant 0 : i32
      %dma_start3A_204 = tpu.memref_slice %arg8[%multiple_of3A_202, %dma_start3A_203] : memref<20480x16xf32, #tpu.memory_space<hbm>> -> memref<640x16xf32, #tpu.memory_space<hbm>>
      %dma_start3A_205 = arith.constant 0 : i32
      %dma_start3A_206 = tpu.memref_slice %arg30[%multiple_of3A_196, %dma_start3A_205] : memref<10240x16xf32, #tpu.memory_space<vmem_shared>> -> memref<640x16xf32, #tpu.memory_space<vmem_shared>>
      tpu.enqueue_dma source(%dma_start3A_206 : memref<640x16xf32, #tpu.memory_space<vmem_shared>>) target(%dma_start3A_204 : memref<640x16xf32, #tpu.memory_space<hbm>>) target_semaphore(%run_scoped3A : memref<!tpu.dma_semaphore, #tpu.memory_space<semaphore_mem>>)
      %dma_wait3A_207 = arith.constant 0 : i32
      %dma_wait3A_208 = tpu.memref_slice %arg8[%multiple_of3A_202, %dma_wait3A_207] : memref<20480x16xf32, #tpu.memory_space<hbm>> -> memref<640x16xf32, #tpu.memory_space<hbm>>
      %dma_wait3A_209 = arith.constant 0 : i32
      %dma_wait3A_210 = tpu.memref_slice %arg30[%multiple_of3A_196, %dma_wait3A_209] : memref<10240x16xf32, #tpu.memory_space<vmem_shared>> -> memref<640x16xf32, #tpu.memory_space<vmem_shared>>
      tpu.wait_dma2 semaphore(%run_scoped3A : memref<!tpu.dma_semaphore, #tpu.memory_space<semaphore_mem>>) src(%dma_wait3A_210 : memref<640x16xf32, #tpu.memory_space<vmem_shared>>) dst(%dma_wait3A_208 : memref<640x16xf32, #tpu.memory_space<hbm>>)
      tpu.yield
    }) : () -> ()
    return
  }
}

module attributes {stable_mosaic.version = 14 : i64} {
  func.func @body(%arg0: i32, %arg1: memref<1000x128xf32, #tpu.memory_space<vmem>>, %arg2: memref<16x32000xf32, #tpu.memory_space<vmem>>, %arg3: memref<128x16xf32, #tpu.memory_space<vmem>>, %arg4: memref<128x16xf32, #tpu.memory_space<vmem>>, %arg5: memref<16x16xf32, #tpu.memory_space<vmem>>, %arg6: memref<16x1xf32, #tpu.memory_space<vmem>>, %arg7: memref<1000x16xf32, #tpu.memory_space<vmem>>, %arg8: memref<1000x16xf32, #tpu.memory_space<vmem>>, %arg9: memref<16x32000xf32, #tpu.memory_space<vmem>>) attributes {dimension_semantics = [#tpu.dimension_semantics<arbitrary>], iteration_bounds = array<i64: 10>, scalar_prefetch = 0 : i64, scratch_operands = 0 : i64, tpu.core_type = #tpu.core_type<tc>, window_params = [{transform_indices = @transform_0, window_bounds = array<i64: 1000, 128>}, {transform_indices = @transform_1, window_bounds = array<i64: 16, 32000>}, {pipeline_mode = #tpu.pipeline_mode<synchronous>, transform_indices = @transform_2, window_bounds = array<i64: 128, 16>}, {pipeline_mode = #tpu.pipeline_mode<synchronous>, transform_indices = @transform_3, window_bounds = array<i64: 128, 16>}, {pipeline_mode = #tpu.pipeline_mode<synchronous>, transform_indices = @transform_4, window_bounds = array<i64: 16, 16>}, {pipeline_mode = #tpu.pipeline_mode<synchronous>, transform_indices = @transform_5, window_bounds = array<i64: 16, 1>}, {transform_indices = @transform_6, window_bounds = array<i64: 1000, 16>}, {transform_indices = @transform_7, window_bounds = array<i64: 1000, 16>}, {transform_indices = @transform_8, window_bounds = array<i64: 16, 32000>}]} {
    %get3A = arith.constant 0 : index
    %get3A_0 = arith.constant 0 : index
    %get3A_1 = vector.load %arg1[%get3A, %get3A_0] : memref<1000x128xf32, #tpu.memory_space<vmem>>, vector<1000x128xf32>
    %get3A_2 = arith.constant 0 : index
    %get3A_3 = arith.constant 0 : index
    %get3A_4 = vector.load %arg3[%get3A_2, %get3A_3] : memref<128x16xf32, #tpu.memory_space<vmem>>, vector<128x16xf32>
    %dot_general3A = arith.constant dense<0.000000e+00> : vector<1000x16xf32>
    %dot_general3A_5 = tpu.matmul %get3A_1, %get3A_4, %dot_general3A {dimension_numbers = #tpu.dot_dimension_numbers<[1], [0], [0], [1], [0, 0, 1, 1], [], []>, transpose_lhs_hint = false} : vector<1000x128xf32>, vector<128x16xf32>, vector<1000x16xf32> -> vector<1000x16xf32>
    %swap3A = arith.constant 0 : index
    %swap3A_6 = arith.constant 0 : index
    %swap3A_7 = vector.load %arg7[%swap3A, %swap3A_6] : memref<1000x16xf32, #tpu.memory_space<vmem>>, vector<1000x16xf32>
    tpu.vector_store %arg7[%swap3A, %swap3A_6], %dot_general3A_5 {strides = array<i32>} : memref<1000x16xf32, #tpu.memory_space<vmem>>, vector<1000x16xf32>,
    %get3A_8 = arith.constant 0 : index
    %get3A_9 = arith.constant 0 : index
    %get3A_10 = vector.load %arg4[%get3A_8, %get3A_9] : memref<128x16xf32, #tpu.memory_space<vmem>>, vector<128x16xf32>
    %dot_general3A_11 = arith.constant dense<0.000000e+00> : vector<1000x16xf32>
    %dot_general3A_12 = tpu.matmul %get3A_1, %get3A_10, %dot_general3A_11 {dimension_numbers = #tpu.dot_dimension_numbers<[1], [0], [0], [1], [0, 0, 1, 1], [], []>, transpose_lhs_hint = false} : vector<1000x128xf32>, vector<128x16xf32>, vector<1000x16xf32> -> vector<1000x16xf32>
    %swap3A_13 = arith.constant 0 : index
    %swap3A_14 = arith.constant 0 : index
    %swap3A_15 = vector.load %arg8[%swap3A_13, %swap3A_14] : memref<1000x16xf32, #tpu.memory_space<vmem>>, vector<1000x16xf32>
    tpu.vector_store %arg8[%swap3A_13, %swap3A_14], %dot_general3A_12 {strides = array<i32>} : memref<1000x16xf32, #tpu.memory_space<vmem>>, vector<1000x16xf32>,
    %get3A_16 = arith.constant 0 : index
    %get3A_17 = arith.constant 0 : index
    %get3A_18 = vector.load %arg5[%get3A_16, %get3A_17] : memref<16x16xf32, #tpu.memory_space<vmem>>, vector<16x16xf32>
    %get3A_19 = arith.constant 0 : index
    %get3A_20 = arith.constant 0 : index
    %get3A_21 = vector.load %arg2[%get3A_19, %get3A_20] : memref<16x32000xf32, #tpu.memory_space<vmem>>, vector<16x32000xf32>
    %dot_general3A_22 = arith.constant dense<0.000000e+00> : vector<16x32000xf32>
    %dot_general3A_23 = tpu.matmul %get3A_18, %get3A_21, %dot_general3A_22 {dimension_numbers = #tpu.dot_dimension_numbers<[1], [0], [0], [1], [0, 0, 1, 1], [], []>, transpose_lhs_hint = false} : vector<16x16xf32>, vector<16x32000xf32>, vector<16x32000xf32> -> vector<16x32000xf32>
    %get3A_24 = arith.constant 0 : index
    %get3A_25 = arith.constant 0 : index
    %get3A_26 = vector.load %arg6[%get3A_24, %get3A_25] : memref<16x1xf32, #tpu.memory_space<vmem>>, vector<16x1xf32>
    %add3A = vector.broadcast %get3A_26 : vector<16x1xf32> to vector<16x32000xf32>
    %add3A_27 = arith.addf %dot_general3A_23, %add3A : vector<16x32000xf32>
    %swap3A_28 = arith.constant 0 : index
    %swap3A_29 = arith.constant 0 : index
    %swap3A_30 = vector.load %arg9[%swap3A_28, %swap3A_29] : memref<16x32000xf32, #tpu.memory_space<vmem>>, vector<16x32000xf32>
    tpu.vector_store %arg9[%swap3A_28, %swap3A_29], %add3A_27 {strides = array<i32>} : memref<16x32000xf32, #tpu.memory_space<vmem>>, vector<16x32000xf32>,
    return
  }
  func.func @transform_0(%arg0: i32) -> (i32, i32) {
    %c0_i32 = arith.constant 0 : i32
    %c0_i32_0 = arith.constant 0 : i32
    return %arg0, %c0_i32 : i32, i32
  }
  func.func @transform_1(%arg0: i32) -> (i32, i32) {
    %c0_i32 = arith.constant 0 : i32
    %c0_i32_0 = arith.constant 0 : i32
    return %c0_i32, %arg0 : i32, i32
  }
  func.func @transform_2(%arg0: i32) -> (i32, i32) {
    %c0_i32 = arith.constant 0 : i32
    %c0_i32_0 = arith.constant 0 : i32
    %c0_i32_1 = arith.constant 0 : i32
    return %c0_i32, %c0_i32_0 : i32, i32
  }
  func.func @transform_3(%arg0: i32) -> (i32, i32) {
    %c0_i32 = arith.constant 0 : i32
    %c0_i32_0 = arith.constant 0 : i32
    %c0_i32_1 = arith.constant 0 : i32
    return %c0_i32, %c0_i32_0 : i32, i32
  }
  func.func @transform_4(%arg0: i32) -> (i32, i32) {
    %c0_i32 = arith.constant 0 : i32
    %c0_i32_0 = arith.constant 0 : i32
    %c0_i32_1 = arith.constant 0 : i32
    return %c0_i32, %c0_i32_0 : i32, i32
  }
  func.func @transform_5(%arg0: i32) -> (i32, i32) {
    %c0_i32 = arith.constant 0 : i32
    %c0_i32_0 = arith.constant 0 : i32
    %c0_i32_1 = arith.constant 0 : i32
    return %c0_i32, %c0_i32_0 : i32, i32
  }
  func.func @transform_6(%arg0: i32) -> (i32, i32) {
    %c0_i32 = arith.constant 0 : i32
    %c0_i32_0 = arith.constant 0 : i32
    return %arg0, %c0_i32 : i32, i32
  }
  func.func @transform_7(%arg0: i32) -> (i32, i32) {
    %c0_i32 = arith.constant 0 : i32
    %c0_i32_0 = arith.constant 0 : i32
    return %arg0, %c0_i32 : i32, i32
  }
  func.func @transform_8(%arg0: i32) -> (i32, i32) {
    %c0_i32 = arith.constant 0 : i32
    %c0_i32_0 = arith.constant 0 : i32
    return %c0_i32, %arg0 : i32, i32
  }
}

module attributes {stable_mosaic.version = 14 : i64} {
  func.func @body(%arg0: i32, %arg1: memref<16x32000xf32, #tpu.memory_space<vmem>>, %arg2: memref<16x32000xf32, #tpu.memory_space<vmem>>, %arg3: memref<1000x128xf32, #tpu.memory_space<vmem>>, %arg4: memref<1000x16xf32, #tpu.memory_space<vmem>>, %arg5: memref<1000x16xf32, #tpu.memory_space<vmem>>, %arg6: memref<1000x16xf32, #tpu.memory_space<vmem>>, %arg7: memref<1000x16xf32, #tpu.memory_space<vmem>>, %arg8: memref<16x16xf32, #tpu.memory_space<vmem>>, %arg9: memref<16x1xf32, #tpu.memory_space<vmem>>, %arg10: memref<16x1xf32, #tpu.memory_space<vmem>>, %arg11: memref<128x128xf32, #tpu.memory_space<vmem>>, %arg12: memref<16x128xf32, #tpu.memory_space<vmem>>, %arg13: memref<1x128xf32, #tpu.memory_space<vmem>>, %arg14: memref<1x128xf32, #tpu.memory_space<vmem>>, %arg15: memref<1x128xf32, #tpu.memory_space<vmem>>, %arg16: memref<16x16xf32, #tpu.memory_space<vmem>>, %arg17: memref<16x1xf32, #tpu.memory_space<vmem>>, %arg18: memref<128x16xf32, #tpu.memory_space<vmem>>, %arg19: memref<128x16xf32, #tpu.memory_space<vmem>>, %arg20: memref<16x32000xf32, #tpu.memory_space<vmem>>, %arg21: memref<1000x128xf32, #tpu.memory_space<vmem>>, %arg22: memref<16x32000xf32, #tpu.memory_space<vmem>>, %arg23: memref<1000x16xf32, #tpu.memory_space<vmem>>, %arg24: memref<1000x16xf32, #tpu.memory_space<vmem>>) attributes {dimension_semantics = [#tpu.dimension_semantics<arbitrary>], iteration_bounds = array<i64: 10>, scalar_prefetch = 0 : i64, scratch_operands = 0 : i64, tpu.core_type = #tpu.core_type<tc>, window_params = [{transform_indices = @transform_0, window_bounds = array<i64: 16, 32000>}, {transform_indices = @transform_1, window_bounds = array<i64: 16, 32000>}, {transform_indices = @transform_2, window_bounds = array<i64: 1000, 128>}, {transform_indices = @transform_3, window_bounds = array<i64: 1000, 16>}, {transform_indices = @transform_4, window_bounds = array<i64: 1000, 16>}, {transform_indices = @transform_5, window_bounds = array<i64: 1000, 16>}, {transform_indices = @transform_6, window_bounds = array<i64: 1000, 16>}, {pipeline_mode = #tpu.pipeline_mode<synchronous>, transform_indices = @transform_7, window_bounds = array<i64: 16, 16>}, {pipeline_mode = #tpu.pipeline_mode<synchronous>, transform_indices = @transform_8, window_bounds = array<i64: 16, 1>}, {pipeline_mode = #tpu.pipeline_mode<synchronous>, transform_indices = @transform_9, window_bounds = array<i64: 16, 1>}, {pipeline_mode = #tpu.pipeline_mode<synchronous>, transform_indices = @transform_10, window_bounds = array<i64: 128, 128>}, {pipeline_mode = #tpu.pipeline_mode<synchronous>, transform_indices = @transform_11, window_bounds = array<i64: 16, 128>}, {pipeline_mode = #tpu.pipeline_mode<synchronous>, transform_indices = @transform_12, window_bounds = array<i64: 1, 128>}, {pipeline_mode = #tpu.pipeline_mode<synchronous>, transform_indices = @transform_13, window_bounds = array<i64: 1, 128>}, {pipeline_mode = #tpu.pipeline_mode<synchronous>, transform_indices = @transform_14, window_bounds = array<i64: 1, 128>}, {pipeline_mode = #tpu.pipeline_mode<synchronous>, transform_indices = @transform_15, window_bounds = array<i64: 16, 16>}, {pipeline_mode = #tpu.pipeline_mode<synchronous>, transform_indices = @transform_16, window_bounds = array<i64: 16, 1>}, {pipeline_mode = #tpu.pipeline_mode<synchronous>, transform_indices = @transform_17, window_bounds = array<i64: 128, 16>}, {pipeline_mode = #tpu.pipeline_mode<synchronous>, transform_indices = @transform_18, window_bounds = array<i64: 128, 16>}, {transform_indices = @transform_19, window_bounds = array<i64: 16, 32000>}, {transform_indices = @transform_20, window_bounds = array<i64: 1000, 128>}, {transform_indices = @transform_21, window_bounds = array<i64: 16, 32000>}, {transform_indices = @transform_22, window_bounds = array<i64: 1000, 16>}, {transform_indices = @transform_23, window_bounds = array<i64: 1000, 16>}]} {
    %get3A = arith.constant 0 : index
    %get3A_0 = arith.constant 0 : index
    %get3A_1 = vector.load %arg1[%get3A, %get3A_0] : memref<16x32000xf32, #tpu.memory_space<vmem>>, vector<16x32000xf32>
    %max3A = arith.constant 0.000000e+00 : f32
    %max3A_2 = vector.broadcast %max3A : f32 to vector<16x32000xf32>
    %max3A_3 = arith.maximumf %get3A_1, %max3A_2 : vector<16x32000xf32>
    %get3A_4 = arith.constant 0 : index
    %get3A_5 = arith.constant 0 : index
    %get3A_6 = vector.load %arg8[%get3A_4, %get3A_5] : memref<16x16xf32, #tpu.memory_space<vmem>>, vector<16x16xf32>
    %dot_general3A = arith.constant dense<0.000000e+00> : vector<16x32000xf32>
    %dot_general3A_7 = tpu.matmul %get3A_6, %max3A_3, %dot_general3A {dimension_numbers = #tpu.dot_dimension_numbers<[1], [0], [0], [1], [0, 0, 1, 1], [], []>, transpose_lhs_hint = false} : vector<16x16xf32>, vector<16x32000xf32>, vector<16x32000xf32> -> vector<16x32000xf32>
    %sub3A = arith.subf %max3A_3, %dot_general3A_7 : vector<16x32000xf32>
    %mul3A = arith.mulf %sub3A, %sub3A : vector<16x32000xf32>
    %dot_general3A_8 = arith.constant dense<0.000000e+00> : vector<16x32000xf32>
    %dot_general3A_9 = tpu.matmul %get3A_6, %mul3A, %dot_general3A_8 {dimension_numbers = #tpu.dot_dimension_numbers<[1], [0], [0], [1], [0, 0, 1, 1], [], []>, transpose_lhs_hint = false} : vector<16x16xf32>, vector<16x32000xf32>, vector<16x32000xf32> -> vector<16x32000xf32>
    %add3A = arith.constant 9.99999974E-6 : f32
    %add3A_10 = vector.broadcast %add3A : f32 to vector<16x32000xf32>
    %add3A_11 = arith.addf %dot_general3A_9, %add3A_10 : vector<16x32000xf32>
    %rsqrt3A = math.rsqrt %add3A_11 : vector<16x32000xf32>
    %mul3A_12 = arith.mulf %sub3A, %rsqrt3A : vector<16x32000xf32>
    %get3A_13 = arith.constant 0 : index
    %get3A_14 = arith.constant 0 : index
    %get3A_15 = vector.load %arg9[%get3A_13, %get3A_14] : memref<16x1xf32, #tpu.memory_space<vmem>>, vector<16x1xf32>
    %mul3A_16 = vector.broadcast %get3A_15 : vector<16x1xf32> to vector<16x32000xf32>
    %mul3A_17 = arith.mulf %mul3A_12, %mul3A_16 : vector<16x32000xf32>
    %get3A_18 = arith.constant 0 : index
    %get3A_19 = arith.constant 0 : index
    %get3A_20 = vector.load %arg10[%get3A_18, %get3A_19] : memref<16x1xf32, #tpu.memory_space<vmem>>, vector<16x1xf32>
    %add3A_21 = vector.broadcast %get3A_20 : vector<16x1xf32> to vector<16x32000xf32>
    %add3A_22 = arith.addf %mul3A_17, %add3A_21 : vector<16x32000xf32>
    %get3A_23 = arith.constant 0 : index
    %get3A_24 = arith.constant 0 : index
    %get3A_25 = vector.load %arg2[%get3A_23, %get3A_24] : memref<16x32000xf32, #tpu.memory_space<vmem>>, vector<16x32000xf32>
    %add3A_26 = arith.addf %get3A_25, %add3A_22 : vector<16x32000xf32>
    %swap3A = arith.constant 0 : index
    %swap3A_27 = arith.constant 0 : index
    %swap3A_28 = vector.load %arg20[%swap3A, %swap3A_27] : memref<16x32000xf32, #tpu.memory_space<vmem>>, vector<16x32000xf32>
    tpu.vector_store %arg20[%swap3A, %swap3A_27], %add3A_26 {strides = array<i32>} : memref<16x32000xf32, #tpu.memory_space<vmem>>, vector<16x32000xf32>,
    %get3A_29 = arith.constant 0 : index
    %get3A_30 = arith.constant 0 : index
    %get3A_31 = vector.load %arg4[%get3A_29, %get3A_30] : memref<1000x16xf32, #tpu.memory_space<vmem>>, vector<1000x16xf32>
    %get3A_32 = arith.constant 0 : index
    %get3A_33 = arith.constant 0 : index
    %get3A_34 = vector.load %arg5[%get3A_32, %get3A_33] : memref<1000x16xf32, #tpu.memory_space<vmem>>, vector<1000x16xf32>
    %add3A_35 = arith.addf %get3A_31, %get3A_34 : vector<1000x16xf32>
    %get3A_36 = arith.constant 0 : index
    %get3A_37 = arith.constant 0 : index
    %get3A_38 = vector.load %arg6[%get3A_36, %get3A_37] : memref<1000x16xf32, #tpu.memory_space<vmem>>, vector<1000x16xf32>
    %get3A_39 = arith.constant 0 : index
    %get3A_40 = arith.constant 0 : index
    %get3A_41 = vector.load %arg7[%get3A_39, %get3A_40] : memref<1000x16xf32, #tpu.memory_space<vmem>>, vector<1000x16xf32>
    %add3A_42 = arith.addf %get3A_38, %get3A_41 : vector<1000x16xf32>
    %max3A_43 = arith.constant 1.000000e+00 : f32
    %max3A_44 = vector.broadcast %max3A_43 : f32 to vector<1000x16xf32>
    %max3A_45 = arith.maximumf %add3A_42, %max3A_44 : vector<1000x16xf32>
    %div3A = arith.divf %add3A_35, %max3A_45 : vector<1000x16xf32>
    %get3A_46 = arith.constant 0 : index
    %get3A_47 = arith.constant 0 : index
    %get3A_48 = vector.load %arg3[%get3A_46, %get3A_47] : memref<1000x128xf32, #tpu.memory_space<vmem>>, vector<1000x128xf32>
    %get3A_49 = arith.constant 0 : index
    %get3A_50 = arith.constant 0 : index
    %get3A_51 = vector.load %arg11[%get3A_49, %get3A_50] : memref<128x128xf32, #tpu.memory_space<vmem>>, vector<128x128xf32>
    %dot_general3A_52 = arith.constant dense<0.000000e+00> : vector<1000x128xf32>
    %dot_general3A_53 = tpu.matmul %get3A_48, %get3A_51, %dot_general3A_52 {dimension_numbers = #tpu.dot_dimension_numbers<[1], [0], [0], [1], [0, 0, 1, 1], [], []>, transpose_lhs_hint = false} : vector<1000x128xf32>, vector<128x128xf32>, vector<1000x128xf32> -> vector<1000x128xf32>
    %get3A_54 = arith.constant 0 : index
    %get3A_55 = arith.constant 0 : index
    %get3A_56 = vector.load %arg12[%get3A_54, %get3A_55] : memref<16x128xf32, #tpu.memory_space<vmem>>, vector<16x128xf32>
    %dot_general3A_57 = arith.constant dense<0.000000e+00> : vector<1000x128xf32>
    %dot_general3A_58 = tpu.matmul %div3A, %get3A_56, %dot_general3A_57 {dimension_numbers = #tpu.dot_dimension_numbers<[1], [0], [0], [1], [0, 0, 1, 1], [], []>, transpose_lhs_hint = false} : vector<1000x16xf32>, vector<16x128xf32>, vector<1000x128xf32> -> vector<1000x128xf32>
    %add3A_59 = arith.addf %dot_general3A_53, %dot_general3A_58 : vector<1000x128xf32>
    %get3A_60 = arith.constant 0 : index
    %get3A_61 = arith.constant 0 : index
    %get3A_62 = vector.load %arg13[%get3A_60, %get3A_61] : memref<1x128xf32, #tpu.memory_space<vmem>>, vector<1x128xf32>
    %add3A_63 = vector.broadcast %get3A_62 : vector<1x128xf32> to vector<1000x128xf32>
    %add3A_64 = arith.addf %add3A_59, %add3A_63 : vector<1000x128xf32>
    %max3A_65 = arith.constant 0.000000e+00 : f32
    %max3A_66 = vector.broadcast %max3A_65 : f32 to vector<1000x128xf32>
    %max3A_67 = arith.maximumf %add3A_64, %max3A_66 : vector<1000x128xf32>
    %reduce_sum3A = arith.constant dense<0.000000e+00> : vector<1000xf32>
    %reduce_sum3A_68 = vector.multi_reduction <add>, %max3A_67, %reduce_sum3A [1] : vector<1000x128xf32> to vector<1000xf32>
    %broadcast_in_dim3A = vector.shape_cast %reduce_sum3A_68 : vector<1000xf32> to vector<1000x1xf32>
    %div3A_69 = arith.constant 1.280000e+02 : f32
    %div3A_70 = vector.broadcast %div3A_69 : f32 to vector<1000x1xf32>
    %div3A_71 = arith.divf %broadcast_in_dim3A, %div3A_70 : vector<1000x1xf32>
    %sub3A_72 = vector.broadcast %div3A_71 : vector<1000x1xf32> to vector<1000x128xf32>
    %sub3A_73 = arith.subf %max3A_67, %sub3A_72 : vector<1000x128xf32>
    %mul3A_74 = arith.mulf %sub3A_73, %sub3A_73 : vector<1000x128xf32>
    %reduce_sum3A_75 = arith.constant dense<0.000000e+00> : vector<1000xf32>
    %reduce_sum3A_76 = vector.multi_reduction <add>, %mul3A_74, %reduce_sum3A_75 [1] : vector<1000x128xf32> to vector<1000xf32>
    %broadcast_in_dim3A_77 = vector.shape_cast %reduce_sum3A_76 : vector<1000xf32> to vector<1000x1xf32>
    %div3A_78 = arith.constant 1.280000e+02 : f32
    %div3A_79 = vector.broadcast %div3A_78 : f32 to vector<1000x1xf32>
    %div3A_80 = arith.divf %broadcast_in_dim3A_77, %div3A_79 : vector<1000x1xf32>
    %add3A_81 = arith.constant 9.99999974E-6 : f32
    %add3A_82 = vector.broadcast %add3A_81 : f32 to vector<1000x1xf32>
    %add3A_83 = arith.addf %div3A_80, %add3A_82 : vector<1000x1xf32>
    %rsqrt3A_84 = math.rsqrt %add3A_83 : vector<1000x1xf32>
    %mul3A_85 = vector.broadcast %rsqrt3A_84 : vector<1000x1xf32> to vector<1000x128xf32>
    %mul3A_86 = arith.mulf %sub3A_73, %mul3A_85 : vector<1000x128xf32>
    %get3A_87 = arith.constant 0 : index
    %get3A_88 = arith.constant 0 : index
    %get3A_89 = vector.load %arg14[%get3A_87, %get3A_88] : memref<1x128xf32, #tpu.memory_space<vmem>>, vector<1x128xf32>
    %mul3A_90 = vector.broadcast %get3A_89 : vector<1x128xf32> to vector<1000x128xf32>
    %mul3A_91 = arith.mulf %mul3A_86, %mul3A_90 : vector<1000x128xf32>
    %get3A_92 = arith.constant 0 : index
    %get3A_93 = arith.constant 0 : index
    %get3A_94 = vector.load %arg15[%get3A_92, %get3A_93] : memref<1x128xf32, #tpu.memory_space<vmem>>, vector<1x128xf32>
    %add3A_95 = vector.broadcast %get3A_94 : vector<1x128xf32> to vector<1000x128xf32>
    %add3A_96 = arith.addf %mul3A_91, %add3A_95 : vector<1000x128xf32>
    %add3A_97 = arith.addf %get3A_48, %add3A_96 : vector<1000x128xf32>
    %swap3A_98 = arith.constant 0 : index
    %swap3A_99 = arith.constant 0 : index
    %swap3A_100 = vector.load %arg21[%swap3A_98, %swap3A_99] : memref<1000x128xf32, #tpu.memory_space<vmem>>, vector<1000x128xf32>
    tpu.vector_store %arg21[%swap3A_98, %swap3A_99], %add3A_97 {strides = array<i32>} : memref<1000x128xf32, #tpu.memory_space<vmem>>, vector<1000x128xf32>,
    %get3A_101 = arith.constant 0 : index
    %get3A_102 = arith.constant 0 : index
    %get3A_103 = vector.load %arg16[%get3A_101, %get3A_102] : memref<16x16xf32, #tpu.memory_space<vmem>>, vector<16x16xf32>
    %dot_general3A_104 = arith.constant dense<0.000000e+00> : vector<16x32000xf32>
    %dot_general3A_105 = tpu.matmul %get3A_103, %add3A_26, %dot_general3A_104 {dimension_numbers = #tpu.dot_dimension_numbers<[1], [0], [0], [1], [0, 0, 1, 1], [], []>, transpose_lhs_hint = false} : vector<16x16xf32>, vector<16x32000xf32>, vector<16x32000xf32> -> vector<16x32000xf32>
    %get3A_106 = arith.constant 0 : index
    %get3A_107 = arith.constant 0 : index
    %get3A_108 = vector.load %arg17[%get3A_106, %get3A_107] : memref<16x1xf32, #tpu.memory_space<vmem>>, vector<16x1xf32>
    %add3A_109 = vector.broadcast %get3A_108 : vector<16x1xf32> to vector<16x32000xf32>
    %add3A_110 = arith.addf %dot_general3A_105, %add3A_109 : vector<16x32000xf32>
    %swap3A_111 = arith.constant 0 : index
    %swap3A_112 = arith.constant 0 : index
    %swap3A_113 = vector.load %arg22[%swap3A_111, %swap3A_112] : memref<16x32000xf32, #tpu.memory_space<vmem>>, vector<16x32000xf32>
    tpu.vector_store %arg22[%swap3A_111, %swap3A_112], %add3A_110 {strides = array<i32>} : memref<16x32000xf32, #tpu.memory_space<vmem>>, vector<16x32000xf32>,
    %get3A_114 = arith.constant 0 : index
    %get3A_115 = arith.constant 0 : index
    %get3A_116 = vector.load %arg18[%get3A_114, %get3A_115] : memref<128x16xf32, #tpu.memory_space<vmem>>, vector<128x16xf32>
    %dot_general3A_117 = arith.constant dense<0.000000e+00> : vector<1000x16xf32>
    %dot_general3A_118 = tpu.matmul %add3A_97, %get3A_116, %dot_general3A_117 {dimension_numbers = #tpu.dot_dimension_numbers<[1], [0], [0], [1], [0, 0, 1, 1], [], []>, transpose_lhs_hint = false} : vector<1000x128xf32>, vector<128x16xf32>, vector<1000x16xf32> -> vector<1000x16xf32>
    %swap3A_119 = arith.constant 0 : index
    %swap3A_120 = arith.constant 0 : index
    %swap3A_121 = vector.load %arg23[%swap3A_119, %swap3A_120] : memref<1000x16xf32, #tpu.memory_space<vmem>>, vector<1000x16xf32>
    tpu.vector_store %arg23[%swap3A_119, %swap3A_120], %dot_general3A_118 {strides = array<i32>} : memref<1000x16xf32, #tpu.memory_space<vmem>>, vector<1000x16xf32>,
    %get3A_122 = arith.constant 0 : index
    %get3A_123 = arith.constant 0 : index
    %get3A_124 = vector.load %arg19[%get3A_122, %get3A_123] : memref<128x16xf32, #tpu.memory_space<vmem>>, vector<128x16xf32>
    %dot_general3A_125 = arith.constant dense<0.000000e+00> : vector<1000x16xf32>
    %dot_general3A_126 = tpu.matmul %add3A_97, %get3A_124, %dot_general3A_125 {dimension_numbers = #tpu.dot_dimension_numbers<[1], [0], [0], [1], [0, 0, 1, 1], [], []>, transpose_lhs_hint = false} : vector<1000x128xf32>, vector<128x16xf32>, vector<1000x16xf32> -> vector<1000x16xf32>
    %swap3A_127 = arith.constant 0 : index
    %swap3A_128 = arith.constant 0 : index
    %swap3A_129 = vector.load %arg24[%swap3A_127, %swap3A_128] : memref<1000x16xf32, #tpu.memory_space<vmem>>, vector<1000x16xf32>
    tpu.vector_store %arg24[%swap3A_127, %swap3A_128], %dot_general3A_126 {strides = array<i32>} : memref<1000x16xf32, #tpu.memory_space<vmem>>, vector<1000x16xf32>,
    return
  }
  func.func @transform_0(%arg0: i32) -> (i32, i32) {
    %c0_i32 = arith.constant 0 : i32
    %c0_i32_0 = arith.constant 0 : i32
    return %c0_i32, %arg0 : i32, i32
  }
  func.func @transform_1(%arg0: i32) -> (i32, i32) {
    %c0_i32 = arith.constant 0 : i32
    %c0_i32_0 = arith.constant 0 : i32
    return %c0_i32, %arg0 : i32, i32
  }
  func.func @transform_2(%arg0: i32) -> (i32, i32) {
    %c0_i32 = arith.constant 0 : i32
    %c0_i32_0 = arith.constant 0 : i32
    return %arg0, %c0_i32 : i32, i32
  }
  func.func @transform_3(%arg0: i32) -> (i32, i32) {
    %c0_i32 = arith.constant 0 : i32
    %c0_i32_0 = arith.constant 0 : i32
    return %arg0, %c0_i32 : i32, i32
  }
  func.func @transform_4(%arg0: i32) -> (i32, i32) {
    %c0_i32 = arith.constant 0 : i32
    %c0_i32_0 = arith.constant 0 : i32
    return %arg0, %c0_i32 : i32, i32
  }
  func.func @transform_5(%arg0: i32) -> (i32, i32) {
    %c0_i32 = arith.constant 0 : i32
    %c0_i32_0 = arith.constant 0 : i32
    return %arg0, %c0_i32 : i32, i32
  }
  func.func @transform_6(%arg0: i32) -> (i32, i32) {
    %c0_i32 = arith.constant 0 : i32
    %c0_i32_0 = arith.constant 0 : i32
    return %arg0, %c0_i32 : i32, i32
  }
  func.func @transform_7(%arg0: i32) -> (i32, i32) {
    %c0_i32 = arith.constant 0 : i32
    %c0_i32_0 = arith.constant 0 : i32
    %c0_i32_1 = arith.constant 0 : i32
    return %c0_i32, %c0_i32_0 : i32, i32
  }
  func.func @transform_8(%arg0: i32) -> (i32, i32) {
    %c0_i32 = arith.constant 0 : i32
    %c0_i32_0 = arith.constant 0 : i32
    %c0_i32_1 = arith.constant 0 : i32
    return %c0_i32, %c0_i32_0 : i32, i32
  }
  func.func @transform_9(%arg0: i32) -> (i32, i32) {
    %c0_i32 = arith.constant 0 : i32
    %c0_i32_0 = arith.constant 0 : i32
    %c0_i32_1 = arith.constant 0 : i32
    return %c0_i32, %c0_i32_0 : i32, i32
  }
  func.func @transform_10(%arg0: i32) -> (i32, i32) {
    %c0_i32 = arith.constant 0 : i32
    %c0_i32_0 = arith.constant 0 : i32
    %c0_i32_1 = arith.constant 0 : i32
    return %c0_i32, %c0_i32_0 : i32, i32
  }
  func.func @transform_11(%arg0: i32) -> (i32, i32) {
    %c0_i32 = arith.constant 0 : i32
    %c0_i32_0 = arith.constant 0 : i32
    %c0_i32_1 = arith.constant 0 : i32
    return %c0_i32, %c0_i32_0 : i32, i32
  }
  func.func @transform_12(%arg0: i32) -> (i32, i32) {
    %c0_i32 = arith.constant 0 : i32
    %c0_i32_0 = arith.constant 0 : i32
    %c0_i32_1 = arith.constant 0 : i32
    return %c0_i32, %c0_i32_0 : i32, i32
  }
  func.func @transform_13(%arg0: i32) -> (i32, i32) {
    %c0_i32 = arith.constant 0 : i32
    %c0_i32_0 = arith.constant 0 : i32
    %c0_i32_1 = arith.constant 0 : i32
    return %c0_i32, %c0_i32_0 : i32, i32
  }
  func.func @transform_14(%arg0: i32) -> (i32, i32) {
    %c0_i32 = arith.constant 0 : i32
    %c0_i32_0 = arith.constant 0 : i32
    %c0_i32_1 = arith.constant 0 : i32
    return %c0_i32, %c0_i32_0 : i32, i32
  }
  func.func @transform_15(%arg0: i32) -> (i32, i32) {
    %c0_i32 = arith.constant 0 : i32
    %c0_i32_0 = arith.constant 0 : i32
    %c0_i32_1 = arith.constant 0 : i32
    return %c0_i32, %c0_i32_0 : i32, i32
  }
  func.func @transform_16(%arg0: i32) -> (i32, i32) {
    %c0_i32 = arith.constant 0 : i32
    %c0_i32_0 = arith.constant 0 : i32
    %c0_i32_1 = arith.constant 0 : i32
    return %c0_i32, %c0_i32_0 : i32, i32
  }
  func.func @transform_17(%arg0: i32) -> (i32, i32) {
    %c0_i32 = arith.constant 0 : i32
    %c0_i32_0 = arith.constant 0 : i32
    %c0_i32_1 = arith.constant 0 : i32
    return %c0_i32, %c0_i32_0 : i32, i32
  }
  func.func @transform_18(%arg0: i32) -> (i32, i32) {
    %c0_i32 = arith.constant 0 : i32
    %c0_i32_0 = arith.constant 0 : i32
    %c0_i32_1 = arith.constant 0 : i32
    return %c0_i32, %c0_i32_0 : i32, i32
  }
  func.func @transform_19(%arg0: i32) -> (i32, i32) {
    %c0_i32 = arith.constant 0 : i32
    %c0_i32_0 = arith.constant 0 : i32
    return %c0_i32, %arg0 : i32, i32
  }
  func.func @transform_20(%arg0: i32) -> (i32, i32) {
    %c0_i32 = arith.constant 0 : i32
    %c0_i32_0 = arith.constant 0 : i32
    return %arg0, %c0_i32 : i32, i32
  }
  func.func @transform_21(%arg0: i32) -> (i32, i32) {
    %c0_i32 = arith.constant 0 : i32
    %c0_i32_0 = arith.constant 0 : i32
    return %c0_i32, %arg0 : i32, i32
  }
  func.func @transform_22(%arg0: i32) -> (i32, i32) {
    %c0_i32 = arith.constant 0 : i32
    %c0_i32_0 = arith.constant 0 : i32
    return %arg0, %c0_i32 : i32, i32
  }
  func.func @transform_23(%arg0: i32) -> (i32, i32) {
    %c0_i32 = arith.constant 0 : i32
    %c0_i32_0 = arith.constant 0 : i32
    return %arg0, %c0_i32 : i32, i32
  }
}

module attributes {stable_mosaic.version = 14 : i64} {
  func.func @body(%arg0: i32, %arg1: memref<16x32000xf32, #tpu.memory_space<vmem>>, %arg2: memref<16x32000xf32, #tpu.memory_space<vmem>>, %arg3: memref<1000x128xf32, #tpu.memory_space<vmem>>, %arg4: memref<1000x16xf32, #tpu.memory_space<vmem>>, %arg5: memref<1000x16xf32, #tpu.memory_space<vmem>>, %arg6: memref<1000x16xf32, #tpu.memory_space<vmem>>, %arg7: memref<1000x16xf32, #tpu.memory_space<vmem>>, %arg8: memref<16x16xf32, #tpu.memory_space<vmem>>, %arg9: memref<16x1xf32, #tpu.memory_space<vmem>>, %arg10: memref<16x1xf32, #tpu.memory_space<vmem>>, %arg11: memref<128x128xf32, #tpu.memory_space<vmem>>, %arg12: memref<16x128xf32, #tpu.memory_space<vmem>>, %arg13: memref<1x128xf32, #tpu.memory_space<vmem>>, %arg14: memref<1x128xf32, #tpu.memory_space<vmem>>, %arg15: memref<1x128xf32, #tpu.memory_space<vmem>>, %arg16: memref<16x32000xf32, #tpu.memory_space<vmem>>, %arg17: memref<1000x128xf32, #tpu.memory_space<vmem>>) attributes {dimension_semantics = [#tpu.dimension_semantics<arbitrary>], iteration_bounds = array<i64: 10>, scalar_prefetch = 0 : i64, scratch_operands = 0 : i64, tpu.core_type = #tpu.core_type<tc>, window_params = [{transform_indices = @transform_0, window_bounds = array<i64: 16, 32000>}, {transform_indices = @transform_1, window_bounds = array<i64: 16, 32000>}, {transform_indices = @transform_2, window_bounds = array<i64: 1000, 128>}, {transform_indices = @transform_3, window_bounds = array<i64: 1000, 16>}, {transform_indices = @transform_4, window_bounds = array<i64: 1000, 16>}, {transform_indices = @transform_5, window_bounds = array<i64: 1000, 16>}, {transform_indices = @transform_6, window_bounds = array<i64: 1000, 16>}, {pipeline_mode = #tpu.pipeline_mode<synchronous>, transform_indices = @transform_7, window_bounds = array<i64: 16, 16>}, {pipeline_mode = #tpu.pipeline_mode<synchronous>, transform_indices = @transform_8, window_bounds = array<i64: 16, 1>}, {pipeline_mode = #tpu.pipeline_mode<synchronous>, transform_indices = @transform_9, window_bounds = array<i64: 16, 1>}, {pipeline_mode = #tpu.pipeline_mode<synchronous>, transform_indices = @transform_10, window_bounds = array<i64: 128, 128>}, {pipeline_mode = #tpu.pipeline_mode<synchronous>, transform_indices = @transform_11, window_bounds = array<i64: 16, 128>}, {pipeline_mode = #tpu.pipeline_mode<synchronous>, transform_indices = @transform_12, window_bounds = array<i64: 1, 128>}, {pipeline_mode = #tpu.pipeline_mode<synchronous>, transform_indices = @transform_13, window_bounds = array<i64: 1, 128>}, {pipeline_mode = #tpu.pipeline_mode<synchronous>, transform_indices = @transform_14, window_bounds = array<i64: 1, 128>}, {transform_indices = @transform_15, window_bounds = array<i64: 16, 32000>}, {transform_indices = @transform_16, window_bounds = array<i64: 1000, 128>}]} {
    %get3A = arith.constant 0 : index
    %get3A_0 = arith.constant 0 : index
    %get3A_1 = vector.load %arg1[%get3A, %get3A_0] : memref<16x32000xf32, #tpu.memory_space<vmem>>, vector<16x32000xf32>
    %max3A = arith.constant 0.000000e+00 : f32
    %max3A_2 = vector.broadcast %max3A : f32 to vector<16x32000xf32>
    %max3A_3 = arith.maximumf %get3A_1, %max3A_2 : vector<16x32000xf32>
    %get3A_4 = arith.constant 0 : index
    %get3A_5 = arith.constant 0 : index
    %get3A_6 = vector.load %arg8[%get3A_4, %get3A_5] : memref<16x16xf32, #tpu.memory_space<vmem>>, vector<16x16xf32>
    %dot_general3A = arith.constant dense<0.000000e+00> : vector<16x32000xf32>
    %dot_general3A_7 = tpu.matmul %get3A_6, %max3A_3, %dot_general3A {dimension_numbers = #tpu.dot_dimension_numbers<[1], [0], [0], [1], [0, 0, 1, 1], [], []>, transpose_lhs_hint = false} : vector<16x16xf32>, vector<16x32000xf32>, vector<16x32000xf32> -> vector<16x32000xf32>
    %sub3A = arith.subf %max3A_3, %dot_general3A_7 : vector<16x32000xf32>
    %mul3A = arith.mulf %sub3A, %sub3A : vector<16x32000xf32>
    %dot_general3A_8 = arith.constant dense<0.000000e+00> : vector<16x32000xf32>
    %dot_general3A_9 = tpu.matmul %get3A_6, %mul3A, %dot_general3A_8 {dimension_numbers = #tpu.dot_dimension_numbers<[1], [0], [0], [1], [0, 0, 1, 1], [], []>, transpose_lhs_hint = false} : vector<16x16xf32>, vector<16x32000xf32>, vector<16x32000xf32> -> vector<16x32000xf32>
    %add3A = arith.constant 9.99999974E-6 : f32
    %add3A_10 = vector.broadcast %add3A : f32 to vector<16x32000xf32>
    %add3A_11 = arith.addf %dot_general3A_9, %add3A_10 : vector<16x32000xf32>
    %rsqrt3A = math.rsqrt %add3A_11 : vector<16x32000xf32>
    %mul3A_12 = arith.mulf %sub3A, %rsqrt3A : vector<16x32000xf32>
    %get3A_13 = arith.constant 0 : index
    %get3A_14 = arith.constant 0 : index
    %get3A_15 = vector.load %arg9[%get3A_13, %get3A_14] : memref<16x1xf32, #tpu.memory_space<vmem>>, vector<16x1xf32>
    %mul3A_16 = vector.broadcast %get3A_15 : vector<16x1xf32> to vector<16x32000xf32>
    %mul3A_17 = arith.mulf %mul3A_12, %mul3A_16 : vector<16x32000xf32>
    %get3A_18 = arith.constant 0 : index
    %get3A_19 = arith.constant 0 : index
    %get3A_20 = vector.load %arg10[%get3A_18, %get3A_19] : memref<16x1xf32, #tpu.memory_space<vmem>>, vector<16x1xf32>
    %add3A_21 = vector.broadcast %get3A_20 : vector<16x1xf32> to vector<16x32000xf32>
    %add3A_22 = arith.addf %mul3A_17, %add3A_21 : vector<16x32000xf32>
    %get3A_23 = arith.constant 0 : index
    %get3A_24 = arith.constant 0 : index
    %get3A_25 = vector.load %arg2[%get3A_23, %get3A_24] : memref<16x32000xf32, #tpu.memory_space<vmem>>, vector<16x32000xf32>
    %add3A_26 = arith.addf %get3A_25, %add3A_22 : vector<16x32000xf32>
    %swap3A = arith.constant 0 : index
    %swap3A_27 = arith.constant 0 : index
    %swap3A_28 = vector.load %arg16[%swap3A, %swap3A_27] : memref<16x32000xf32, #tpu.memory_space<vmem>>, vector<16x32000xf32>
    tpu.vector_store %arg16[%swap3A, %swap3A_27], %add3A_26 {strides = array<i32>} : memref<16x32000xf32, #tpu.memory_space<vmem>>, vector<16x32000xf32>,
    %get3A_29 = arith.constant 0 : index
    %get3A_30 = arith.constant 0 : index
    %get3A_31 = vector.load %arg4[%get3A_29, %get3A_30] : memref<1000x16xf32, #tpu.memory_space<vmem>>, vector<1000x16xf32>
    %get3A_32 = arith.constant 0 : index
    %get3A_33 = arith.constant 0 : index
    %get3A_34 = vector.load %arg5[%get3A_32, %get3A_33] : memref<1000x16xf32, #tpu.memory_space<vmem>>, vector<1000x16xf32>
    %add3A_35 = arith.addf %get3A_31, %get3A_34 : vector<1000x16xf32>
    %get3A_36 = arith.constant 0 : index
    %get3A_37 = arith.constant 0 : index
    %get3A_38 = vector.load %arg6[%get3A_36, %get3A_37] : memref<1000x16xf32, #tpu.memory_space<vmem>>, vector<1000x16xf32>
    %get3A_39 = arith.constant 0 : index
    %get3A_40 = arith.constant 0 : index
    %get3A_41 = vector.load %arg7[%get3A_39, %get3A_40] : memref<1000x16xf32, #tpu.memory_space<vmem>>, vector<1000x16xf32>
    %add3A_42 = arith.addf %get3A_38, %get3A_41 : vector<1000x16xf32>
    %max3A_43 = arith.constant 1.000000e+00 : f32
    %max3A_44 = vector.broadcast %max3A_43 : f32 to vector<1000x16xf32>
    %max3A_45 = arith.maximumf %add3A_42, %max3A_44 : vector<1000x16xf32>
    %div3A = arith.divf %add3A_35, %max3A_45 : vector<1000x16xf32>
    %get3A_46 = arith.constant 0 : index
    %get3A_47 = arith.constant 0 : index
    %get3A_48 = vector.load %arg3[%get3A_46, %get3A_47] : memref<1000x128xf32, #tpu.memory_space<vmem>>, vector<1000x128xf32>
    %get3A_49 = arith.constant 0 : index
    %get3A_50 = arith.constant 0 : index
    %get3A_51 = vector.load %arg11[%get3A_49, %get3A_50] : memref<128x128xf32, #tpu.memory_space<vmem>>, vector<128x128xf32>
    %dot_general3A_52 = arith.constant dense<0.000000e+00> : vector<1000x128xf32>
    %dot_general3A_53 = tpu.matmul %get3A_48, %get3A_51, %dot_general3A_52 {dimension_numbers = #tpu.dot_dimension_numbers<[1], [0], [0], [1], [0, 0, 1, 1], [], []>, transpose_lhs_hint = false} : vector<1000x128xf32>, vector<128x128xf32>, vector<1000x128xf32> -> vector<1000x128xf32>
    %get3A_54 = arith.constant 0 : index
    %get3A_55 = arith.constant 0 : index
    %get3A_56 = vector.load %arg12[%get3A_54, %get3A_55] : memref<16x128xf32, #tpu.memory_space<vmem>>, vector<16x128xf32>
    %dot_general3A_57 = arith.constant dense<0.000000e+00> : vector<1000x128xf32>
    %dot_general3A_58 = tpu.matmul %div3A, %get3A_56, %dot_general3A_57 {dimension_numbers = #tpu.dot_dimension_numbers<[1], [0], [0], [1], [0, 0, 1, 1], [], []>, transpose_lhs_hint = false} : vector<1000x16xf32>, vector<16x128xf32>, vector<1000x128xf32> -> vector<1000x128xf32>
    %add3A_59 = arith.addf %dot_general3A_53, %dot_general3A_58 : vector<1000x128xf32>
    %get3A_60 = arith.constant 0 : index
    %get3A_61 = arith.constant 0 : index
    %get3A_62 = vector.load %arg13[%get3A_60, %get3A_61] : memref<1x128xf32, #tpu.memory_space<vmem>>, vector<1x128xf32>
    %add3A_63 = vector.broadcast %get3A_62 : vector<1x128xf32> to vector<1000x128xf32>
    %add3A_64 = arith.addf %add3A_59, %add3A_63 : vector<1000x128xf32>
    %max3A_65 = arith.constant 0.000000e+00 : f32
    %max3A_66 = vector.broadcast %max3A_65 : f32 to vector<1000x128xf32>
    %max3A_67 = arith.maximumf %add3A_64, %max3A_66 : vector<1000x128xf32>
    %reduce_sum3A = arith.constant dense<0.000000e+00> : vector<1000xf32>
    %reduce_sum3A_68 = vector.multi_reduction <add>, %max3A_67, %reduce_sum3A [1] : vector<1000x128xf32> to vector<1000xf32>
    %broadcast_in_dim3A = vector.shape_cast %reduce_sum3A_68 : vector<1000xf32> to vector<1000x1xf32>
    %div3A_69 = arith.constant 1.280000e+02 : f32
    %div3A_70 = vector.broadcast %div3A_69 : f32 to vector<1000x1xf32>
    %div3A_71 = arith.divf %broadcast_in_dim3A, %div3A_70 : vector<1000x1xf32>
    %sub3A_72 = vector.broadcast %div3A_71 : vector<1000x1xf32> to vector<1000x128xf32>
    %sub3A_73 = arith.subf %max3A_67, %sub3A_72 : vector<1000x128xf32>
    %mul3A_74 = arith.mulf %sub3A_73, %sub3A_73 : vector<1000x128xf32>
    %reduce_sum3A_75 = arith.constant dense<0.000000e+00> : vector<1000xf32>
    %reduce_sum3A_76 = vector.multi_reduction <add>, %mul3A_74, %reduce_sum3A_75 [1] : vector<1000x128xf32> to vector<1000xf32>
    %broadcast_in_dim3A_77 = vector.shape_cast %reduce_sum3A_76 : vector<1000xf32> to vector<1000x1xf32>
    %div3A_78 = arith.constant 1.280000e+02 : f32
    %div3A_79 = vector.broadcast %div3A_78 : f32 to vector<1000x1xf32>
    %div3A_80 = arith.divf %broadcast_in_dim3A_77, %div3A_79 : vector<1000x1xf32>
    %add3A_81 = arith.constant 9.99999974E-6 : f32
    %add3A_82 = vector.broadcast %add3A_81 : f32 to vector<1000x1xf32>
    %add3A_83 = arith.addf %div3A_80, %add3A_82 : vector<1000x1xf32>
    %rsqrt3A_84 = math.rsqrt %add3A_83 : vector<1000x1xf32>
    %mul3A_85 = vector.broadcast %rsqrt3A_84 : vector<1000x1xf32> to vector<1000x128xf32>
    %mul3A_86 = arith.mulf %sub3A_73, %mul3A_85 : vector<1000x128xf32>
    %get3A_87 = arith.constant 0 : index
    %get3A_88 = arith.constant 0 : index
    %get3A_89 = vector.load %arg14[%get3A_87, %get3A_88] : memref<1x128xf32, #tpu.memory_space<vmem>>, vector<1x128xf32>
    %mul3A_90 = vector.broadcast %get3A_89 : vector<1x128xf32> to vector<1000x128xf32>
    %mul3A_91 = arith.mulf %mul3A_86, %mul3A_90 : vector<1000x128xf32>
    %get3A_92 = arith.constant 0 : index
    %get3A_93 = arith.constant 0 : index
    %get3A_94 = vector.load %arg15[%get3A_92, %get3A_93] : memref<1x128xf32, #tpu.memory_space<vmem>>, vector<1x128xf32>
    %add3A_95 = vector.broadcast %get3A_94 : vector<1x128xf32> to vector<1000x128xf32>
    %add3A_96 = arith.addf %mul3A_91, %add3A_95 : vector<1000x128xf32>
    %add3A_97 = arith.addf %get3A_48, %add3A_96 : vector<1000x128xf32>
    %swap3A_98 = arith.constant 0 : index
    %swap3A_99 = arith.constant 0 : index
    %swap3A_100 = vector.load %arg17[%swap3A_98, %swap3A_99] : memref<1000x128xf32, #tpu.memory_space<vmem>>, vector<1000x128xf32>
    tpu.vector_store %arg17[%swap3A_98, %swap3A_99], %add3A_97 {strides = array<i32>} : memref<1000x128xf32, #tpu.memory_space<vmem>>, vector<1000x128xf32>,
    return
  }
  func.func @transform_0(%arg0: i32) -> (i32, i32) {
    %c0_i32 = arith.constant 0 : i32
    %c0_i32_0 = arith.constant 0 : i32
    return %c0_i32, %arg0 : i32, i32
  }
  func.func @transform_1(%arg0: i32) -> (i32, i32) {
    %c0_i32 = arith.constant 0 : i32
    %c0_i32_0 = arith.constant 0 : i32
    return %c0_i32, %arg0 : i32, i32
  }
  func.func @transform_2(%arg0: i32) -> (i32, i32) {
    %c0_i32 = arith.constant 0 : i32
    %c0_i32_0 = arith.constant 0 : i32
    return %arg0, %c0_i32 : i32, i32
  }
  func.func @transform_3(%arg0: i32) -> (i32, i32) {
    %c0_i32 = arith.constant 0 : i32
    %c0_i32_0 = arith.constant 0 : i32
    return %arg0, %c0_i32 : i32, i32
  }
  func.func @transform_4(%arg0: i32) -> (i32, i32) {
    %c0_i32 = arith.constant 0 : i32
    %c0_i32_0 = arith.constant 0 : i32
    return %arg0, %c0_i32 : i32, i32
  }
  func.func @transform_5(%arg0: i32) -> (i32, i32) {
    %c0_i32 = arith.constant 0 : i32
    %c0_i32_0 = arith.constant 0 : i32
    return %arg0, %c0_i32 : i32, i32
  }
  func.func @transform_6(%arg0: i32) -> (i32, i32) {
    %c0_i32 = arith.constant 0 : i32
    %c0_i32_0 = arith.constant 0 : i32
    return %arg0, %c0_i32 : i32, i32
  }
  func.func @transform_7(%arg0: i32) -> (i32, i32) {
    %c0_i32 = arith.constant 0 : i32
    %c0_i32_0 = arith.constant 0 : i32
    %c0_i32_1 = arith.constant 0 : i32
    return %c0_i32, %c0_i32_0 : i32, i32
  }
  func.func @transform_8(%arg0: i32) -> (i32, i32) {
    %c0_i32 = arith.constant 0 : i32
    %c0_i32_0 = arith.constant 0 : i32
    %c0_i32_1 = arith.constant 0 : i32
    return %c0_i32, %c0_i32_0 : i32, i32
  }
  func.func @transform_9(%arg0: i32) -> (i32, i32) {
    %c0_i32 = arith.constant 0 : i32
    %c0_i32_0 = arith.constant 0 : i32
    %c0_i32_1 = arith.constant 0 : i32
    return %c0_i32, %c0_i32_0 : i32, i32
  }
  func.func @transform_10(%arg0: i32) -> (i32, i32) {
    %c0_i32 = arith.constant 0 : i32
    %c0_i32_0 = arith.constant 0 : i32
    %c0_i32_1 = arith.constant 0 : i32
    return %c0_i32, %c0_i32_0 : i32, i32
  }
  func.func @transform_11(%arg0: i32) -> (i32, i32) {
    %c0_i32 = arith.constant 0 : i32
    %c0_i32_0 = arith.constant 0 : i32
    %c0_i32_1 = arith.constant 0 : i32
    return %c0_i32, %c0_i32_0 : i32, i32
  }
  func.func @transform_12(%arg0: i32) -> (i32, i32) {
    %c0_i32 = arith.constant 0 : i32
    %c0_i32_0 = arith.constant 0 : i32
    %c0_i32_1 = arith.constant 0 : i32
    return %c0_i32, %c0_i32_0 : i32, i32
  }
  func.func @transform_13(%arg0: i32) -> (i32, i32) {
    %c0_i32 = arith.constant 0 : i32
    %c0_i32_0 = arith.constant 0 : i32
    %c0_i32_1 = arith.constant 0 : i32
    return %c0_i32, %c0_i32_0 : i32, i32
  }
  func.func @transform_14(%arg0: i32) -> (i32, i32) {
    %c0_i32 = arith.constant 0 : i32
    %c0_i32_0 = arith.constant 0 : i32
    %c0_i32_1 = arith.constant 0 : i32
    return %c0_i32, %c0_i32_0 : i32, i32
  }
  func.func @transform_15(%arg0: i32) -> (i32, i32) {
    %c0_i32 = arith.constant 0 : i32
    %c0_i32_0 = arith.constant 0 : i32
    return %c0_i32, %arg0 : i32, i32
  }
  func.func @transform_16(%arg0: i32) -> (i32, i32) {
    %c0_i32 = arith.constant 0 : i32
    %c0_i32_0 = arith.constant 0 : i32
    return %arg0, %c0_i32 : i32, i32
  }
}

</mosaic_0001>

<sc_bundles>
// kernel: kernel.10.cloned.1.call-start
scs
__scs_entry_jumppad:
0x0: {  	(pc) =	sbr.rel $0x88, $3  }
0x1: {  	(tag) =	ssettag $0x0;
	lr =	simm.s32 $0x1  }
0x2: {  	[smem:$0x3F8E] =	sst lr;
	_ =	strace $0xD0000000  }
0x3: {  	_ = 	snop  }
0x4: {  	_ = 	snop  }
0x5: {  	_ = 	snop  }
0x6: {  	_ = 	snop  }
0x7: {  	_ = 	snop  }
__scs_overlays_trampoline_lowered:
0x8: {  	[smem:$0x3F9D] =	sst s0  }
0x9: {  	[smem:$0x3F9E] =	sst s1  }
0xa: {  	[smem:$0x3F9F] =	sst s2  }
0xb: {  	[smem:$0x3FA0] =	sst s3  }
0xc: {  	[smem:$0x3FA1] =	sst s4  }
0xd: {  	[smem:$0x3FA2] =	sst s5  }
0xe: {  	[smem:$0x3FA3] =	sst s6  }
0xf: {  	[smem:$0x3FA4] =	sst s7  }
0x10: {  	[smem:$0x3FA5] =	sst s8  }
0x11: {  	[smem:$0x3FA6] =	sst s9;
	s0 =	simm.s32 @!p0 $0x0  }
0x12: {  	s1 =	sld [smem:$0x3F8C];
	s0 =	simm.s32 @p0 $0x1  }
0x13: {  	[smem:$0x3FA7] =	sst s0;
	s0 =	simm.s32 @!p1 $0x0  }
0x14: {  	s2 =	sld [smem:$0x3F8B];
	s0 =	simm.s32 @p1 $0x1  }
0x15: {  	[smem:$0x3FA8] =	sst s0;
	s0 =	simm.s32 @!p2 $0x0  }
0x16: {  	s3 =	sld [smem:$0x3FDB];
	s0 =	simm.s32 @p2 $0x1  }
0x17: {  	s4 =	simm.s32 $0x1BF5;
	[smem:$0x3FAA] =	sst s0  }
0x18: {  	s0 =	sld [smem:$0x3F8D];
	_ =	swait.ge [sflag:s4], $0x0  }
0x19: {  	s7 =	sld [smem:$0x3F8E]  }
0x1a: {  	s8 =	sadd.s32 $0xFFFFE003, lr  }
0x1b: {  	s9 =	sadd.s32 $0xFFFFFEF7, lr;
	s5 =	simm.s32 $0xFFFFFFFF;
	p2 =	slt.u32 s8, $0xFFFFF086  }
0x1c: {  	p1 =	slt.u32 s9, $0xF7A;
	s5 =	simm.s32 @!p2 $0x0  }
0x1d: {  	s5 =	simm.s32 @p1 $0x1;
	p0 =	seq.s32 s7, s2  }
0x1e: {  	s7 =	smul.u32 @!p0 $0xF7A, s2;
	p2 =	seq.s32 @!p0 s5, $0x0  }
0x1f: {  	s9 =	smul.u32 $0xF7A, s1;
	s8 =	simm.s32 @!p0 $0x1BF5;
	p2 =	por !p2, p0  }
0x20: {  	[sflag:s8] =	ssyncset.s32 @!p0 $0xFFFFF086;
	s6 =	sadd.s32 @!p0 s3, s7;
	s7 =	simm.s32 @!p0 $0x108  }
0x21: {  	s3 =	sadd.s32 s3, s9;
	s6 =	sadd.s32 @!p0 $0x88, s6;
	s7 =	simm.s32 @p2 $0x1082  }
0x22: {  	[simem:s7], [sflag:s8] =	dma.local @!p0 [hbm:s6], $0xF7A  }
0x23: {  	s9 =	sor.u32 $0xD0000000, s2;
	s6 =	simm.s32 $0x108;
	_ =	swait.ge @!p0 [sflag:s8], $0x0  }
0x24: {  	s3 =	sadd.s32 $0x88, s3;
	s6 =	simm.s32 @!p1 $0x1082;
	[sflag:s4] =	ssyncset.s32 $0xFFFFF086  }
0x25: {  	[simem:s6], [sflag:s4] =	dma.local [hbm:s3], $0xF7A  }
0x26: {  	[smem:$0x3F8E] =	sst s1;
	(tag) =	ssettag s2;
	_ =	strace s9  }
0x27: {  	s1 =	sld [smem:$0x3F9E]  }
0x28: {  	s2 =	sld [smem:$0x3F9F]  }
0x29: {  	s4 =	sld [smem:$0x3FA1]  }
0x2a: {  	p0 =	seq.s32 s5, $0x0;
	s5 =	sld [smem:$0x3FA2]  }
0x2b: {  	s6 =	sld [smem:$0x3FA3]  }
0x2c: {  	s7 =	sld [smem:$0x3FA4]  }
0x2d: {  	s3 =	simm.s32 $0x108;
	s8 =	sld [smem:$0x3FA5]  }
0x2e: {  	s3 =	simm.s32 @!p0 $0x1082;
	s9 =	sld [smem:$0x3FA6]  }
0x2f: {  	lr =	sadd.s32 s0, s3;
	s0 =	sld [smem:$0x3F9D]  }
0x30: {  	s3 =	sld [smem:$0x3FA0]  }
0x31: {  	[smem:$0x3FA9] =	sst s10  }
0x32: {  	s10 =	sld [smem:$0x3FA7];
	_ =	sdelay $0x3  }
0x33: {  	p0 =	seq.s32 s10, $0x1;
	s10 =	sld [smem:$0x3FA9];
	_ =	sdelay $0x3  }
0x34: {  	[smem:$0x3FA9] =	sst s10  }
0x35: {  	s10 =	sld [smem:$0x3FA8];
	_ =	sdelay $0x3  }
0x36: {  	p1 =	seq.s32 s10, $0x1;
	s10 =	sld [smem:$0x3FA9];
	_ =	sdelay $0x3  }
0x37: {  	[smem:$0x3FA9] =	sst s10  }
0x38: {  	s10 =	sld [smem:$0x3FAA]  }
0x39: {  	_ = 	snop;
	(pc) =	sbr.ind lr, $3  }
0x3a: {  	_ = 	snop  }
0x3b: {  	_ = 	snop  }
0x3c: {  	p2 =	seq.s32 s10, $0x1;
	s10 =	sld [smem:$0x3FA9]  }
0x3d: {  	_ =	shalt  }
0x3e: {  	_ =	shalt  }
0x3f: {  	_ =	shalt  }
0x40: {  	_ =	shalt  }
0x41: {  	_ =	shalt  }
0x42: {  	_ =	shalt  }
0x43: {  	_ =	shalt  }
0x44: {  	_ =	shalt  }
0x45: {  	_ =	shalt  }
0x46: {  	_ =	shalt  }
0x47: {  	_ =	shalt  }
0x48: {  	_ =	shalt  }
0x49: {  	_ =	shalt  }
0x4a: {  	_ =	shalt  }
0x4b: {  	_ =	shalt  }
0x4c: {  	_ =	shalt  }
0x4d: {  	_ =	shalt  }
0x4e: {  	_ =	shalt  }
0x4f: {  	_ =	shalt  }
0x50: {  	_ =	shalt  }
0x51: {  	_ =	shalt  }
0x52: {  	_ =	shalt  }
0x53: {  	_ =	shalt  }
0x54: {  	_ =	shalt  }
0x55: {  	_ =	shalt  }
0x56: {  	_ =	shalt  }
0x57: {  	_ =	shalt  }
0x58: {  	_ =	shalt  }
0x59: {  	_ =	shalt  }
0x5a: {  	_ =	shalt  }
0x5b: {  	_ =	shalt  }
0x5c: {  	_ =	shalt  }
0x5d: {  	_ =	shalt  }
0x5e: {  	_ =	shalt  }
0x5f: {  	_ =	shalt  }
0x60: {  	_ =	shalt  }
0x61: {  	_ =	shalt  }
0x62: {  	_ =	shalt  }
0x63: {  	_ =	shalt  }
0x64: {  	_ =	shalt  }
0x65: {  	_ =	shalt  }
0x66: {  	_ =	shalt  }
0x67: {  	_ =	shalt  }
0x68: {  	_ =	shalt  }
0x69: {  	_ =	shalt  }
0x6a: {  	_ =	shalt  }
0x6b: {  	_ =	shalt  }
0x6c: {  	_ =	shalt  }
0x6d: {  	_ =	shalt  }
0x6e: {  	_ =	shalt  }
0x6f: {  	_ =	shalt  }
0x70: {  	_ =	shalt  }
0x71: {  	_ =	shalt  }
0x72: {  	_ =	shalt  }
0x73: {  	_ =	shalt  }
0x74: {  	_ =	shalt  }
0x75: {  	_ =	shalt  }
0x76: {  	_ =	shalt  }
0x77: {  	_ =	shalt  }
0x78: {  	_ =	shalt  }
0x79: {  	_ =	shalt  }
0x7a: {  	_ =	shalt  }
0x7b: {  	_ =	shalt  }
0x7c: {  	_ =	shalt  }
0x7d: {  	_ =	shalt  }
0x7e: {  	_ =	shalt  }
0x7f: {  	_ =	shalt  }
0x80: {  	_ =	shalt  }
0x81: {  	_ =	shalt  }
0x82: {  	_ =	shalt  }
0x83: {  	_ =	shalt  }
0x84: {  	_ =	shalt  }
0x85: {  	_ =	shalt  }
0x86: {  	_ =	shalt  }
0x87: {  	_ =	shalt  }
.Lfunc_end0:
.L_simem_size_0:
called_computation.1_lowered:
.L_overlay_start_0:
0x88: {  	s2 =	sld [smem:$0x3FD9]  }
0x89: {  	s3 =	sld [smem:$0x3FFE];
	_ =	sdelay $0x1  }
0x8a: {  	s1 =	srdreg.scid  }
0x8b: {  	s0 =	sand.u32 $0x1, s1  }
0x8c: {  	s14 =	sshll.u32 s0, $0xA;
	s2 =	sadd.s32 s3, s2  }
0x8d: {  	s2 =	sadd.s32 s2, s14  }
0x8e: {  	[smem:$0x3FB5] =	sst s2  }
0x8f: {  	_ = 	snop  }
0x90: {  	s2 =	sld [smem:$0x3FD0];
	_ =	sdelay $0x2  }
0x91: {  	s15 =	simm.s32 $0xA;
	s4 =	simm.s32 $0x10  }
0x92: {  	[smem:s4], [sflag:s15] =	dma.local [hbm:s2], $0x1  }
0x93: {  	_ =	swait.eq [sflag:s15], $0x1  }
0x94: {  	[sflag:s15] =	ssyncset.done $0x0  }
0x95: {  	[sflag:s15] =	ssyncadd.s32 $0xFFFFFFFF  }
0x96: {  	s16 =	sld [smem:$0x11];
	(tm) =	ssettm $0x1  }
0x97: {  	s17 =	sld [smem:$0x3FFB];
	_ =	sdelay $0x3  }
0x98: {  	_ =	strace s17  }
0x99: {  	s3 =	sld [smem:$0x3FFC];
	_ =	sdelay $0x3  }
0x9a: {  	_ =	strace s3  }
0x9b: {  	s3 =	sld [smem:$0x3FFD];
	_ =	sdelay $0x3  }
0x9c: {  	_ =	strace s3  }
0x9d: {  	_ =	strace $0x8FFFFFFF  }
0x9e: {  	s18 =	sld [smem:$0x3FDB];
	_ =	sdelay $0x1  }
0x9f: {  	s19 =	simm.s32 $_scs_section_size  }
0xa0: {  	s5 =	simm.s32 $_size__tile_overlayer_lowered;
	s6 =	simm.s32 $_tile_overlayer_lowered  }
0xa1: {  	s22 =	simm.s32 $0x1BFF;
	s21 =	sshll.u32 s6, $0x1;
	s3 =	sadd.s32 s19, s18  }
0xa2: {  	s7 =	simm.s32 $0x0;
	s20 =	sshll.u32 s5, $0x1;
	s5 =	sadd.s32 s21, s3  }
0xa3: {  	[timem:s7], [sflag:s22] =	dma.local [hbm:s5], s20  }
0xa4: {  	_ =	swait.ge [sflag:s22], s20  }
0xa5: {  	s4 =	ssub.s32 $0x0, s20;
	[sflag:s22] =	ssyncset.done $0x0  }
0xa6: {  	[sflag:s22] =	ssyncadd.s32 s4;
	_ =	sdelay $0x1  }
0xa7: {  	s23 =	simm.s32 $0x1B8B  }
0xa8: {  	_ =	swait.ge [sflag:s23], $0x1  }
0xa9: {  	[sflag:s23] =	ssyncset.done $0x0  }
0xaa: {  	s25 =	simm.s32 $0x1B8E;
	s24 =	sld [smem:$0x3FFE];
	[sflag:s23] =	ssyncadd.s32 $0xFFFFFFFF  }
0xab: {  	s26 =	simm.s32 $execute0_lowered;
	[smem:$0x3FD2] =	sst s25  }
0xac: {  	s5 =	sshll.u32 s26, $0x1;
	_ =	strace $0x80000049;
	[dreg:$0x1] =	wrdreg $0xFFFFFFFF  }
0xad: {  	s28 =	simm.s32 $_size_execute0_lowered;
	s3 =	sadd.s32 s3, s5;
	[dreg:$0x0] =	wrdreg $0x0  }
0xae: {  	s5 =	sshll.u32 s28, $0x1;
	[dreg:$0x2] =	wrdreg s3  }
0xaf: {  	[dreg:$0x3] =	wrdreg s5  }
0xb0: {  	[dreg:$0x4] =	wrdreg $0xC0  }
0xb1: {  	_ =	task [dreg:s7], $0x5FFFF  }
0xb2: {  	[dreg:$0x1] =	wrdreg $0xFFFFFFFF  }
0xb3: {  	[dreg:$0x0] =	wrdreg $0x60  }
0xb4: {  	[dreg:$0x2] =	wrdreg s24  }
0xb5: {  	[dreg:$0x3] =	wrdreg s16  }
0xb6: {  	[dreg:$0x4] =	wrdreg $0x172000  }
0xb7: {  	[dreg:$0x5] =	wrdreg $0x9  }
0xb8: {  	_ =	task.clear_ibuf [dreg:s7], $0x6FFFF;
	_ =	strace $0x90000049  }
0xb9: {  	s29 =	simm.s32 $0x9;
	_ =	strace $0x8000004B  }
0xba: {  	_ =	swait.ge [sflag:s29], $0x1  }
0xbb: {  	[sflag:s29] =	ssyncadd.s32 $0xFFFFFFFF  }
0xbc: {  	_ =	strace $0x9000004B  }
0xbd: {  	_ =	sfence  }
0xbe: {  	s30 =	sld [smem:$0x0];
	_ =	sdelay $0x2  }
0xbf: {  	s31 =	sshll.u32 s1, $0xD;
	s1 =	sshrl.u32 s1, $0x2  }
0xc0: {  	s3 =	sand.u32 $0x4000, s31;
	s1 =	sadd.s32 s1, s30  }
0xc1: {  	s0 =	sor.u32 s3, s0;
	s1 =	sshll.u32 s1, $0x11  }
0xc2: {  	s0 =	sor.u32 s1, s0  }
0xc3: {  	s0 =	sadd.s32 $0x8F2B, s0  }
0xc4: {  	[sflag:s0] =	ssyncadd.remote.s32 $0x1  }
0xc5: {  	_ =	sfence.sel $0xFFFF  }
0xc6: {  	[dreg:$0x0] =	wrdreg $0xFFFFFFFF;
	(pc) =	sbr.abs _section_cstart, $3  }
0xc7: {  	[dreg:$0x1] =	wrdreg $0xFFFFFFFF  }
0xc8: {  	_ =	task.clear_ibuf [dreg:s7], $0x2FFFF;
	_ =	strace $0x9FFFFFFF  }
0xc9: {  	(tm) =	ssettm $0x7FFFFFFF  }
tec
execute0_lowered:
.L_overlay_start_1:
0x0: {  	(tag) =	ssettag $0x1  }
0x1: {  	s0 =	rddreg [dreg:$0x0]  }
0x2: {  	s2 =	rddreg [dreg:$0x1]  }
0x3: {  	s3 =	rddreg [dreg:$0x2]  }
0x4: {  	s1 =	srdreg.scid;
	s12 =	stileid.u32;
	s4 =	simm.s32 $0x0  }
0x5: {  	s20 =	simm.s32 $0x7;
	s19 =	simm.s32 $0x80;
	s29 =	simm.s32 $0x2  }
0x6: {  	s30 =	simm.s32 $0x8480;
	s31 =	simm.s32 $0x12980;
	s7 =	smul.u32 $0x280, s12  }
0x7: {  	s1 =	sand.u32 $0x1, s1;
	s11 =	sshll.u32 s12, $0x1;
	s12 =	smul.u32 $0xA000, s12  }
0x8: {  	[smem:$0x7FF] =	sst s4;
	s5 =	sadd.s32 $0x7EE00, s0;
	s8 =	smul.u32 $0x2800, s1  }
0x9: {  	s6 =	sadd.s32 $0x79E00, s0;
	_ =	strace $0x8000004A;
	s10 =	ssub.s32 $0x2, s1  }
0xa: {  	s13 =	sshrl.u32 s10, $0x1;
	s22 =	sshrl.u32 s12, $0x2;
	s9 =	sadd.s32 s7, s8  }
0xb: {  	s7 =	sadd.s32 $0xAAC00, s0;
	s8 =	sadd.s32 $0xBE600, s0;
	s21 =	ssub.s32 s10, s13  }
0xc: {  	s12 =	sadd.s32 s22, s3;
	s9 =	sshll.u32 s9, $0x1;
	s28 =	smax.u32 s21, $0x1  }
0xd: {  	[dreg:$0x4] =	wrdreg s12;
	s0 =	sadd.s32 s9, s0;
	s9 =	sor.u32 s1, s11  }
0xe: {  	[dreg:$0xb] =	wrdreg s28;
	s11 =	sshll.u32 s9, $0x6;
	s26 =	sor.u32 $0x60, s9  }
0xf: {  	s15 =	sor.u32 $0x40, s9;
	s0 =	sadd.s32 $0x83E00, s0;
	[dreg:$0x9] =	wrdreg s26  }
.Ltmp0:
0x10: {  	s23 =	sadd.s32 s7, s11;
	[dreg:$0xa] =	wrdreg s0;
	(pc) =	sbr.rel .LBB2_1-.Ltmp0, $4  }
0x11: {  	s24 =	sor.u32 $0x800, s11;
	s11 =	sadd.s32 s2, s11;
	[dreg:$0x5] =	wrdreg s23  }
0x12: {  	s0 =	simm.s32 $0xE900;
	[dreg:$0x6] =	wrdreg s11;
	s25 =	sadd.s32 s7, s24  }
0x13: {  	v1 =	vlaneseq.u32;
	s10 =	sadd.s32 s2, s24;
	s23 =	simm.s32 $0x4400;
	[dreg:$0x7] =	wrdreg s25  }
0x14: {  	v0 =	vimm.f32 $0.0e+00;
	v1 =	vmul.u32 $0x208, v1;
	s11 =	simm.s32 $0x0;
	[dreg:$0x8] =	wrdreg s10;
	s10 =	simm.s32 $0x5  }
.LBB2_11:
0x15: {  	s1 =	simm.s32 $0x3  }
0x16: {  	_ =	swait.ge [sflag:s1], $0x2000  }
0x17: {  	[sflag:s1] =	ssyncset.done $0x0  }
0x18: {  	s24 =	simm.s32 $0x6;
	[sflag:s1] =	ssyncadd.s32 $0xFFFFE000  }
0x19: {  	_ =	swait.ge [sflag:s24], $0x2000  }
0x1a: {  	[sflag:s24] =	ssyncset.done $0x0  }
0x1b: {  	[sflag:s24] =	ssyncadd.s32 $0xFFFFE000  }
0x1c: {  	s25 =	stileid.u32;
	[bflag:$0x0] =	sbarrier.arrive $0xFFFF  }
0x1d: {  	s1 =	sshll.u32 s25, $0x6;
	s12 =	rddreg [dreg:$0x4]  }
0x1e: {  	s1 =	sor.u32 $0x1C07, s1;
	s13 =	rddreg [dreg:$0xa];
	s11 =	sshrl.u32 s12, $0x3  }
0x1f: {  	[hbm:s13], [sflag:s1] =	dma.local [spmem:s11], $0x500  }
0x20: {  	_ =	swait.ge [sflag:s20], $0x500  }
0x21: {  	s26 =	rddreg [dreg:$0xc]  }
0x22: {  	s28 =	rddreg [dreg:$0xb];
	s11 =	sadd.s32 $0x1, s26  }
0x23: {  	p0 =	sne.s32 s11, s28  }
.Ltmp1:
0x24: {  	_ = 	snop;
	(pc) =	sbr.rel @!p0 .LBB2_12-.Ltmp1, $3  }
0x25: {  	_ =	sdelay $0x1  }
0x26: {  	[sflag:s20] =	ssyncset.done $0x0  }
0x27: {  	[sflag:s20] =	ssyncadd.s32 $0xFFFFFB00  }
.LBB2_1:
0x28: {  	[dreg:$0xc] =	wrdreg s11;
	s1 =	simm.s32 $0x40;
	s11 =	simm.s32 $0x0  }
.LBB2_2:
0x29: {  	p0 =	sne.s32 s1, $0x9FC0;
	[tilespmem:s11+$0x14A00] =	vst v0;
	s11 =	smov.u32 s1;
	s1 =	sadd.s32 $0x40, s1  }
.Ltmp2:
0x2a: {  	(pc) =	sbr.rel @p0 .LBB2_2-.Ltmp2, $2  }
0x2b: {  	_ =	sdelay $0x2  }
0x2c: {  	s11 =	sshra.s32 s11, $0x2  }
0x2d: {  	[tilespmem:s11+$0x14A00] =	vst v0;
	s1 =	simm.s32 $0x14A00  }
0x2e: {  	[spmem:s12] =	stream.linear.scatter [tilespmem:s1], [sflag:$0x7], $0x2800, $0x38;
	[tilespmem:$0x19A00] =	vst v63  }
0x2f: {  	_ =	swait.ge [sflag:s20], $0x2800  }
0x30: {  	[sflag:s20] =	ssyncset.done $0x0  }
0x31: {  	[sflag:s20] =	ssyncadd.s32 $0xFFFFD800  }
0x32: {  	s13 =	simm.s32 $0x200;
	[bflag:$0x0] =	sbarrier.arrive $0xFFFF  }
0x33: {  	s14 =	simm.s32 $0x4E200;
	s12 =	simm.s32 $0x0;
	s26 =	rddreg [dreg:$0x5]  }
0x34: {  	[tilespmem:s12], [sflag:$0x1] =	stream.strided.gather [hbm4b:s26+s13], $0x400, s14, s13, $0x38;
	[tilespmem:$0x19A00] =	vst v63  }
0x35: {  	s11 =	rddreg [dreg:$0x6]  }
0x36: {  	[tilespmem:s23], [sflag:$0x1] =	stream.linear.gather [hbm4b:s11+s12], $0x200, $0x38;
	[tilespmem:$0x19A00] =	vst v63  }
0x37: {  	s16 =	simm.s32 $0x4608;
	s28 =	sadd.s32 $0x9C40, s11  }
0x38: {  	[tilespmem:s16], [sflag:$0x1] =	stream.linear.gather [hbm4b:s28+s12], $0x200, $0x38;
	[tilespmem:$0x19A00] =	vst v63  }
0x39: {  	s18 =	simm.s32 $0x4810;
	s17 =	sadd.s32 $0x13880, s11  }
0x3a: {  	[tilespmem:s18], [sflag:$0x1] =	stream.linear.gather [hbm4b:s17+s12], $0x200, $0x38;
	[tilespmem:$0x19A00] =	vst v63  }
0x3b: {  	s22 =	simm.s32 $0x4A18;
	s21 =	sadd.s32 $0x1D4C0, s11  }
0x3c: {  	[tilespmem:s22], [sflag:$0x1] =	stream.linear.gather [hbm4b:s21+s12], $0x200, $0x38;
	[tilespmem:$0x19A00] =	vst v63  }
0x3d: {  	s25 =	simm.s32 $0x4C20;
	s24 =	sadd.s32 $0x27100, s11  }
0x3e: {  	[tilespmem:s25], [sflag:$0x1] =	stream.linear.gather [hbm4b:s24+s12], $0x200, $0x38;
	[tilespmem:$0x19A00] =	vst v63  }
0x3f: {  	s26 =	sadd.s32 $0x30D40, s11;
	s28 =	simm.s32 $0x4E28  }
0x40: {  	[tilespmem:s28], [sflag:$0x1] =	stream.linear.gather [hbm4b:s26+s12], $0x200, $0x38;
	[tilespmem:$0x19A00] =	vst v63  }
0x41: {  	s17 =	sadd.s32 $0x3A980, s11;
	s18 =	simm.s32 $0x5030  }
0x42: {  	[tilespmem:s18], [sflag:$0x1] =	stream.linear.gather [hbm4b:s17+s12], $0x200, $0x38;
	[tilespmem:$0x19A00] =	vst v63  }
0x43: {  	s21 =	sadd.s32 $0x445C0, s11;
	s22 =	simm.s32 $0x5238  }
0x44: {  	[tilespmem:s22], [sflag:$0x1] =	stream.linear.gather [hbm4b:s21+s12], $0x200, $0x38;
	[tilespmem:$0x19A00] =	vst v63  }
0x45: {  	s24 =	sadd.s32 $0x4E200, s11;
	s25 =	simm.s32 $0x5440  }
0x46: {  	[tilespmem:s25], [sflag:$0x1] =	stream.linear.gather [hbm4b:s24+s12], $0x200, $0x38;
	[tilespmem:$0x19A00] =	vst v63  }
0x47: {  	s26 =	sadd.s32 $0x57E40, s11;
	s28 =	simm.s32 $0x5648  }
0x48: {  	[tilespmem:s28], [sflag:$0x1] =	stream.linear.gather [hbm4b:s26+s12], $0x200, $0x38;
	[tilespmem:$0x19A00] =	vst v63  }
0x49: {  	s17 =	sadd.s32 $0x61A80, s11;
	s18 =	simm.s32 $0x5850  }
0x4a: {  	[tilespmem:s18], [sflag:$0x1] =	stream.linear.gather [hbm4b:s17+s12], $0x200, $0x38;
	[tilespmem:$0x19A00] =	vst v63  }
0x4b: {  	s21 =	sadd.s32 $0x6B6C0, s11;
	s22 =	simm.s32 $0x5A58  }
0x4c: {  	[tilespmem:s22], [sflag:$0x1] =	stream.linear.gather [hbm4b:s21+s12], $0x200, $0x38;
	[tilespmem:$0x19A00] =	vst v63  }
0x4d: {  	s24 =	sadd.s32 $0x75300, s11;
	s25 =	simm.s32 $0x5C60  }
0x4e: {  	[tilespmem:s25], [sflag:$0x1] =	stream.linear.gather [hbm4b:s24+s12], $0x200, $0x38;
	[tilespmem:$0x19A00] =	vst v63  }
0x4f: {  	s26 =	sadd.s32 $0x7EF40, s11;
	s28 =	simm.s32 $0x5E68  }
0x50: {  	[tilespmem:s28], [sflag:$0x1] =	stream.linear.gather [hbm4b:s26+s12], $0x200, $0x38;
	[tilespmem:$0x19A00] =	vst v63  }
0x51: {  	s17 =	sadd.s32 $0x88B80, s11;
	s18 =	simm.s32 $0x6070  }
0x52: {  	[tilespmem:s18], [sflag:$0x1] =	stream.linear.gather [hbm4b:s17+s12], $0x200, $0x38;
	[tilespmem:$0x19A00] =	vst v63  }
0x53: {  	s21 =	sadd.s32 $0x927C0, s11;
	s22 =	simm.s32 $0x6278  }
0x54: {  	[tilespmem:s22], [sflag:$0x1] =	stream.linear.gather [hbm4b:s21+s12], $0x200, $0x38;
	[tilespmem:$0x19A00] =	vst v63  }
0x55: {  	s24 =	rddreg [dreg:$0x7];
	s25 =	simm.s32 $0xA500  }
0x56: {  	[tilespmem:s25], [sflag:$0x4] =	stream.strided.gather [hbm4b:s24+s13], $0x400, s14, s13, $0x38;
	[tilespmem:$0x19A00] =	vst v63  }
0x57: {  	s11 =	rddreg [dreg:$0x8]  }
0x58: {  	[tilespmem:s0], [sflag:$0x4] =	stream.linear.gather [hbm4b:s11+s12], $0x200, $0x38;
	[tilespmem:$0x19A00] =	vst v63  }
0x59: {  	s26 =	sadd.s32 $0x9C40, s11;
	s28 =	simm.s32 $0xEB08  }
0x5a: {  	[tilespmem:s28], [sflag:$0x4] =	stream.linear.gather [hbm4b:s26+s12], $0x200, $0x38;
	[tilespmem:$0x19A00] =	vst v63  }
0x5b: {  	s16 =	simm.s32 $0xED10;
	s14 =	sadd.s32 $0x13880, s11  }
0x5c: {  	[tilespmem:s16], [sflag:$0x4] =	stream.linear.gather [hbm4b:s14+s12], $0x200, $0x38;
	[tilespmem:$0x19A00] =	vst v63  }
0x5d: {  	s17 =	sadd.s32 $0x1D4C0, s11;
	s18 =	simm.s32 $0xEF18  }
0x5e: {  	[tilespmem:s18], [sflag:$0x4] =	stream.linear.gather [hbm4b:s17+s12], $0x200, $0x38;
	[tilespmem:$0x19A00] =	vst v63  }
0x5f: {  	s21 =	sadd.s32 $0x27100, s11;
	s22 =	simm.s32 $0xF120  }
0x60: {  	[tilespmem:s22], [sflag:$0x4] =	stream.linear.gather [hbm4b:s21+s12], $0x200, $0x38;
	[tilespmem:$0x19A00] =	vst v63  }
0x61: {  	s24 =	sadd.s32 $0x30D40, s11;
	s25 =	simm.s32 $0xF328  }
0x62: {  	[tilespmem:s25], [sflag:$0x4] =	stream.linear.gather [hbm4b:s24+s12], $0x200, $0x38;
	[tilespmem:$0x19A00] =	vst v63  }
0x63: {  	s26 =	sadd.s32 $0x3A980, s11;
	s28 =	simm.s32 $0xF530  }
0x64: {  	[tilespmem:s28], [sflag:$0x4] =	stream.linear.gather [hbm4b:s26+s12], $0x200, $0x38;
	[tilespmem:$0x19A00] =	vst v63  }
0x65: {  	s14 =	sadd.s32 $0x445C0, s11;
	s16 =	simm.s32 $0xF738  }
0x66: {  	[tilespmem:s16], [sflag:$0x4] =	stream.linear.gather [hbm4b:s14+s12], $0x200, $0x38;
	[tilespmem:$0x19A00] =	vst v63  }
0x67: {  	s17 =	sadd.s32 $0x4E200, s11;
	s18 =	simm.s32 $0xF940  }
0x68: {  	[tilespmem:s18], [sflag:$0x4] =	stream.linear.gather [hbm4b:s17+s12], $0x200, $0x38;
	[tilespmem:$0x19A00] =	vst v63  }
0x69: {  	s21 =	sadd.s32 $0x57E40, s11;
	s22 =	simm.s32 $0xFB48  }
0x6a: {  	[tilespmem:s22], [sflag:$0x4] =	stream.linear.gather [hbm4b:s21+s12], $0x200, $0x38;
	[tilespmem:$0x19A00] =	vst v63  }
0x6b: {  	s24 =	sadd.s32 $0x61A80, s11;
	s25 =	simm.s32 $0xFD50  }
0x6c: {  	[tilespmem:s25], [sflag:$0x4] =	stream.linear.gather [hbm4b:s24+s12], $0x200, $0x38;
	[tilespmem:$0x19A00] =	vst v63  }
0x6d: {  	s26 =	sadd.s32 $0x6B6C0, s11;
	s28 =	simm.s32 $0xFF58  }
0x6e: {  	[tilespmem:s28], [sflag:$0x4] =	stream.linear.gather [hbm4b:s26+s12], $0x200, $0x38;
	[tilespmem:$0x19A00] =	vst v63  }
0x6f: {  	s14 =	sadd.s32 $0x75300, s11;
	s16 =	simm.s32 $0x10160  }
0x70: {  	[tilespmem:s16], [sflag:$0x4] =	stream.linear.gather [hbm4b:s14+s12], $0x200, $0x38;
	[tilespmem:$0x19A00] =	vst v63  }
0x71: {  	s17 =	sadd.s32 $0x7EF40, s11;
	s18 =	simm.s32 $0x10368  }
0x72: {  	[tilespmem:s18], [sflag:$0x4] =	stream.linear.gather [hbm4b:s17+s12], $0x200, $0x38;
	[tilespmem:$0x19A00] =	vst v63  }
0x73: {  	s21 =	sadd.s32 $0x88B80, s11;
	s22 =	simm.s32 $0x10570  }
0x74: {  	[tilespmem:s22], [sflag:$0x4] =	stream.linear.gather [hbm4b:s21+s12], $0x200, $0x38;
	[tilespmem:$0x19A00] =	vst v63  }
0x75: {  	s24 =	sadd.s32 $0x927C0, s11;
	s25 =	simm.s32 $0x10778;
	s26 =	simm.s32 $0x1  }
0x76: {  	[tilespmem:s25], [sflag:$0x4] =	stream.linear.gather [hbm4b:s24+s12], $0x200, $0x38;
	[tilespmem:$0x19A00] =	vst v63  }
0x77: {  	_ =	swait.ge [sflag:s26], $0x400  }
0x78: {  	[sflag:s26] =	ssyncset.done $0x0  }
0x79: {  	[sflag:s26] =	ssyncadd.s32 $0xFFFFFC00  }
0x7a: {  	_ =	swait.ge [sflag:s26], $0x2000  }
0x7b: {  	[sflag:s26] =	ssyncset.done $0x0  }
0x7c: {  	s28 =	simm.s32 $0x400;
	[sflag:s26] =	ssyncadd.s32 $0xFFFFE000  }
0x7d: {  	[tilespmem:s28], [sflag:$0x2] =	stream.indirect.gather [hbm4b:s5+s19], $0x10, s12, s19, $0xb8;
	[tilespmem:$0x19A00] =	vst v63  }
0x7e: {  	s11 =	simm.s32 $0x2400  }
0x7f: {  	[tilespmem:s11], [sflag:$0x2] =	stream.indirect.gather [hbm4b:s6+s19], $0x10, s13, s19, $0xb8;
	[tilespmem:$0x19A00] =	vst v63  }
0x80: {  	s13 =	simm.s32 $0xC00  }
0x81: {  	[tilespmem:s13], [sflag:$0x2] =	stream.indirect.gather [hbm4b:s5+s19], $0x10, s19, s19, $0xb8;
	[tilespmem:$0x19A00] =	vst v63  }
0x82: {  	s14 =	simm.s32 $0x280;
	s16 =	simm.s32 $0x2C00  }
0x83: {  	[tilespmem:s16], [sflag:$0x2] =	stream.indirect.gather [hbm4b:s6+s19], $0x10, s14, s19, $0xb8;
	[tilespmem:$0x19A00] =	vst v63  }
0x84: {  	s17 =	simm.s32 $0x100;
	s18 =	simm.s32 $0x1400  }
0x85: {  	[tilespmem:s18], [sflag:$0x2] =	stream.indirect.gather [hbm4b:s5+s19], $0x10, s17, s19, $0xb8;
	[tilespmem:$0x19A00] =	vst v63  }
0x86: {  	s21 =	simm.s32 $0x300;
	s22 =	simm.s32 $0x3400  }
0x87: {  	[tilespmem:s22], [sflag:$0x2] =	stream.indirect.gather [hbm4b:s6+s19], $0x10, s21, s19, $0xb8;
	[tilespmem:$0x19A00] =	vst v63  }
.Ltmp3:
0x88: {  	_ = 	snop;
	(pc) =	sbr.rel .LBB2_4-.Ltmp3, $4  }
0x89: {  	s24 =	simm.s32 $0x180;
	s25 =	simm.s32 $0x1C00  }
0x8a: {  	[tilespmem:s25], [sflag:$0x2] =	stream.indirect.gather [hbm4b:s5+s19], $0x10, s24, s19, $0xb8;
	[tilespmem:$0x19A00] =	vst v63  }
0x8b: {  	s26 =	simm.s32 $0x380;
	s28 =	simm.s32 $0x3C00;
	s14 =	simm.s32 $0x0  }
0x8c: {  	[tilespmem:s28], [sflag:$0x2] =	stream.indirect.gather [hbm4b:s6+s19], $0x10, s26, s19, $0xb8;
	[tilespmem:$0x19A00] =	vst v63  }
.LBB2_10:
0x8d: {  	s14 =	sadd.s32 $0x1, s14  }
0x8e: {  	p0 =	sne.s32 s14, $0xA  }
.Ltmp4:
0x8f: {  	_ = 	snop;
	(pc) =	sbr.rel @!p0 .LBB2_11-.Ltmp4, $1  }
0x90: {  	_ =	sdelay $0x3  }
.LBB2_4:
0x91: {  	_ =	swait.ge [sflag:s29], $0x800  }
0x92: {  	[sflag:s29] =	ssyncset.done $0x0  }
0x93: {  	[sflag:s29] =	ssyncadd.s32 $0xFFFFF800  }
0x94: {  	_ =	swait.ge [sflag:s29], $0x800  }
0x95: {  	[sflag:s29] =	ssyncset.done $0x0  }
0x96: {  	[sflag:s29] =	ssyncadd.s32 $0xFFFFF800  }
0x97: {  	_ =	swait.ge [sflag:s29], $0x800  }
0x98: {  	[sflag:s29] =	ssyncset.done $0x0  }
0x99: {  	[sflag:s29] =	ssyncadd.s32 $0xFFFFF800  }
0x9a: {  	_ =	swait.ge [sflag:s29], $0x800  }
0x9b: {  	[sflag:s29] =	ssyncset.done $0x0  }
0x9c: {  	[sflag:s29] =	ssyncadd.s32 $0xFFFFF800  }
0x9d: {  	_ =	swait.ge [sflag:s29], $0x800  }
0x9e: {  	[sflag:s29] =	ssyncset.done $0x0  }
0x9f: {  	[sflag:s29] =	ssyncadd.s32 $0xFFFFF800  }
0xa0: {  	_ =	swait.ge [sflag:s29], $0x800  }
0xa1: {  	[sflag:s29] =	ssyncset.done $0x0  }
0xa2: {  	[sflag:s29] =	ssyncadd.s32 $0xFFFFF800  }
0xa3: {  	_ =	swait.ge [sflag:s29], $0x800  }
0xa4: {  	s26 =	sshll.u32 s14, $0x6;
	[sflag:s29] =	ssyncset.done $0x0  }
0xa5: {  	s1 =	sor.u32 s9, s26;
	[sflag:s29] =	ssyncadd.s32 $0xFFFFF800  }
0xa6: {  	s16 =	sor.u32 $0x20, s1;
	_ =	swait.ge [sflag:s29], $0x800  }
0xa7: {  	p1 =	sgt.u32 s16, $0x270;
	[sflag:s29] =	ssyncset.done $0x0  }
0xa8: {  	s11 =	simm.s32 @!p1 $0x4;
	[sflag:s29] =	ssyncadd.s32 $0xFFFFF800  }
0xa9: {  	_ =	swait.ge @!p1 [sflag:s11], $0x400  }
0xaa: {  	[sflag:s11] =	ssyncset.done @!p1 $0x0  }
0xab: {  	[sflag:s11] =	ssyncadd.s32 @!p1 $0xFFFFFC00  }
0xac: {  	_ =	swait.ge @!p1 [sflag:s11], $0x2000  }
0xad: {  	s13 =	simm.s32 @!p1 $0xA500;
	[sflag:s11] =	ssyncset.done @!p1 $0x0  }
0xae: {  	s17 =	simm.s32 @!p1 $0xA900;
	[sflag:s11] =	ssyncadd.s32 @!p1 $0xFFFFE000;
	s11 =	simm.s32 @!p1 $0x80  }
0xaf: {  	[tilespmem:s17], [sflag:$0x5] =	stream.indirect.gather @!p1 [hbm4b:s5+s11], $0x10, s13, s11, $0xb8;
	[tilespmem:$0x19A00] =	vst v63  }
0xb0: {  	s13 =	simm.s32 @!p1 $0xA700;
	s17 =	simm.s32 @!p1 $0xC900  }
0xb1: {  	[tilespmem:s17], [sflag:$0x5] =	stream.indirect.gather @!p1 [hbm4b:s6+s11], $0x10, s13, s11, $0xb8;
	[tilespmem:$0x19A00] =	vst v63  }
0xb2: {  	s13 =	simm.s32 @!p1 $0xA580;
	s17 =	simm.s32 @!p1 $0xB100  }
0xb3: {  	[tilespmem:s17], [sflag:$0x5] =	stream.indirect.gather @!p1 [hbm4b:s5+s11], $0x10, s13, s11, $0xb8;
	[tilespmem:$0x19A00] =	vst v63  }
0xb4: {  	s13 =	simm.s32 @!p1 $0xA780;
	s17 =	simm.s32 @!p1 $0xD100  }
0xb5: {  	[tilespmem:s17], [sflag:$0x5] =	stream.indirect.gather @!p1 [hbm4b:s6+s11], $0x10, s13, s11, $0xb8;
	[tilespmem:$0x19A00] =	vst v63  }
0xb6: {  	s13 =	simm.s32 @!p1 $0xA600;
	s17 =	simm.s32 @!p1 $0xB900  }
0xb7: {  	[tilespmem:s17], [sflag:$0x5] =	stream.indirect.gather @!p1 [hbm4b:s5+s11], $0x10, s13, s11, $0xb8;
	[tilespmem:$0x19A00] =	vst v63  }
0xb8: {  	s13 =	simm.s32 @!p1 $0xA800;
	s17 =	simm.s32 @!p1 $0xD900  }
0xb9: {  	[tilespmem:s17], [sflag:$0x5] =	stream.indirect.gather @!p1 [hbm4b:s6+s11], $0x10, s13, s11, $0xb8;
	[tilespmem:$0x19A00] =	vst v63  }
0xba: {  	s13 =	simm.s32 @!p1 $0xA680;
	s17 =	simm.s32 @!p1 $0xC100  }
0xbb: {  	[tilespmem:s17], [sflag:$0x5] =	stream.indirect.gather @!p1 [hbm4b:s5+s11], $0x10, s13, s11, $0xb8;
	[tilespmem:$0x19A00] =	vst v63  }
0xbc: {  	p0 =	seq.s32 s14, $0x0;
	s13 =	simm.s32 @!p1 $0xA880;
	s17 =	simm.s32 @!p1 $0xE100  }
0xbd: {  	[tilespmem:s17], [sflag:$0x5] =	stream.indirect.gather @!p1 [hbm4b:s6+s11], $0x10, s13, s11, $0xb8;
	[tilespmem:$0x19A00] =	vst v63  }
0xbe: {  	v2 =	vmov s12;
	s11 =	simm.s32 @!p0 $0x3  }
0xbf: {  	v2 =	vand.u32 $0x1FC, v2;
	_ =	swait.ge @!p0 [sflag:s11], $0x2000  }
0xc0: {  	v2 =	vadd.s32 v1, v2;
	[sflag:s11] =	ssyncset.done @!p0 $0x0  }
0xc1: {  	s22 =	simm.s32 $0x420;
	[sflag:s11] =	ssyncadd.s32 @!p0 $0xFFFFE000  }
0xc2: {  	s11 =	simm.s32 $0x2420;
	v3 =	vld [tilespmem:s22+$0xFFFFFFE0]  }
0xc3: {  	v4 =	vld [tilespmem:s11+$0xFFFFFFE0];
	_ =	sdelay $0x1  }
0xc4: {  	v5 =	vld.idx.msk [tilespmem:v2+s23+$0x0], $0xffff;
	_ =	sdelay $0x2  }
0xc5: {  	v3 =	vadd.f32 v4, v3  }
0xc6: {  	s24 =	simm.s32 $0x1  }
0xc7: {  	v4 =	vmov s24;
	v3 =	vadd.f32 v3, v5  }
0xc8: {  	s13 =	simm.s32 $0x64A0;
	v4 =	vand.u32 $0x1FD, v4  }
0xc9: {  	v4 =	vadd.s32 v1, v4;
	[tilespmem:s13+$0xFFFFFFE0] =	vst v3  }
0xca: {  	[tilespmem:v2+s30+$0x0] =	vst.idx.msk $0xffff, v3  }
0xcb: {  	v2 =	vld [tilespmem:s22+$0xFFFFFFF0]  }
0xcc: {  	v3 =	vld [tilespmem:s11+$0xFFFFFFF0];
	_ =	sdelay $0x1  }
0xcd: {  	v5 =	vld.idx.msk [tilespmem:v4+s23+$0x0], $0xffff;
	_ =	sdelay $0x2  }
0xce: {  	v2 =	vadd.f32 v3, v2  }
0xcf: {  	s18 =	simm.s32 $0x2  }
0xd0: {  	v3 =	vmov s18;
	v2 =	vadd.f32 v2, v5  }
0xd1: {  	v3 =	vand.u32 $0x1FE, v3  }
0xd2: {  	v3 =	vadd.s32 v1, v3;
	[tilespmem:s13+$0xFFFFFFF0] =	vst v2  }
0xd3: {  	[tilespmem:v4+s30+$0x0] =	vst.idx.msk $0xffff, v2  }
0xd4: {  	v2 =	vld [tilespmem:s22+$0x0]  }
0xd5: {  	v4 =	vld [tilespmem:s11+$0x0];
	_ =	sdelay $0x1  }
0xd6: {  	v5 =	vld.idx.msk [tilespmem:v3+s23+$0x0], $0xffff;
	_ =	sdelay $0x2  }
0xd7: {  	v2 =	vadd.f32 v4, v2  }
0xd8: {  	s25 =	simm.s32 $0x3  }
0xd9: {  	v4 =	vmov s25;
	v5 =	vadd.f32 v2, v5  }
0xda: {  	v2 =	vand.u32 $0x1FF, v4  }
0xdb: {  	v2 =	vadd.s32 v1, v2;
	[tilespmem:s13+$0x0] =	vst v5  }
0xdc: {  	[tilespmem:v3+s30+$0x0] =	vst.idx.msk $0xffff, v5  }
0xdd: {  	v4 =	vld [tilespmem:s22+$0x10]  }
0xde: {  	v5 =	vld [tilespmem:s11+$0x10];
	_ =	sdelay $0x1  }
0xdf: {  	s28 =	simm.s32 $0x460;
	s17 =	simm.s32 $0x4;
	v3 =	vld.idx.msk [tilespmem:v2+s23+$0x0], $0xffff  }
0xe0: {  	v6 =	vmov s17;
	s18 =	simm.s32 $0x64A0;
	s25 =	simm.s32 $0x8;
	s22 =	sadd.s32 s15, s26  }
.LBB2_5:
0xe1: {  	s11 =	sadd.s32 $0x40, s11  }
0xe2: {  	v6 =	vand.u32 $0x1FC, v6;
	v4 =	vadd.f32 v5, v4;
	s13 =	sadd.s32 $0x40, s13;
	s24 =	smov.u32 s25;
	s21 =	sadd.s32 $0x4, s25  }
0xe3: {  	p2 =	slt.u32 s25, $0x1FC;
	v5 =	vadd.s32 v1, v6  }
0xe4: {  	v3 =	vadd.f32 v4, v3;
	_ =	sdelay $0x1  }
0xe5: {  	[tilespmem:s18+$0x10] =	vst v3;
	s18 =	smov.u32 s13  }
0xe6: {  	[tilespmem:v2+s30+$0x0] =	vst.idx.msk $0xffff, v3  }
0xe7: {  	v2 =	vld [tilespmem:s28+$0xFFFFFFE0]  }
0xe8: {  	v3 =	vld [tilespmem:s11+$0xFFFFFFE0]  }
0xe9: {  	v4 =	vld.idx.msk [tilespmem:v5+s23+$0x0], $0xffff;
	_ =	sdelay $0x3  }
0xea: {  	s25 =	sadd.s32 $0x1, s17;
	v2 =	vadd.f32 v3, v2  }
0xeb: {  	v3 =	vmov s25  }
0xec: {  	v3 =	vand.u32 $0x1FD, v3;
	v2 =	vadd.f32 v2, v4  }
0xed: {  	v3 =	vadd.s32 v1, v3  }
0xee: {  	[tilespmem:s13+$0xFFFFFFE0] =	vst v2  }
0xef: {  	[tilespmem:v5+s30+$0x0] =	vst.idx.msk $0xffff, v2  }
0xf0: {  	v2 =	vld [tilespmem:s28+$0xFFFFFFF0]  }
0xf1: {  	v4 =	vld [tilespmem:s11+$0xFFFFFFF0]  }
0xf2: {  	v5 =	vld.idx.msk [tilespmem:v3+s23+$0x0], $0xffff;
	_ =	sdelay $0x3  }
0xf3: {  	s25 =	sadd.s32 $0x2, s17;
	v2 =	vadd.f32 v4, v2  }
0xf4: {  	v4 =	vmov s25  }
0xf5: {  	v4 =	vand.u32 $0x1FE, v4;
	v2 =	vadd.f32 v2, v5  }
0xf6: {  	v4 =	vadd.s32 v1, v4  }
0xf7: {  	[tilespmem:s13+$0xFFFFFFF0] =	vst v2  }
0xf8: {  	[tilespmem:v3+s30+$0x0] =	vst.idx.msk $0xffff, v2  }
0xf9: {  	v2 =	vld [tilespmem:s28+$0x0]  }
0xfa: {  	v3 =	vld [tilespmem:s11+$0x0]  }
0xfb: {  	v5 =	vld.idx.msk [tilespmem:v4+s23+$0x0], $0xffff;
	_ =	sdelay $0x3  }
0xfc: {  	s25 =	sadd.s32 $0x3, s17;
	s17 =	smov.u32 s24;
	v2 =	vadd.f32 v3, v2  }
0xfd: {  	v3 =	vmov s25  }
0xfe: {  	v5 =	vadd.f32 v2, v5;
	v2 =	vand.u32 $0x1FF, v3  }
0xff: {  	v2 =	vadd.s32 v1, v2  }
0x100: {  	[tilespmem:s13+$0x0] =	vst v5  }
0x101: {  	[tilespmem:v4+s30+$0x0] =	vst.idx.msk $0xffff, v5  }
0x102: {  	v4 =	vld [tilespmem:s28+$0x10]  }
.Ltmp5:
0x103: {  	v5 =	vld [tilespmem:s11+$0x10];
	(pc) =	sbr.rel @p2 .LBB2_5-.Ltmp5, $2  }
0x104: {  	v3 =	vld.idx.msk [tilespmem:v2+s23+$0x0], $0xffff;
	_ =	sdelay $0x2  }
0x105: {  	v6 =	vmov s17;
	s25 =	smov.u32 s21;
	s28 =	sadd.s32 $0x40, s28  }
0x106: {  	v4 =	vadd.f32 v5, v4;
	_ =	sdelay $0x1  }
0x107: {  	v3 =	vadd.f32 v4, v3  }
0x108: {  	v58 =	vand.u32 $0x1FC, v6  }
0x109: {  	v4 =	vadd.s32 v1, v58;
	[tilespmem:s18+$0x10] =	vst v3  }
0x10a: {  	[tilespmem:v2+s30+$0x0] =	vst.idx.msk $0xffff, v3  }
0x10b: {  	s11 =	sadd.s32 $0x40, s11;
	v2 =	vld [tilespmem:s28+$0xFFFFFFE0]  }
0x10c: {  	v3 =	vld [tilespmem:s11+$0xFFFFFFE0];
	_ =	sdelay $0x1  }
0x10d: {  	v59 =	vld.idx.msk [tilespmem:v4+s23+$0x0], $0xffff;
	_ =	sdelay $0x2  }
0x10e: {  	v2 =	vadd.f32 v3, v2  }
0x10f: {  	s24 =	sadd.s32 $0x1, s17  }
0x110: {  	v3 =	vmov s24;
	v2 =	vadd.f32 v2, v59  }
0x111: {  	s13 =	sadd.s32 $0x40, s13;
	v3 =	vand.u32 $0x1FD, v3  }
0x112: {  	v3 =	vadd.s32 v1, v3;
	[tilespmem:s13+$0xFFFFFFE0] =	vst v2  }
0x113: {  	[tilespmem:v4+s30+$0x0] =	vst.idx.msk $0xffff, v2  }
0x114: {  	v2 =	vld [tilespmem:s28+$0xFFFFFFF0]  }
0x115: {  	v4 =	vld [tilespmem:s11+$0xFFFFFFF0];
	_ =	sdelay $0x1  }
0x116: {  	v60 =	vld.idx.msk [tilespmem:v3+s23+$0x0], $0xffff;
	_ =	sdelay $0x2  }
0x117: {  	v2 =	vadd.f32 v4, v2  }
0x118: {  	s25 =	sadd.s32 $0x2, s17  }
0x119: {  	v61 =	vmov s25;
	v2 =	vadd.f32 v2, v60  }
0x11a: {  	v4 =	vand.u32 $0x1FE, v61  }
0x11b: {  	v4 =	vadd.s32 v1, v4;
	[tilespmem:s13+$0xFFFFFFF0] =	vst v2  }
0x11c: {  	[tilespmem:v3+s30+$0x0] =	vst.idx.msk $0xffff, v2  }
0x11d: {  	v2 =	vld [tilespmem:s28+$0x0]  }
0x11e: {  	v3 =	vld [tilespmem:s11+$0x0];
	_ =	sdelay $0x1  }
0x11f: {  	v62 =	vld.idx.msk [tilespmem:v4+s23+$0x0], $0xffff;
	_ =	sdelay $0x2  }
0x120: {  	v2 =	vadd.f32 v3, v2  }
0x121: {  	s18 =	sadd.s32 $0x3, s17  }
0x122: {  	v3 =	vmov s18;
	v2 =	vadd.f32 v2, v62  }
0x123: {  	v3 =	vand.u32 $0x1FF, v3  }
0x124: {  	v3 =	vadd.s32 v1, v3;
	[tilespmem:s13+$0x0] =	vst v2  }
0x125: {  	[tilespmem:v4+s30+$0x0] =	vst.idx.msk $0xffff, v2  }
0x126: {  	v2 =	vld [tilespmem:s28+$0x10]  }
0x127: {  	v4 =	vld [tilespmem:s11+$0x10];
	_ =	sdelay $0x1  }
0x128: {  	v63 =	vld.idx.msk [tilespmem:v3+s23+$0x0], $0xffff;
	_ =	sdelay $0x2  }
0x129: {  	v2 =	vadd.f32 v4, v2;
	_ =	sdelay $0x1  }
0x12a: {  	v2 =	vadd.f32 v2, v63;
	_ =	sdelay $0x1  }
0x12b: {  	s1 =	sshll.u32 s1, $0x6;
	[tilespmem:s13+$0x10] =	vst v2  }
0x12c: {  	s1 =	sadd.s32 s8, s1;
	[tilespmem:v3+s30+$0x0] =	vst.idx.msk $0xffff, v2  }
0x12d: {  	[hbm4b:s1+s4] =	stream.linear.scatter [tilespmem:s30], [sflag:$0x3], $0x200, $0x38;
	[tilespmem:$0x19A00] =	vst v63  }
0x12e: {  	s21 =	sadd.s32 $0x9C40, s1;
	s24 =	simm.s32 $0x8688  }
0x12f: {  	[hbm4b:s21+s4] =	stream.linear.scatter [tilespmem:s24], [sflag:$0x3], $0x200, $0x38;
	[tilespmem:$0x19A00] =	vst v63  }
0x130: {  	s25 =	sadd.s32 $0x13880, s1;
	s28 =	simm.s32 $0x8890  }
0x131: {  	[hbm4b:s25+s4] =	stream.linear.scatter [tilespmem:s28], [sflag:$0x3], $0x200, $0x38;
	[tilespmem:$0x19A00] =	vst v63  }
0x132: {  	s17 =	sadd.s32 $0x1D4C0, s1;
	s18 =	simm.s32 $0x8A98  }
0x133: {  	[hbm4b:s17+s4] =	stream.linear.scatter [tilespmem:s18], [sflag:$0x3], $0x200, $0x38;
	[tilespmem:$0x19A00] =	vst v63  }
0x134: {  	s21 =	sadd.s32 $0x27100, s1;
	s24 =	simm.s32 $0x8CA0  }
0x135: {  	[hbm4b:s21+s4] =	stream.linear.scatter [tilespmem:s24], [sflag:$0x3], $0x200, $0x38;
	[tilespmem:$0x19A00] =	vst v63  }
0x136: {  	s25 =	sadd.s32 $0x30D40, s1;
	s28 =	simm.s32 $0x8EA8  }
0x137: {  	[hbm4b:s25+s4] =	stream.linear.scatter [tilespmem:s28], [sflag:$0x3], $0x200, $0x38;
	[tilespmem:$0x19A00] =	vst v63  }
0x138: {  	s17 =	sadd.s32 $0x3A980, s1;
	s18 =	simm.s32 $0x90B0  }
0x139: {  	[hbm4b:s17+s4] =	stream.linear.scatter [tilespmem:s18], [sflag:$0x3], $0x200, $0x38;
	[tilespmem:$0x19A00] =	vst v63  }
0x13a: {  	s21 =	sadd.s32 $0x445C0, s1;
	s24 =	simm.s32 $0x92B8  }
0x13b: {  	[hbm4b:s21+s4] =	stream.linear.scatter [tilespmem:s24], [sflag:$0x3], $0x200, $0x38;
	[tilespmem:$0x19A00] =	vst v63  }
0x13c: {  	s25 =	sadd.s32 $0x4E200, s1;
	s28 =	simm.s32 $0x94C0  }
0x13d: {  	[hbm4b:s25+s4] =	stream.linear.scatter [tilespmem:s28], [sflag:$0x3], $0x200, $0x38;
	[tilespmem:$0x19A00] =	vst v63  }
0x13e: {  	s17 =	sadd.s32 $0x57E40, s1;
	s18 =	simm.s32 $0x96C8  }
0x13f: {  	[hbm4b:s17+s4] =	stream.linear.scatter [tilespmem:s18], [sflag:$0x3], $0x200, $0x38;
	[tilespmem:$0x19A00] =	vst v63  }
0x140: {  	s21 =	sadd.s32 $0x61A80, s1;
	s24 =	simm.s32 $0x98D0  }
0x141: {  	[hbm4b:s21+s4] =	stream.linear.scatter [tilespmem:s24], [sflag:$0x3], $0x200, $0x38;
	[tilespmem:$0x19A00] =	vst v63  }
0x142: {  	s25 =	sadd.s32 $0x6B6C0, s1;
	s28 =	simm.s32 $0x9AD8  }
0x143: {  	[hbm4b:s25+s4] =	stream.linear.scatter [tilespmem:s28], [sflag:$0x3], $0x200, $0x38;
	[tilespmem:$0x19A00] =	vst v63  }
0x144: {  	s13 =	sadd.s32 $0x75300, s1;
	s17 =	simm.s32 $0x9CE0  }
0x145: {  	[hbm4b:s13+s4] =	stream.linear.scatter [tilespmem:s17], [sflag:$0x3], $0x200, $0x38;
	[tilespmem:$0x19A00] =	vst v63  }
0x146: {  	s18 =	sadd.s32 $0x7EF40, s1;
	s21 =	simm.s32 $0x9EE8  }
0x147: {  	[hbm4b:s18+s4] =	stream.linear.scatter [tilespmem:s21], [sflag:$0x3], $0x200, $0x38;
	[tilespmem:$0x19A00] =	vst v63  }
0x148: {  	s24 =	sadd.s32 $0x88B80, s1;
	s25 =	simm.s32 $0xA0F0  }
0x149: {  	[hbm4b:s24+s4] =	stream.linear.scatter [tilespmem:s25], [sflag:$0x3], $0x200, $0x38;
	[tilespmem:$0x19A00] =	vst v63  }
0x14a: {  	s1 =	sadd.s32 $0x927C0, s1;
	s28 =	simm.s32 $0xA2F8  }
0x14b: {  	[hbm4b:s1+s4] =	stream.linear.scatter [tilespmem:s28], [sflag:$0x3], $0x200, $0x38;
	[tilespmem:$0x19A00] =	vst v63  }
0x14c: {  	s11 =	simm.s32 $0x200;
	s13 =	simm.s32 $0x6480  }
0x14d: {  	[spmem:s3] =	stream.indirect.scatter.add.f32 [tilespmem:s13], [sflag:$0x7], $0x10, s11, s19, $0xb8;
	[tilespmem:$0x19A00] =	vst v63  }
0x14e: {  	_ =	swait.ge [sflag:s20], $0x800  }
0x14f: {  	[sflag:s20] =	ssyncset.done $0x0  }
0x150: {  	s17 =	simm.s32 $0x280;
	s18 =	simm.s32 $0x6C80;
	[sflag:s20] =	ssyncadd.s32 $0xFFFFF800  }
0x151: {  	[spmem:s3] =	stream.indirect.scatter.add.f32 [tilespmem:s18], [sflag:$0x7], $0x10, s17, s19, $0xb8;
	[tilespmem:$0x19A00] =	vst v63  }
0x152: {  	_ =	swait.ge [sflag:s20], $0x800  }
0x153: {  	[sflag:s20] =	ssyncset.done $0x0  }
0x154: {  	s21 =	simm.s32 $0x300;
	s24 =	simm.s32 $0x7480;
	[sflag:s20] =	ssyncadd.s32 $0xFFFFF800  }
0x155: {  	[spmem:s3] =	stream.indirect.scatter.add.f32 [tilespmem:s24], [sflag:$0x7], $0x10, s21, s19, $0xb8;
	[tilespmem:$0x19A00] =	vst v63  }
0x156: {  	_ =	swait.ge [sflag:s20], $0x800  }
0x157: {  	p2 =	sgt.u32 s22, $0x270;
	[sflag:s20] =	ssyncset.done $0x0  }
0x158: {  	s25 =	simm.s32 $0x380;
	s28 =	simm.s32 $0x7C80;
	[sflag:s20] =	ssyncadd.s32 $0xFFFFF800  }
0x159: {  	[spmem:s3] =	stream.indirect.scatter.add.f32 [tilespmem:s28], [sflag:$0x7], $0x10, s25, s19, $0xb8;
	[tilespmem:$0x19A00] =	vst v63  }
0x15a: {  	s1 =	simm.s32 @!p2 $0x200;
	_ =	swait.ge [sflag:s20], $0x800  }
0x15b: {  	s13 =	sshll.u32 @!p2 s22, $0x6;
	s11 =	simm.s32 @!p2 $0x0;
	[sflag:s20] =	ssyncset.done $0x0  }
0x15c: {  	s17 =	sadd.s32 @!p2 s7, s13;
	s18 =	simm.s32 @!p2 $0x4E200;
	[sflag:s20] =	ssyncadd.s32 $0xFFFFF800  }
0x15d: {  	[tilespmem:s11], [sflag:$0x1] =	stream.strided.gather @!p2 [hbm4b:s17+s1], $0x400, s18, s1, $0x38;
	[tilespmem:$0x19A00] =	vst v63  }
0x15e: {  	s13 =	sadd.s32 @!p2 s2, s13;
	s17 =	simm.s32 @!p2 $0x4400  }
0x15f: {  	[tilespmem:s17], [sflag:$0x1] =	stream.linear.gather @!p2 [hbm4b:s13+s11], $0x200, $0x38;
	[tilespmem:$0x19A00] =	vst v63  }
0x160: {  	s18 =	simm.s32 @!p2 $0x4608;
	s17 =	sadd.s32 @!p2 $0x9C40, s13  }
0x161: {  	[tilespmem:s18], [sflag:$0x1] =	stream.linear.gather @!p2 [hbm4b:s17+s11], $0x200, $0x38;
	[tilespmem:$0x19A00] =	vst v63  }
0x162: {  	s17 =	sadd.s32 @!p2 $0x13880, s13;
	s18 =	simm.s32 @!p2 $0x4810  }
0x163: {  	[tilespmem:s18], [sflag:$0x1] =	stream.linear.gather @!p2 [hbm4b:s17+s11], $0x200, $0x38;
	[tilespmem:$0x19A00] =	vst v63  }
0x164: {  	s17 =	sadd.s32 @!p2 $0x1D4C0, s13;
	s18 =	simm.s32 @!p2 $0x4A18  }
0x165: {  	[tilespmem:s18], [sflag:$0x1] =	stream.linear.gather @!p2 [hbm4b:s17+s11], $0x200, $0x38;
	[tilespmem:$0x19A00] =	vst v63  }
0x166: {  	s17 =	sadd.s32 @!p2 $0x27100, s13;
	s18 =	simm.s32 @!p2 $0x4C20  }
0x167: {  	[tilespmem:s18], [sflag:$0x1] =	stream.linear.gather @!p2 [hbm4b:s17+s11], $0x200, $0x38;
	[tilespmem:$0x19A00] =	vst v63  }
0x168: {  	s17 =	sadd.s32 @!p2 $0x30D40, s13;
	s18 =	simm.s32 @!p2 $0x4E28  }
0x169: {  	[tilespmem:s18], [sflag:$0x1] =	stream.linear.gather @!p2 [hbm4b:s17+s11], $0x200, $0x38;
	[tilespmem:$0x19A00] =	vst v63  }
0x16a: {  	s17 =	sadd.s32 @!p2 $0x3A980, s13;
	s18 =	simm.s32 @!p2 $0x5030  }
0x16b: {  	[tilespmem:s18], [sflag:$0x1] =	stream.linear.gather @!p2 [hbm4b:s17+s11], $0x200, $0x38;
	[tilespmem:$0x19A00] =	vst v63  }
0x16c: {  	s17 =	sadd.s32 @!p2 $0x445C0, s13;
	s18 =	simm.s32 @!p2 $0x5238  }
0x16d: {  	[tilespmem:s18], [sflag:$0x1] =	stream.linear.gather @!p2 [hbm4b:s17+s11], $0x200, $0x38;
	[tilespmem:$0x19A00] =	vst v63  }
0x16e: {  	s17 =	sadd.s32 @!p2 $0x4E200, s13;
	s18 =	simm.s32 @!p2 $0x5440  }
0x16f: {  	[tilespmem:s18], [sflag:$0x1] =	stream.linear.gather @!p2 [hbm4b:s17+s11], $0x200, $0x38;
	[tilespmem:$0x19A00] =	vst v63  }
0x170: {  	s17 =	sadd.s32 @!p2 $0x57E40, s13;
	s18 =	simm.s32 @!p2 $0x5648  }
0x171: {  	[tilespmem:s18], [sflag:$0x1] =	stream.linear.gather @!p2 [hbm4b:s17+s11], $0x200, $0x38;
	[tilespmem:$0x19A00] =	vst v63  }
0x172: {  	s17 =	sadd.s32 @!p2 $0x61A80, s13;
	s18 =	simm.s32 @!p2 $0x5850  }
0x173: {  	[tilespmem:s18], [sflag:$0x1] =	stream.linear.gather @!p2 [hbm4b:s17+s11], $0x200, $0x38;
	[tilespmem:$0x19A00] =	vst v63  }
0x174: {  	s17 =	sadd.s32 @!p2 $0x6B6C0, s13;
	s18 =	simm.s32 @!p2 $0x5A58  }
0x175: {  	[tilespmem:s18], [sflag:$0x1] =	stream.linear.gather @!p2 [hbm4b:s17+s11], $0x200, $0x38;
	[tilespmem:$0x19A00] =	vst v63  }
0x176: {  	s17 =	sadd.s32 @!p2 $0x75300, s13;
	s18 =	simm.s32 @!p2 $0x5C60  }
0x177: {  	[tilespmem:s18], [sflag:$0x1] =	stream.linear.gather @!p2 [hbm4b:s17+s11], $0x200, $0x38;
	[tilespmem:$0x19A00] =	vst v63  }
0x178: {  	s17 =	sadd.s32 @!p2 $0x7EF40, s13;
	s18 =	simm.s32 @!p2 $0x5E68  }
0x179: {  	[tilespmem:s18], [sflag:$0x1] =	stream.linear.gather @!p2 [hbm4b:s17+s11], $0x200, $0x38;
	[tilespmem:$0x19A00] =	vst v63  }
.Ltmp6:
0x17a: {  	_ = 	snop;
	(pc) =	sbr.rel @p1 .LBB2_10-.Ltmp6, $4  }
0x17b: {  	s17 =	sadd.s32 @!p2 $0x88B80, s13;
	s18 =	simm.s32 @!p2 $0x6070  }
0x17c: {  	[tilespmem:s18], [sflag:$0x1] =	stream.linear.gather @!p2 [hbm4b:s17+s11], $0x200, $0x38;
	[tilespmem:$0x19A00] =	vst v63  }
0x17d: {  	s13 =	sadd.s32 @!p2 $0x927C0, s13;
	s17 =	simm.s32 @!p2 $0x6278  }
0x17e: {  	[tilespmem:s17], [sflag:$0x1] =	stream.linear.gather @!p2 [hbm4b:s13+s11], $0x200, $0x38;
	[tilespmem:$0x19A00] =	vst v63  }
0x17f: {  	_ =	swait.ge [sflag:s10], $0x800  }
0x180: {  	[sflag:s10] =	ssyncset.done $0x0  }
0x181: {  	[sflag:s10] =	ssyncadd.s32 $0xFFFFF800  }
0x182: {  	_ =	swait.ge [sflag:s10], $0x800  }
0x183: {  	[sflag:s10] =	ssyncset.done $0x0  }
0x184: {  	[sflag:s10] =	ssyncadd.s32 $0xFFFFF800  }
0x185: {  	_ =	swait.ge [sflag:s10], $0x800  }
0x186: {  	[sflag:s10] =	ssyncset.done $0x0  }
0x187: {  	[sflag:s10] =	ssyncadd.s32 $0xFFFFF800  }
0x188: {  	_ =	swait.ge [sflag:s10], $0x800  }
0x189: {  	[sflag:s10] =	ssyncset.done $0x0  }
0x18a: {  	[sflag:s10] =	ssyncadd.s32 $0xFFFFF800  }
0x18b: {  	_ =	swait.ge [sflag:s10], $0x800  }
0x18c: {  	[sflag:s10] =	ssyncset.done $0x0  }
0x18d: {  	[sflag:s10] =	ssyncadd.s32 $0xFFFFF800  }
0x18e: {  	_ =	swait.ge [sflag:s10], $0x800  }
0x18f: {  	[sflag:s10] =	ssyncset.done $0x0  }
0x190: {  	[sflag:s10] =	ssyncadd.s32 $0xFFFFF800  }
0x191: {  	_ =	swait.ge [sflag:s10], $0x800  }
0x192: {  	[sflag:s10] =	ssyncset.done $0x0  }
0x193: {  	[sflag:s10] =	ssyncadd.s32 $0xFFFFF800  }
0x194: {  	_ =	swait.ge [sflag:s10], $0x800  }
0x195: {  	[sflag:s10] =	ssyncset.done $0x0  }
0x196: {  	s13 =	simm.s32 @!p2 $0x1;
	[sflag:s10] =	ssyncadd.s32 $0xFFFFF800  }
0x197: {  	_ =	swait.ge @!p2 [sflag:s13], $0x400  }
0x198: {  	[sflag:s13] =	ssyncset.done @!p2 $0x0  }
0x199: {  	[sflag:s13] =	ssyncadd.s32 @!p2 $0xFFFFFC00  }
0x19a: {  	_ =	swait.ge @!p2 [sflag:s13], $0x2000  }
0x19b: {  	[sflag:s13] =	ssyncset.done @!p2 $0x0  }
0x19c: {  	s17 =	simm.s32 @!p2 $0x400;
	[sflag:s13] =	ssyncadd.s32 @!p2 $0xFFFFE000;
	s13 =	simm.s32 @!p2 $0x80  }
0x19d: {  	[tilespmem:s17], [sflag:$0x2] =	stream.indirect.gather @!p2 [hbm4b:s5+s13], $0x10, s11, s13, $0xb8;
	[tilespmem:$0x19A00] =	vst v63  }
0x19e: {  	s11 =	simm.s32 @!p2 $0x2400  }
0x19f: {  	[tilespmem:s11], [sflag:$0x2] =	stream.indirect.gather @!p2 [hbm4b:s6+s13], $0x10, s1, s13, $0xb8;
	[tilespmem:$0x19A00] =	vst v63  }
0x1a0: {  	s1 =	simm.s32 @!p2 $0xC00  }
0x1a1: {  	[tilespmem:s1], [sflag:$0x2] =	stream.indirect.gather @!p2 [hbm4b:s5+s13], $0x10, s13, s13, $0xb8;
	[tilespmem:$0x19A00] =	vst v63  }
0x1a2: {  	s11 =	simm.s32 @!p2 $0x2C00;
	s1 =	simm.s32 @!p2 $0x280  }
0x1a3: {  	[tilespmem:s11], [sflag:$0x2] =	stream.indirect.gather @!p2 [hbm4b:s6+s13], $0x10, s1, s13, $0xb8;
	[tilespmem:$0x19A00] =	vst v63  }
0x1a4: {  	s1 =	simm.s32 @!p2 $0x100;
	s11 =	simm.s32 @!p2 $0x1400  }
0x1a5: {  	[tilespmem:s11], [sflag:$0x2] =	stream.indirect.gather @!p2 [hbm4b:s5+s13], $0x10, s1, s13, $0xb8;
	[tilespmem:$0x19A00] =	vst v63  }
0x1a6: {  	s1 =	simm.s32 @!p2 $0x300;
	s11 =	simm.s32 @!p2 $0x3400  }
0x1a7: {  	[tilespmem:s11], [sflag:$0x2] =	stream.indirect.gather @!p2 [hbm4b:s6+s13], $0x10, s1, s13, $0xb8;
	[tilespmem:$0x19A00] =	vst v63  }
0x1a8: {  	s1 =	simm.s32 @!p2 $0x180;
	s11 =	simm.s32 @!p2 $0x1C00  }
0x1a9: {  	[tilespmem:s11], [sflag:$0x2] =	stream.indirect.gather @!p2 [hbm4b:s5+s13], $0x10, s1, s13, $0xb8;
	[tilespmem:$0x19A00] =	vst v63  }
0x1aa: {  	s18 =	simm.s32 $0x0;
	s1 =	simm.s32 @!p2 $0x380;
	s11 =	simm.s32 @!p2 $0x3C00  }
0x1ab: {  	[tilespmem:s11], [sflag:$0x2] =	stream.indirect.gather @!p2 [hbm4b:s6+s13], $0x10, s1, s13, $0xb8;
	[tilespmem:$0x19A00] =	vst v63  }
0x1ac: {  	v2 =	vmov s18;
	s11 =	simm.s32 @!p0 $0x6  }
0x1ad: {  	v2 =	vand.u32 $0x1FC, v2;
	_ =	swait.ge @!p0 [sflag:s11], $0x2000  }
0x1ae: {  	v2 =	vadd.s32 v1, v2;
	[sflag:s11] =	ssyncset.done @!p0 $0x0  }
0x1af: {  	s21 =	simm.s32 $0xA920;
	[sflag:s11] =	ssyncadd.s32 @!p0 $0xFFFFE000  }
0x1b0: {  	s11 =	simm.s32 $0xC920;
	v3 =	vld [tilespmem:s21+$0xFFFFFFE0]  }
0x1b1: {  	v4 =	vld [tilespmem:s11+$0xFFFFFFE0];
	_ =	sdelay $0x1  }
0x1b2: {  	v5 =	vld.idx.msk [tilespmem:v2+s0+$0x0], $0xffff;
	_ =	sdelay $0x2  }
0x1b3: {  	v3 =	vadd.f32 v4, v3  }
0x1b4: {  	s22 =	simm.s32 $0x1  }
0x1b5: {  	v4 =	vmov s22;
	v3 =	vadd.f32 v3, v5  }
0x1b6: {  	s13 =	simm.s32 $0x109A0;
	v4 =	vand.u32 $0x1FD, v4  }
0x1b7: {  	v4 =	vadd.s32 v1, v4;
	[tilespmem:s13+$0xFFFFFFE0] =	vst v3  }
0x1b8: {  	[tilespmem:v2+s31+$0x0] =	vst.idx.msk $0xffff, v3  }
0x1b9: {  	v2 =	vld [tilespmem:s21+$0xFFFFFFF0]  }
0x1ba: {  	v3 =	vld [tilespmem:s11+$0xFFFFFFF0];
	_ =	sdelay $0x1  }
0x1bb: {  	v5 =	vld.idx.msk [tilespmem:v4+s0+$0x0], $0xffff;
	_ =	sdelay $0x2  }
0x1bc: {  	v2 =	vadd.f32 v3, v2  }
0x1bd: {  	s24 =	simm.s32 $0x2  }
0x1be: {  	v3 =	vmov s24;
	v2 =	vadd.f32 v2, v5  }
0x1bf: {  	v3 =	vand.u32 $0x1FE, v3  }
0x1c0: {  	v3 =	vadd.s32 v1, v3;
	[tilespmem:s13+$0xFFFFFFF0] =	vst v2  }
0x1c1: {  	[tilespmem:v4+s31+$0x0] =	vst.idx.msk $0xffff, v2  }
0x1c2: {  	v2 =	vld [tilespmem:s21+$0x0]  }
0x1c3: {  	v4 =	vld [tilespmem:s11+$0x0];
	_ =	sdelay $0x1  }
0x1c4: {  	v5 =	vld.idx.msk [tilespmem:v3+s0+$0x0], $0xffff;
	_ =	sdelay $0x2  }
0x1c5: {  	v2 =	vadd.f32 v4, v2  }
0x1c6: {  	s25 =	simm.s32 $0x3  }
0x1c7: {  	v4 =	vmov s25;
	v5 =	vadd.f32 v2, v5  }
0x1c8: {  	v2 =	vand.u32 $0x1FF, v4  }
0x1c9: {  	v2 =	vadd.s32 v1, v2;
	[tilespmem:s13+$0x0] =	vst v5  }
0x1ca: {  	[tilespmem:v3+s31+$0x0] =	vst.idx.msk $0xffff, v5  }
0x1cb: {  	v4 =	vld [tilespmem:s21+$0x10]  }
0x1cc: {  	v5 =	vld [tilespmem:s11+$0x10];
	_ =	sdelay $0x1  }
0x1cd: {  	s18 =	simm.s32 $0x109A0;
	s17 =	simm.s32 $0x4;
	s28 =	rddreg [dreg:$0x9];
	v3 =	vld.idx.msk [tilespmem:v2+s0+$0x0], $0xffff  }
0x1ce: {  	v6 =	vmov s17;
	s1 =	sadd.s32 s28, s26;
	s22 =	simm.s32 $0xA960;
	s21 =	simm.s32 $0x8  }
.LBB2_8:
0x1cf: {  	s11 =	sadd.s32 $0x40, s11  }
0x1d0: {  	v6 =	vand.u32 $0x1FC, v6;
	v4 =	vadd.f32 v5, v4;
	s13 =	sadd.s32 $0x40, s13;
	s24 =	smov.u32 s21;
	s25 =	sadd.s32 $0x4, s21  }
0x1d1: {  	p0 =	slt.u32 s21, $0x1FC;
	v5 =	vadd.s32 v1, v6  }
0x1d2: {  	v3 =	vadd.f32 v4, v3;
	_ =	sdelay $0x1  }
0x1d3: {  	[tilespmem:s18+$0x10] =	vst v3;
	s18 =	smov.u32 s13  }
0x1d4: {  	[tilespmem:v2+s31+$0x0] =	vst.idx.msk $0xffff, v3  }
0x1d5: {  	v2 =	vld [tilespmem:s22+$0xFFFFFFE0]  }
0x1d6: {  	v3 =	vld [tilespmem:s11+$0xFFFFFFE0]  }
0x1d7: {  	v4 =	vld.idx.msk [tilespmem:v5+s0+$0x0], $0xffff;
	_ =	sdelay $0x3  }
0x1d8: {  	s21 =	sadd.s32 $0x1, s17;
	v2 =	vadd.f32 v3, v2  }
0x1d9: {  	v3 =	vmov s21  }
0x1da: {  	v3 =	vand.u32 $0x1FD, v3;
	v2 =	vadd.f32 v2, v4  }
0x1db: {  	v3 =	vadd.s32 v1, v3  }
0x1dc: {  	[tilespmem:s13+$0xFFFFFFE0] =	vst v2  }
0x1dd: {  	[tilespmem:v5+s31+$0x0] =	vst.idx.msk $0xffff, v2  }
0x1de: {  	v2 =	vld [tilespmem:s22+$0xFFFFFFF0]  }
0x1df: {  	v4 =	vld [tilespmem:s11+$0xFFFFFFF0]  }
0x1e0: {  	v5 =	vld.idx.msk [tilespmem:v3+s0+$0x0], $0xffff;
	_ =	sdelay $0x3  }
0x1e1: {  	s21 =	sadd.s32 $0x2, s17;
	v2 =	vadd.f32 v4, v2  }
0x1e2: {  	v4 =	vmov s21  }
0x1e3: {  	v4 =	vand.u32 $0x1FE, v4;
	v2 =	vadd.f32 v2, v5  }
0x1e4: {  	v4 =	vadd.s32 v1, v4  }
0x1e5: {  	[tilespmem:s13+$0xFFFFFFF0] =	vst v2  }
0x1e6: {  	[tilespmem:v3+s31+$0x0] =	vst.idx.msk $0xffff, v2  }
0x1e7: {  	v2 =	vld [tilespmem:s22+$0x0]  }
0x1e8: {  	v3 =	vld [tilespmem:s11+$0x0]  }
0x1e9: {  	v5 =	vld.idx.msk [tilespmem:v4+s0+$0x0], $0xffff;
	_ =	sdelay $0x3  }
0x1ea: {  	s21 =	sadd.s32 $0x3, s17;
	s17 =	smov.u32 s24;
	v2 =	vadd.f32 v3, v2  }
0x1eb: {  	v3 =	vmov s21  }
0x1ec: {  	v5 =	vadd.f32 v2, v5;
	v2 =	vand.u32 $0x1FF, v3  }
0x1ed: {  	v2 =	vadd.s32 v1, v2  }
0x1ee: {  	[tilespmem:s13+$0x0] =	vst v5  }
0x1ef: {  	[tilespmem:v4+s31+$0x0] =	vst.idx.msk $0xffff, v5  }
0x1f0: {  	v4 =	vld [tilespmem:s22+$0x10]  }
.Ltmp7:
0x1f1: {  	v5 =	vld [tilespmem:s11+$0x10];
	(pc) =	sbr.rel @p0 .LBB2_8-.Ltmp7, $2  }
0x1f2: {  	v3 =	vld.idx.msk [tilespmem:v2+s0+$0x0], $0xffff;
	_ =	sdelay $0x2  }
0x1f3: {  	v6 =	vmov s17;
	s21 =	smov.u32 s25;
	s22 =	sadd.s32 $0x40, s22  }
0x1f4: {  	v4 =	vadd.f32 v5, v4;
	_ =	sdelay $0x1  }
0x1f5: {  	v3 =	vadd.f32 v4, v3  }
0x1f6: {  	v58 =	vand.u32 $0x1FC, v6  }
0x1f7: {  	v4 =	vadd.s32 v1, v58;
	[tilespmem:s18+$0x10] =	vst v3  }
0x1f8: {  	[tilespmem:v2+s31+$0x0] =	vst.idx.msk $0xffff, v3  }
0x1f9: {  	s11 =	sadd.s32 $0x40, s11;
	v2 =	vld [tilespmem:s22+$0xFFFFFFE0]  }
0x1fa: {  	v3 =	vld [tilespmem:s11+$0xFFFFFFE0];
	_ =	sdelay $0x1  }
0x1fb: {  	v59 =	vld.idx.msk [tilespmem:v4+s0+$0x0], $0xffff;
	_ =	sdelay $0x2  }
0x1fc: {  	v2 =	vadd.f32 v3, v2  }
0x1fd: {  	s26 =	sadd.s32 $0x1, s17  }
0x1fe: {  	v3 =	vmov s26;
	v2 =	vadd.f32 v2, v59  }
0x1ff: {  	s13 =	sadd.s32 $0x40, s13;
	v3 =	vand.u32 $0x1FD, v3  }
0x200: {  	v3 =	vadd.s32 v1, v3;
	[tilespmem:s13+$0xFFFFFFE0] =	vst v2  }
0x201: {  	[tilespmem:v4+s31+$0x0] =	vst.idx.msk $0xffff, v2  }
0x202: {  	v2 =	vld [tilespmem:s22+$0xFFFFFFF0]  }
0x203: {  	v4 =	vld [tilespmem:s11+$0xFFFFFFF0];
	_ =	sdelay $0x1  }
0x204: {  	v60 =	vld.idx.msk [tilespmem:v3+s0+$0x0], $0xffff;
	_ =	sdelay $0x2  }
0x205: {  	v2 =	vadd.f32 v4, v2  }
0x206: {  	s28 =	sadd.s32 $0x2, s17  }
0x207: {  	v61 =	vmov s28;
	v2 =	vadd.f32 v2, v60  }
0x208: {  	v4 =	vand.u32 $0x1FE, v61  }
0x209: {  	v4 =	vadd.s32 v1, v4;
	[tilespmem:s13+$0xFFFFFFF0] =	vst v2  }
0x20a: {  	[tilespmem:v3+s31+$0x0] =	vst.idx.msk $0xffff, v2  }
0x20b: {  	v2 =	vld [tilespmem:s22+$0x0]  }
0x20c: {  	v3 =	vld [tilespmem:s11+$0x0];
	_ =	sdelay $0x1  }
0x20d: {  	v62 =	vld.idx.msk [tilespmem:v4+s0+$0x0], $0xffff;
	_ =	sdelay $0x2  }
0x20e: {  	v2 =	vadd.f32 v3, v2  }
0x20f: {  	s21 =	sadd.s32 $0x3, s17  }
0x210: {  	v3 =	vmov s21;
	v2 =	vadd.f32 v2, v62  }
0x211: {  	v3 =	vand.u32 $0x1FF, v3  }
0x212: {  	v3 =	vadd.s32 v1, v3;
	[tilespmem:s13+$0x0] =	vst v2  }
0x213: {  	[tilespmem:v4+s31+$0x0] =	vst.idx.msk $0xffff, v2  }
0x214: {  	v2 =	vld [tilespmem:s22+$0x10]  }
0x215: {  	v4 =	vld [tilespmem:s11+$0x10];
	_ =	sdelay $0x1  }
0x216: {  	v63 =	vld.idx.msk [tilespmem:v3+s0+$0x0], $0xffff;
	_ =	sdelay $0x2  }
0x217: {  	v2 =	vadd.f32 v4, v2;
	_ =	sdelay $0x1  }
0x218: {  	v2 =	vadd.f32 v2, v63;
	_ =	sdelay $0x1  }
0x219: {  	s22 =	sshll.u32 s16, $0x6;
	[tilespmem:s13+$0x10] =	vst v2  }
0x21a: {  	s11 =	sadd.s32 s8, s22;
	[tilespmem:v3+s31+$0x0] =	vst.idx.msk $0xffff, v2  }
0x21b: {  	[hbm4b:s11+s4] =	stream.linear.scatter [tilespmem:s31], [sflag:$0x6], $0x200, $0x38;
	[tilespmem:$0x19A00] =	vst v63  }
0x21c: {  	s25 =	simm.s32 $0x12B88;
	s24 =	sadd.s32 $0x9C40, s11  }
0x21d: {  	[hbm4b:s24+s4] =	stream.linear.scatter [tilespmem:s25], [sflag:$0x6], $0x200, $0x38;
	[tilespmem:$0x19A00] =	vst v63  }
0x21e: {  	s28 =	simm.s32 $0x12D90;
	s26 =	sadd.s32 $0x13880, s11  }
0x21f: {  	[hbm4b:s26+s4] =	stream.linear.scatter [tilespmem:s28], [sflag:$0x6], $0x200, $0x38;
	[tilespmem:$0x19A00] =	vst v63  }
0x220: {  	s18 =	simm.s32 $0x12F98;
	s17 =	sadd.s32 $0x1D4C0, s11  }
0x221: {  	[hbm4b:s17+s4] =	stream.linear.scatter [tilespmem:s18], [sflag:$0x6], $0x200, $0x38;
	[tilespmem:$0x19A00] =	vst v63  }
0x222: {  	s22 =	simm.s32 $0x131A0;
	s21 =	sadd.s32 $0x27100, s11  }
0x223: {  	[hbm4b:s21+s4] =	stream.linear.scatter [tilespmem:s22], [sflag:$0x6], $0x200, $0x38;
	[tilespmem:$0x19A00] =	vst v63  }
0x224: {  	s24 =	sadd.s32 $0x30D40, s11;
	s25 =	simm.s32 $0x133A8  }
0x225: {  	[hbm4b:s24+s4] =	stream.linear.scatter [tilespmem:s25], [sflag:$0x6], $0x200, $0x38;
	[tilespmem:$0x19A00] =	vst v63  }
0x226: {  	s26 =	sadd.s32 $0x3A980, s11;
	s28 =	simm.s32 $0x135B0  }
0x227: {  	[hbm4b:s26+s4] =	stream.linear.scatter [tilespmem:s28], [sflag:$0x6], $0x200, $0x38;
	[tilespmem:$0x19A00] =	vst v63  }
0x228: {  	s17 =	sadd.s32 $0x445C0, s11;
	s18 =	simm.s32 $0x137B8  }
0x229: {  	[hbm4b:s17+s4] =	stream.linear.scatter [tilespmem:s18], [sflag:$0x6], $0x200, $0x38;
	[tilespmem:$0x19A00] =	vst v63  }
0x22a: {  	s21 =	sadd.s32 $0x4E200, s11;
	s22 =	simm.s32 $0x139C0  }
0x22b: {  	[hbm4b:s21+s4] =	stream.linear.scatter [tilespmem:s22], [sflag:$0x6], $0x200, $0x38;
	[tilespmem:$0x19A00] =	vst v63  }
0x22c: {  	s24 =	sadd.s32 $0x57E40, s11;
	s25 =	simm.s32 $0x13BC8  }
0x22d: {  	[hbm4b:s24+s4] =	stream.linear.scatter [tilespmem:s25], [sflag:$0x6], $0x200, $0x38;
	[tilespmem:$0x19A00] =	vst v63  }
0x22e: {  	s26 =	sadd.s32 $0x61A80, s11;
	s28 =	simm.s32 $0x13DD0  }
0x22f: {  	[hbm4b:s26+s4] =	stream.linear.scatter [tilespmem:s28], [sflag:$0x6], $0x200, $0x38;
	[tilespmem:$0x19A00] =	vst v63  }
0x230: {  	s17 =	sadd.s32 $0x6B6C0, s11;
	s18 =	simm.s32 $0x13FD8  }
0x231: {  	[hbm4b:s17+s4] =	stream.linear.scatter [tilespmem:s18], [sflag:$0x6], $0x200, $0x38;
	[tilespmem:$0x19A00] =	vst v63  }
0x232: {  	s21 =	sadd.s32 $0x75300, s11;
	s22 =	simm.s32 $0x141E0  }
0x233: {  	[hbm4b:s21+s4] =	stream.linear.scatter [tilespmem:s22], [sflag:$0x6], $0x200, $0x38;
	[tilespmem:$0x19A00] =	vst v63  }
0x234: {  	s24 =	sadd.s32 $0x7EF40, s11;
	s25 =	simm.s32 $0x143E8  }
0x235: {  	[hbm4b:s24+s4] =	stream.linear.scatter [tilespmem:s25], [sflag:$0x6], $0x200, $0x38;
	[tilespmem:$0x19A00] =	vst v63  }
0x236: {  	s26 =	sadd.s32 $0x88B80, s11;
	s28 =	simm.s32 $0x145F0  }
0x237: {  	[hbm4b:s26+s4] =	stream.linear.scatter [tilespmem:s28], [sflag:$0x6], $0x200, $0x38;
	[tilespmem:$0x19A00] =	vst v63  }
0x238: {  	s16 =	simm.s32 $0x147F8;
	s11 =	sadd.s32 $0x927C0, s11  }
0x239: {  	[hbm4b:s11+s4] =	stream.linear.scatter [tilespmem:s16], [sflag:$0x6], $0x200, $0x38;
	[tilespmem:$0x19A00] =	vst v63  }
0x23a: {  	s17 =	simm.s32 $0xA700;
	s18 =	simm.s32 $0x10980  }
0x23b: {  	[spmem:s3] =	stream.indirect.scatter.add.f32 [tilespmem:s18], [sflag:$0x7], $0x10, s17, s19, $0xb8;
	[tilespmem:$0x19A00] =	vst v63  }
0x23c: {  	_ =	swait.ge [sflag:s20], $0x800  }
0x23d: {  	[sflag:s20] =	ssyncset.done $0x0  }
0x23e: {  	s21 =	simm.s32 $0xA780;
	s22 =	simm.s32 $0x11180;
	[sflag:s20] =	ssyncadd.s32 $0xFFFFF800  }
0x23f: {  	[spmem:s3] =	stream.indirect.scatter.add.f32 [tilespmem:s22], [sflag:$0x7], $0x10, s21, s19, $0xb8;
	[tilespmem:$0x19A00] =	vst v63  }
0x240: {  	_ =	swait.ge [sflag:s20], $0x800  }
0x241: {  	[sflag:s20] =	ssyncset.done $0x0  }
0x242: {  	s24 =	simm.s32 $0xA800;
	s25 =	simm.s32 $0x11980;
	[sflag:s20] =	ssyncadd.s32 $0xFFFFF800  }
0x243: {  	[spmem:s3] =	stream.indirect.scatter.add.f32 [tilespmem:s25], [sflag:$0x7], $0x10, s24, s19, $0xb8;
	[tilespmem:$0x19A00] =	vst v63  }
0x244: {  	_ =	swait.ge [sflag:s20], $0x800  }
0x245: {  	p0 =	sgt.u32 s1, $0x270;
	[sflag:s20] =	ssyncset.done $0x0  }
0x246: {  	s26 =	simm.s32 $0xA880;
	s28 =	simm.s32 $0x12180;
	[sflag:s20] =	ssyncadd.s32 $0xFFFFF800  }
0x247: {  	[spmem:s3] =	stream.indirect.scatter.add.f32 [tilespmem:s28], [sflag:$0x7], $0x10, s26, s19, $0xb8;
	[tilespmem:$0x19A00] =	vst v63  }
0x248: {  	s1 =	sshll.u32 @!p0 s1, $0x6;
	_ =	swait.ge [sflag:s20], $0x800  }
0x249: {  	s13 =	simm.s32 @!p0 $0x200;
	s11 =	sadd.s32 @!p0 s7, s1;
	[sflag:s20] =	ssyncset.done $0x0  }
0x24a: {  	s16 =	simm.s32 @!p0 $0x4E200;
	s17 =	simm.s32 @!p0 $0xA500;
	[sflag:s20] =	ssyncadd.s32 $0xFFFFF800  }
0x24b: {  	[tilespmem:s17], [sflag:$0x4] =	stream.strided.gather @!p0 [hbm4b:s11+s13], $0x400, s16, s13, $0x38;
	[tilespmem:$0x19A00] =	vst v63  }
0x24c: {  	s1 =	sadd.s32 @!p0 s2, s1;
	s11 =	simm.s32 @!p0 $0x0;
	s13 =	simm.s32 @!p0 $0xE900  }
0x24d: {  	[tilespmem:s13], [sflag:$0x4] =	stream.linear.gather @!p0 [hbm4b:s1+s11], $0x200, $0x38;
	[tilespmem:$0x19A00] =	vst v63  }
0x24e: {  	s16 =	simm.s32 @!p0 $0xEB08;
	s13 =	sadd.s32 @!p0 $0x9C40, s1  }
0x24f: {  	[tilespmem:s16], [sflag:$0x4] =	stream.linear.gather @!p0 [hbm4b:s13+s11], $0x200, $0x38;
	[tilespmem:$0x19A00] =	vst v63  }
0x250: {  	s13 =	sadd.s32 @!p0 $0x13880, s1;
	s16 =	simm.s32 @!p0 $0xED10  }
0x251: {  	[tilespmem:s16], [sflag:$0x4] =	stream.linear.gather @!p0 [hbm4b:s13+s11], $0x200, $0x38;
	[tilespmem:$0x19A00] =	vst v63  }
0x252: {  	s13 =	sadd.s32 @!p0 $0x1D4C0, s1;
	s16 =	simm.s32 @!p0 $0xEF18  }
0x253: {  	[tilespmem:s16], [sflag:$0x4] =	stream.linear.gather @!p0 [hbm4b:s13+s11], $0x200, $0x38;
	[tilespmem:$0x19A00] =	vst v63  }
0x254: {  	s13 =	sadd.s32 @!p0 $0x27100, s1;
	s16 =	simm.s32 @!p0 $0xF120  }
0x255: {  	[tilespmem:s16], [sflag:$0x4] =	stream.linear.gather @!p0 [hbm4b:s13+s11], $0x200, $0x38;
	[tilespmem:$0x19A00] =	vst v63  }
0x256: {  	s13 =	sadd.s32 @!p0 $0x30D40, s1;
	s16 =	simm.s32 @!p0 $0xF328  }
0x257: {  	[tilespmem:s16], [sflag:$0x4] =	stream.linear.gather @!p0 [hbm4b:s13+s11], $0x200, $0x38;
	[tilespmem:$0x19A00] =	vst v63  }
0x258: {  	s13 =	sadd.s32 @!p0 $0x3A980, s1;
	s16 =	simm.s32 @!p0 $0xF530  }
0x259: {  	[tilespmem:s16], [sflag:$0x4] =	stream.linear.gather @!p0 [hbm4b:s13+s11], $0x200, $0x38;
	[tilespmem:$0x19A00] =	vst v63  }
0x25a: {  	s13 =	sadd.s32 @!p0 $0x445C0, s1;
	s16 =	simm.s32 @!p0 $0xF738  }
0x25b: {  	[tilespmem:s16], [sflag:$0x4] =	stream.linear.gather @!p0 [hbm4b:s13+s11], $0x200, $0x38;
	[tilespmem:$0x19A00] =	vst v63  }
0x25c: {  	s13 =	sadd.s32 @!p0 $0x4E200, s1;
	s16 =	simm.s32 @!p0 $0xF940  }
0x25d: {  	[tilespmem:s16], [sflag:$0x4] =	stream.linear.gather @!p0 [hbm4b:s13+s11], $0x200, $0x38;
	[tilespmem:$0x19A00] =	vst v63  }
0x25e: {  	s13 =	sadd.s32 @!p0 $0x57E40, s1;
	s16 =	simm.s32 @!p0 $0xFB48  }
0x25f: {  	[tilespmem:s16], [sflag:$0x4] =	stream.linear.gather @!p0 [hbm4b:s13+s11], $0x200, $0x38;
	[tilespmem:$0x19A00] =	vst v63  }
0x260: {  	s13 =	sadd.s32 @!p0 $0x61A80, s1;
	s16 =	simm.s32 @!p0 $0xFD50  }
0x261: {  	[tilespmem:s16], [sflag:$0x4] =	stream.linear.gather @!p0 [hbm4b:s13+s11], $0x200, $0x38;
	[tilespmem:$0x19A00] =	vst v63  }
0x262: {  	s13 =	sadd.s32 @!p0 $0x6B6C0, s1;
	s16 =	simm.s32 @!p0 $0xFF58  }
0x263: {  	[tilespmem:s16], [sflag:$0x4] =	stream.linear.gather @!p0 [hbm4b:s13+s11], $0x200, $0x38;
	[tilespmem:$0x19A00] =	vst v63  }
0x264: {  	s13 =	sadd.s32 @!p0 $0x75300, s1;
	s16 =	simm.s32 @!p0 $0x10160  }
0x265: {  	[tilespmem:s16], [sflag:$0x4] =	stream.linear.gather @!p0 [hbm4b:s13+s11], $0x200, $0x38;
	[tilespmem:$0x19A00] =	vst v63  }
0x266: {  	s13 =	sadd.s32 @!p0 $0x7EF40, s1;
	s16 =	simm.s32 @!p0 $0x10368  }
0x267: {  	[tilespmem:s16], [sflag:$0x4] =	stream.linear.gather @!p0 [hbm4b:s13+s11], $0x200, $0x38;
	[tilespmem:$0x19A00] =	vst v63  }
.Ltmp8:
0x268: {  	_ = 	snop;
	(pc) =	sbr.rel .LBB2_10-.Ltmp8, $4  }
0x269: {  	s13 =	sadd.s32 @!p0 $0x88B80, s1;
	s16 =	simm.s32 @!p0 $0x10570  }
0x26a: {  	[tilespmem:s16], [sflag:$0x4] =	stream.linear.gather @!p0 [hbm4b:s13+s11], $0x200, $0x38;
	[tilespmem:$0x19A00] =	vst v63  }
0x26b: {  	s1 =	sadd.s32 @!p0 $0x927C0, s1;
	s13 =	simm.s32 @!p0 $0x10778  }
0x26c: {  	[tilespmem:s13], [sflag:$0x4] =	stream.linear.gather @!p0 [hbm4b:s1+s11], $0x200, $0x38;
	[tilespmem:$0x19A00] =	vst v63  }
.LBB2_12:
0x26d: {  	_ =	sfence.sel $0x180000  }
0x26e: {  	[bflag:$0x0] =	sbarrier.arrive $0xFFFF  }
0x26f: {  	_ =	strace $0x9000004A  }
0x270: {  	s0 =	stileid.u32;
	[bflag:$0x2] =	sbarrier.arrive $0xFFFF  }
0x271: {  	p0 =	sne.s32 s0, $0x0;
	s0 =	rddreg [dreg:$0x3]  }
0x272: {  	s0 =	sadd.s32 @!p0 $0x100000, s0  }
0x273: {  	[sflag:s0] =	ssyncadd.tile.s32 @!p0 $0x1;
	_ =	shalt  }
.Lfunc_end2:
_tile_overlayer_lowered:
.L_overlay_start_2:
0x274: {  	(tag) =	ssettag $0x2  }
0x275: {  	s0 =	rddreg [dreg:$0x0];
	s2 =	stileid.u32  }
0x276: {  	s1 =	rddreg [dreg:$0x1];
	p0 =	sne.s32 s2, $0x0  }
0x277: {  	s3 =	rddreg [dreg:$0x2];
	[bflag:$0x3] =	sbarrier.arrive $0xFFFF;
	s2 =	simm.s32 @!p0 $0x1C07  }
0x278: {  	[timem:s3], [sflag:s2] =	dma.local @!p0 [hbm:s0], s1  }
0x279: {  	s0 =	simm.s32 @!p0 $0x7  }
0x27a: {  	_ =	swait.ge @!p0 [sflag:s0], s1  }
0x27b: {  	s1 =	ssub.s32 @!p0 $0x0, s1;
	[sflag:s0] =	ssyncset.done @!p0 $0x0  }
0x27c: {  	[sflag:s0] =	ssyncadd.s32 @!p0 s1  }
0x27d: {  	[bflag:$0x3] =	sbarrier.arrive $0xFFFF  }
0x27e: {  	_ =	shalt  }

// kernel: kernel.7.cloned.1.call-start
scs
__scs_entry_jumppad:
0x0: {  	(pc) =	sbr.rel $0x88, $3  }
0x1: {  	(tag) =	ssettag $0x0;
	lr =	simm.s32 $0x1  }
0x2: {  	[smem:$0x3F8E] =	sst lr;
	_ =	strace $0xD0000000  }
0x3: {  	_ = 	snop  }
0x4: {  	_ = 	snop  }
0x5: {  	_ = 	snop  }
0x6: {  	_ = 	snop  }
0x7: {  	_ = 	snop  }
__scs_overlays_trampoline_lowered:
0x8: {  	[smem:$0x3F9D] =	sst s0  }
0x9: {  	[smem:$0x3F9E] =	sst s1  }
0xa: {  	[smem:$0x3F9F] =	sst s2  }
0xb: {  	[smem:$0x3FA0] =	sst s3  }
0xc: {  	[smem:$0x3FA1] =	sst s4  }
0xd: {  	[smem:$0x3FA2] =	sst s5  }
0xe: {  	[smem:$0x3FA3] =	sst s6  }
0xf: {  	[smem:$0x3FA4] =	sst s7  }
0x10: {  	[smem:$0x3FA5] =	sst s8  }
0x11: {  	[smem:$0x3FA6] =	sst s9;
	s0 =	simm.s32 @!p0 $0x0  }
0x12: {  	s1 =	sld [smem:$0x3F8C];
	s0 =	simm.s32 @p0 $0x1  }
0x13: {  	[smem:$0x3FA7] =	sst s0;
	s0 =	simm.s32 @!p1 $0x0  }
0x14: {  	s2 =	sld [smem:$0x3F8B];
	s0 =	simm.s32 @p1 $0x1  }
0x15: {  	[smem:$0x3FA8] =	sst s0;
	s0 =	simm.s32 @!p2 $0x0  }
0x16: {  	s3 =	sld [smem:$0x3FDB];
	s0 =	simm.s32 @p2 $0x1  }
0x17: {  	s4 =	simm.s32 $0x1BF5;
	[smem:$0x3FAA] =	sst s0  }
0x18: {  	s0 =	sld [smem:$0x3F8D];
	_ =	swait.ge [sflag:s4], $0x0  }
0x19: {  	s7 =	sld [smem:$0x3F8E]  }
0x1a: {  	s8 =	sadd.s32 $0xFFFFE003, lr  }
0x1b: {  	s9 =	sadd.s32 $0xFFFFFEF7, lr;
	s5 =	simm.s32 $0xFFFFFFFF;
	p2 =	slt.u32 s8, $0xFFFFF086  }
0x1c: {  	p1 =	slt.u32 s9, $0xF7A;
	s5 =	simm.s32 @!p2 $0x0  }
0x1d: {  	s5 =	simm.s32 @p1 $0x1;
	p0 =	seq.s32 s7, s2  }
0x1e: {  	s7 =	smul.u32 @!p0 $0xF7A, s2;
	p2 =	seq.s32 @!p0 s5, $0x0  }
0x1f: {  	s9 =	smul.u32 $0xF7A, s1;
	s8 =	simm.s32 @!p0 $0x1BF5;
	p2 =	por !p2, p0  }
0x20: {  	[sflag:s8] =	ssyncset.s32 @!p0 $0xFFFFF086;
	s6 =	sadd.s32 @!p0 s3, s7;
	s7 =	simm.s32 @!p0 $0x108  }
0x21: {  	s3 =	sadd.s32 s3, s9;
	s6 =	sadd.s32 @!p0 $0x88, s6;
	s7 =	simm.s32 @p2 $0x1082  }
0x22: {  	[simem:s7], [sflag:s8] =	dma.local @!p0 [hbm:s6], $0xF7A  }
0x23: {  	s9 =	sor.u32 $0xD0000000, s2;
	s6 =	simm.s32 $0x108;
	_ =	swait.ge @!p0 [sflag:s8], $0x0  }
0x24: {  	s3 =	sadd.s32 $0x88, s3;
	s6 =	simm.s32 @!p1 $0x1082;
	[sflag:s4] =	ssyncset.s32 $0xFFFFF086  }
0x25: {  	[simem:s6], [sflag:s4] =	dma.local [hbm:s3], $0xF7A  }
0x26: {  	[smem:$0x3F8E] =	sst s1;
	(tag) =	ssettag s2;
	_ =	strace s9  }
0x27: {  	s1 =	sld [smem:$0x3F9E]  }
0x28: {  	s2 =	sld [smem:$0x3F9F]  }
0x29: {  	s4 =	sld [smem:$0x3FA1]  }
0x2a: {  	p0 =	seq.s32 s5, $0x0;
	s5 =	sld [smem:$0x3FA2]  }
0x2b: {  	s6 =	sld [smem:$0x3FA3]  }
0x2c: {  	s7 =	sld [smem:$0x3FA4]  }
0x2d: {  	s3 =	simm.s32 $0x108;
	s8 =	sld [smem:$0x3FA5]  }
0x2e: {  	s3 =	simm.s32 @!p0 $0x1082;
	s9 =	sld [smem:$0x3FA6]  }
0x2f: {  	lr =	sadd.s32 s0, s3;
	s0 =	sld [smem:$0x3F9D]  }
0x30: {  	s3 =	sld [smem:$0x3FA0]  }
0x31: {  	[smem:$0x3FA9] =	sst s10  }
0x32: {  	s10 =	sld [smem:$0x3FA7];
	_ =	sdelay $0x3  }
0x33: {  	p0 =	seq.s32 s10, $0x1;
	s10 =	sld [smem:$0x3FA9];
	_ =	sdelay $0x3  }
0x34: {  	[smem:$0x3FA9] =	sst s10  }
0x35: {  	s10 =	sld [smem:$0x3FA8];
	_ =	sdelay $0x3  }
0x36: {  	p1 =	seq.s32 s10, $0x1;
	s10 =	sld [smem:$0x3FA9];
	_ =	sdelay $0x3  }
0x37: {  	[smem:$0x3FA9] =	sst s10  }
0x38: {  	s10 =	sld [smem:$0x3FAA]  }
0x39: {  	_ = 	snop;
	(pc) =	sbr.ind lr, $3  }
0x3a: {  	_ = 	snop  }
0x3b: {  	_ = 	snop  }
0x3c: {  	p2 =	seq.s32 s10, $0x1;
	s10 =	sld [smem:$0x3FA9]  }
0x3d: {  	_ =	shalt  }
0x3e: {  	_ =	shalt  }
0x3f: {  	_ =	shalt  }
0x40: {  	_ =	shalt  }
0x41: {  	_ =	shalt  }
0x42: {  	_ =	shalt  }
0x43: {  	_ =	shalt  }
0x44: {  	_ =	shalt  }
0x45: {  	_ =	shalt  }
0x46: {  	_ =	shalt  }
0x47: {  	_ =	shalt  }
0x48: {  	_ =	shalt  }
0x49: {  	_ =	shalt  }
0x4a: {  	_ =	shalt  }
0x4b: {  	_ =	shalt  }
0x4c: {  	_ =	shalt  }
0x4d: {  	_ =	shalt  }
0x4e: {  	_ =	shalt  }
0x4f: {  	_ =	shalt  }
0x50: {  	_ =	shalt  }
0x51: {  	_ =	shalt  }
0x52: {  	_ =	shalt  }
0x53: {  	_ =	shalt  }
0x54: {  	_ =	shalt  }
0x55: {  	_ =	shalt  }
0x56: {  	_ =	shalt  }
0x57: {  	_ =	shalt  }
0x58: {  	_ =	shalt  }
0x59: {  	_ =	shalt  }
0x5a: {  	_ =	shalt  }
0x5b: {  	_ =	shalt  }
0x5c: {  	_ =	shalt  }
0x5d: {  	_ =	shalt  }
0x5e: {  	_ =	shalt  }
0x5f: {  	_ =	shalt  }
0x60: {  	_ =	shalt  }
0x61: {  	_ =	shalt  }
0x62: {  	_ =	shalt  }
0x63: {  	_ =	shalt  }
0x64: {  	_ =	shalt  }
0x65: {  	_ =	shalt  }
0x66: {  	_ =	shalt  }
0x67: {  	_ =	shalt  }
0x68: {  	_ =	shalt  }
0x69: {  	_ =	shalt  }
0x6a: {  	_ =	shalt  }
0x6b: {  	_ =	shalt  }
0x6c: {  	_ =	shalt  }
0x6d: {  	_ =	shalt  }
0x6e: {  	_ =	shalt  }
0x6f: {  	_ =	shalt  }
0x70: {  	_ =	shalt  }
0x71: {  	_ =	shalt  }
0x72: {  	_ =	shalt  }
0x73: {  	_ =	shalt  }
0x74: {  	_ =	shalt  }
0x75: {  	_ =	shalt  }
0x76: {  	_ =	shalt  }
0x77: {  	_ =	shalt  }
0x78: {  	_ =	shalt  }
0x79: {  	_ =	shalt  }
0x7a: {  	_ =	shalt  }
0x7b: {  	_ =	shalt  }
0x7c: {  	_ =	shalt  }
0x7d: {  	_ =	shalt  }
0x7e: {  	_ =	shalt  }
0x7f: {  	_ =	shalt  }
0x80: {  	_ =	shalt  }
0x81: {  	_ =	shalt  }
0x82: {  	_ =	shalt  }
0x83: {  	_ =	shalt  }
0x84: {  	_ =	shalt  }
0x85: {  	_ =	shalt  }
0x86: {  	_ =	shalt  }
0x87: {  	_ =	shalt  }
.Lfunc_end0:
.L_simem_size_0:
called_computation_lowered:
.L_overlay_start_0:
0x88: {  	s2 =	sld [smem:$0x3FD9]  }
0x89: {  	s3 =	sld [smem:$0x3FFE];
	_ =	sdelay $0x1  }
0x8a: {  	s1 =	srdreg.scid  }
0x8b: {  	s0 =	sand.u32 $0x1, s1  }
0x8c: {  	s14 =	sshll.u32 s0, $0xA;
	s2 =	sadd.s32 s3, s2  }
0x8d: {  	s2 =	sadd.s32 s2, s14  }
0x8e: {  	[smem:$0x3FB5] =	sst s2  }
0x8f: {  	_ = 	snop  }
0x90: {  	s2 =	sld [smem:$0x3FD0];
	_ =	sdelay $0x2  }
0x91: {  	s15 =	simm.s32 $0xA;
	s4 =	simm.s32 $0x10  }
0x92: {  	[smem:s4], [sflag:s15] =	dma.local [hbm:s2], $0x1  }
0x93: {  	_ =	swait.eq [sflag:s15], $0x1  }
0x94: {  	[sflag:s15] =	ssyncset.done $0x0  }
0x95: {  	s16 =	sld [smem:$0x10];
	[sflag:s15] =	ssyncadd.s32 $0xFFFFFFFF  }
0x96: {  	s17 =	sld [smem:$0x11];
	(tm) =	ssettm $0x1  }
0x97: {  	s18 =	sld [smem:$0x3FFB];
	_ =	sdelay $0x3  }
0x98: {  	_ =	strace s18  }
0x99: {  	s4 =	sld [smem:$0x3FFC];
	_ =	sdelay $0x3  }
0x9a: {  	_ =	strace s4  }
0x9b: {  	s4 =	sld [smem:$0x3FFD];
	_ =	sdelay $0x3  }
0x9c: {  	_ =	strace s4  }
0x9d: {  	_ =	strace $0x8FFFFFFF  }
0x9e: {  	s19 =	sld [smem:$0x3FDB];
	_ =	sdelay $0x1  }
0x9f: {  	s5 =	simm.s32 $_scs_section_size  }
0xa0: {  	s6 =	simm.s32 $_size__tile_overlayer_lowered;
	s7 =	simm.s32 $_tile_overlayer_lowered  }
0xa1: {  	s22 =	simm.s32 $0x1BFF;
	s21 =	sshll.u32 s7, $0x1;
	s4 =	sadd.s32 s5, s19  }
0xa2: {  	s8 =	simm.s32 $0x0;
	s20 =	sshll.u32 s6, $0x1;
	s6 =	sadd.s32 s21, s4  }
0xa3: {  	[timem:s8], [sflag:s22] =	dma.local [hbm:s6], s20  }
0xa4: {  	_ =	swait.ge [sflag:s22], s20  }
0xa5: {  	s5 =	ssub.s32 $0x0, s20;
	[sflag:s22] =	ssyncset.done $0x0  }
0xa6: {  	[sflag:s22] =	ssyncadd.s32 s5;
	_ =	sdelay $0x1  }
0xa7: {  	s23 =	simm.s32 $0x1B8B  }
0xa8: {  	_ =	swait.ge [sflag:s23], $0x1  }
0xa9: {  	[sflag:s23] =	ssyncset.done $0x0  }
0xaa: {  	s25 =	simm.s32 $0x1B8E;
	s24 =	sld [smem:$0x3FFE];
	[sflag:s23] =	ssyncadd.s32 $0xFFFFFFFF  }
0xab: {  	s26 =	simm.s32 $execute0_lowered;
	[smem:$0x3FD2] =	sst s25  }
0xac: {  	s6 =	sshll.u32 s26, $0x1;
	_ =	strace $0x80000046;
	[dreg:$0x1] =	wrdreg $0xFFFFFFFF  }
0xad: {  	s28 =	simm.s32 $_size_execute0_lowered;
	s4 =	sadd.s32 s4, s6;
	[dreg:$0x0] =	wrdreg $0x0  }
0xae: {  	s6 =	sshll.u32 s28, $0x1;
	[dreg:$0x2] =	wrdreg s4  }
0xaf: {  	[dreg:$0x3] =	wrdreg s6  }
0xb0: {  	[dreg:$0x4] =	wrdreg $0xC0  }
0xb1: {  	_ =	task [dreg:s8], $0x5FFFF  }
0xb2: {  	[dreg:$0x1] =	wrdreg $0xFFFFFFFF  }
0xb3: {  	[dreg:$0x0] =	wrdreg $0x60  }
0xb4: {  	[dreg:$0x2] =	wrdreg s24  }
0xb5: {  	[dreg:$0x3] =	wrdreg s16  }
0xb6: {  	[dreg:$0x4] =	wrdreg s17  }
0xb7: {  	[dreg:$0x5] =	wrdreg $0x172000  }
0xb8: {  	[dreg:$0x6] =	wrdreg $0x1A2000  }
0xb9: {  	[dreg:$0x7] =	wrdreg $0x9  }
0xba: {  	_ =	task.clear_ibuf [dreg:s8], $0x8FFFF;
	_ =	strace $0x90000046  }
0xbb: {  	s29 =	simm.s32 $0x9;
	_ =	strace $0x80000048  }
0xbc: {  	_ =	swait.ge [sflag:s29], $0x1  }
0xbd: {  	[sflag:s29] =	ssyncadd.s32 $0xFFFFFFFF  }
0xbe: {  	_ =	strace $0x90000048  }
0xbf: {  	_ =	sfence  }
0xc0: {  	s30 =	sld [smem:$0x0];
	_ =	sdelay $0x2  }
0xc1: {  	s31 =	sshll.u32 s1, $0xD;
	s1 =	sshrl.u32 s1, $0x2  }
0xc2: {  	s3 =	sand.u32 $0x4000, s31;
	s1 =	sadd.s32 s1, s30  }
0xc3: {  	s0 =	sor.u32 s3, s0;
	s1 =	sshll.u32 s1, $0x11  }
0xc4: {  	s0 =	sor.u32 s1, s0  }
0xc5: {  	s0 =	sadd.s32 $0x8F2B, s0  }
0xc6: {  	[sflag:s0] =	ssyncadd.remote.s32 $0x1  }
0xc7: {  	_ =	sfence.sel $0xFFFF  }
0xc8: {  	[dreg:$0x0] =	wrdreg $0xFFFFFFFF;
	(pc) =	sbr.abs _section_cstart, $3  }
0xc9: {  	[dreg:$0x1] =	wrdreg $0xFFFFFFFF  }
0xca: {  	_ =	task.clear_ibuf [dreg:s8], $0x2FFFF;
	_ =	strace $0x9FFFFFFF  }
0xcb: {  	(tm) =	ssettm $0x7FFFFFFF  }
tec
execute0_lowered:
.L_overlay_start_1:
0x0: {  	(tag) =	ssettag $0x1  }
0x1: {  	s0 =	rddreg [dreg:$0x0]  }
0x2: {  	s4 =	rddreg [dreg:$0x1]  }
0x3: {  	s10 =	rddreg [dreg:$0x2]  }
0x4: {  	s1 =	rddreg [dreg:$0x3]  }
0x5: {  	s2 =	rddreg [dreg:$0x4];
	s3 =	simm.s32 $0x0  }
0x6: {  	s7 =	srdreg.scid;
	s15 =	stileid.u32;
	s29 =	simm.s32 $0xE900  }
0x7: {  	s30 =	simm.s32 $0x80;
	s31 =	simm.s32 $0x300;
	s18 =	simm.s32 $0x12980  }
0x8: {  	[smem:$0x7FF] =	sst s3;
	s5 =	sadd.s32 $0xA5C00, s0;
	s6 =	sadd.s32 $0xA0C00, s0  }
0x9: {  	s11 =	sand.u32 $0x1, s7;
	s7 =	sadd.s32 $0x4800, s0;
	s8 =	sadd.s32 $0xAAC00, s0  }
0xa: {  	s14 =	smul.u32 $0x2800, s15;
	s9 =	sadd.s32 $0xBE600, s0;
	s20 =	sshll.u32 s15, $0x1  }
0xb: {  	s21 =	smul.u32 $0x280, s15;
	_ =	strace $0x80000047;
	s12 =	ssub.s32 $0x2, s11  }
0xc: {  	s16 =	sor.u32 s11, s20;
	s11 =	smul.u32 $0x2800, s11;
	s13 =	sshrl.u32 s12, $0x1  }
0xd: {  	s15 =	sadd.s32 s14, s1;
	s14 =	sadd.s32 s14, s2;
	s22 =	sshll.u32 s16, $0x6  }
0xe: {  	s25 =	sor.u32 $0x40, s16;
	[dreg:$0x6] =	wrdreg s16;
	s26 =	sor.u32 $0x60, s16  }
0xf: {  	s16 =	simm.s32 $0x5;
	s19 =	ssub.s32 s12, s13;
	[dreg:$0xd] =	wrdreg s25  }
0x10: {  	s17 =	sadd.s32 s8, s22;
	s23 =	sadd.s32 s7, s22;
	[dreg:$0xe] =	wrdreg s26  }
0x11: {  	s13 =	sor.u32 $0x800, s22;
	s11 =	sadd.s32 s21, s11;
	[dreg:$0x7] =	wrdreg s15  }
0x12: {  	s26 =	simm.s32 $0x4400;
	s21 =	simm.s32 $0x380;
	[dreg:$0x8] =	wrdreg s14  }
0x13: {  	s22 =	simm.s32 $0x2;
	s25 =	simm.s32 $0x8480;
	[dreg:$0x9] =	wrdreg s17  }
0x14: {  	[dreg:$0xa] =	wrdreg s23;
	s24 =	sadd.s32 s8, s13;
	s13 =	sadd.s32 s7, s13  }
.Ltmp0:
0x15: {  	s11 =	sshll.u32 s11, $0x1;
	[dreg:$0xb] =	wrdreg s24;
	(pc) =	sbr.rel .LBB2_1-.Ltmp0, $4  }
0x16: {  	s0 =	smax.u32 s19, $0x1;
	s23 =	simm.s32 $0x7;
	[dreg:$0xc] =	wrdreg s13  }
0x17: {  	s4 =	sadd.s32 s4, s11;
	s28 =	sadd.s32 s10, s11;
	[dreg:$0x11] =	wrdreg s0  }
0x18: {  	v2 =	vlaneseq.u32;
	s10 =	simm.s32 $0x14A00;
	s24 =	simm.s32 $0x280;
	[dreg:$0xf] =	wrdreg s4  }
0x19: {  	v0 =	vimm.f32 $0.0e+00;
	v1 =	vimm.f32 $1.000000000e+00;
	v2 =	vmul.u32 $0x208, v2;
	s11 =	simm.s32 $0x19A00;
	[dreg:$0x10] =	wrdreg s28;
	s4 =	simm.s32 $0x0  }
.LBB2_13:
0x1a: {  	s0 =	simm.s32 $0x3  }
0x1b: {  	_ =	swait.ge [sflag:s0], $0x2000  }
0x1c: {  	[sflag:s0] =	ssyncset.done $0x0  }
0x1d: {  	s14 =	simm.s32 $0x6;
	[sflag:s0] =	ssyncadd.s32 $0xFFFFE000  }
0x1e: {  	_ =	swait.ge [sflag:s14], $0x2000  }
0x1f: {  	[sflag:s14] =	ssyncset.done $0x0  }
0x20: {  	[sflag:s14] =	ssyncadd.s32 $0xFFFFE000  }
0x21: {  	s15 =	stileid.u32;
	[bflag:$0x0] =	sbarrier.arrive $0xFFFF  }
0x22: {  	s0 =	sshll.u32 s15, $0x6;
	s15 =	rddreg [dreg:$0x7]  }
0x23: {  	s0 =	sor.u32 $0x1C07, s0;
	s10 =	rddreg [dreg:$0xf];
	s4 =	sshrl.u32 s15, $0x3  }
0x24: {  	[hbm:s10], [sflag:s0] =	dma.local [spmem:s4], $0x500  }
0x25: {  	_ =	swait.ge [sflag:s23], $0x500  }
0x26: {  	[sflag:s23] =	ssyncset.done $0x0;
	s14 =	rddreg [dreg:$0x8]  }
0x27: {  	s19 =	rddreg [dreg:$0x10];
	[sflag:s23] =	ssyncadd.s32 $0xFFFFFB00;
	s17 =	sshrl.u32 s14, $0x3  }
0x28: {  	[hbm:s19], [sflag:s0] =	dma.local [spmem:s17], $0x500  }
0x29: {  	_ =	swait.ge [sflag:s23], $0x500  }
0x2a: {  	s20 =	rddreg [dreg:$0x12]  }
0x2b: {  	s28 =	rddreg [dreg:$0x11];
	s4 =	sadd.s32 $0x1, s20  }
0x2c: {  	p0 =	sne.s32 s4, s28  }
.Ltmp1:
0x2d: {  	_ = 	snop;
	(pc) =	sbr.rel @!p0 .LBB2_14-.Ltmp1, $3  }
0x2e: {  	_ =	sdelay $0x1  }
0x2f: {  	[sflag:s23] =	ssyncset.done $0x0  }
0x30: {  	s10 =	simm.s32 $0x14A00;
	[sflag:s23] =	ssyncadd.s32 $0xFFFFFB00  }
.LBB2_1:
0x31: {  	[dreg:$0x12] =	wrdreg s4;
	s0 =	simm.s32 $0x40;
	s4 =	simm.s32 $0x0  }
.LBB2_2:
0x32: {  	p0 =	sne.s32 s0, $0x9FC0;
	[tilespmem:s4+$0x14A00] =	vst v0;
	s4 =	smov.u32 s0;
	s0 =	sadd.s32 $0x40, s0  }
.Ltmp2:
0x33: {  	(pc) =	sbr.rel @p0 .LBB2_2-.Ltmp2, $2  }
0x34: {  	_ =	sdelay $0x2  }
0x35: {  	s4 =	sshra.s32 s4, $0x2  }
0x36: {  	[tilespmem:s4+$0x14A00] =	vst v0  }
0x37: {  	[spmem:s15] =	stream.linear.scatter [tilespmem:s10], [sflag:$0x7], $0x2800, $0x38;
	[tilespmem:$0x1CA00] =	vst v63  }
0x38: {  	_ =	swait.ge [sflag:s23], $0x2800  }
0x39: {  	[sflag:s23] =	ssyncset.done $0x0  }
0x3a: {  	s0 =	simm.s32 $0x40;
	s4 =	simm.s32 $0x0;
	[sflag:s23] =	ssyncadd.s32 $0xFFFFD800  }
.LBB2_4:
0x3b: {  	p0 =	sne.s32 s0, $0x1FC0;
	[tilespmem:s4+$0x19A00] =	vst v1;
	s4 =	smov.u32 s0;
	s0 =	sadd.s32 $0x40, s0  }
.Ltmp3:
0x3c: {  	(pc) =	sbr.rel @p0 .LBB2_4-.Ltmp3, $2  }
0x3d: {  	_ =	sdelay $0x2  }
0x3e: {  	s4 =	sshra.s32 s4, $0x2  }
0x3f: {  	[tilespmem:s4+$0x19A00] =	vst v1  }
0x40: {  	[spmem:s14] =	stream.linear.scatter [tilespmem:s10], [sflag:$0x7], $0x2800, $0x38;
	[tilespmem:$0x1CA00] =	vst v63  }
0x41: {  	_ =	swait.ge [sflag:s23], $0x2800  }
0x42: {  	[sflag:s23] =	ssyncset.done $0x0  }
0x43: {  	[sflag:s23] =	ssyncadd.s32 $0xFFFFD800  }
0x44: {  	s12 =	simm.s32 $0x4E200;
	[bflag:$0x0] =	sbarrier.arrive $0xFFFF  }
0x45: {  	s14 =	simm.s32 $0x0;
	s10 =	simm.s32 $0x200;
	s0 =	rddreg [dreg:$0x9]  }
0x46: {  	[tilespmem:s14], [sflag:$0x1] =	stream.strided.gather [hbm4b:s0+s10], $0x400, s12, s10, $0x38;
	[tilespmem:$0x1CA00] =	vst v63  }
0x47: {  	s4 =	rddreg [dreg:$0xa]  }
0x48: {  	[tilespmem:s26], [sflag:$0x1] =	stream.linear.gather [hbm4b:s4+s14], $0x200, $0x38;
	[tilespmem:$0x1CA00] =	vst v63  }
0x49: {  	s13 =	simm.s32 $0x4608;
	s28 =	sadd.s32 $0x9C40, s4  }
0x4a: {  	[tilespmem:s13], [sflag:$0x1] =	stream.linear.gather [hbm4b:s28+s14], $0x200, $0x38;
	[tilespmem:$0x1CA00] =	vst v63  }
0x4b: {  	s15 =	simm.s32 $0x4810;
	s13 =	sadd.s32 $0x13880, s4  }
0x4c: {  	[tilespmem:s15], [sflag:$0x1] =	stream.linear.gather [hbm4b:s13+s14], $0x200, $0x38;
	[tilespmem:$0x1CA00] =	vst v63  }
0x4d: {  	s19 =	simm.s32 $0x4A18;
	s17 =	sadd.s32 $0x1D4C0, s4  }
0x4e: {  	[tilespmem:s19], [sflag:$0x1] =	stream.linear.gather [hbm4b:s17+s14], $0x200, $0x38;
	[tilespmem:$0x1CA00] =	vst v63  }
0x4f: {  	s20 =	sadd.s32 $0x27100, s4;
	s28 =	simm.s32 $0x4C20  }
0x50: {  	[tilespmem:s28], [sflag:$0x1] =	stream.linear.gather [hbm4b:s20+s14], $0x200, $0x38;
	[tilespmem:$0x1CA00] =	vst v63  }
0x51: {  	s13 =	sadd.s32 $0x30D40, s4;
	s15 =	simm.s32 $0x4E28  }
0x52: {  	[tilespmem:s15], [sflag:$0x1] =	stream.linear.gather [hbm4b:s13+s14], $0x200, $0x38;
	[tilespmem:$0x1CA00] =	vst v63  }
0x53: {  	s17 =	sadd.s32 $0x3A980, s4;
	s19 =	simm.s32 $0x5030  }
0x54: {  	[tilespmem:s19], [sflag:$0x1] =	stream.linear.gather [hbm4b:s17+s14], $0x200, $0x38;
	[tilespmem:$0x1CA00] =	vst v63  }
0x55: {  	s20 =	sadd.s32 $0x445C0, s4;
	s28 =	simm.s32 $0x5238  }
0x56: {  	[tilespmem:s28], [sflag:$0x1] =	stream.linear.gather [hbm4b:s20+s14], $0x200, $0x38;
	[tilespmem:$0x1CA00] =	vst v63  }
0x57: {  	s13 =	sadd.s32 $0x4E200, s4;
	s15 =	simm.s32 $0x5440  }
0x58: {  	[tilespmem:s15], [sflag:$0x1] =	stream.linear.gather [hbm4b:s13+s14], $0x200, $0x38;
	[tilespmem:$0x1CA00] =	vst v63  }
0x59: {  	s17 =	sadd.s32 $0x57E40, s4;
	s19 =	simm.s32 $0x5648  }
0x5a: {  	[tilespmem:s19], [sflag:$0x1] =	stream.linear.gather [hbm4b:s17+s14], $0x200, $0x38;
	[tilespmem:$0x1CA00] =	vst v63  }
0x5b: {  	s20 =	sadd.s32 $0x61A80, s4;
	s28 =	simm.s32 $0x5850  }
0x5c: {  	[tilespmem:s28], [sflag:$0x1] =	stream.linear.gather [hbm4b:s20+s14], $0x200, $0x38;
	[tilespmem:$0x1CA00] =	vst v63  }
0x5d: {  	s13 =	sadd.s32 $0x6B6C0, s4;
	s15 =	simm.s32 $0x5A58  }
0x5e: {  	[tilespmem:s15], [sflag:$0x1] =	stream.linear.gather [hbm4b:s13+s14], $0x200, $0x38;
	[tilespmem:$0x1CA00] =	vst v63  }
0x5f: {  	s17 =	sadd.s32 $0x75300, s4;
	s19 =	simm.s32 $0x5C60  }
0x60: {  	[tilespmem:s19], [sflag:$0x1] =	stream.linear.gather [hbm4b:s17+s14], $0x200, $0x38;
	[tilespmem:$0x1CA00] =	vst v63  }
0x61: {  	s20 =	sadd.s32 $0x7EF40, s4;
	s28 =	simm.s32 $0x5E68  }
0x62: {  	[tilespmem:s28], [sflag:$0x1] =	stream.linear.gather [hbm4b:s20+s14], $0x200, $0x38;
	[tilespmem:$0x1CA00] =	vst v63  }
0x63: {  	s13 =	sadd.s32 $0x88B80, s4;
	s15 =	simm.s32 $0x6070  }
0x64: {  	[tilespmem:s15], [sflag:$0x1] =	stream.linear.gather [hbm4b:s13+s14], $0x200, $0x38;
	[tilespmem:$0x1CA00] =	vst v63  }
0x65: {  	s17 =	sadd.s32 $0x927C0, s4;
	s19 =	simm.s32 $0x6278  }
0x66: {  	[tilespmem:s19], [sflag:$0x1] =	stream.linear.gather [hbm4b:s17+s14], $0x200, $0x38;
	[tilespmem:$0x1CA00] =	vst v63  }
0x67: {  	s20 =	rddreg [dreg:$0xb];
	s28 =	simm.s32 $0xA500  }
0x68: {  	[tilespmem:s28], [sflag:$0x4] =	stream.strided.gather [hbm4b:s20+s10], $0x400, s12, s10, $0x38;
	[tilespmem:$0x1CA00] =	vst v63  }
0x69: {  	s4 =	rddreg [dreg:$0xc]  }
0x6a: {  	[tilespmem:s29], [sflag:$0x4] =	stream.linear.gather [hbm4b:s4+s14], $0x200, $0x38;
	[tilespmem:$0x1CA00] =	vst v63  }
0x6b: {  	s13 =	sadd.s32 $0x9C40, s4;
	s15 =	simm.s32 $0xEB08  }
0x6c: {  	[tilespmem:s15], [sflag:$0x4] =	stream.linear.gather [hbm4b:s13+s14], $0x200, $0x38;
	[tilespmem:$0x1CA00] =	vst v63  }
0x6d: {  	s17 =	sadd.s32 $0x13880, s4;
	s19 =	simm.s32 $0xED10  }
0x6e: {  	[tilespmem:s19], [sflag:$0x4] =	stream.linear.gather [hbm4b:s17+s14], $0x200, $0x38;
	[tilespmem:$0x1CA00] =	vst v63  }
0x6f: {  	s20 =	sadd.s32 $0x1D4C0, s4;
	s28 =	simm.s32 $0xEF18  }
0x70: {  	[tilespmem:s28], [sflag:$0x4] =	stream.linear.gather [hbm4b:s20+s14], $0x200, $0x38;
	[tilespmem:$0x1CA00] =	vst v63  }
0x71: {  	s13 =	sadd.s32 $0x27100, s4;
	s15 =	simm.s32 $0xF120  }
0x72: {  	[tilespmem:s15], [sflag:$0x4] =	stream.linear.gather [hbm4b:s13+s14], $0x200, $0x38;
	[tilespmem:$0x1CA00] =	vst v63  }
0x73: {  	s17 =	sadd.s32 $0x30D40, s4;
	s19 =	simm.s32 $0xF328  }
0x74: {  	[tilespmem:s19], [sflag:$0x4] =	stream.linear.gather [hbm4b:s17+s14], $0x200, $0x38;
	[tilespmem:$0x1CA00] =	vst v63  }
0x75: {  	s20 =	sadd.s32 $0x3A980, s4;
	s28 =	simm.s32 $0xF530  }
0x76: {  	[tilespmem:s28], [sflag:$0x4] =	stream.linear.gather [hbm4b:s20+s14], $0x200, $0x38;
	[tilespmem:$0x1CA00] =	vst v63  }
0x77: {  	s13 =	sadd.s32 $0x445C0, s4;
	s15 =	simm.s32 $0xF738  }
0x78: {  	[tilespmem:s15], [sflag:$0x4] =	stream.linear.gather [hbm4b:s13+s14], $0x200, $0x38;
	[tilespmem:$0x1CA00] =	vst v63  }
0x79: {  	s17 =	sadd.s32 $0x4E200, s4;
	s19 =	simm.s32 $0xF940  }
0x7a: {  	[tilespmem:s19], [sflag:$0x4] =	stream.linear.gather [hbm4b:s17+s14], $0x200, $0x38;
	[tilespmem:$0x1CA00] =	vst v63  }
0x7b: {  	s20 =	sadd.s32 $0x57E40, s4;
	s28 =	simm.s32 $0xFB48  }
0x7c: {  	[tilespmem:s28], [sflag:$0x4] =	stream.linear.gather [hbm4b:s20+s14], $0x200, $0x38;
	[tilespmem:$0x1CA00] =	vst v63  }
0x7d: {  	s13 =	sadd.s32 $0x61A80, s4;
	s15 =	simm.s32 $0xFD50  }
0x7e: {  	[tilespmem:s15], [sflag:$0x4] =	stream.linear.gather [hbm4b:s13+s14], $0x200, $0x38;
	[tilespmem:$0x1CA00] =	vst v63  }
0x7f: {  	s17 =	sadd.s32 $0x6B6C0, s4;
	s19 =	simm.s32 $0xFF58  }
0x80: {  	[tilespmem:s19], [sflag:$0x4] =	stream.linear.gather [hbm4b:s17+s14], $0x200, $0x38;
	[tilespmem:$0x1CA00] =	vst v63  }
0x81: {  	s20 =	sadd.s32 $0x75300, s4;
	s28 =	simm.s32 $0x10160  }
0x82: {  	[tilespmem:s28], [sflag:$0x4] =	stream.linear.gather [hbm4b:s20+s14], $0x200, $0x38;
	[tilespmem:$0x1CA00] =	vst v63  }
0x83: {  	s13 =	sadd.s32 $0x7EF40, s4;
	s15 =	simm.s32 $0x10368  }
0x84: {  	[tilespmem:s15], [sflag:$0x4] =	stream.linear.gather [hbm4b:s13+s14], $0x200, $0x38;
	[tilespmem:$0x1CA00] =	vst v63  }
0x85: {  	s17 =	sadd.s32 $0x88B80, s4;
	s19 =	simm.s32 $0x10570  }
0x86: {  	[tilespmem:s19], [sflag:$0x4] =	stream.linear.gather [hbm4b:s17+s14], $0x200, $0x38;
	[tilespmem:$0x1CA00] =	vst v63  }
0x87: {  	s20 =	sadd.s32 $0x927C0, s4;
	s28 =	simm.s32 $0x10778;
	s4 =	simm.s32 $0x1  }
0x88: {  	[tilespmem:s28], [sflag:$0x4] =	stream.linear.gather [hbm4b:s20+s14], $0x200, $0x38;
	[tilespmem:$0x1CA00] =	vst v63  }
0x89: {  	_ =	swait.ge [sflag:s4], $0x400  }
0x8a: {  	[sflag:s4] =	ssyncset.done $0x0  }
0x8b: {  	[sflag:s4] =	ssyncadd.s32 $0xFFFFFC00  }
0x8c: {  	_ =	swait.ge [sflag:s4], $0x2000  }
0x8d: {  	[sflag:s4] =	ssyncset.done $0x0  }
0x8e: {  	s12 =	simm.s32 $0x400;
	[sflag:s4] =	ssyncadd.s32 $0xFFFFE000  }
0x8f: {  	[tilespmem:s12], [sflag:$0x2] =	stream.indirect.gather [hbm4b:s5+s30], $0x10, s14, s30, $0xb8;
	[tilespmem:$0x1CA00] =	vst v63  }
0x90: {  	s13 =	simm.s32 $0x2400  }
0x91: {  	[tilespmem:s13], [sflag:$0x2] =	stream.indirect.gather [hbm4b:s6+s30], $0x10, s10, s30, $0xb8;
	[tilespmem:$0x1CA00] =	vst v63  }
0x92: {  	s14 =	simm.s32 $0xC00  }
0x93: {  	[tilespmem:s14], [sflag:$0x2] =	stream.indirect.gather [hbm4b:s5+s30], $0x10, s30, s30, $0xb8;
	[tilespmem:$0x1CA00] =	vst v63  }
0x94: {  	s15 =	simm.s32 $0x2C00  }
0x95: {  	[tilespmem:s15], [sflag:$0x2] =	stream.indirect.gather [hbm4b:s6+s30], $0x10, s24, s30, $0xb8;
	[tilespmem:$0x1CA00] =	vst v63  }
0x96: {  	s17 =	simm.s32 $0x100;
	s19 =	simm.s32 $0x1400  }
0x97: {  	[tilespmem:s19], [sflag:$0x2] =	stream.indirect.gather [hbm4b:s5+s30], $0x10, s17, s30, $0xb8;
	[tilespmem:$0x1CA00] =	vst v63  }
0x98: {  	s20 =	simm.s32 $0x3400  }
0x99: {  	[tilespmem:s20], [sflag:$0x2] =	stream.indirect.gather [hbm4b:s6+s30], $0x10, s31, s30, $0xb8;
	[tilespmem:$0x1CA00] =	vst v63  }
.Ltmp4:
0x9a: {  	_ = 	snop;
	(pc) =	sbr.rel .LBB2_6-.Ltmp4, $4  }
0x9b: {  	s28 =	simm.s32 $0x1C00;
	s24 =	simm.s32 $0x180  }
0x9c: {  	[tilespmem:s28], [sflag:$0x2] =	stream.indirect.gather [hbm4b:s5+s30], $0x10, s24, s30, $0xb8;
	[tilespmem:$0x1CA00] =	vst v63  }
0x9d: {  	s12 =	simm.s32 $0x0;
	s31 =	simm.s32 $0x3C00  }
0x9e: {  	[tilespmem:s31], [sflag:$0x2] =	stream.indirect.gather [hbm4b:s6+s30], $0x10, s21, s30, $0xb8;
	[tilespmem:$0x1CA00] =	vst v63  }
.LBB2_12:
0x9f: {  	s12 =	sadd.s32 $0x1, s12  }
0xa0: {  	p0 =	sne.s32 s12, $0xA  }
.Ltmp5:
0xa1: {  	_ = 	snop;
	(pc) =	sbr.rel @!p0 .LBB2_13-.Ltmp5, $1  }
0xa2: {  	_ =	sdelay $0x3  }
.LBB2_6:
0xa3: {  	_ =	swait.ge [sflag:s22], $0x800  }
0xa4: {  	[sflag:s22] =	ssyncset.done $0x0  }
0xa5: {  	[sflag:s22] =	ssyncadd.s32 $0xFFFFF800  }
0xa6: {  	_ =	swait.ge [sflag:s22], $0x800  }
0xa7: {  	[sflag:s22] =	ssyncset.done $0x0  }
0xa8: {  	[sflag:s22] =	ssyncadd.s32 $0xFFFFF800  }
0xa9: {  	_ =	swait.ge [sflag:s22], $0x800  }
0xaa: {  	[sflag:s22] =	ssyncset.done $0x0  }
0xab: {  	[sflag:s22] =	ssyncadd.s32 $0xFFFFF800  }
0xac: {  	_ =	swait.ge [sflag:s22], $0x800  }
0xad: {  	[sflag:s22] =	ssyncset.done $0x0  }
0xae: {  	[sflag:s22] =	ssyncadd.s32 $0xFFFFF800  }
0xaf: {  	_ =	swait.ge [sflag:s22], $0x800  }
0xb0: {  	[sflag:s22] =	ssyncset.done $0x0  }
0xb1: {  	[sflag:s22] =	ssyncadd.s32 $0xFFFFF800  }
0xb2: {  	_ =	swait.ge [sflag:s22], $0x800  }
0xb3: {  	[sflag:s22] =	ssyncset.done $0x0  }
0xb4: {  	[sflag:s22] =	ssyncadd.s32 $0xFFFFF800  }
0xb5: {  	_ =	swait.ge [sflag:s22], $0x800  }
0xb6: {  	s14 =	sshll.u32 s12, $0x6;
	[sflag:s22] =	ssyncset.done $0x0;
	s0 =	rddreg [dreg:$0x6]  }
0xb7: {  	s13 =	sor.u32 s0, s14;
	[sflag:s22] =	ssyncadd.s32 $0xFFFFF800  }
0xb8: {  	s28 =	sor.u32 $0x20, s13;
	_ =	swait.ge [sflag:s22], $0x800  }
0xb9: {  	[sflag:s22] =	ssyncset.done $0x0;
	p1 =	sgt.u32 s28, $0x270  }
0xba: {  	[sflag:s22] =	ssyncadd.s32 $0xFFFFF800;
	s0 =	simm.s32 @!p1 $0x4  }
0xbb: {  	_ =	swait.ge @!p1 [sflag:s0], $0x400  }
0xbc: {  	[sflag:s0] =	ssyncset.done @!p1 $0x0  }
0xbd: {  	[sflag:s0] =	ssyncadd.s32 @!p1 $0xFFFFFC00  }
0xbe: {  	_ =	swait.ge @!p1 [sflag:s0], $0x2000  }
0xbf: {  	s4 =	simm.s32 @!p1 $0xA500;
	[sflag:s0] =	ssyncset.done @!p1 $0x0  }
0xc0: {  	s10 =	simm.s32 @!p1 $0xA900;
	[sflag:s0] =	ssyncadd.s32 @!p1 $0xFFFFE000;
	s0 =	simm.s32 @!p1 $0x80  }
0xc1: {  	[tilespmem:s10], [sflag:$0x5] =	stream.indirect.gather @!p1 [hbm4b:s5+s0], $0x10, s4, s0, $0xb8;
	[tilespmem:$0x1CA00] =	vst v63  }
0xc2: {  	s4 =	simm.s32 @!p1 $0xA700;
	s10 =	simm.s32 @!p1 $0xC900  }
0xc3: {  	[tilespmem:s10], [sflag:$0x5] =	stream.indirect.gather @!p1 [hbm4b:s6+s0], $0x10, s4, s0, $0xb8;
	[tilespmem:$0x1CA00] =	vst v63  }
0xc4: {  	s4 =	simm.s32 @!p1 $0xA580;
	s10 =	simm.s32 @!p1 $0xB100  }
0xc5: {  	[tilespmem:s10], [sflag:$0x5] =	stream.indirect.gather @!p1 [hbm4b:s5+s0], $0x10, s4, s0, $0xb8;
	[tilespmem:$0x1CA00] =	vst v63  }
0xc6: {  	s4 =	simm.s32 @!p1 $0xA780;
	s10 =	simm.s32 @!p1 $0xD100  }
0xc7: {  	[tilespmem:s10], [sflag:$0x5] =	stream.indirect.gather @!p1 [hbm4b:s6+s0], $0x10, s4, s0, $0xb8;
	[tilespmem:$0x1CA00] =	vst v63  }
0xc8: {  	s4 =	simm.s32 @!p1 $0xA600;
	s10 =	simm.s32 @!p1 $0xB900  }
0xc9: {  	[tilespmem:s10], [sflag:$0x5] =	stream.indirect.gather @!p1 [hbm4b:s5+s0], $0x10, s4, s0, $0xb8;
	[tilespmem:$0x1CA00] =	vst v63  }
0xca: {  	s4 =	simm.s32 @!p1 $0xA800;
	s10 =	simm.s32 @!p1 $0xD900  }
0xcb: {  	[tilespmem:s10], [sflag:$0x5] =	stream.indirect.gather @!p1 [hbm4b:s6+s0], $0x10, s4, s0, $0xb8;
	[tilespmem:$0x1CA00] =	vst v63  }
0xcc: {  	p0 =	seq.s32 s12, $0x0;
	s4 =	simm.s32 @!p1 $0xA680;
	s10 =	simm.s32 @!p1 $0xC100  }
0xcd: {  	[tilespmem:s10], [sflag:$0x5] =	stream.indirect.gather @!p1 [hbm4b:s5+s0], $0x10, s4, s0, $0xb8;
	[tilespmem:$0x1CA00] =	vst v63  }
0xce: {  	s15 =	simm.s32 $0x0;
	s4 =	simm.s32 @!p1 $0xA880;
	s10 =	simm.s32 @!p1 $0xE100  }
0xcf: {  	[tilespmem:s10], [sflag:$0x5] =	stream.indirect.gather @!p1 [hbm4b:s6+s0], $0x10, s4, s0, $0xb8;
	[tilespmem:$0x1CA00] =	vst v63  }
0xd0: {  	v3 =	vmov s15;
	s0 =	simm.s32 @!p0 $0x3  }
0xd1: {  	v3 =	vand.u32 $0x1FC, v3;
	_ =	swait.ge @!p0 [sflag:s0], $0x2000  }
0xd2: {  	v3 =	vadd.s32 v2, v3;
	[sflag:s0] =	ssyncset.done @!p0 $0x0  }
0xd3: {  	s17 =	simm.s32 $0x420;
	[sflag:s0] =	ssyncadd.s32 @!p0 $0xFFFFE000  }
0xd4: {  	s19 =	simm.s32 $0x2420;
	v4 =	vld [tilespmem:s17+$0xFFFFFFE0]  }
0xd5: {  	v5 =	vld [tilespmem:s19+$0xFFFFFFE0];
	_ =	sdelay $0x1  }
0xd6: {  	v6 =	vld.idx.msk [tilespmem:v3+s26+$0x0], $0xffff;
	_ =	sdelay $0x2  }
0xd7: {  	v4 =	vadd.f32 v5, v4  }
0xd8: {  	s20 =	simm.s32 $0x1  }
0xd9: {  	v5 =	vmov s20;
	v4 =	vadd.f32 v4, v6  }
0xda: {  	s20 =	simm.s32 $0x64A0;
	v5 =	vand.u32 $0x1FD, v5  }
0xdb: {  	v5 =	vadd.s32 v2, v5;
	[tilespmem:s20+$0xFFFFFFE0] =	vst v4  }
0xdc: {  	[tilespmem:v3+s25+$0x0] =	vst.idx.msk $0xffff, v4  }
0xdd: {  	v3 =	vld [tilespmem:s17+$0xFFFFFFF0]  }
0xde: {  	v4 =	vld [tilespmem:s19+$0xFFFFFFF0];
	_ =	sdelay $0x1  }
0xdf: {  	v6 =	vld.idx.msk [tilespmem:v5+s26+$0x0], $0xffff;
	_ =	sdelay $0x2  }
0xe0: {  	v3 =	vadd.f32 v4, v3  }
0xe1: {  	s21 =	simm.s32 $0x2  }
0xe2: {  	v4 =	vmov s21;
	v3 =	vadd.f32 v3, v6  }
0xe3: {  	v4 =	vand.u32 $0x1FE, v4  }
0xe4: {  	v4 =	vadd.s32 v2, v4;
	[tilespmem:s20+$0xFFFFFFF0] =	vst v3  }
0xe5: {  	[tilespmem:v5+s25+$0x0] =	vst.idx.msk $0xffff, v3  }
0xe6: {  	v3 =	vld [tilespmem:s17+$0x0]  }
0xe7: {  	v5 =	vld [tilespmem:s19+$0x0];
	_ =	sdelay $0x1  }
0xe8: {  	v6 =	vld.idx.msk [tilespmem:v4+s26+$0x0], $0xffff;
	_ =	sdelay $0x2  }
0xe9: {  	v3 =	vadd.f32 v5, v3  }
0xea: {  	s24 =	simm.s32 $0x3  }
0xeb: {  	v5 =	vmov s24;
	v6 =	vadd.f32 v3, v6  }
0xec: {  	v3 =	vand.u32 $0x1FF, v5  }
0xed: {  	v3 =	vadd.s32 v2, v3;
	[tilespmem:s20+$0x0] =	vst v6  }
0xee: {  	[tilespmem:v4+s25+$0x0] =	vst.idx.msk $0xffff, v6  }
0xef: {  	v5 =	vld [tilespmem:s17+$0x10]  }
0xf0: {  	v6 =	vld [tilespmem:s19+$0x10];
	_ =	sdelay $0x1  }
0xf1: {  	s10 =	simm.s32 $0x460;
	s31 =	rddreg [dreg:$0xd];
	s17 =	simm.s32 $0x4;
	v4 =	vld.idx.msk [tilespmem:v3+s26+$0x0], $0xffff  }
0xf2: {  	s15 =	sadd.s32 s31, s14;
	s0 =	simm.s32 $0x8;
	s24 =	simm.s32 $0x64A0;
	v7 =	vmov s17  }
.LBB2_7:
0xf3: {  	s19 =	sadd.s32 $0x40, s19  }
0xf4: {  	v7 =	vand.u32 $0x1FC, v7;
	v5 =	vadd.f32 v6, v5;
	s20 =	sadd.s32 $0x40, s20;
	s31 =	smov.u32 s0;
	s4 =	sadd.s32 $0x4, s0  }
0xf5: {  	p2 =	slt.u32 s0, $0x1FC;
	v6 =	vadd.s32 v2, v7  }
0xf6: {  	v4 =	vadd.f32 v5, v4;
	_ =	sdelay $0x1  }
0xf7: {  	[tilespmem:s24+$0x10] =	vst v4;
	s24 =	smov.u32 s20  }
0xf8: {  	[tilespmem:v3+s25+$0x0] =	vst.idx.msk $0xffff, v4  }
0xf9: {  	v3 =	vld [tilespmem:s10+$0xFFFFFFE0]  }
0xfa: {  	v4 =	vld [tilespmem:s19+$0xFFFFFFE0]  }
0xfb: {  	v5 =	vld.idx.msk [tilespmem:v6+s26+$0x0], $0xffff;
	_ =	sdelay $0x3  }
0xfc: {  	s0 =	sadd.s32 $0x1, s17;
	v3 =	vadd.f32 v4, v3  }
0xfd: {  	v4 =	vmov s0  }
0xfe: {  	v4 =	vand.u32 $0x1FD, v4;
	v3 =	vadd.f32 v3, v5  }
0xff: {  	v4 =	vadd.s32 v2, v4  }
0x100: {  	[tilespmem:s20+$0xFFFFFFE0] =	vst v3  }
0x101: {  	[tilespmem:v6+s25+$0x0] =	vst.idx.msk $0xffff, v3  }
0x102: {  	v3 =	vld [tilespmem:s10+$0xFFFFFFF0]  }
0x103: {  	v5 =	vld [tilespmem:s19+$0xFFFFFFF0]  }
0x104: {  	v6 =	vld.idx.msk [tilespmem:v4+s26+$0x0], $0xffff;
	_ =	sdelay $0x3  }
0x105: {  	s0 =	sadd.s32 $0x2, s17;
	v3 =	vadd.f32 v5, v3  }
0x106: {  	v5 =	vmov s0  }
0x107: {  	v5 =	vand.u32 $0x1FE, v5;
	v3 =	vadd.f32 v3, v6  }
0x108: {  	v5 =	vadd.s32 v2, v5  }
0x109: {  	[tilespmem:s20+$0xFFFFFFF0] =	vst v3  }
0x10a: {  	[tilespmem:v4+s25+$0x0] =	vst.idx.msk $0xffff, v3  }
0x10b: {  	v3 =	vld [tilespmem:s10+$0x0]  }
0x10c: {  	v4 =	vld [tilespmem:s19+$0x0]  }
0x10d: {  	v6 =	vld.idx.msk [tilespmem:v5+s26+$0x0], $0xffff;
	_ =	sdelay $0x3  }
0x10e: {  	s0 =	sadd.s32 $0x3, s17;
	s17 =	smov.u32 s31;
	v3 =	vadd.f32 v4, v3  }
0x10f: {  	v4 =	vmov s0  }
0x110: {  	v6 =	vadd.f32 v3, v6;
	v3 =	vand.u32 $0x1FF, v4  }
0x111: {  	v3 =	vadd.s32 v2, v3  }
0x112: {  	[tilespmem:s20+$0x0] =	vst v6  }
0x113: {  	[tilespmem:v5+s25+$0x0] =	vst.idx.msk $0xffff, v6  }
0x114: {  	v5 =	vld [tilespmem:s10+$0x10]  }
.Ltmp6:
0x115: {  	v6 =	vld [tilespmem:s19+$0x10];
	(pc) =	sbr.rel @p2 .LBB2_7-.Ltmp6, $2  }
0x116: {  	v4 =	vld.idx.msk [tilespmem:v3+s26+$0x0], $0xffff;
	_ =	sdelay $0x2  }
0x117: {  	v7 =	vmov s17;
	s0 =	smov.u32 s4;
	s10 =	sadd.s32 $0x40, s10  }
0x118: {  	v5 =	vadd.f32 v6, v5;
	_ =	sdelay $0x1  }
0x119: {  	v4 =	vadd.f32 v5, v4  }
0x11a: {  	v56 =	vand.u32 $0x1FC, v7  }
0x11b: {  	v5 =	vadd.s32 v2, v56;
	[tilespmem:s24+$0x10] =	vst v4  }
0x11c: {  	[tilespmem:v3+s25+$0x0] =	vst.idx.msk $0xffff, v4  }
0x11d: {  	s0 =	sadd.s32 $0x40, s19;
	v3 =	vld [tilespmem:s10+$0xFFFFFFE0]  }
0x11e: {  	v4 =	vld [tilespmem:s0+$0xFFFFFFE0];
	_ =	sdelay $0x1  }
0x11f: {  	v57 =	vld.idx.msk [tilespmem:v5+s26+$0x0], $0xffff;
	_ =	sdelay $0x2  }
0x120: {  	v3 =	vadd.f32 v4, v3  }
0x121: {  	s4 =	sadd.s32 $0x1, s17  }
0x122: {  	v58 =	vmov s4;
	v3 =	vadd.f32 v3, v57  }
0x123: {  	s20 =	sadd.s32 $0x40, s20;
	v4 =	vand.u32 $0x1FD, v58  }
0x124: {  	v4 =	vadd.s32 v2, v4;
	[tilespmem:s20+$0xFFFFFFE0] =	vst v3  }
0x125: {  	[tilespmem:v5+s25+$0x0] =	vst.idx.msk $0xffff, v3  }
0x126: {  	v3 =	vld [tilespmem:s10+$0xFFFFFFF0]  }
0x127: {  	v5 =	vld [tilespmem:s0+$0xFFFFFFF0];
	_ =	sdelay $0x1  }
0x128: {  	v59 =	vld.idx.msk [tilespmem:v4+s26+$0x0], $0xffff;
	_ =	sdelay $0x2  }
0x129: {  	v3 =	vadd.f32 v5, v3  }
0x12a: {  	s21 =	sadd.s32 $0x2, s17  }
0x12b: {  	v60 =	vmov s21;
	v3 =	vadd.f32 v3, v59  }
0x12c: {  	v5 =	vand.u32 $0x1FE, v60  }
0x12d: {  	v5 =	vadd.s32 v2, v5;
	[tilespmem:s20+$0xFFFFFFF0] =	vst v3  }
0x12e: {  	[tilespmem:v4+s25+$0x0] =	vst.idx.msk $0xffff, v3  }
0x12f: {  	v3 =	vld [tilespmem:s10+$0x0]  }
0x130: {  	v4 =	vld [tilespmem:s0+$0x0];
	_ =	sdelay $0x1  }
0x131: {  	v61 =	vld.idx.msk [tilespmem:v5+s26+$0x0], $0xffff;
	_ =	sdelay $0x2  }
0x132: {  	v3 =	vadd.f32 v4, v3  }
0x133: {  	s24 =	sadd.s32 $0x3, s17  }
0x134: {  	v62 =	vmov s24;
	v3 =	vadd.f32 v3, v61  }
0x135: {  	v4 =	vand.u32 $0x1FF, v62  }
0x136: {  	v4 =	vadd.s32 v2, v4;
	[tilespmem:s20+$0x0] =	vst v3  }
0x137: {  	[tilespmem:v5+s25+$0x0] =	vst.idx.msk $0xffff, v3  }
0x138: {  	v3 =	vld [tilespmem:s10+$0x10]  }
0x139: {  	v5 =	vld [tilespmem:s0+$0x10];
	_ =	sdelay $0x1  }
0x13a: {  	v63 =	vld.idx.msk [tilespmem:v4+s26+$0x0], $0xffff;
	_ =	sdelay $0x2  }
0x13b: {  	v3 =	vadd.f32 v5, v3;
	_ =	sdelay $0x1  }
0x13c: {  	v3 =	vadd.f32 v3, v63;
	_ =	sdelay $0x1  }
0x13d: {  	s10 =	sshll.u32 s13, $0x6;
	[tilespmem:s20+$0x10] =	vst v3  }
0x13e: {  	s0 =	sadd.s32 s9, s10;
	[tilespmem:v4+s25+$0x0] =	vst.idx.msk $0xffff, v3  }
0x13f: {  	[hbm4b:s0+s3] =	stream.linear.scatter [tilespmem:s25], [sflag:$0x3], $0x200, $0x38;
	[tilespmem:$0x1CA00] =	vst v63  }
0x140: {  	s17 =	simm.s32 $0x8688;
	s13 =	sadd.s32 $0x9C40, s0  }
0x141: {  	[hbm4b:s13+s3] =	stream.linear.scatter [tilespmem:s17], [sflag:$0x3], $0x200, $0x38;
	[tilespmem:$0x1CA00] =	vst v63  }
0x142: {  	s19 =	sadd.s32 $0x13880, s0;
	s20 =	simm.s32 $0x8890  }
0x143: {  	[hbm4b:s19+s3] =	stream.linear.scatter [tilespmem:s20], [sflag:$0x3], $0x200, $0x38;
	[tilespmem:$0x1CA00] =	vst v63  }
0x144: {  	s24 =	simm.s32 $0x8A98;
	s21 =	sadd.s32 $0x1D4C0, s0  }
0x145: {  	[hbm4b:s21+s3] =	stream.linear.scatter [tilespmem:s24], [sflag:$0x3], $0x200, $0x38;
	[tilespmem:$0x1CA00] =	vst v63  }
0x146: {  	s13 =	sadd.s32 $0x27100, s0;
	s17 =	simm.s32 $0x8CA0  }
0x147: {  	[hbm4b:s13+s3] =	stream.linear.scatter [tilespmem:s17], [sflag:$0x3], $0x200, $0x38;
	[tilespmem:$0x1CA00] =	vst v63  }
0x148: {  	s19 =	sadd.s32 $0x30D40, s0;
	s20 =	simm.s32 $0x8EA8  }
0x149: {  	[hbm4b:s19+s3] =	stream.linear.scatter [tilespmem:s20], [sflag:$0x3], $0x200, $0x38;
	[tilespmem:$0x1CA00] =	vst v63  }
0x14a: {  	s21 =	sadd.s32 $0x3A980, s0;
	s24 =	simm.s32 $0x90B0  }
0x14b: {  	[hbm4b:s21+s3] =	stream.linear.scatter [tilespmem:s24], [sflag:$0x3], $0x200, $0x38;
	[tilespmem:$0x1CA00] =	vst v63  }
0x14c: {  	s13 =	sadd.s32 $0x445C0, s0;
	s17 =	simm.s32 $0x92B8  }
0x14d: {  	[hbm4b:s13+s3] =	stream.linear.scatter [tilespmem:s17], [sflag:$0x3], $0x200, $0x38;
	[tilespmem:$0x1CA00] =	vst v63  }
0x14e: {  	s19 =	sadd.s32 $0x4E200, s0;
	s20 =	simm.s32 $0x94C0  }
0x14f: {  	[hbm4b:s19+s3] =	stream.linear.scatter [tilespmem:s20], [sflag:$0x3], $0x200, $0x38;
	[tilespmem:$0x1CA00] =	vst v63  }
0x150: {  	s21 =	sadd.s32 $0x57E40, s0;
	s24 =	simm.s32 $0x96C8  }
0x151: {  	[hbm4b:s21+s3] =	stream.linear.scatter [tilespmem:s24], [sflag:$0x3], $0x200, $0x38;
	[tilespmem:$0x1CA00] =	vst v63  }
0x152: {  	s13 =	sadd.s32 $0x61A80, s0;
	s17 =	simm.s32 $0x98D0  }
0x153: {  	[hbm4b:s13+s3] =	stream.linear.scatter [tilespmem:s17], [sflag:$0x3], $0x200, $0x38;
	[tilespmem:$0x1CA00] =	vst v63  }
0x154: {  	s19 =	sadd.s32 $0x6B6C0, s0;
	s20 =	simm.s32 $0x9AD8  }
0x155: {  	[hbm4b:s19+s3] =	stream.linear.scatter [tilespmem:s20], [sflag:$0x3], $0x200, $0x38;
	[tilespmem:$0x1CA00] =	vst v63  }
0x156: {  	s21 =	sadd.s32 $0x75300, s0;
	s24 =	simm.s32 $0x9CE0  }
0x157: {  	[hbm4b:s21+s3] =	stream.linear.scatter [tilespmem:s24], [sflag:$0x3], $0x200, $0x38;
	[tilespmem:$0x1CA00] =	vst v63  }
0x158: {  	s10 =	sadd.s32 $0x7EF40, s0;
	s13 =	simm.s32 $0x9EE8  }
0x159: {  	[hbm4b:s10+s3] =	stream.linear.scatter [tilespmem:s13], [sflag:$0x3], $0x200, $0x38;
	[tilespmem:$0x1CA00] =	vst v63  }
0x15a: {  	s17 =	sadd.s32 $0x88B80, s0;
	s19 =	simm.s32 $0xA0F0  }
0x15b: {  	[hbm4b:s17+s3] =	stream.linear.scatter [tilespmem:s19], [sflag:$0x3], $0x200, $0x38;
	[tilespmem:$0x1CA00] =	vst v63  }
0x15c: {  	s0 =	sadd.s32 $0x927C0, s0;
	s20 =	simm.s32 $0xA2F8  }
0x15d: {  	[hbm4b:s0+s3] =	stream.linear.scatter [tilespmem:s20], [sflag:$0x3], $0x200, $0x38;
	[tilespmem:$0x1CA00] =	vst v63  }
0x15e: {  	s21 =	simm.s32 $0x200;
	s24 =	simm.s32 $0x6480  }
0x15f: {  	[spmem:s1] =	stream.indirect.scatter.add.f32 [tilespmem:s24], [sflag:$0x7], $0x10, s21, s30, $0xb8;
	[tilespmem:$0x1CA00] =	vst v63  }
0x160: {  	_ =	swait.ge [sflag:s23], $0x800  }
0x161: {  	[sflag:s23] =	ssyncset.done $0x0  }
0x162: {  	[sflag:s23] =	ssyncadd.s32 $0xFFFFF800  }
0x163: {  	[spmem:s2] =	stream.indirect.scatter.add.f32 [tilespmem:s11], [sflag:$0x7], $0x10, s21, s30, $0xb8;
	[tilespmem:$0x1CA00] =	vst v63  }
0x164: {  	_ =	swait.ge [sflag:s23], $0x800  }
0x165: {  	[sflag:s23] =	ssyncset.done $0x0  }
0x166: {  	s10 =	simm.s32 $0x280;
	s13 =	simm.s32 $0x6C80;
	[sflag:s23] =	ssyncadd.s32 $0xFFFFF800  }
0x167: {  	[spmem:s1] =	stream.indirect.scatter.add.f32 [tilespmem:s13], [sflag:$0x7], $0x10, s10, s30, $0xb8;
	[tilespmem:$0x1CA00] =	vst v63  }
0x168: {  	_ =	swait.ge [sflag:s23], $0x800  }
0x169: {  	[sflag:s23] =	ssyncset.done $0x0  }
0x16a: {  	[sflag:s23] =	ssyncadd.s32 $0xFFFFF800  }
0x16b: {  	[spmem:s2] =	stream.indirect.scatter.add.f32 [tilespmem:s11], [sflag:$0x7], $0x10, s10, s30, $0xb8;
	[tilespmem:$0x1CA00] =	vst v63  }
0x16c: {  	_ =	swait.ge [sflag:s23], $0x800  }
0x16d: {  	[sflag:s23] =	ssyncset.done $0x0  }
0x16e: {  	s17 =	simm.s32 $0x300;
	s19 =	simm.s32 $0x7480;
	[sflag:s23] =	ssyncadd.s32 $0xFFFFF800  }
0x16f: {  	[spmem:s1] =	stream.indirect.scatter.add.f32 [tilespmem:s19], [sflag:$0x7], $0x10, s17, s30, $0xb8;
	[tilespmem:$0x1CA00] =	vst v63  }
0x170: {  	_ =	swait.ge [sflag:s23], $0x800  }
0x171: {  	[sflag:s23] =	ssyncset.done $0x0  }
0x172: {  	[sflag:s23] =	ssyncadd.s32 $0xFFFFF800  }
0x173: {  	[spmem:s2] =	stream.indirect.scatter.add.f32 [tilespmem:s11], [sflag:$0x7], $0x10, s17, s30, $0xb8;
	[tilespmem:$0x1CA00] =	vst v63  }
0x174: {  	_ =	swait.ge [sflag:s23], $0x800  }
0x175: {  	[sflag:s23] =	ssyncset.done $0x0  }
0x176: {  	s20 =	simm.s32 $0x380;
	s21 =	simm.s32 $0x7C80;
	[sflag:s23] =	ssyncadd.s32 $0xFFFFF800  }
0x177: {  	[spmem:s1] =	stream.indirect.scatter.add.f32 [tilespmem:s21], [sflag:$0x7], $0x10, s20, s30, $0xb8;
	[tilespmem:$0x1CA00] =	vst v63  }
0x178: {  	_ =	swait.ge [sflag:s23], $0x800  }
0x179: {  	[sflag:s23] =	ssyncset.done $0x0  }
0x17a: {  	p2 =	sgt.u32 s15, $0x270;
	[sflag:s23] =	ssyncadd.s32 $0xFFFFF800  }
0x17b: {  	[spmem:s2] =	stream.indirect.scatter.add.f32 [tilespmem:s11], [sflag:$0x7], $0x10, s20, s30, $0xb8;
	[tilespmem:$0x1CA00] =	vst v63  }
0x17c: {  	s4 =	sshll.u32 @!p2 s15, $0x6;
	_ =	swait.ge [sflag:s23], $0x800  }
0x17d: {  	s15 =	simm.s32 @!p2 $0x4E200;
	s0 =	simm.s32 @!p2 $0x200;
	[sflag:s23] =	ssyncset.done $0x0  }
0x17e: {  	s13 =	sadd.s32 @!p2 s8, s4;
	s10 =	simm.s32 @!p2 $0x0;
	[sflag:s23] =	ssyncadd.s32 $0xFFFFF800  }
0x17f: {  	[tilespmem:s10], [sflag:$0x1] =	stream.strided.gather @!p2 [hbm4b:s13+s0], $0x400, s15, s0, $0x38;
	[tilespmem:$0x1CA00] =	vst v63  }
0x180: {  	s4 =	sadd.s32 @!p2 s7, s4;
	s13 =	simm.s32 @!p2 $0x4400  }
0x181: {  	[tilespmem:s13], [sflag:$0x1] =	stream.linear.gather @!p2 [hbm4b:s4+s10], $0x200, $0x38;
	[tilespmem:$0x1CA00] =	vst v63  }
0x182: {  	s15 =	simm.s32 @!p2 $0x4608;
	s13 =	sadd.s32 @!p2 $0x9C40, s4  }
0x183: {  	[tilespmem:s15], [sflag:$0x1] =	stream.linear.gather @!p2 [hbm4b:s13+s10], $0x200, $0x38;
	[tilespmem:$0x1CA00] =	vst v63  }
0x184: {  	s13 =	sadd.s32 @!p2 $0x13880, s4;
	s15 =	simm.s32 @!p2 $0x4810  }
0x185: {  	[tilespmem:s15], [sflag:$0x1] =	stream.linear.gather @!p2 [hbm4b:s13+s10], $0x200, $0x38;
	[tilespmem:$0x1CA00] =	vst v63  }
0x186: {  	s13 =	sadd.s32 @!p2 $0x1D4C0, s4;
	s15 =	simm.s32 @!p2 $0x4A18  }
0x187: {  	[tilespmem:s15], [sflag:$0x1] =	stream.linear.gather @!p2 [hbm4b:s13+s10], $0x200, $0x38;
	[tilespmem:$0x1CA00] =	vst v63  }
0x188: {  	s13 =	sadd.s32 @!p2 $0x27100, s4;
	s15 =	simm.s32 @!p2 $0x4C20  }
0x189: {  	[tilespmem:s15], [sflag:$0x1] =	stream.linear.gather @!p2 [hbm4b:s13+s10], $0x200, $0x38;
	[tilespmem:$0x1CA00] =	vst v63  }
0x18a: {  	s13 =	sadd.s32 @!p2 $0x30D40, s4;
	s15 =	simm.s32 @!p2 $0x4E28  }
0x18b: {  	[tilespmem:s15], [sflag:$0x1] =	stream.linear.gather @!p2 [hbm4b:s13+s10], $0x200, $0x38;
	[tilespmem:$0x1CA00] =	vst v63  }
0x18c: {  	s13 =	sadd.s32 @!p2 $0x3A980, s4;
	s15 =	simm.s32 @!p2 $0x5030  }
0x18d: {  	[tilespmem:s15], [sflag:$0x1] =	stream.linear.gather @!p2 [hbm4b:s13+s10], $0x200, $0x38;
	[tilespmem:$0x1CA00] =	vst v63  }
0x18e: {  	s13 =	sadd.s32 @!p2 $0x445C0, s4;
	s15 =	simm.s32 @!p2 $0x5238  }
0x18f: {  	[tilespmem:s15], [sflag:$0x1] =	stream.linear.gather @!p2 [hbm4b:s13+s10], $0x200, $0x38;
	[tilespmem:$0x1CA00] =	vst v63  }
0x190: {  	s13 =	sadd.s32 @!p2 $0x4E200, s4;
	s15 =	simm.s32 @!p2 $0x5440  }
0x191: {  	[tilespmem:s15], [sflag:$0x1] =	stream.linear.gather @!p2 [hbm4b:s13+s10], $0x200, $0x38;
	[tilespmem:$0x1CA00] =	vst v63  }
0x192: {  	s13 =	sadd.s32 @!p2 $0x57E40, s4;
	s15 =	simm.s32 @!p2 $0x5648  }
0x193: {  	[tilespmem:s15], [sflag:$0x1] =	stream.linear.gather @!p2 [hbm4b:s13+s10], $0x200, $0x38;
	[tilespmem:$0x1CA00] =	vst v63  }
0x194: {  	s13 =	sadd.s32 @!p2 $0x61A80, s4;
	s15 =	simm.s32 @!p2 $0x5850  }
0x195: {  	[tilespmem:s15], [sflag:$0x1] =	stream.linear.gather @!p2 [hbm4b:s13+s10], $0x200, $0x38;
	[tilespmem:$0x1CA00] =	vst v63  }
0x196: {  	s13 =	sadd.s32 @!p2 $0x6B6C0, s4;
	s15 =	simm.s32 @!p2 $0x5A58  }
0x197: {  	[tilespmem:s15], [sflag:$0x1] =	stream.linear.gather @!p2 [hbm4b:s13+s10], $0x200, $0x38;
	[tilespmem:$0x1CA00] =	vst v63  }
0x198: {  	s13 =	sadd.s32 @!p2 $0x75300, s4;
	s15 =	simm.s32 @!p2 $0x5C60  }
0x199: {  	[tilespmem:s15], [sflag:$0x1] =	stream.linear.gather @!p2 [hbm4b:s13+s10], $0x200, $0x38;
	[tilespmem:$0x1CA00] =	vst v63  }
0x19a: {  	s13 =	sadd.s32 @!p2 $0x7EF40, s4;
	s15 =	simm.s32 @!p2 $0x5E68  }
0x19b: {  	[tilespmem:s15], [sflag:$0x1] =	stream.linear.gather @!p2 [hbm4b:s13+s10], $0x200, $0x38;
	[tilespmem:$0x1CA00] =	vst v63  }
.Ltmp7:
0x19c: {  	s31 =	simm.s32 $0x300;
	(pc) =	sbr.rel @p1 .LBB2_12-.Ltmp7, $4  }
0x19d: {  	s24 =	simm.s32 $0x280;
	s13 =	sadd.s32 @!p2 $0x88B80, s4;
	s15 =	simm.s32 @!p2 $0x6070  }
0x19e: {  	[tilespmem:s15], [sflag:$0x1] =	stream.linear.gather @!p2 [hbm4b:s13+s10], $0x200, $0x38;
	[tilespmem:$0x1CA00] =	vst v63  }
0x19f: {  	s21 =	simm.s32 $0x380;
	s4 =	sadd.s32 @!p2 $0x927C0, s4;
	s13 =	simm.s32 @!p2 $0x6278  }
0x1a0: {  	[tilespmem:s13], [sflag:$0x1] =	stream.linear.gather @!p2 [hbm4b:s4+s10], $0x200, $0x38;
	[tilespmem:$0x1CA00] =	vst v63  }
0x1a1: {  	_ =	swait.ge [sflag:s16], $0x800  }
0x1a2: {  	[sflag:s16] =	ssyncset.done $0x0  }
0x1a3: {  	[sflag:s16] =	ssyncadd.s32 $0xFFFFF800  }
0x1a4: {  	_ =	swait.ge [sflag:s16], $0x800  }
0x1a5: {  	[sflag:s16] =	ssyncset.done $0x0  }
0x1a6: {  	[sflag:s16] =	ssyncadd.s32 $0xFFFFF800  }
0x1a7: {  	_ =	swait.ge [sflag:s16], $0x800  }
0x1a8: {  	[sflag:s16] =	ssyncset.done $0x0  }
0x1a9: {  	[sflag:s16] =	ssyncadd.s32 $0xFFFFF800  }
0x1aa: {  	_ =	swait.ge [sflag:s16], $0x800  }
0x1ab: {  	[sflag:s16] =	ssyncset.done $0x0  }
0x1ac: {  	[sflag:s16] =	ssyncadd.s32 $0xFFFFF800  }
0x1ad: {  	_ =	swait.ge [sflag:s16], $0x800  }
0x1ae: {  	[sflag:s16] =	ssyncset.done $0x0  }
0x1af: {  	[sflag:s16] =	ssyncadd.s32 $0xFFFFF800  }
0x1b0: {  	_ =	swait.ge [sflag:s16], $0x800  }
0x1b1: {  	[sflag:s16] =	ssyncset.done $0x0  }
0x1b2: {  	[sflag:s16] =	ssyncadd.s32 $0xFFFFF800  }
0x1b3: {  	_ =	swait.ge [sflag:s16], $0x800  }
0x1b4: {  	[sflag:s16] =	ssyncset.done $0x0  }
0x1b5: {  	[sflag:s16] =	ssyncadd.s32 $0xFFFFF800  }
0x1b6: {  	_ =	swait.ge [sflag:s16], $0x800  }
0x1b7: {  	[sflag:s16] =	ssyncset.done $0x0  }
0x1b8: {  	s4 =	simm.s32 @!p2 $0x1;
	[sflag:s16] =	ssyncadd.s32 $0xFFFFF800  }
0x1b9: {  	_ =	swait.ge @!p2 [sflag:s4], $0x400  }
0x1ba: {  	[sflag:s4] =	ssyncset.done @!p2 $0x0  }
0x1bb: {  	[sflag:s4] =	ssyncadd.s32 @!p2 $0xFFFFFC00  }
0x1bc: {  	_ =	swait.ge @!p2 [sflag:s4], $0x2000  }
0x1bd: {  	[sflag:s4] =	ssyncset.done @!p2 $0x0  }
0x1be: {  	s13 =	simm.s32 @!p2 $0x400;
	[sflag:s4] =	ssyncadd.s32 @!p2 $0xFFFFE000;
	s4 =	simm.s32 @!p2 $0x80  }
0x1bf: {  	[tilespmem:s13], [sflag:$0x2] =	stream.indirect.gather @!p2 [hbm4b:s5+s4], $0x10, s10, s4, $0xb8;
	[tilespmem:$0x1CA00] =	vst v63  }
0x1c0: {  	s10 =	simm.s32 @!p2 $0x2400  }
0x1c1: {  	[tilespmem:s10], [sflag:$0x2] =	stream.indirect.gather @!p2 [hbm4b:s6+s4], $0x10, s0, s4, $0xb8;
	[tilespmem:$0x1CA00] =	vst v63  }
0x1c2: {  	s0 =	simm.s32 @!p2 $0xC00  }
0x1c3: {  	[tilespmem:s0], [sflag:$0x2] =	stream.indirect.gather @!p2 [hbm4b:s5+s4], $0x10, s4, s4, $0xb8;
	[tilespmem:$0x1CA00] =	vst v63  }
0x1c4: {  	s10 =	simm.s32 @!p2 $0x2C00;
	s0 =	simm.s32 @!p2 $0x280  }
0x1c5: {  	[tilespmem:s10], [sflag:$0x2] =	stream.indirect.gather @!p2 [hbm4b:s6+s4], $0x10, s0, s4, $0xb8;
	[tilespmem:$0x1CA00] =	vst v63  }
0x1c6: {  	s0 =	simm.s32 @!p2 $0x100;
	s10 =	simm.s32 @!p2 $0x1400  }
0x1c7: {  	[tilespmem:s10], [sflag:$0x2] =	stream.indirect.gather @!p2 [hbm4b:s5+s4], $0x10, s0, s4, $0xb8;
	[tilespmem:$0x1CA00] =	vst v63  }
0x1c8: {  	s0 =	simm.s32 @!p2 $0x300;
	s10 =	simm.s32 @!p2 $0x3400  }
0x1c9: {  	[tilespmem:s10], [sflag:$0x2] =	stream.indirect.gather @!p2 [hbm4b:s6+s4], $0x10, s0, s4, $0xb8;
	[tilespmem:$0x1CA00] =	vst v63  }
0x1ca: {  	s0 =	simm.s32 @!p2 $0x180;
	s10 =	simm.s32 @!p2 $0x1C00  }
0x1cb: {  	[tilespmem:s10], [sflag:$0x2] =	stream.indirect.gather @!p2 [hbm4b:s5+s4], $0x10, s0, s4, $0xb8;
	[tilespmem:$0x1CA00] =	vst v63  }
0x1cc: {  	s19 =	simm.s32 $0x0;
	s0 =	simm.s32 @!p2 $0x380;
	s10 =	simm.s32 @!p2 $0x3C00  }
0x1cd: {  	[tilespmem:s10], [sflag:$0x2] =	stream.indirect.gather @!p2 [hbm4b:s6+s4], $0x10, s0, s4, $0xb8;
	[tilespmem:$0x1CA00] =	vst v63  }
0x1ce: {  	v3 =	vmov s19;
	s4 =	simm.s32 @!p0 $0x6  }
0x1cf: {  	v3 =	vand.u32 $0x1FC, v3;
	_ =	swait.ge @!p0 [sflag:s4], $0x2000  }
0x1d0: {  	v3 =	vadd.s32 v2, v3;
	[sflag:s4] =	ssyncset.done @!p0 $0x0  }
0x1d1: {  	s20 =	simm.s32 $0xA920;
	[sflag:s4] =	ssyncadd.s32 @!p0 $0xFFFFE000  }
0x1d2: {  	s15 =	simm.s32 $0xC920;
	v4 =	vld [tilespmem:s20+$0xFFFFFFE0]  }
0x1d3: {  	v5 =	vld [tilespmem:s15+$0xFFFFFFE0];
	_ =	sdelay $0x1  }
0x1d4: {  	v6 =	vld.idx.msk [tilespmem:v3+s29+$0x0], $0xffff;
	_ =	sdelay $0x2  }
0x1d5: {  	v4 =	vadd.f32 v5, v4  }
0x1d6: {  	s10 =	simm.s32 $0x1  }
0x1d7: {  	v5 =	vmov s10;
	v4 =	vadd.f32 v4, v6  }
0x1d8: {  	s19 =	simm.s32 $0x109A0;
	v5 =	vand.u32 $0x1FD, v5  }
0x1d9: {  	v5 =	vadd.s32 v2, v5;
	[tilespmem:s19+$0xFFFFFFE0] =	vst v4  }
0x1da: {  	[tilespmem:v3+s18+$0x0] =	vst.idx.msk $0xffff, v4  }
0x1db: {  	v3 =	vld [tilespmem:s20+$0xFFFFFFF0]  }
0x1dc: {  	v4 =	vld [tilespmem:s15+$0xFFFFFFF0];
	_ =	sdelay $0x1  }
0x1dd: {  	v6 =	vld.idx.msk [tilespmem:v5+s29+$0x0], $0xffff;
	_ =	sdelay $0x2  }
0x1de: {  	v3 =	vadd.f32 v4, v3  }
0x1df: {  	s13 =	simm.s32 $0x2  }
0x1e0: {  	v4 =	vmov s13;
	v3 =	vadd.f32 v3, v6  }
0x1e1: {  	v4 =	vand.u32 $0x1FE, v4  }
0x1e2: {  	v4 =	vadd.s32 v2, v4;
	[tilespmem:s19+$0xFFFFFFF0] =	vst v3  }
0x1e3: {  	[tilespmem:v5+s18+$0x0] =	vst.idx.msk $0xffff, v3  }
0x1e4: {  	v3 =	vld [tilespmem:s20+$0x0]  }
0x1e5: {  	v5 =	vld [tilespmem:s15+$0x0];
	_ =	sdelay $0x1  }
0x1e6: {  	v6 =	vld.idx.msk [tilespmem:v4+s29+$0x0], $0xffff;
	_ =	sdelay $0x2  }
0x1e7: {  	v3 =	vadd.f32 v5, v3  }
0x1e8: {  	s17 =	simm.s32 $0x3  }
0x1e9: {  	v5 =	vmov s17;
	v6 =	vadd.f32 v3, v6  }
0x1ea: {  	v3 =	vand.u32 $0x1FF, v5  }
0x1eb: {  	v3 =	vadd.s32 v2, v3;
	[tilespmem:s19+$0x0] =	vst v6  }
0x1ec: {  	[tilespmem:v4+s18+$0x0] =	vst.idx.msk $0xffff, v6  }
0x1ed: {  	v5 =	vld [tilespmem:s20+$0x10]  }
0x1ee: {  	v6 =	vld [tilespmem:s15+$0x10]  }
0x1ef: {  	s20 =	rddreg [dreg:$0xe]  }
0x1f0: {  	s13 =	sadd.s32 s20, s14;
	s14 =	simm.s32 $0x4;
	v4 =	vld.idx.msk [tilespmem:v3+s29+$0x0], $0xffff  }
0x1f1: {  	s4 =	simm.s32 $0x8;
	s10 =	simm.s32 $0xA960;
	s17 =	simm.s32 $0x109A0;
	v7 =	vmov s14  }
.LBB2_10:
0x1f2: {  	s15 =	sadd.s32 $0x40, s15  }
0x1f3: {  	v7 =	vand.u32 $0x1FC, v7;
	v5 =	vadd.f32 v6, v5;
	s19 =	sadd.s32 $0x40, s19;
	s20 =	smov.u32 s4;
	s0 =	sadd.s32 $0x4, s4  }
0x1f4: {  	p0 =	slt.u32 s4, $0x1FC;
	v6 =	vadd.s32 v2, v7  }
0x1f5: {  	v4 =	vadd.f32 v5, v4;
	_ =	sdelay $0x1  }
0x1f6: {  	[tilespmem:s17+$0x10] =	vst v4;
	s17 =	smov.u32 s19  }
0x1f7: {  	[tilespmem:v3+s18+$0x0] =	vst.idx.msk $0xffff, v4  }
0x1f8: {  	v3 =	vld [tilespmem:s10+$0xFFFFFFE0]  }
0x1f9: {  	v4 =	vld [tilespmem:s15+$0xFFFFFFE0]  }
0x1fa: {  	v5 =	vld.idx.msk [tilespmem:v6+s29+$0x0], $0xffff;
	_ =	sdelay $0x3  }
0x1fb: {  	s4 =	sadd.s32 $0x1, s14;
	v3 =	vadd.f32 v4, v3  }
0x1fc: {  	v4 =	vmov s4  }
0x1fd: {  	v4 =	vand.u32 $0x1FD, v4;
	v3 =	vadd.f32 v3, v5  }
0x1fe: {  	v4 =	vadd.s32 v2, v4  }
0x1ff: {  	[tilespmem:s19+$0xFFFFFFE0] =	vst v3  }
0x200: {  	[tilespmem:v6+s18+$0x0] =	vst.idx.msk $0xffff, v3  }
0x201: {  	v3 =	vld [tilespmem:s10+$0xFFFFFFF0]  }
0x202: {  	v5 =	vld [tilespmem:s15+$0xFFFFFFF0]  }
0x203: {  	v6 =	vld.idx.msk [tilespmem:v4+s29+$0x0], $0xffff;
	_ =	sdelay $0x3  }
0x204: {  	s4 =	sadd.s32 $0x2, s14;
	v3 =	vadd.f32 v5, v3  }
0x205: {  	v5 =	vmov s4  }
0x206: {  	v5 =	vand.u32 $0x1FE, v5;
	v3 =	vadd.f32 v3, v6  }
0x207: {  	v5 =	vadd.s32 v2, v5  }
0x208: {  	[tilespmem:s19+$0xFFFFFFF0] =	vst v3  }
0x209: {  	[tilespmem:v4+s18+$0x0] =	vst.idx.msk $0xffff, v3  }
0x20a: {  	v3 =	vld [tilespmem:s10+$0x0]  }
0x20b: {  	v4 =	vld [tilespmem:s15+$0x0]  }
0x20c: {  	v6 =	vld.idx.msk [tilespmem:v5+s29+$0x0], $0xffff;
	_ =	sdelay $0x3  }
0x20d: {  	s4 =	sadd.s32 $0x3, s14;
	s14 =	smov.u32 s20;
	v3 =	vadd.f32 v4, v3  }
0x20e: {  	v4 =	vmov s4  }
0x20f: {  	v6 =	vadd.f32 v3, v6;
	v3 =	vand.u32 $0x1FF, v4  }
0x210: {  	v3 =	vadd.s32 v2, v3  }
0x211: {  	[tilespmem:s19+$0x0] =	vst v6  }
0x212: {  	[tilespmem:v5+s18+$0x0] =	vst.idx.msk $0xffff, v6  }
0x213: {  	v5 =	vld [tilespmem:s10+$0x10]  }
.Ltmp8:
0x214: {  	v6 =	vld [tilespmem:s15+$0x10];
	(pc) =	sbr.rel @p0 .LBB2_10-.Ltmp8, $2  }
0x215: {  	v4 =	vld.idx.msk [tilespmem:v3+s29+$0x0], $0xffff;
	_ =	sdelay $0x2  }
0x216: {  	v7 =	vmov s14;
	s4 =	smov.u32 s0;
	s10 =	sadd.s32 $0x40, s10  }
0x217: {  	v5 =	vadd.f32 v6, v5;
	_ =	sdelay $0x1  }
0x218: {  	v4 =	vadd.f32 v5, v4  }
0x219: {  	v56 =	vand.u32 $0x1FC, v7  }
0x21a: {  	v5 =	vadd.s32 v2, v56;
	[tilespmem:s17+$0x10] =	vst v4  }
0x21b: {  	[tilespmem:v3+s18+$0x0] =	vst.idx.msk $0xffff, v4  }
0x21c: {  	s0 =	sadd.s32 $0x40, s15;
	v3 =	vld [tilespmem:s10+$0xFFFFFFE0]  }
0x21d: {  	v4 =	vld [tilespmem:s0+$0xFFFFFFE0];
	_ =	sdelay $0x1  }
0x21e: {  	v57 =	vld.idx.msk [tilespmem:v5+s29+$0x0], $0xffff;
	_ =	sdelay $0x2  }
0x21f: {  	v3 =	vadd.f32 v4, v3  }
0x220: {  	s4 =	sadd.s32 $0x1, s14  }
0x221: {  	v58 =	vmov s4;
	v3 =	vadd.f32 v3, v57  }
0x222: {  	s17 =	sadd.s32 $0x40, s19;
	v4 =	vand.u32 $0x1FD, v58  }
0x223: {  	v4 =	vadd.s32 v2, v4;
	[tilespmem:s17+$0xFFFFFFE0] =	vst v3  }
0x224: {  	[tilespmem:v5+s18+$0x0] =	vst.idx.msk $0xffff, v3  }
0x225: {  	v3 =	vld [tilespmem:s10+$0xFFFFFFF0]  }
0x226: {  	v5 =	vld [tilespmem:s0+$0xFFFFFFF0];
	_ =	sdelay $0x1  }
0x227: {  	v59 =	vld.idx.msk [tilespmem:v4+s29+$0x0], $0xffff;
	_ =	sdelay $0x2  }
0x228: {  	v3 =	vadd.f32 v5, v3  }
0x229: {  	s19 =	sadd.s32 $0x2, s14  }
0x22a: {  	v60 =	vmov s19;
	v3 =	vadd.f32 v3, v59  }
0x22b: {  	v5 =	vand.u32 $0x1FE, v60  }
0x22c: {  	v5 =	vadd.s32 v2, v5;
	[tilespmem:s17+$0xFFFFFFF0] =	vst v3  }
0x22d: {  	[tilespmem:v4+s18+$0x0] =	vst.idx.msk $0xffff, v3  }
0x22e: {  	v3 =	vld [tilespmem:s10+$0x0]  }
0x22f: {  	v4 =	vld [tilespmem:s0+$0x0];
	_ =	sdelay $0x1  }
0x230: {  	v61 =	vld.idx.msk [tilespmem:v5+s29+$0x0], $0xffff;
	_ =	sdelay $0x2  }
0x231: {  	v3 =	vadd.f32 v4, v3  }
0x232: {  	s20 =	sadd.s32 $0x3, s14  }
0x233: {  	v62 =	vmov s20;
	v3 =	vadd.f32 v3, v61  }
0x234: {  	v4 =	vand.u32 $0x1FF, v62  }
0x235: {  	v4 =	vadd.s32 v2, v4;
	[tilespmem:s17+$0x0] =	vst v3  }
0x236: {  	[tilespmem:v5+s18+$0x0] =	vst.idx.msk $0xffff, v3  }
0x237: {  	v3 =	vld [tilespmem:s10+$0x10]  }
0x238: {  	v5 =	vld [tilespmem:s0+$0x10];
	_ =	sdelay $0x1  }
0x239: {  	v63 =	vld.idx.msk [tilespmem:v4+s29+$0x0], $0xffff;
	_ =	sdelay $0x2  }
0x23a: {  	v3 =	vadd.f32 v5, v3;
	_ =	sdelay $0x1  }
0x23b: {  	v3 =	vadd.f32 v3, v63;
	_ =	sdelay $0x1  }
0x23c: {  	s10 =	sshll.u32 s28, $0x6;
	[tilespmem:s17+$0x10] =	vst v3  }
0x23d: {  	s0 =	sadd.s32 s9, s10;
	[tilespmem:v4+s18+$0x0] =	vst.idx.msk $0xffff, v3  }
0x23e: {  	[hbm4b:s0+s3] =	stream.linear.scatter [tilespmem:s18], [sflag:$0x6], $0x200, $0x38;
	[tilespmem:$0x1CA00] =	vst v63  }
0x23f: {  	s15 =	simm.s32 $0x12B88;
	s14 =	sadd.s32 $0x9C40, s0  }
0x240: {  	[hbm4b:s14+s3] =	stream.linear.scatter [tilespmem:s15], [sflag:$0x6], $0x200, $0x38;
	[tilespmem:$0x1CA00] =	vst v63  }
0x241: {  	s19 =	simm.s32 $0x12D90;
	s17 =	sadd.s32 $0x13880, s0  }
0x242: {  	[hbm4b:s17+s3] =	stream.linear.scatter [tilespmem:s19], [sflag:$0x6], $0x200, $0x38;
	[tilespmem:$0x1CA00] =	vst v63  }
0x243: {  	s28 =	simm.s32 $0x12F98;
	s20 =	sadd.s32 $0x1D4C0, s0  }
0x244: {  	[hbm4b:s20+s3] =	stream.linear.scatter [tilespmem:s28], [sflag:$0x6], $0x200, $0x38;
	[tilespmem:$0x1CA00] =	vst v63  }
0x245: {  	s14 =	sadd.s32 $0x27100, s0;
	s15 =	simm.s32 $0x131A0  }
0x246: {  	[hbm4b:s14+s3] =	stream.linear.scatter [tilespmem:s15], [sflag:$0x6], $0x200, $0x38;
	[tilespmem:$0x1CA00] =	vst v63  }
0x247: {  	s17 =	sadd.s32 $0x30D40, s0;
	s19 =	simm.s32 $0x133A8  }
0x248: {  	[hbm4b:s17+s3] =	stream.linear.scatter [tilespmem:s19], [sflag:$0x6], $0x200, $0x38;
	[tilespmem:$0x1CA00] =	vst v63  }
0x249: {  	s20 =	sadd.s32 $0x3A980, s0;
	s28 =	simm.s32 $0x135B0  }
0x24a: {  	[hbm4b:s20+s3] =	stream.linear.scatter [tilespmem:s28], [sflag:$0x6], $0x200, $0x38;
	[tilespmem:$0x1CA00] =	vst v63  }
0x24b: {  	s14 =	sadd.s32 $0x445C0, s0;
	s15 =	simm.s32 $0x137B8  }
0x24c: {  	[hbm4b:s14+s3] =	stream.linear.scatter [tilespmem:s15], [sflag:$0x6], $0x200, $0x38;
	[tilespmem:$0x1CA00] =	vst v63  }
0x24d: {  	s17 =	sadd.s32 $0x4E200, s0;
	s19 =	simm.s32 $0x139C0  }
0x24e: {  	[hbm4b:s17+s3] =	stream.linear.scatter [tilespmem:s19], [sflag:$0x6], $0x200, $0x38;
	[tilespmem:$0x1CA00] =	vst v63  }
0x24f: {  	s20 =	sadd.s32 $0x57E40, s0;
	s28 =	simm.s32 $0x13BC8  }
0x250: {  	[hbm4b:s20+s3] =	stream.linear.scatter [tilespmem:s28], [sflag:$0x6], $0x200, $0x38;
	[tilespmem:$0x1CA00] =	vst v63  }
0x251: {  	s14 =	sadd.s32 $0x61A80, s0;
	s15 =	simm.s32 $0x13DD0  }
0x252: {  	[hbm4b:s14+s3] =	stream.linear.scatter [tilespmem:s15], [sflag:$0x6], $0x200, $0x38;
	[tilespmem:$0x1CA00] =	vst v63  }
0x253: {  	s17 =	sadd.s32 $0x6B6C0, s0;
	s19 =	simm.s32 $0x13FD8  }
0x254: {  	[hbm4b:s17+s3] =	stream.linear.scatter [tilespmem:s19], [sflag:$0x6], $0x200, $0x38;
	[tilespmem:$0x1CA00] =	vst v63  }
0x255: {  	s20 =	sadd.s32 $0x75300, s0;
	s28 =	simm.s32 $0x141E0  }
0x256: {  	[hbm4b:s20+s3] =	stream.linear.scatter [tilespmem:s28], [sflag:$0x6], $0x200, $0x38;
	[tilespmem:$0x1CA00] =	vst v63  }
0x257: {  	s14 =	sadd.s32 $0x7EF40, s0;
	s15 =	simm.s32 $0x143E8  }
0x258: {  	[hbm4b:s14+s3] =	stream.linear.scatter [tilespmem:s15], [sflag:$0x6], $0x200, $0x38;
	[tilespmem:$0x1CA00] =	vst v63  }
0x259: {  	s17 =	sadd.s32 $0x88B80, s0;
	s19 =	simm.s32 $0x145F0  }
0x25a: {  	[hbm4b:s17+s3] =	stream.linear.scatter [tilespmem:s19], [sflag:$0x6], $0x200, $0x38;
	[tilespmem:$0x1CA00] =	vst v63  }
0x25b: {  	s0 =	sadd.s32 $0x927C0, s0;
	s20 =	simm.s32 $0x147F8  }
0x25c: {  	[hbm4b:s0+s3] =	stream.linear.scatter [tilespmem:s20], [sflag:$0x6], $0x200, $0x38;
	[tilespmem:$0x1CA00] =	vst v63  }
0x25d: {  	s10 =	simm.s32 $0x10980;
	s28 =	simm.s32 $0xA700  }
0x25e: {  	[spmem:s1] =	stream.indirect.scatter.add.f32 [tilespmem:s10], [sflag:$0x7], $0x10, s28, s30, $0xb8;
	[tilespmem:$0x1CA00] =	vst v63  }
0x25f: {  	_ =	swait.ge [sflag:s23], $0x800  }
0x260: {  	[sflag:s23] =	ssyncset.done $0x0  }
0x261: {  	[sflag:s23] =	ssyncadd.s32 $0xFFFFF800  }
0x262: {  	[spmem:s2] =	stream.indirect.scatter.add.f32 [tilespmem:s11], [sflag:$0x7], $0x10, s28, s30, $0xb8;
	[tilespmem:$0x1CA00] =	vst v63  }
0x263: {  	_ =	swait.ge [sflag:s23], $0x800  }
0x264: {  	[sflag:s23] =	ssyncset.done $0x0  }
0x265: {  	s14 =	simm.s32 $0xA780;
	s15 =	simm.s32 $0x11180;
	[sflag:s23] =	ssyncadd.s32 $0xFFFFF800  }
0x266: {  	[spmem:s1] =	stream.indirect.scatter.add.f32 [tilespmem:s15], [sflag:$0x7], $0x10, s14, s30, $0xb8;
	[tilespmem:$0x1CA00] =	vst v63  }
0x267: {  	_ =	swait.ge [sflag:s23], $0x800  }
0x268: {  	[sflag:s23] =	ssyncset.done $0x0  }
0x269: {  	[sflag:s23] =	ssyncadd.s32 $0xFFFFF800  }
0x26a: {  	[spmem:s2] =	stream.indirect.scatter.add.f32 [tilespmem:s11], [sflag:$0x7], $0x10, s14, s30, $0xb8;
	[tilespmem:$0x1CA00] =	vst v63  }
0x26b: {  	_ =	swait.ge [sflag:s23], $0x800  }
0x26c: {  	[sflag:s23] =	ssyncset.done $0x0  }
0x26d: {  	s17 =	simm.s32 $0xA800;
	s19 =	simm.s32 $0x11980;
	[sflag:s23] =	ssyncadd.s32 $0xFFFFF800  }
0x26e: {  	[spmem:s1] =	stream.indirect.scatter.add.f32 [tilespmem:s19], [sflag:$0x7], $0x10, s17, s30, $0xb8;
	[tilespmem:$0x1CA00] =	vst v63  }
0x26f: {  	_ =	swait.ge [sflag:s23], $0x800  }
0x270: {  	[sflag:s23] =	ssyncset.done $0x0  }
0x271: {  	[sflag:s23] =	ssyncadd.s32 $0xFFFFF800  }
0x272: {  	[spmem:s2] =	stream.indirect.scatter.add.f32 [tilespmem:s11], [sflag:$0x7], $0x10, s17, s30, $0xb8;
	[tilespmem:$0x1CA00] =	vst v63  }
0x273: {  	_ =	swait.ge [sflag:s23], $0x800  }
0x274: {  	[sflag:s23] =	ssyncset.done $0x0  }
0x275: {  	s20 =	simm.s32 $0xA880;
	s28 =	simm.s32 $0x12180;
	[sflag:s23] =	ssyncadd.s32 $0xFFFFF800  }
0x276: {  	[spmem:s1] =	stream.indirect.scatter.add.f32 [tilespmem:s28], [sflag:$0x7], $0x10, s20, s30, $0xb8;
	[tilespmem:$0x1CA00] =	vst v63  }
0x277: {  	_ =	swait.ge [sflag:s23], $0x800  }
0x278: {  	[sflag:s23] =	ssyncset.done $0x0  }
0x279: {  	p0 =	sgt.u32 s13, $0x270;
	[sflag:s23] =	ssyncadd.s32 $0xFFFFF800  }
0x27a: {  	[spmem:s2] =	stream.indirect.scatter.add.f32 [tilespmem:s11], [sflag:$0x7], $0x10, s20, s30, $0xb8;
	[tilespmem:$0x1CA00] =	vst v63  }
0x27b: {  	s0 =	sshll.u32 @!p0 s13, $0x6;
	_ =	swait.ge [sflag:s23], $0x800  }
0x27c: {  	s13 =	simm.s32 @!p0 $0x4E200;
	s4 =	sadd.s32 @!p0 s8, s0;
	[sflag:s23] =	ssyncset.done $0x0  }
0x27d: {  	s10 =	simm.s32 @!p0 $0x200;
	s14 =	simm.s32 @!p0 $0xA500;
	[sflag:s23] =	ssyncadd.s32 $0xFFFFF800  }
0x27e: {  	[tilespmem:s14], [sflag:$0x4] =	stream.strided.gather @!p0 [hbm4b:s4+s10], $0x400, s13, s10, $0x38;
	[tilespmem:$0x1CA00] =	vst v63  }
0x27f: {  	s0 =	sadd.s32 @!p0 s7, s0;
	s4 =	simm.s32 @!p0 $0x0;
	s10 =	simm.s32 @!p0 $0xE900  }
0x280: {  	[tilespmem:s10], [sflag:$0x4] =	stream.linear.gather @!p0 [hbm4b:s0+s4], $0x200, $0x38;
	[tilespmem:$0x1CA00] =	vst v63  }
0x281: {  	s13 =	simm.s32 @!p0 $0xEB08;
	s10 =	sadd.s32 @!p0 $0x9C40, s0  }
0x282: {  	[tilespmem:s13], [sflag:$0x4] =	stream.linear.gather @!p0 [hbm4b:s10+s4], $0x200, $0x38;
	[tilespmem:$0x1CA00] =	vst v63  }
0x283: {  	s10 =	sadd.s32 @!p0 $0x13880, s0;
	s13 =	simm.s32 @!p0 $0xED10  }
0x284: {  	[tilespmem:s13], [sflag:$0x4] =	stream.linear.gather @!p0 [hbm4b:s10+s4], $0x200, $0x38;
	[tilespmem:$0x1CA00] =	vst v63  }
0x285: {  	s10 =	sadd.s32 @!p0 $0x1D4C0, s0;
	s13 =	simm.s32 @!p0 $0xEF18  }
0x286: {  	[tilespmem:s13], [sflag:$0x4] =	stream.linear.gather @!p0 [hbm4b:s10+s4], $0x200, $0x38;
	[tilespmem:$0x1CA00] =	vst v63  }
0x287: {  	s10 =	sadd.s32 @!p0 $0x27100, s0;
	s13 =	simm.s32 @!p0 $0xF120  }
0x288: {  	[tilespmem:s13], [sflag:$0x4] =	stream.linear.gather @!p0 [hbm4b:s10+s4], $0x200, $0x38;
	[tilespmem:$0x1CA00] =	vst v63  }
0x289: {  	s10 =	sadd.s32 @!p0 $0x30D40, s0;
	s13 =	simm.s32 @!p0 $0xF328  }
0x28a: {  	[tilespmem:s13], [sflag:$0x4] =	stream.linear.gather @!p0 [hbm4b:s10+s4], $0x200, $0x38;
	[tilespmem:$0x1CA00] =	vst v63  }
0x28b: {  	s10 =	sadd.s32 @!p0 $0x3A980, s0;
	s13 =	simm.s32 @!p0 $0xF530  }
0x28c: {  	[tilespmem:s13], [sflag:$0x4] =	stream.linear.gather @!p0 [hbm4b:s10+s4], $0x200, $0x38;
	[tilespmem:$0x1CA00] =	vst v63  }
0x28d: {  	s10 =	sadd.s32 @!p0 $0x445C0, s0;
	s13 =	simm.s32 @!p0 $0xF738  }
0x28e: {  	[tilespmem:s13], [sflag:$0x4] =	stream.linear.gather @!p0 [hbm4b:s10+s4], $0x200, $0x38;
	[tilespmem:$0x1CA00] =	vst v63  }
0x28f: {  	s10 =	sadd.s32 @!p0 $0x4E200, s0;
	s13 =	simm.s32 @!p0 $0xF940  }
0x290: {  	[tilespmem:s13], [sflag:$0x4] =	stream.linear.gather @!p0 [hbm4b:s10+s4], $0x200, $0x38;
	[tilespmem:$0x1CA00] =	vst v63  }
0x291: {  	s10 =	sadd.s32 @!p0 $0x57E40, s0;
	s13 =	simm.s32 @!p0 $0xFB48  }
0x292: {  	[tilespmem:s13], [sflag:$0x4] =	stream.linear.gather @!p0 [hbm4b:s10+s4], $0x200, $0x38;
	[tilespmem:$0x1CA00] =	vst v63  }
0x293: {  	s10 =	sadd.s32 @!p0 $0x61A80, s0;
	s13 =	simm.s32 @!p0 $0xFD50  }
0x294: {  	[tilespmem:s13], [sflag:$0x4] =	stream.linear.gather @!p0 [hbm4b:s10+s4], $0x200, $0x38;
	[tilespmem:$0x1CA00] =	vst v63  }
0x295: {  	s10 =	sadd.s32 @!p0 $0x6B6C0, s0;
	s13 =	simm.s32 @!p0 $0xFF58  }
0x296: {  	[tilespmem:s13], [sflag:$0x4] =	stream.linear.gather @!p0 [hbm4b:s10+s4], $0x200, $0x38;
	[tilespmem:$0x1CA00] =	vst v63  }
0x297: {  	s10 =	sadd.s32 @!p0 $0x75300, s0;
	s13 =	simm.s32 @!p0 $0x10160  }
0x298: {  	[tilespmem:s13], [sflag:$0x4] =	stream.linear.gather @!p0 [hbm4b:s10+s4], $0x200, $0x38;
	[tilespmem:$0x1CA00] =	vst v63  }
0x299: {  	s10 =	sadd.s32 @!p0 $0x7EF40, s0;
	s13 =	simm.s32 @!p0 $0x10368  }
0x29a: {  	[tilespmem:s13], [sflag:$0x4] =	stream.linear.gather @!p0 [hbm4b:s10+s4], $0x200, $0x38;
	[tilespmem:$0x1CA00] =	vst v63  }
.Ltmp9:
0x29b: {  	_ = 	snop;
	(pc) =	sbr.rel .LBB2_12-.Ltmp9, $4  }
0x29c: {  	s10 =	sadd.s32 @!p0 $0x88B80, s0;
	s13 =	simm.s32 @!p0 $0x10570  }
0x29d: {  	[tilespmem:s13], [sflag:$0x4] =	stream.linear.gather @!p0 [hbm4b:s10+s4], $0x200, $0x38;
	[tilespmem:$0x1CA00] =	vst v63  }
0x29e: {  	s0 =	sadd.s32 @!p0 $0x927C0, s0;
	s10 =	simm.s32 @!p0 $0x10778  }
0x29f: {  	[tilespmem:s10], [sflag:$0x4] =	stream.linear.gather @!p0 [hbm4b:s0+s4], $0x200, $0x38;
	[tilespmem:$0x1CA00] =	vst v63  }
.LBB2_14:
0x2a0: {  	_ =	sfence.sel $0x180000  }
0x2a1: {  	[bflag:$0x0] =	sbarrier.arrive $0xFFFF  }
0x2a2: {  	_ =	strace $0x90000047  }
0x2a3: {  	s0 =	stileid.u32;
	[bflag:$0x2] =	sbarrier.arrive $0xFFFF  }
0x2a4: {  	p0 =	sne.s32 s0, $0x0;
	s0 =	rddreg [dreg:$0x5]  }
0x2a5: {  	s0 =	sadd.s32 @!p0 $0x100000, s0  }
0x2a6: {  	[sflag:s0] =	ssyncadd.tile.s32 @!p0 $0x1;
	_ =	shalt  }
.Lfunc_end2:
_tile_overlayer_lowered:
.L_overlay_start_2:
0x2a7: {  	(tag) =	ssettag $0x2  }
0x2a8: {  	s0 =	rddreg [dreg:$0x0];
	s2 =	stileid.u32  }
0x2a9: {  	s1 =	rddreg [dreg:$0x1];
	p0 =	sne.s32 s2, $0x0  }
0x2aa: {  	s3 =	rddreg [dreg:$0x2];
	[bflag:$0x3] =	sbarrier.arrive $0xFFFF;
	s2 =	simm.s32 @!p0 $0x1C07  }
0x2ab: {  	[timem:s3], [sflag:s2] =	dma.local @!p0 [hbm:s0], s1  }
0x2ac: {  	s0 =	simm.s32 @!p0 $0x7  }
0x2ad: {  	_ =	swait.ge @!p0 [sflag:s0], s1  }
0x2ae: {  	s1 =	ssub.s32 @!p0 $0x0, s1;
	[sflag:s0] =	ssyncset.done @!p0 $0x0  }
0x2af: {  	[sflag:s0] =	ssyncadd.s32 @!p0 s1  }
0x2b0: {  	[bflag:$0x3] =	sbarrier.arrive $0xFFFF  }
0x2b1: {  	_ =	shalt  }

</sc_bundles>
